<compile_context>
chip_gen: v7x
topology: tpu7x:2x2x1
jax: 0.10.2.dev20260603
libtpu: 0.0.44.dev20260713+nightly
codegen_flags: <defaults>
</compile_context>

<pallas_src>
import functools

import jax
import jax.numpy as jnp
from jax import lax
from jax.experimental import pallas as pl
from jax.experimental.pallas import tpu as pltpu
from jax.experimental.pallas import tpu_sc as plsc

_N = 10000
_E = 320000
_W = 128
_NC = 2
_NS = 16
_NW = _NC * _NS
_CHUNK = 128
_NRING = 2
_NOUT0 = 30
_NOUT1 = 10
_NCH0 = _NOUT0 * 2 * _NRING
_NCH1 = _NOUT1 * 2 * _NRING
_NCHMAX = max(_NCH0, _NCH1)
_TOTCH = _NS * (_NCH0 + _NCH1)
_EPAD = _TOTCH * _CHUNK
_NACC = 10240
_TROWS = _NACC // _NS
_BN = 80
_GRID = _N // _BN
_NB = _NACC // _BN

_mesh = plsc.VectorSubcoreMesh(core_axis_name="c", subcore_axis_name="s",
                               num_cores=_NC, num_subcores=_NS)


def _segsum_sc(table, src, dst, zeros, with_gather,
               nout0=_NOUT0, nout1=_NOUT1):
  nch0 = nout0 * 2 * _NRING
  nch1 = nout1 * 2 * _NRING
  assert _NS * (nch0 + nch1) == _TOTCH
  """SC segment-sum: out (2*_NACC, _W) stacked per-SC partials.

  with_gather=True: rows = table[src[e]]; False: rows = table (constant
  (CHUNK, W) block, used for the degree count with an all-ones table).
  """
  n_zfull = _TROWS // _CHUNK

  scratch = [
      pltpu.VMEM((_NCHMAX, _CHUNK), jnp.int32),
      [pltpu.VMEM((_NRING, _CHUNK), jnp.int32) for _ in range(2)],
      [pltpu.VMEM((_CHUNK, _W), jnp.float32) for _ in range(_NRING)],
      pltpu.VMEM_SHARED((_NACC, _W), jnp.float32),
      pltpu.SemaphoreType.DMA,
      [pltpu.SemaphoreType.DMA for _ in range(2)],
      [pltpu.SemaphoreType.DMA for _ in range(_NRING)],
      [pltpu.SemaphoreType.DMA for _ in range(_NRING)],
  ]

  def kg(table_hbm, src_hbm, dst_hbm, zeros_hbm, out_hbm,
         dst_v, srcbufs, rows, acc, isem, idxsems, gsems, ssems):
    c = lax.axis_index("c")
    s = lax.axis_index("s")
    pltpu.sync_copy(zeros_hbm, rows[0])
    row0 = s * _TROWS
    for j in range(n_zfull):
      pltpu.sync_copy(rows[0], acc.at[pl.ds(row0 + j * _CHUNK, _CHUNK)])
    plsc.subcore_barrier()

    def drain_scatter(b):
      pltpu.make_async_copy(table_hbm.at[pl.ds(0, _CHUNK)], rows[b],
                            ssems[b]).wait()

    def pipeline(n_outer, n_chunks, ch0):
      d_dst = pltpu.async_copy(dst_hbm.at[pl.ds(ch0, n_chunks)],
                               dst_v.at[pl.ds(0, n_chunks)], isem)
      pltpu.sync_copy(src_hbm.at[pl.ds(ch0, _NRING)], srcbufs[0])
      pltpu.sync_copy(src_hbm.at[pl.ds(ch0 + _NRING, _NRING)], srcbufs[1])
      d_dst.wait()

      def outer(t, carry):
        for half in range(2):
          sbuf = srcbufs[half]
          isems = idxsems[half]
          lc = (t * 2 + half) * _NRING
          @pl.when(t > 0)
          def _():
            pltpu.make_async_copy(src_hbm.at[pl.ds(0, _NRING)], sbuf,
                                  isems).wait()
          gds = []
          for b in range(_NRING):
            if half == 1:
              drain_scatter(b)
            else:
              @pl.when(t > 0)
              def _(b=b):
                drain_scatter(b)
            gds.append(pltpu.async_copy(table_hbm.at[sbuf.at[b]], rows[b],
                                        gsems[b]))
          for b in range(_NRING):
            gds[b].wait()
            pltpu.async_copy(rows[b], acc.at[dst_v.at[lc + b]], ssems[b],
                             add=True)
          @pl.when(t < n_outer - 1)
          def _():
            pltpu.async_copy(
                src_hbm.at[pl.ds(ch0 + lc + 2 * _NRING, _NRING)],
                sbuf, isems)
        return carry

      lax.fori_loop(0, n_outer, outer, 0)
      for b in range(_NRING):
        drain_scatter(b)

    @pl.when(c == 0)
    def _():
      pipeline(nout0, nch0, s * nch0)

    @pl.when(c == 1)
    def _():
      pipeline(nout1, nch1, _NS * nch0 + s * nch1)

    plsc.subcore_barrier()
    pltpu.sync_copy(acc.at[pl.ds(row0, _TROWS)],
                    out_hbm.at[pl.ds(c * _NACC + row0, _TROWS)])

  def kd(table_hbm, src_hbm, dst_hbm, zeros_hbm, out_hbm,
         dst_v, srcbufs, rows, acc, isem, idxsems, gsems, ssems):
    c = lax.axis_index("c")
    s = lax.axis_index("s")
    pltpu.sync_copy(zeros_hbm, rows[0])
    row0 = s * _TROWS
    for j in range(n_zfull):
      pltpu.sync_copy(rows[0], acc.at[pl.ds(row0 + j * _CHUNK, _CHUNK)])
    pltpu.sync_copy(table_hbm, rows[0])
    plsc.subcore_barrier()

    def drain_scatter(b):
      pltpu.make_async_copy(table_hbm.at[pl.ds(0, _CHUNK)], rows[b],
                            ssems[b]).wait()

    def pipeline(n_outer, n_chunks, ch0):
      d_dst = pltpu.async_copy(dst_hbm.at[pl.ds(ch0, n_chunks)],
                               dst_v.at[pl.ds(0, n_chunks)], isem)
      d_dst.wait()

      def outer(t, carry):
        for half in range(2):
          lc = (t * 2 + half) * _NRING
          for b in range(_NRING):
            if half == 1:
              drain_scatter(b)
            else:
              @pl.when(t > 0)
              def _(b=b):
                drain_scatter(b)
            pltpu.async_copy(rows[0], acc.at[dst_v.at[lc + b]], ssems[b],
                             add=True)
        return carry

      lax.fori_loop(0, n_outer, outer, 0)
      for b in range(_NRING):
        drain_scatter(b)

    @pl.when(c == 0)
    def _():
      pipeline(nout0, nch0, s * nch0)

    @pl.when(c == 1)
    def _():
      pipeline(nout1, nch1, _NS * nch0 + s * nch1)

    plsc.subcore_barrier()
    pltpu.sync_copy(acc.at[pl.ds(row0, _TROWS)],
                    out_hbm.at[pl.ds(c * _NACC + row0, _TROWS)])

  wrapped = pl.kernel(
      kg if with_gather else kd,
      out_type=jax.ShapeDtypeStruct((_NC * _NACC, _W), jnp.float32),
      mesh=_mesh,
      scratch_types=scratch,
  )
  return wrapped(table, src, dst, zeros)


def _mm_xw1(x, w1):
  def body(x_ref, w_ref, o_ref):
    o_ref[...] = lax.dot_general(x_ref[...], w_ref[...],
                                 (((1,), (1,)), ((), ())),
                                 preferred_element_type=jnp.float32)

  return pl.pallas_call(
      body,
      grid=(_GRID,),
      in_specs=[
          pl.BlockSpec((_BN, 128), lambda i: (i, 0)),
          pl.BlockSpec((128, 128), lambda i: (0, 0)),
      ],
      out_specs=pl.BlockSpec((_BN, 128), lambda i: (i, 0)),
      out_shape=jax.ShapeDtypeStruct((_N, 128), jnp.float32),
  )(x, w1)


def _layer_tc(sf, degf, b, w):
  def body(p0_ref, p1_ref, d0_ref, d1_ref, b_ref, w_ref, o_ref, inv_ref):
    deg = d0_ref[:, 0:1] + d1_ref[:, 0:1]
    inv = 1.0 / jnp.maximum(deg, 1.0)
    ssum = p0_ref[...] + p1_ref[...]
    h = jnp.maximum(ssum * inv + b_ref[0:1, :], 0.0)
    o_ref[...] = lax.dot_general(h, w_ref[...], (((1,), (1,)), ((), ())),
                                 preferred_element_type=jnp.float32)
    inv_ref[...] = jnp.broadcast_to(inv, (_BN, 16))

  return pl.pallas_call(
      body,
      grid=(_GRID,),
      in_specs=[
          pl.BlockSpec((_BN, 128), lambda i: (i, 0)),
          pl.BlockSpec((_BN, 128), lambda i: (i + _NB, 0)),
          pl.BlockSpec((_BN, 128), lambda i: (i, 0)),
          pl.BlockSpec((_BN, 128), lambda i: (i + _NB, 0)),
          pl.BlockSpec((8, 128), lambda i: (0, 0)),
          pl.BlockSpec((128, 128), lambda i: (0, 0)),
      ],
      out_specs=[
          pl.BlockSpec((_BN, 128), lambda i: (i, 0)),
          pl.BlockSpec((_BN, 16), lambda i: (i, 0)),
      ],
      out_shape=[
          jax.ShapeDtypeStruct((_N, 128), jnp.float32),
          jax.ShapeDtypeStruct((_N, 16), jnp.float32),
      ],
  )(sf, sf, degf, degf, b, w)


def _layer3_tc(sf, inv, b, w3p):
  def body(p0_ref, p1_ref, inv_ref, b_ref, w_ref, o_ref):
    ssum = p0_ref[...] + p1_ref[...]
    h = jnp.maximum(ssum * inv_ref[:, 0:1] + b_ref[0:1, :], 0.0)
    o_ref[...] = lax.dot_general(h, w_ref[...], (((1,), (1,)), ((), ())),
                                 preferred_element_type=jnp.float32)

  return pl.pallas_call(
      body,
      grid=(_GRID,),
      in_specs=[
          pl.BlockSpec((_BN, 128), lambda i: (i, 0)),
          pl.BlockSpec((_BN, 128), lambda i: (i + _NB, 0)),
          pl.BlockSpec((_BN, 16), lambda i: (i, 0)),
          pl.BlockSpec((8, 128), lambda i: (0, 0)),
          pl.BlockSpec((128, 128), lambda i: (0, 0)),
      ],
      out_specs=pl.BlockSpec((_BN, 128), lambda i: (i, 0)),
      out_shape=jax.ShapeDtypeStruct((_N, 128), jnp.float32),
  )(sf, sf, inv, b, w3p)


def _final_tc(sf, inv, b3p):
  def body(p0_ref, p1_ref, inv_ref, b_ref, o_ref):
    ssum = p0_ref[...] + p1_ref[...]
    o_ref[...] = ssum * inv_ref[:, 0:1] + b_ref[0:1, :]

  return pl.pallas_call(
      body,
      grid=(_GRID,),
      in_specs=[
          pl.BlockSpec((_BN, 128), lambda i: (i, 0)),
          pl.BlockSpec((_BN, 128), lambda i: (i + _NB, 0)),
          pl.BlockSpec((_BN, 16), lambda i: (i, 0)),
          pl.BlockSpec((8, 128), lambda i: (0, 0)),
      ],
      out_specs=pl.BlockSpec((_BN, 128), lambda i: (i, 0)),
      out_shape=jax.ShapeDtypeStruct((_N, 128), jnp.float32),
  )(sf, sf, inv, b3p)


def kernel(x, edge_index, W1, b1, W2, b2, W3, b3):
  src = edge_index[0]
  dst = edge_index[1]
  npad = _EPAD - _E
  src_p = jnp.concatenate([src, jnp.zeros((npad,), jnp.int32)])
  src_p = src_p.reshape(_EPAD // _CHUNK, _CHUNK)
  dst_p = jnp.concatenate([dst, jnp.full((npad,), _N, jnp.int32)])
  dst_p = dst_p.reshape(_EPAD // _CHUNK, _CHUNK)

  b1b = jnp.broadcast_to(b1[None, :], (8, 128))
  b2b = jnp.broadcast_to(b2[None, :], (8, 128))
  b3p = jnp.concatenate([b3, jnp.zeros((88,), jnp.float32)])
  b3b = jnp.broadcast_to(b3p[None, :], (8, 128))
  w3p = jnp.concatenate([W3, jnp.zeros((88, 128), jnp.float32)], axis=0)

  zrows = jnp.zeros((_CHUNK, _W), jnp.float32)
  ones = jnp.ones((_CHUNK, _W), jnp.float32)

  degf = _segsum_sc(ones, src_p, dst_p, zrows, with_gather=False,
                    nout0=20, nout1=20)
  p1 = _mm_xw1(x, W1)
  s1f = _segsum_sc(p1, src_p, dst_p, zrows, with_gather=True)
  p2, inv = _layer_tc(s1f, degf, b1b, W2)
  s2f = _segsum_sc(p2, src_p, dst_p, zrows, with_gather=True)
  p3 = _layer3_tc(s2f, inv, b2b, w3p)
  s3f = _segsum_sc(p3, src_p, dst_p, zrows, with_gather=True)
  out = _final_tc(s3f, inv, b3b)
  h = out[:, :40]

  total_comb_size = 3840000
  total_actv_size = 3840000
  return (h, total_comb_size, total_actv_size)

# --- scband reference (transcript-rebuilt; emitter-appended) ---
"""Pipeline reference for scband-gcnsampling-33552284516652 (READ-ONLY COPY).

The authoritative reference and input builder live on the scoring server;
editing this copy changes nothing except your own understanding.
"""

import jax, jax.numpy as jnp
import numpy as np

N = 10000
E = 320000
IN_FEATS = 128
N_HIDDEN = 128
N_CLASSES = 40


def setup_inputs(seed: int = 0) -> dict:
    key = jax.random.key(seed)
    ks = jax.random.split(key, 8)
    x = jax.random.normal(ks[0], (N, IN_FEATS), dtype=jnp.float32)
    edge_index = jax.random.randint(ks[1], (2, E), 0, N, dtype=jnp.int32)
    # Layer params: layer0 (in->hidden), layer1 (hidden->hidden), layer2 (hidden->classes)
    W1 = jax.random.normal(ks[2], (N_HIDDEN, IN_FEATS), dtype=jnp.float32) * (1.0 / np.sqrt(IN_FEATS))
    b1 = jnp.zeros((N_HIDDEN,), dtype=jnp.float32)
    W2 = jax.random.normal(ks[3], (N_HIDDEN, N_HIDDEN), dtype=jnp.float32) * (1.0 / np.sqrt(N_HIDDEN))
    b2 = jnp.zeros((N_HIDDEN,), dtype=jnp.float32)
    W3 = jax.random.normal(ks[4], (N_CLASSES, N_HIDDEN), dtype=jnp.float32) * (1.0 / np.sqrt(N_HIDDEN))
    b3 = jnp.zeros((N_CLASSES,), dtype=jnp.float32)
    return {"x": x, "edge_index": edge_index, "W1": W1, "b1": b1, "W2": W2, "b2": b2, "W3": W3, "b3": b3}


def _mean_agg(h, src, dst, n_nodes):
    # block_compute(copy_src('h','m'), mean('m','h')): gather src feats, mean-reduce per dst node
    m = jnp.take(h, src, axis=0)
    agg = jax.ops.segment_sum(m, dst, num_segments=n_nodes)
    deg = jax.ops.segment_sum(jnp.ones((src.shape[0],), dtype=h.dtype), dst, num_segments=n_nodes)
    return agg / jnp.maximum(deg, 1.0)[:, None]


def reference(x, edge_index, W1, b1, W2, b2, W3, b3):
    src = edge_index[0]
    dst = edge_index[1]
    layers = [(W1, b1, True), (W2, b2, True), (W3, b3, False)]
    h = x  # nf.layers[0].data['activation'] = features; dropout p=0.0 -> identity
    for (W, b, has_act) in layers:
        h = _mean_agg(h, src, dst, N)
        h = h @ W.T + b
        if has_act:
            h = jax.nn.relu(h)
    # instrumentation bookkeeping (mirrors the torch no_grad block)
    in_feats_list = [IN_FEATS, N_HIDDEN, N_HIDDEN]
    out_feats_list = [N_HIDDEN, N_HIDDEN, N_CLASSES]
    has_act_list = [True, True, False]
    actv_size_after_each_block = [N * N_HIDDEN, N * N_HIDDEN]  # h.numel() popped at blocks 1 and 2
    total_comb_size = 0
    total_actv_size = 0
    old_comb_size = 0
    old_actv_size = 0
    for blkid in range(3):
        cur_block_comb_size = N * out_feats_list[blkid]
        total_comb_size += old_comb_size
        old_comb_size += cur_block_comb_size
        tensor_after_actv = 0
        if has_act_list[blkid]:
            tensor_after_actv = actv_size_after_each_block[blkid]
        total_actv_size += old_actv_size
        old_actv_size += tensor_after_actv
    return (h, total_comb_size, total_actv_size)

if __name__ == "__main__":
    import jax
    _d = setup_inputs()
    print(jax.jit(kernel)(*tuple(_d.values())))

</pallas_src>

<mosaic_0001>
#map = affine_map<(d0, d1) -> (0, 0)>
module attributes {stable_mosaic.version = 14 : i64} {
  func.func @kd(%arg0: i32, %arg1: i32, %arg2: memref<128x128xf32, #tpu.memory_space<hbm>>, %arg3: memref<2560x128xi32, #tpu.memory_space<hbm>>, %arg4: memref<2560x128xi32, #tpu.memory_space<hbm>>, %arg5: memref<128x128xf32, #tpu.memory_space<hbm>>, %arg6: memref<20480x128xf32, #tpu.memory_space<hbm>>, %arg7: memref<120x128xi32, #tpu.memory_space<vmem>>, %arg8: memref<2x128xi32, #tpu.memory_space<vmem>>, %arg9: memref<2x128xi32, #tpu.memory_space<vmem>>, %arg10: memref<128x128xf32, #tpu.memory_space<vmem>>, %arg11: memref<128x128xf32, #tpu.memory_space<vmem>>, %arg12: memref<10240x128xf32, #tpu.memory_space<vmem_shared>>, %arg13: memref<!tpu.dma_semaphore, #tpu.memory_space<semaphore_mem>>, %arg14: memref<!tpu.dma_semaphore, #tpu.memory_space<semaphore_mem>>, %arg15: memref<!tpu.dma_semaphore, #tpu.memory_space<semaphore_mem>>, %arg16: memref<!tpu.dma_semaphore, #tpu.memory_space<semaphore_mem>>, %arg17: memref<!tpu.dma_semaphore, #tpu.memory_space<semaphore_mem>>, %arg18: memref<!tpu.dma_semaphore, #tpu.memory_space<semaphore_mem>>, %arg19: memref<!tpu.dma_semaphore, #tpu.memory_space<semaphore_mem>>) attributes {dimension_semantics = [#tpu.dimension_semantics<core_parallel>, #tpu.dimension_semantics<subcore_parallel>], iteration_bounds = array<i64: 2, 16>, scalar_prefetch = 0 : i64, scratch_operands = 13 : i64, tpu.core_type = #tpu.core_type<sc_vector_subcore>, window_params = [{transform_indices = #map}, {transform_indices = #map}, {transform_indices = #map}, {transform_indices = #map}, {transform_indices = #map}]} {
    "tpu.region"() ({
      %run_scoped3A = tpu.sem_alloc : memref<!tpu.dma_semaphore, #tpu.memory_space<semaphore_mem>>
      tpu.enqueue_dma source(%arg5 : memref<128x128xf32, #tpu.memory_space<hbm>>) target(%arg10 : memref<128x128xf32, #tpu.memory_space<vmem>>) target_semaphore(%run_scoped3A : memref<!tpu.dma_semaphore, #tpu.memory_space<semaphore_mem>>)
      tpu.wait_dma2 semaphore(%run_scoped3A : memref<!tpu.dma_semaphore, #tpu.memory_space<semaphore_mem>>) src(%arg5 : memref<128x128xf32, #tpu.memory_space<hbm>>) dst(%arg10 : memref<128x128xf32, #tpu.memory_space<vmem>>)
      tpu.yield
    }) : () -> ()
    %mul3A = arith.constant 640 : i32
    %mul3A_0 = arith.muli %arg1, %mul3A : i32
    %add3A = arith.constant 0 : i32
    %add3A_1 = arith.addi %mul3A_0, %add3A : i32
    "tpu.region"() ({
      %run_scoped3A = tpu.sem_alloc : memref<!tpu.dma_semaphore, #tpu.memory_space<semaphore_mem>>
      %dma_start3A = arith.constant 0 : i32
      %dma_start3A_21 = tpu.memref_slice %arg12[%add3A_1, %dma_start3A] : memref<10240x128xf32, #tpu.memory_space<vmem_shared>> -> memref<128x128xf32, #tpu.memory_space<vmem_shared>>
      %dma_start3A_22 = arith.constant 0 : i32
      %dma_start3A_23 = tpu.memref_slice %arg12[%add3A_1, %dma_start3A_22] : memref<10240x128xf32, #tpu.memory_space<vmem_shared>> -> memref<128x128xf32, #tpu.memory_space<vmem_shared>>
      tpu.enqueue_dma source(%arg10 : memref<128x128xf32, #tpu.memory_space<vmem>>) target(%dma_start3A_23 : memref<128x128xf32, #tpu.memory_space<vmem_shared>>) target_semaphore(%run_scoped3A : memref<!tpu.dma_semaphore, #tpu.memory_space<semaphore_mem>>)
      %dma_wait3A = arith.constant 0 : i32
      %dma_wait3A_24 = tpu.memref_slice %arg12[%add3A_1, %dma_wait3A] : memref<10240x128xf32, #tpu.memory_space<vmem_shared>> -> memref<128x128xf32, #tpu.memory_space<vmem_shared>>
      %dma_wait3A_25 = arith.constant 0 : i32
      %dma_wait3A_26 = tpu.memref_slice %arg12[%add3A_1, %dma_wait3A_25] : memref<10240x128xf32, #tpu.memory_space<vmem_shared>> -> memref<128x128xf32, #tpu.memory_space<vmem_shared>>
      tpu.wait_dma2 semaphore(%run_scoped3A : memref<!tpu.dma_semaphore, #tpu.memory_space<semaphore_mem>>) src(%arg10 : memref<128x128xf32, #tpu.memory_space<vmem>>) dst(%dma_wait3A_26 : memref<128x128xf32, #tpu.memory_space<vmem_shared>>)
      tpu.yield
    }) : () -> ()
    %add3A_2 = arith.constant 128 : i32
    %add3A_3 = arith.addi %mul3A_0, %add3A_2 : i32
    "tpu.region"() ({
      %run_scoped3A = tpu.sem_alloc : memref<!tpu.dma_semaphore, #tpu.memory_space<semaphore_mem>>
      %dma_start3A = arith.constant 0 : i32
      %dma_start3A_21 = tpu.memref_slice %arg12[%add3A_3, %dma_start3A] : memref<10240x128xf32, #tpu.memory_space<vmem_shared>> -> memref<128x128xf32, #tpu.memory_space<vmem_shared>>
      %dma_start3A_22 = arith.constant 0 : i32
      %dma_start3A_23 = tpu.memref_slice %arg12[%add3A_3, %dma_start3A_22] : memref<10240x128xf32, #tpu.memory_space<vmem_shared>> -> memref<128x128xf32, #tpu.memory_space<vmem_shared>>
      tpu.enqueue_dma source(%arg10 : memref<128x128xf32, #tpu.memory_space<vmem>>) target(%dma_start3A_23 : memref<128x128xf32, #tpu.memory_space<vmem_shared>>) target_semaphore(%run_scoped3A : memref<!tpu.dma_semaphore, #tpu.memory_space<semaphore_mem>>)
      %dma_wait3A = arith.constant 0 : i32
      %dma_wait3A_24 = tpu.memref_slice %arg12[%add3A_3, %dma_wait3A] : memref<10240x128xf32, #tpu.memory_space<vmem_shared>> -> memref<128x128xf32, #tpu.memory_space<vmem_shared>>
      %dma_wait3A_25 = arith.constant 0 : i32
      %dma_wait3A_26 = tpu.memref_slice %arg12[%add3A_3, %dma_wait3A_25] : memref<10240x128xf32, #tpu.memory_space<vmem_shared>> -> memref<128x128xf32, #tpu.memory_space<vmem_shared>>
      tpu.wait_dma2 semaphore(%run_scoped3A : memref<!tpu.dma_semaphore, #tpu.memory_space<semaphore_mem>>) src(%arg10 : memref<128x128xf32, #tpu.memory_space<vmem>>) dst(%dma_wait3A_26 : memref<128x128xf32, #tpu.memory_space<vmem_shared>>)
      tpu.yield
    }) : () -> ()
    %add3A_4 = arith.constant 256 : i32
    %add3A_5 = arith.addi %mul3A_0, %add3A_4 : i32
    "tpu.region"() ({
      %run_scoped3A = tpu.sem_alloc : memref<!tpu.dma_semaphore, #tpu.memory_space<semaphore_mem>>
      %dma_start3A = arith.constant 0 : i32
      %dma_start3A_21 = tpu.memref_slice %arg12[%add3A_5, %dma_start3A] : memref<10240x128xf32, #tpu.memory_space<vmem_shared>> -> memref<128x128xf32, #tpu.memory_space<vmem_shared>>
      %dma_start3A_22 = arith.constant 0 : i32
      %dma_start3A_23 = tpu.memref_slice %arg12[%add3A_5, %dma_start3A_22] : memref<10240x128xf32, #tpu.memory_space<vmem_shared>> -> memref<128x128xf32, #tpu.memory_space<vmem_shared>>
      tpu.enqueue_dma source(%arg10 : memref<128x128xf32, #tpu.memory_space<vmem>>) target(%dma_start3A_23 : memref<128x128xf32, #tpu.memory_space<vmem_shared>>) target_semaphore(%run_scoped3A : memref<!tpu.dma_semaphore, #tpu.memory_space<semaphore_mem>>)
      %dma_wait3A = arith.constant 0 : i32
      %dma_wait3A_24 = tpu.memref_slice %arg12[%add3A_5, %dma_wait3A] : memref<10240x128xf32, #tpu.memory_space<vmem_shared>> -> memref<128x128xf32, #tpu.memory_space<vmem_shared>>
      %dma_wait3A_25 = arith.constant 0 : i32
      %dma_wait3A_26 = tpu.memref_slice %arg12[%add3A_5, %dma_wait3A_25] : memref<10240x128xf32, #tpu.memory_space<vmem_shared>> -> memref<128x128xf32, #tpu.memory_space<vmem_shared>>
      tpu.wait_dma2 semaphore(%run_scoped3A : memref<!tpu.dma_semaphore, #tpu.memory_space<semaphore_mem>>) src(%arg10 : memref<128x128xf32, #tpu.memory_space<vmem>>) dst(%dma_wait3A_26 : memref<128x128xf32, #tpu.memory_space<vmem_shared>>)
      tpu.yield
    }) : () -> ()
    %add3A_6 = arith.constant 384 : i32
    %add3A_7 = arith.addi %mul3A_0, %add3A_6 : i32
    "tpu.region"() ({
      %run_scoped3A = tpu.sem_alloc : memref<!tpu.dma_semaphore, #tpu.memory_space<semaphore_mem>>
      %dma_start3A = arith.constant 0 : i32
      %dma_start3A_21 = tpu.memref_slice %arg12[%add3A_7, %dma_start3A] : memref<10240x128xf32, #tpu.memory_space<vmem_shared>> -> memref<128x128xf32, #tpu.memory_space<vmem_shared>>
      %dma_start3A_22 = arith.constant 0 : i32
      %dma_start3A_23 = tpu.memref_slice %arg12[%add3A_7, %dma_start3A_22] : memref<10240x128xf32, #tpu.memory_space<vmem_shared>> -> memref<128x128xf32, #tpu.memory_space<vmem_shared>>
      tpu.enqueue_dma source(%arg10 : memref<128x128xf32, #tpu.memory_space<vmem>>) target(%dma_start3A_23 : memref<128x128xf32, #tpu.memory_space<vmem_shared>>) target_semaphore(%run_scoped3A : memref<!tpu.dma_semaphore, #tpu.memory_space<semaphore_mem>>)
      %dma_wait3A = arith.constant 0 : i32
      %dma_wait3A_24 = tpu.memref_slice %arg12[%add3A_7, %dma_wait3A] : memref<10240x128xf32, #tpu.memory_space<vmem_shared>> -> memref<128x128xf32, #tpu.memory_space<vmem_shared>>
      %dma_wait3A_25 = arith.constant 0 : i32
      %dma_wait3A_26 = tpu.memref_slice %arg12[%add3A_7, %dma_wait3A_25] : memref<10240x128xf32, #tpu.memory_space<vmem_shared>> -> memref<128x128xf32, #tpu.memory_space<vmem_shared>>
      tpu.wait_dma2 semaphore(%run_scoped3A : memref<!tpu.dma_semaphore, #tpu.memory_space<semaphore_mem>>) src(%arg10 : memref<128x128xf32, #tpu.memory_space<vmem>>) dst(%dma_wait3A_26 : memref<128x128xf32, #tpu.memory_space<vmem_shared>>)
      tpu.yield
    }) : () -> ()
    %add3A_8 = arith.constant 512 : i32
    %add3A_9 = arith.addi %mul3A_0, %add3A_8 : i32
    "tpu.region"() ({
      %run_scoped3A = tpu.sem_alloc : memref<!tpu.dma_semaphore, #tpu.memory_space<semaphore_mem>>
      %dma_start3A = arith.constant 0 : i32
      %dma_start3A_21 = tpu.memref_slice %arg12[%add3A_9, %dma_start3A] : memref<10240x128xf32, #tpu.memory_space<vmem_shared>> -> memref<128x128xf32, #tpu.memory_space<vmem_shared>>
      %dma_start3A_22 = arith.constant 0 : i32
      %dma_start3A_23 = tpu.memref_slice %arg12[%add3A_9, %dma_start3A_22] : memref<10240x128xf32, #tpu.memory_space<vmem_shared>> -> memref<128x128xf32, #tpu.memory_space<vmem_shared>>
      tpu.enqueue_dma source(%arg10 : memref<128x128xf32, #tpu.memory_space<vmem>>) target(%dma_start3A_23 : memref<128x128xf32, #tpu.memory_space<vmem_shared>>) target_semaphore(%run_scoped3A : memref<!tpu.dma_semaphore, #tpu.memory_space<semaphore_mem>>)
      %dma_wait3A = arith.constant 0 : i32
      %dma_wait3A_24 = tpu.memref_slice %arg12[%add3A_9, %dma_wait3A] : memref<10240x128xf32, #tpu.memory_space<vmem_shared>> -> memref<128x128xf32, #tpu.memory_space<vmem_shared>>
      %dma_wait3A_25 = arith.constant 0 : i32
      %dma_wait3A_26 = tpu.memref_slice %arg12[%add3A_9, %dma_wait3A_25] : memref<10240x128xf32, #tpu.memory_space<vmem_shared>> -> memref<128x128xf32, #tpu.memory_space<vmem_shared>>
      tpu.wait_dma2 semaphore(%run_scoped3A : memref<!tpu.dma_semaphore, #tpu.memory_space<semaphore_mem>>) src(%arg10 : memref<128x128xf32, #tpu.memory_space<vmem>>) dst(%dma_wait3A_26 : memref<128x128xf32, #tpu.memory_space<vmem_shared>>)
      tpu.yield
    }) : () -> ()
    "tpu.region"() ({
      %run_scoped3A = tpu.sem_alloc : memref<!tpu.dma_semaphore, #tpu.memory_space<semaphore_mem>>
      tpu.enqueue_dma source(%arg2 : memref<128x128xf32, #tpu.memory_space<hbm>>) target(%arg10 : memref<128x128xf32, #tpu.memory_space<vmem>>) target_semaphore(%run_scoped3A : memref<!tpu.dma_semaphore, #tpu.memory_space<semaphore_mem>>)
      tpu.wait_dma2 semaphore(%run_scoped3A : memref<!tpu.dma_semaphore, #tpu.memory_space<semaphore_mem>>) src(%arg2 : memref<128x128xf32, #tpu.memory_space<hbm>>) dst(%arg10 : memref<128x128xf32, #tpu.memory_space<vmem>>)
      tpu.yield
    }) : () -> ()
    %barrier3A = arith.constant 0 : index
    tpu.barrier barrier_id(%barrier3A)
    %eq3A = arith.constant 0 : i32
    %eq3A_10 = arith.cmpi eq, %arg0, %eq3A : i32
    %convert_element_type3A = arith.extui %eq3A_10 : i1 to i32
    %cond3A = arith.constant 0 : i32
    %cond3A_11 = arith.cmpi ne, %convert_element_type3A, %cond3A : i32
    scf.if %cond3A_11 {
      %mul3A_21 = arith.constant 80 : i32
      %mul3A_22 = arith.muli %arg1, %mul3A_21 : i32
      %dma_start3A = arith.constant 0 : i32
      %dma_start3A_23 = arith.constant 0 : i32
      %dma_start3A_24 = tpu.memref_slice %arg7[%dma_start3A, %dma_start3A_23] : memref<120x128xi32, #tpu.memory_space<vmem>> -> memref<80x128xi32, #tpu.memory_space<vmem>>
      %dma_start3A_25 = arith.constant 0 : i32
      %dma_start3A_26 = tpu.memref_slice %arg4[%mul3A_22, %dma_start3A_25] : memref<2560x128xi32, #tpu.memory_space<hbm>> -> memref<80x128xi32, #tpu.memory_space<hbm>>
      %dma_start3A_27 = arith.constant 0 : i32
      %dma_start3A_28 = arith.constant 0 : i32
      %dma_start3A_29 = tpu.memref_slice %arg7[%dma_start3A_27, %dma_start3A_28] : memref<120x128xi32, #tpu.memory_space<vmem>> -> memref<80x128xi32, #tpu.memory_space<vmem>>
      %dma_start3A_30 = arith.constant 0 : i32
      %dma_start3A_31 = tpu.memref_slice %arg4[%mul3A_22, %dma_start3A_30] : memref<2560x128xi32, #tpu.memory_space<hbm>> -> memref<80x128xi32, #tpu.memory_space<hbm>>
      tpu.enqueue_dma source(%dma_start3A_31 : memref<80x128xi32, #tpu.memory_space<hbm>>) target(%dma_start3A_29 : memref<80x128xi32, #tpu.memory_space<vmem>>) target_semaphore(%arg13 : memref<!tpu.dma_semaphore, #tpu.memory_space<semaphore_mem>>)
      %dma_wait3A = arith.constant 0 : i32
      %dma_wait3A_32 = arith.constant 0 : i32
      %dma_wait3A_33 = tpu.memref_slice %arg7[%dma_wait3A, %dma_wait3A_32] : memref<120x128xi32, #tpu.memory_space<vmem>> -> memref<80x128xi32, #tpu.memory_space<vmem>>
      %dma_wait3A_34 = arith.constant 0 : i32
      %dma_wait3A_35 = tpu.memref_slice %arg4[%mul3A_22, %dma_wait3A_34] : memref<2560x128xi32, #tpu.memory_space<hbm>> -> memref<80x128xi32, #tpu.memory_space<hbm>>
      %dma_wait3A_36 = arith.constant 0 : i32
      %dma_wait3A_37 = arith.constant 0 : i32
      %dma_wait3A_38 = tpu.memref_slice %arg7[%dma_wait3A_36, %dma_wait3A_37] : memref<120x128xi32, #tpu.memory_space<vmem>> -> memref<80x128xi32, #tpu.memory_space<vmem>>
      %dma_wait3A_39 = arith.constant 0 : i32
      %dma_wait3A_40 = tpu.memref_slice %arg4[%mul3A_22, %dma_wait3A_39] : memref<2560x128xi32, #tpu.memory_space<hbm>> -> memref<80x128xi32, #tpu.memory_space<hbm>>
      tpu.wait_dma2 semaphore(%arg13 : memref<!tpu.dma_semaphore, #tpu.memory_space<semaphore_mem>>) src(%dma_wait3A_40 : memref<80x128xi32, #tpu.memory_space<hbm>>) dst(%dma_wait3A_38 : memref<80x128xi32, #tpu.memory_space<vmem>>)
      %scan3A = arith.constant 0 : i32
      %scan3A_41 = arith.constant 0 : i32
      %scan3A_42 = arith.constant 20 : i32
      %scan3A_43 = arith.addi %scan3A_41, %scan3A_42 : i32
      %scan3A_44 = arith.constant 1 : i32
      scf.for %scan3A_58 = %scan3A_41 to %scan3A_43 step %scan3A_44  : i32 {
        %mul3A_59 = arith.constant 2 : i32
        %mul3A_60 = arith.muli %scan3A_58, %mul3A_59 : i32
        %add3A_61 = arith.constant 0 : i32
        %add3A_62 = arith.addi %mul3A_60, %add3A_61 : i32
        %mul3A_63 = arith.constant 2 : i32
        %mul3A_64 = arith.muli %add3A_62, %mul3A_63 : i32
        %gt3A = arith.constant 0 : i32
        %gt3A_65 = arith.cmpi sgt, %scan3A_58, %gt3A : i32
        %convert_element_type3A_66 = arith.extui %gt3A_65 : i1 to i32
        %cond3A_67 = arith.constant 0 : i32
        %cond3A_68 = arith.cmpi ne, %convert_element_type3A_66, %cond3A_67 : i32
        scf.if %cond3A_68 {
          %dma_wait3A_124 = arith.constant 0 : i32
          %dma_wait3A_125 = arith.constant 0 : i32
          %dma_wait3A_126 = tpu.memref_slice %arg2[%dma_wait3A_124, %dma_wait3A_125] : memref<128x128xf32, #tpu.memory_space<hbm>> -> memref<128x128xf32, #tpu.memory_space<hbm>>
          %dma_wait3A_127 = arith.constant 0 : i32
          %dma_wait3A_128 = arith.constant 0 : i32
          %dma_wait3A_129 = tpu.memref_slice %arg2[%dma_wait3A_127, %dma_wait3A_128] : memref<128x128xf32, #tpu.memory_space<hbm>> -> memref<128x128xf32, #tpu.memory_space<hbm>>
          tpu.wait_dma2 semaphore(%arg18 : memref<!tpu.dma_semaphore, #tpu.memory_space<semaphore_mem>>) src(%dma_wait3A_129 : memref<128x128xf32, #tpu.memory_space<hbm>>) dst(%arg10 : memref<128x128xf32, #tpu.memory_space<vmem>>)
        } else {
        }
        %add3A_69 = arith.constant 0 : i32
        %add3A_70 = arith.addi %mul3A_64, %add3A_69 : i32
        %dma_start3A_71 = arith.constant 0 : i32
        %dma_start3A_72 = tpu.memref_slice %arg7[%add3A_70, %dma_start3A_71] : memref<120x128xi32, #tpu.memory_space<vmem>> -> memref<1x128xi32, #tpu.memory_space<vmem>>
        %dma_start3A_73 = tpu.memref_squeeze %dma_start3A_72 : memref<1x128xi32, #tpu.memory_space<vmem>> -> memref<128xi32, #tpu.memory_space<vmem>>
        %dma_start3A_74 = arith.constant 0 : i32
        %dma_start3A_75 = arith.constant 0 : i32
        %dma_start3A_76 = tpu.memref_slice %arg12[%dma_start3A_74, %dma_start3A_75] : memref<10240x128xf32, #tpu.memory_space<vmem_shared>> -> memref<10240x128xf32, #tpu.memory_space<vmem_shared>>
        tpu.enqueue_indirect_dma source(%arg10 : memref<128x128xf32, #tpu.memory_space<vmem>>) target(%dma_start3A_76 : memref<10240x128xf32, #tpu.memory_space<vmem_shared>>) offsets(%dma_start3A_73 : memref<128xi32, #tpu.memory_space<vmem>>) semaphore(%arg18 : memref<!tpu.dma_semaphore, #tpu.memory_space<semaphore_mem>>) {add = true}
        %gt3A_77 = arith.constant 0 : i32
        %gt3A_78 = arith.cmpi sgt, %scan3A_58, %gt3A_77 : i32
        %convert_element_type3A_79 = arith.extui %gt3A_78 : i1 to i32
        %cond3A_80 = arith.constant 0 : i32
        %cond3A_81 = arith.cmpi ne, %convert_element_type3A_79, %cond3A_80 : i32
        scf.if %cond3A_81 {
          %dma_wait3A_124 = arith.constant 0 : i32
          %dma_wait3A_125 = arith.constant 0 : i32
          %dma_wait3A_126 = tpu.memref_slice %arg2[%dma_wait3A_124, %dma_wait3A_125] : memref<128x128xf32, #tpu.memory_space<hbm>> -> memref<128x128xf32, #tpu.memory_space<hbm>>
          %dma_wait3A_127 = arith.constant 0 : i32
          %dma_wait3A_128 = arith.constant 0 : i32
          %dma_wait3A_129 = tpu.memref_slice %arg2[%dma_wait3A_127, %dma_wait3A_128] : memref<128x128xf32, #tpu.memory_space<hbm>> -> memref<128x128xf32, #tpu.memory_space<hbm>>
          tpu.wait_dma2 semaphore(%arg19 : memref<!tpu.dma_semaphore, #tpu.memory_space<semaphore_mem>>) src(%dma_wait3A_129 : memref<128x128xf32, #tpu.memory_space<hbm>>) dst(%arg11 : memref<128x128xf32, #tpu.memory_space<vmem>>)
        } else {
        }
        %add3A_82 = arith.constant 1 : i32
        %add3A_83 = arith.addi %mul3A_64, %add3A_82 : i32
        %dma_start3A_84 = arith.constant 0 : i32
        %dma_start3A_85 = tpu.memref_slice %arg7[%add3A_83, %dma_start3A_84] : memref<120x128xi32, #tpu.memory_space<vmem>> -> memref<1x128xi32, #tpu.memory_space<vmem>>
        %dma_start3A_86 = tpu.memref_squeeze %dma_start3A_85 : memref<1x128xi32, #tpu.memory_space<vmem>> -> memref<128xi32, #tpu.memory_space<vmem>>
        %dma_start3A_87 = arith.constant 0 : i32
        %dma_start3A_88 = arith.constant 0 : i32
        %dma_start3A_89 = tpu.memref_slice %arg12[%dma_start3A_87, %dma_start3A_88] : memref<10240x128xf32, #tpu.memory_space<vmem_shared>> -> memref<10240x128xf32, #tpu.memory_space<vmem_shared>>
        tpu.enqueue_indirect_dma source(%arg10 : memref<128x128xf32, #tpu.memory_space<vmem>>) target(%dma_start3A_89 : memref<10240x128xf32, #tpu.memory_space<vmem_shared>>) offsets(%dma_start3A_86 : memref<128xi32, #tpu.memory_space<vmem>>) semaphore(%arg19 : memref<!tpu.dma_semaphore, #tpu.memory_space<semaphore_mem>>) {add = true}
        %mul3A_90 = arith.constant 2 : i32
        %mul3A_91 = arith.muli %scan3A_58, %mul3A_90 : i32
        %add3A_92 = arith.constant 1 : i32
        %add3A_93 = arith.addi %mul3A_91, %add3A_92 : i32
        %mul3A_94 = arith.constant 2 : i32
        %mul3A_95 = arith.muli %add3A_93, %mul3A_94 : i32
        %dma_wait3A_96 = arith.constant 0 : i32
        %dma_wait3A_97 = arith.constant 0 : i32
        %dma_wait3A_98 = tpu.memref_slice %arg2[%dma_wait3A_96, %dma_wait3A_97] : memref<128x128xf32, #tpu.memory_space<hbm>> -> memref<128x128xf32, #tpu.memory_space<hbm>>
        %dma_wait3A_99 = arith.constant 0 : i32
        %dma_wait3A_100 = arith.constant 0 : i32
        %dma_wait3A_101 = tpu.memref_slice %arg2[%dma_wait3A_99, %dma_wait3A_100] : memref<128x128xf32, #tpu.memory_space<hbm>> -> memref<128x128xf32, #tpu.memory_space<hbm>>
        tpu.wait_dma2 semaphore(%arg18 : memref<!tpu.dma_semaphore, #tpu.memory_space<semaphore_mem>>) src(%dma_wait3A_101 : memref<128x128xf32, #tpu.memory_space<hbm>>) dst(%arg10 : memref<128x128xf32, #tpu.memory_space<vmem>>)
        %add3A_102 = arith.constant 0 : i32
        %add3A_103 = arith.addi %mul3A_95, %add3A_102 : i32
        %dma_start3A_104 = arith.constant 0 : i32
        %dma_start3A_105 = tpu.memref_slice %arg7[%add3A_103, %dma_start3A_104] : memref<120x128xi32, #tpu.memory_space<vmem>> -> memref<1x128xi32, #tpu.memory_space<vmem>>
        %dma_start3A_106 = tpu.memref_squeeze %dma_start3A_105 : memref<1x128xi32, #tpu.memory_space<vmem>> -> memref<128xi32, #tpu.memory_space<vmem>>
        %dma_start3A_107 = arith.constant 0 : i32
        %dma_start3A_108 = arith.constant 0 : i32
        %dma_start3A_109 = tpu.memref_slice %arg12[%dma_start3A_107, %dma_start3A_108] : memref<10240x128xf32, #tpu.memory_space<vmem_shared>> -> memref<10240x128xf32, #tpu.memory_space<vmem_shared>>
        tpu.enqueue_indirect_dma source(%arg10 : memref<128x128xf32, #tpu.memory_space<vmem>>) target(%dma_start3A_109 : memref<10240x128xf32, #tpu.memory_space<vmem_shared>>) offsets(%dma_start3A_106 : memref<128xi32, #tpu.memory_space<vmem>>) semaphore(%arg18 : memref<!tpu.dma_semaphore, #tpu.memory_space<semaphore_mem>>) {add = true}
        %dma_wait3A_110 = arith.constant 0 : i32
        %dma_wait3A_111 = arith.constant 0 : i32
        %dma_wait3A_112 = tpu.memref_slice %arg2[%dma_wait3A_110, %dma_wait3A_111] : memref<128x128xf32, #tpu.memory_space<hbm>> -> memref<128x128xf32, #tpu.memory_space<hbm>>
        %dma_wait3A_113 = arith.constant 0 : i32
        %dma_wait3A_114 = arith.constant 0 : i32
        %dma_wait3A_115 = tpu.memref_slice %arg2[%dma_wait3A_113, %dma_wait3A_114] : memref<128x128xf32, #tpu.memory_space<hbm>> -> memref<128x128xf32, #tpu.memory_space<hbm>>
        tpu.wait_dma2 semaphore(%arg19 : memref<!tpu.dma_semaphore, #tpu.memory_space<semaphore_mem>>) src(%dma_wait3A_115 : memref<128x128xf32, #tpu.memory_space<hbm>>) dst(%arg11 : memref<128x128xf32, #tpu.memory_space<vmem>>)
        %add3A_116 = arith.constant 1 : i32
        %add3A_117 = arith.addi %mul3A_95, %add3A_116 : i32
        %dma_start3A_118 = arith.constant 0 : i32
        %dma_start3A_119 = tpu.memref_slice %arg7[%add3A_117, %dma_start3A_118] : memref<120x128xi32, #tpu.memory_space<vmem>> -> memref<1x128xi32, #tpu.memory_space<vmem>>
        %dma_start3A_120 = tpu.memref_squeeze %dma_start3A_119 : memref<1x128xi32, #tpu.memory_space<vmem>> -> memref<128xi32, #tpu.memory_space<vmem>>
        %dma_start3A_121 = arith.constant 0 : i32
        %dma_start3A_122 = arith.constant 0 : i32
        %dma_start3A_123 = tpu.memref_slice %arg12[%dma_start3A_121, %dma_start3A_122] : memref<10240x128xf32, #tpu.memory_space<vmem_shared>> -> memref<10240x128xf32, #tpu.memory_space<vmem_shared>>
        tpu.enqueue_indirect_dma source(%arg10 : memref<128x128xf32, #tpu.memory_space<vmem>>) target(%dma_start3A_123 : memref<10240x128xf32, #tpu.memory_space<vmem_shared>>) offsets(%dma_start3A_120 : memref<128xi32, #tpu.memory_space<vmem>>) semaphore(%arg19 : memref<!tpu.dma_semaphore, #tpu.memory_space<semaphore_mem>>) {add = true}
      }
      %scan3A_45 = arith.constant 20 : i32
      %dma_wait3A_46 = arith.constant 0 : i32
      %dma_wait3A_47 = arith.constant 0 : i32
      %dma_wait3A_48 = tpu.memref_slice %arg2[%dma_wait3A_46, %dma_wait3A_47] : memref<128x128xf32, #tpu.memory_space<hbm>> -> memref<128x128xf32, #tpu.memory_space<hbm>>
      %dma_wait3A_49 = arith.constant 0 : i32
      %dma_wait3A_50 = arith.constant 0 : i32
      %dma_wait3A_51 = tpu.memref_slice %arg2[%dma_wait3A_49, %dma_wait3A_50] : memref<128x128xf32, #tpu.memory_space<hbm>> -> memref<128x128xf32, #tpu.memory_space<hbm>>
      tpu.wait_dma2 semaphore(%arg18 : memref<!tpu.dma_semaphore, #tpu.memory_space<semaphore_mem>>) src(%dma_wait3A_51 : memref<128x128xf32, #tpu.memory_space<hbm>>) dst(%arg10 : memref<128x128xf32, #tpu.memory_space<vmem>>)
      %dma_wait3A_52 = arith.constant 0 : i32
      %dma_wait3A_53 = arith.constant 0 : i32
      %dma_wait3A_54 = tpu.memref_slice %arg2[%dma_wait3A_52, %dma_wait3A_53] : memref<128x128xf32, #tpu.memory_space<hbm>> -> memref<128x128xf32, #tpu.memory_space<hbm>>
      %dma_wait3A_55 = arith.constant 0 : i32
      %dma_wait3A_56 = arith.constant 0 : i32
      %dma_wait3A_57 = tpu.memref_slice %arg2[%dma_wait3A_55, %dma_wait3A_56] : memref<128x128xf32, #tpu.memory_space<hbm>> -> memref<128x128xf32, #tpu.memory_space<hbm>>
      tpu.wait_dma2 semaphore(%arg19 : memref<!tpu.dma_semaphore, #tpu.memory_space<semaphore_mem>>) src(%dma_wait3A_57 : memref<128x128xf32, #tpu.memory_space<hbm>>) dst(%arg11 : memref<128x128xf32, #tpu.memory_space<vmem>>)
    } else {
    }
    %eq3A_12 = arith.constant 1 : i32
    %eq3A_13 = arith.cmpi eq, %arg0, %eq3A_12 : i32
    %convert_element_type3A_14 = arith.extui %eq3A_13 : i1 to i32
    %cond3A_15 = arith.constant 0 : i32
    %cond3A_16 = arith.cmpi ne, %convert_element_type3A_14, %cond3A_15 : i32
    scf.if %cond3A_16 {
      %mul3A_21 = arith.constant 80 : i32
      %mul3A_22 = arith.muli %arg1, %mul3A_21 : i32
      %add3A_23 = arith.constant 1280 : i32
      %add3A_24 = arith.addi %add3A_23, %mul3A_22 : i32
      %dma_start3A = arith.constant 0 : i32
      %dma_start3A_25 = arith.constant 0 : i32
      %dma_start3A_26 = tpu.memref_slice %arg7[%dma_start3A, %dma_start3A_25] : memref<120x128xi32, #tpu.memory_space<vmem>> -> memref<80x128xi32, #tpu.memory_space<vmem>>
      %dma_start3A_27 = arith.constant 0 : i32
      %dma_start3A_28 = tpu.memref_slice %arg4[%add3A_24, %dma_start3A_27] : memref<2560x128xi32, #tpu.memory_space<hbm>> -> memref<80x128xi32, #tpu.memory_space<hbm>>
      %dma_start3A_29 = arith.constant 0 : i32
      %dma_start3A_30 = arith.constant 0 : i32
      %dma_start3A_31 = tpu.memref_slice %arg7[%dma_start3A_29, %dma_start3A_30] : memref<120x128xi32, #tpu.memory_space<vmem>> -> memref<80x128xi32, #tpu.memory_space<vmem>>
      %dma_start3A_32 = arith.constant 0 : i32
      %dma_start3A_33 = tpu.memref_slice %arg4[%add3A_24, %dma_start3A_32] : memref<2560x128xi32, #tpu.memory_space<hbm>> -> memref<80x128xi32, #tpu.memory_space<hbm>>
      tpu.enqueue_dma source(%dma_start3A_33 : memref<80x128xi32, #tpu.memory_space<hbm>>) target(%dma_start3A_31 : memref<80x128xi32, #tpu.memory_space<vmem>>) target_semaphore(%arg13 : memref<!tpu.dma_semaphore, #tpu.memory_space<semaphore_mem>>)
      %dma_wait3A = arith.constant 0 : i32
      %dma_wait3A_34 = arith.constant 0 : i32
      %dma_wait3A_35 = tpu.memref_slice %arg7[%dma_wait3A, %dma_wait3A_34] : memref<120x128xi32, #tpu.memory_space<vmem>> -> memref<80x128xi32, #tpu.memory_space<vmem>>
      %dma_wait3A_36 = arith.constant 0 : i32
      %dma_wait3A_37 = tpu.memref_slice %arg4[%add3A_24, %dma_wait3A_36] : memref<2560x128xi32, #tpu.memory_space<hbm>> -> memref<80x128xi32, #tpu.memory_space<hbm>>
      %dma_wait3A_38 = arith.constant 0 : i32
      %dma_wait3A_39 = arith.constant 0 : i32
      %dma_wait3A_40 = tpu.memref_slice %arg7[%dma_wait3A_38, %dma_wait3A_39] : memref<120x128xi32, #tpu.memory_space<vmem>> -> memref<80x128xi32, #tpu.memory_space<vmem>>
      %dma_wait3A_41 = arith.constant 0 : i32
      %dma_wait3A_42 = tpu.memref_slice %arg4[%add3A_24, %dma_wait3A_41] : memref<2560x128xi32, #tpu.memory_space<hbm>> -> memref<80x128xi32, #tpu.memory_space<hbm>>
      tpu.wait_dma2 semaphore(%arg13 : memref<!tpu.dma_semaphore, #tpu.memory_space<semaphore_mem>>) src(%dma_wait3A_42 : memref<80x128xi32, #tpu.memory_space<hbm>>) dst(%dma_wait3A_40 : memref<80x128xi32, #tpu.memory_space<vmem>>)
      %scan3A = arith.constant 0 : i32
      %scan3A_43 = arith.constant 0 : i32
      %scan3A_44 = arith.constant 20 : i32
      %scan3A_45 = arith.addi %scan3A_43, %scan3A_44 : i32
      %scan3A_46 = arith.constant 1 : i32
      scf.for %scan3A_60 = %scan3A_43 to %scan3A_45 step %scan3A_46  : i32 {
        %mul3A_61 = arith.constant 2 : i32
        %mul3A_62 = arith.muli %scan3A_60, %mul3A_61 : i32
        %add3A_63 = arith.constant 0 : i32
        %add3A_64 = arith.addi %mul3A_62, %add3A_63 : i32
        %mul3A_65 = arith.constant 2 : i32
        %mul3A_66 = arith.muli %add3A_64, %mul3A_65 : i32
        %gt3A = arith.constant 0 : i32
        %gt3A_67 = arith.cmpi sgt, %scan3A_60, %gt3A : i32
        %convert_element_type3A_68 = arith.extui %gt3A_67 : i1 to i32
        %cond3A_69 = arith.constant 0 : i32
        %cond3A_70 = arith.cmpi ne, %convert_element_type3A_68, %cond3A_69 : i32
        scf.if %cond3A_70 {
          %dma_wait3A_126 = arith.constant 0 : i32
          %dma_wait3A_127 = arith.constant 0 : i32
          %dma_wait3A_128 = tpu.memref_slice %arg2[%dma_wait3A_126, %dma_wait3A_127] : memref<128x128xf32, #tpu.memory_space<hbm>> -> memref<128x128xf32, #tpu.memory_space<hbm>>
          %dma_wait3A_129 = arith.constant 0 : i32
          %dma_wait3A_130 = arith.constant 0 : i32
          %dma_wait3A_131 = tpu.memref_slice %arg2[%dma_wait3A_129, %dma_wait3A_130] : memref<128x128xf32, #tpu.memory_space<hbm>> -> memref<128x128xf32, #tpu.memory_space<hbm>>
          tpu.wait_dma2 semaphore(%arg18 : memref<!tpu.dma_semaphore, #tpu.memory_space<semaphore_mem>>) src(%dma_wait3A_131 : memref<128x128xf32, #tpu.memory_space<hbm>>) dst(%arg10 : memref<128x128xf32, #tpu.memory_space<vmem>>)
        } else {
        }
        %add3A_71 = arith.constant 0 : i32
        %add3A_72 = arith.addi %mul3A_66, %add3A_71 : i32
        %dma_start3A_73 = arith.constant 0 : i32
        %dma_start3A_74 = tpu.memref_slice %arg7[%add3A_72, %dma_start3A_73] : memref<120x128xi32, #tpu.memory_space<vmem>> -> memref<1x128xi32, #tpu.memory_space<vmem>>
        %dma_start3A_75 = tpu.memref_squeeze %dma_start3A_74 : memref<1x128xi32, #tpu.memory_space<vmem>> -> memref<128xi32, #tpu.memory_space<vmem>>
        %dma_start3A_76 = arith.constant 0 : i32
        %dma_start3A_77 = arith.constant 0 : i32
        %dma_start3A_78 = tpu.memref_slice %arg12[%dma_start3A_76, %dma_start3A_77] : memref<10240x128xf32, #tpu.memory_space<vmem_shared>> -> memref<10240x128xf32, #tpu.memory_space<vmem_shared>>
        tpu.enqueue_indirect_dma source(%arg10 : memref<128x128xf32, #tpu.memory_space<vmem>>) target(%dma_start3A_78 : memref<10240x128xf32, #tpu.memory_space<vmem_shared>>) offsets(%dma_start3A_75 : memref<128xi32, #tpu.memory_space<vmem>>) semaphore(%arg18 : memref<!tpu.dma_semaphore, #tpu.memory_space<semaphore_mem>>) {add = true}
        %gt3A_79 = arith.constant 0 : i32
        %gt3A_80 = arith.cmpi sgt, %scan3A_60, %gt3A_79 : i32
        %convert_element_type3A_81 = arith.extui %gt3A_80 : i1 to i32
        %cond3A_82 = arith.constant 0 : i32
        %cond3A_83 = arith.cmpi ne, %convert_element_type3A_81, %cond3A_82 : i32
        scf.if %cond3A_83 {
          %dma_wait3A_126 = arith.constant 0 : i32
          %dma_wait3A_127 = arith.constant 0 : i32
          %dma_wait3A_128 = tpu.memref_slice %arg2[%dma_wait3A_126, %dma_wait3A_127] : memref<128x128xf32, #tpu.memory_space<hbm>> -> memref<128x128xf32, #tpu.memory_space<hbm>>
          %dma_wait3A_129 = arith.constant 0 : i32
          %dma_wait3A_130 = arith.constant 0 : i32
          %dma_wait3A_131 = tpu.memref_slice %arg2[%dma_wait3A_129, %dma_wait3A_130] : memref<128x128xf32, #tpu.memory_space<hbm>> -> memref<128x128xf32, #tpu.memory_space<hbm>>
          tpu.wait_dma2 semaphore(%arg19 : memref<!tpu.dma_semaphore, #tpu.memory_space<semaphore_mem>>) src(%dma_wait3A_131 : memref<128x128xf32, #tpu.memory_space<hbm>>) dst(%arg11 : memref<128x128xf32, #tpu.memory_space<vmem>>)
        } else {
        }
        %add3A_84 = arith.constant 1 : i32
        %add3A_85 = arith.addi %mul3A_66, %add3A_84 : i32
        %dma_start3A_86 = arith.constant 0 : i32
        %dma_start3A_87 = tpu.memref_slice %arg7[%add3A_85, %dma_start3A_86] : memref<120x128xi32, #tpu.memory_space<vmem>> -> memref<1x128xi32, #tpu.memory_space<vmem>>
        %dma_start3A_88 = tpu.memref_squeeze %dma_start3A_87 : memref<1x128xi32, #tpu.memory_space<vmem>> -> memref<128xi32, #tpu.memory_space<vmem>>
        %dma_start3A_89 = arith.constant 0 : i32
        %dma_start3A_90 = arith.constant 0 : i32
        %dma_start3A_91 = tpu.memref_slice %arg12[%dma_start3A_89, %dma_start3A_90] : memref<10240x128xf32, #tpu.memory_space<vmem_shared>> -> memref<10240x128xf32, #tpu.memory_space<vmem_shared>>
        tpu.enqueue_indirect_dma source(%arg10 : memref<128x128xf32, #tpu.memory_space<vmem>>) target(%dma_start3A_91 : memref<10240x128xf32, #tpu.memory_space<vmem_shared>>) offsets(%dma_start3A_88 : memref<128xi32, #tpu.memory_space<vmem>>) semaphore(%arg19 : memref<!tpu.dma_semaphore, #tpu.memory_space<semaphore_mem>>) {add = true}
        %mul3A_92 = arith.constant 2 : i32
        %mul3A_93 = arith.muli %scan3A_60, %mul3A_92 : i32
        %add3A_94 = arith.constant 1 : i32
        %add3A_95 = arith.addi %mul3A_93, %add3A_94 : i32
        %mul3A_96 = arith.constant 2 : i32
        %mul3A_97 = arith.muli %add3A_95, %mul3A_96 : i32
        %dma_wait3A_98 = arith.constant 0 : i32
        %dma_wait3A_99 = arith.constant 0 : i32
        %dma_wait3A_100 = tpu.memref_slice %arg2[%dma_wait3A_98, %dma_wait3A_99] : memref<128x128xf32, #tpu.memory_space<hbm>> -> memref<128x128xf32, #tpu.memory_space<hbm>>
        %dma_wait3A_101 = arith.constant 0 : i32
        %dma_wait3A_102 = arith.constant 0 : i32
        %dma_wait3A_103 = tpu.memref_slice %arg2[%dma_wait3A_101, %dma_wait3A_102] : memref<128x128xf32, #tpu.memory_space<hbm>> -> memref<128x128xf32, #tpu.memory_space<hbm>>
        tpu.wait_dma2 semaphore(%arg18 : memref<!tpu.dma_semaphore, #tpu.memory_space<semaphore_mem>>) src(%dma_wait3A_103 : memref<128x128xf32, #tpu.memory_space<hbm>>) dst(%arg10 : memref<128x128xf32, #tpu.memory_space<vmem>>)
        %add3A_104 = arith.constant 0 : i32
        %add3A_105 = arith.addi %mul3A_97, %add3A_104 : i32
        %dma_start3A_106 = arith.constant 0 : i32
        %dma_start3A_107 = tpu.memref_slice %arg7[%add3A_105, %dma_start3A_106] : memref<120x128xi32, #tpu.memory_space<vmem>> -> memref<1x128xi32, #tpu.memory_space<vmem>>
        %dma_start3A_108 = tpu.memref_squeeze %dma_start3A_107 : memref<1x128xi32, #tpu.memory_space<vmem>> -> memref<128xi32, #tpu.memory_space<vmem>>
        %dma_start3A_109 = arith.constant 0 : i32
        %dma_start3A_110 = arith.constant 0 : i32
        %dma_start3A_111 = tpu.memref_slice %arg12[%dma_start3A_109, %dma_start3A_110] : memref<10240x128xf32, #tpu.memory_space<vmem_shared>> -> memref<10240x128xf32, #tpu.memory_space<vmem_shared>>
        tpu.enqueue_indirect_dma source(%arg10 : memref<128x128xf32, #tpu.memory_space<vmem>>) target(%dma_start3A_111 : memref<10240x128xf32, #tpu.memory_space<vmem_shared>>) offsets(%dma_start3A_108 : memref<128xi32, #tpu.memory_space<vmem>>) semaphore(%arg18 : memref<!tpu.dma_semaphore, #tpu.memory_space<semaphore_mem>>) {add = true}
        %dma_wait3A_112 = arith.constant 0 : i32
        %dma_wait3A_113 = arith.constant 0 : i32
        %dma_wait3A_114 = tpu.memref_slice %arg2[%dma_wait3A_112, %dma_wait3A_113] : memref<128x128xf32, #tpu.memory_space<hbm>> -> memref<128x128xf32, #tpu.memory_space<hbm>>
        %dma_wait3A_115 = arith.constant 0 : i32
        %dma_wait3A_116 = arith.constant 0 : i32
        %dma_wait3A_117 = tpu.memref_slice %arg2[%dma_wait3A_115, %dma_wait3A_116] : memref<128x128xf32, #tpu.memory_space<hbm>> -> memref<128x128xf32, #tpu.memory_space<hbm>>
        tpu.wait_dma2 semaphore(%arg19 : memref<!tpu.dma_semaphore, #tpu.memory_space<semaphore_mem>>) src(%dma_wait3A_117 : memref<128x128xf32, #tpu.memory_space<hbm>>) dst(%arg11 : memref<128x128xf32, #tpu.memory_space<vmem>>)
        %add3A_118 = arith.constant 1 : i32
        %add3A_119 = arith.addi %mul3A_97, %add3A_118 : i32
        %dma_start3A_120 = arith.constant 0 : i32
        %dma_start3A_121 = tpu.memref_slice %arg7[%add3A_119, %dma_start3A_120] : memref<120x128xi32, #tpu.memory_space<vmem>> -> memref<1x128xi32, #tpu.memory_space<vmem>>
        %dma_start3A_122 = tpu.memref_squeeze %dma_start3A_121 : memref<1x128xi32, #tpu.memory_space<vmem>> -> memref<128xi32, #tpu.memory_space<vmem>>
        %dma_start3A_123 = arith.constant 0 : i32
        %dma_start3A_124 = arith.constant 0 : i32
        %dma_start3A_125 = tpu.memref_slice %arg12[%dma_start3A_123, %dma_start3A_124] : memref<10240x128xf32, #tpu.memory_space<vmem_shared>> -> memref<10240x128xf32, #tpu.memory_space<vmem_shared>>
        tpu.enqueue_indirect_dma source(%arg10 : memref<128x128xf32, #tpu.memory_space<vmem>>) target(%dma_start3A_125 : memref<10240x128xf32, #tpu.memory_space<vmem_shared>>) offsets(%dma_start3A_122 : memref<128xi32, #tpu.memory_space<vmem>>) semaphore(%arg19 : memref<!tpu.dma_semaphore, #tpu.memory_space<semaphore_mem>>) {add = true}
      }
      %scan3A_47 = arith.constant 20 : i32
      %dma_wait3A_48 = arith.constant 0 : i32
      %dma_wait3A_49 = arith.constant 0 : i32
      %dma_wait3A_50 = tpu.memref_slice %arg2[%dma_wait3A_48, %dma_wait3A_49] : memref<128x128xf32, #tpu.memory_space<hbm>> -> memref<128x128xf32, #tpu.memory_space<hbm>>
      %dma_wait3A_51 = arith.constant 0 : i32
      %dma_wait3A_52 = arith.constant 0 : i32
      %dma_wait3A_53 = tpu.memref_slice %arg2[%dma_wait3A_51, %dma_wait3A_52] : memref<128x128xf32, #tpu.memory_space<hbm>> -> memref<128x128xf32, #tpu.memory_space<hbm>>
      tpu.wait_dma2 semaphore(%arg18 : memref<!tpu.dma_semaphore, #tpu.memory_space<semaphore_mem>>) src(%dma_wait3A_53 : memref<128x128xf32, #tpu.memory_space<hbm>>) dst(%arg10 : memref<128x128xf32, #tpu.memory_space<vmem>>)
      %dma_wait3A_54 = arith.constant 0 : i32
      %dma_wait3A_55 = arith.constant 0 : i32
      %dma_wait3A_56 = tpu.memref_slice %arg2[%dma_wait3A_54, %dma_wait3A_55] : memref<128x128xf32, #tpu.memory_space<hbm>> -> memref<128x128xf32, #tpu.memory_space<hbm>>
      %dma_wait3A_57 = arith.constant 0 : i32
      %dma_wait3A_58 = arith.constant 0 : i32
      %dma_wait3A_59 = tpu.memref_slice %arg2[%dma_wait3A_57, %dma_wait3A_58] : memref<128x128xf32, #tpu.memory_space<hbm>> -> memref<128x128xf32, #tpu.memory_space<hbm>>
      tpu.wait_dma2 semaphore(%arg19 : memref<!tpu.dma_semaphore, #tpu.memory_space<semaphore_mem>>) src(%dma_wait3A_59 : memref<128x128xf32, #tpu.memory_space<hbm>>) dst(%arg11 : memref<128x128xf32, #tpu.memory_space<vmem>>)
    } else {
    }
    %barrier3A_17 = arith.constant 0 : index
    tpu.barrier barrier_id(%barrier3A_17)
    %mul3A_18 = arith.constant 10240 : i32
    %mul3A_19 = arith.muli %arg0, %mul3A_18 : i32
    %add3A_20 = arith.addi %mul3A_19, %mul3A_0 : i32
    "tpu.region"() ({
      %run_scoped3A = tpu.sem_alloc : memref<!tpu.dma_semaphore, #tpu.memory_space<semaphore_mem>>
      %dma_start3A = arith.constant 0 : i32
      %dma_start3A_21 = tpu.memref_slice %arg6[%add3A_20, %dma_start3A] : memref<20480x128xf32, #tpu.memory_space<hbm>> -> memref<640x128xf32, #tpu.memory_space<hbm>>
      %dma_start3A_22 = arith.constant 0 : i32
      %dma_start3A_23 = tpu.memref_slice %arg12[%mul3A_0, %dma_start3A_22] : memref<10240x128xf32, #tpu.memory_space<vmem_shared>> -> memref<640x128xf32, #tpu.memory_space<vmem_shared>>
      tpu.enqueue_dma source(%dma_start3A_23 : memref<640x128xf32, #tpu.memory_space<vmem_shared>>) target(%dma_start3A_21 : memref<640x128xf32, #tpu.memory_space<hbm>>) target_semaphore(%run_scoped3A : memref<!tpu.dma_semaphore, #tpu.memory_space<semaphore_mem>>)
      %dma_wait3A = arith.constant 0 : i32
      %dma_wait3A_24 = tpu.memref_slice %arg6[%add3A_20, %dma_wait3A] : memref<20480x128xf32, #tpu.memory_space<hbm>> -> memref<640x128xf32, #tpu.memory_space<hbm>>
      %dma_wait3A_25 = arith.constant 0 : i32
      %dma_wait3A_26 = tpu.memref_slice %arg12[%mul3A_0, %dma_wait3A_25] : memref<10240x128xf32, #tpu.memory_space<vmem_shared>> -> memref<640x128xf32, #tpu.memory_space<vmem_shared>>
      tpu.wait_dma2 semaphore(%run_scoped3A : memref<!tpu.dma_semaphore, #tpu.memory_space<semaphore_mem>>) src(%dma_wait3A_26 : memref<640x128xf32, #tpu.memory_space<vmem_shared>>) dst(%dma_wait3A_24 : memref<640x128xf32, #tpu.memory_space<hbm>>)
      tpu.yield
    }) : () -> ()
    return
  }
}

#map = affine_map<(d0, d1) -> (0, 0)>
module attributes {stable_mosaic.version = 14 : i64} {
  func.func @kg(%arg0: i32, %arg1: i32, %arg2: memref<10000x128xf32, #tpu.memory_space<hbm>>, %arg3: memref<2560x128xi32, #tpu.memory_space<hbm>>, %arg4: memref<2560x128xi32, #tpu.memory_space<hbm>>, %arg5: memref<128x128xf32, #tpu.memory_space<hbm>>, %arg6: memref<20480x128xf32, #tpu.memory_space<hbm>>, %arg7: memref<120x128xi32, #tpu.memory_space<vmem>>, %arg8: memref<2x128xi32, #tpu.memory_space<vmem>>, %arg9: memref<2x128xi32, #tpu.memory_space<vmem>>, %arg10: memref<128x128xf32, #tpu.memory_space<vmem>>, %arg11: memref<128x128xf32, #tpu.memory_space<vmem>>, %arg12: memref<10240x128xf32, #tpu.memory_space<vmem_shared>>, %arg13: memref<!tpu.dma_semaphore, #tpu.memory_space<semaphore_mem>>, %arg14: memref<!tpu.dma_semaphore, #tpu.memory_space<semaphore_mem>>, %arg15: memref<!tpu.dma_semaphore, #tpu.memory_space<semaphore_mem>>, %arg16: memref<!tpu.dma_semaphore, #tpu.memory_space<semaphore_mem>>, %arg17: memref<!tpu.dma_semaphore, #tpu.memory_space<semaphore_mem>>, %arg18: memref<!tpu.dma_semaphore, #tpu.memory_space<semaphore_mem>>, %arg19: memref<!tpu.dma_semaphore, #tpu.memory_space<semaphore_mem>>) attributes {dimension_semantics = [#tpu.dimension_semantics<core_parallel>, #tpu.dimension_semantics<subcore_parallel>], iteration_bounds = array<i64: 2, 16>, scalar_prefetch = 0 : i64, scratch_operands = 13 : i64, tpu.core_type = #tpu.core_type<sc_vector_subcore>, window_params = [{transform_indices = #map}, {transform_indices = #map}, {transform_indices = #map}, {transform_indices = #map}, {transform_indices = #map}]} {
    "tpu.region"() ({
      %run_scoped3A = tpu.sem_alloc : memref<!tpu.dma_semaphore, #tpu.memory_space<semaphore_mem>>
      tpu.enqueue_dma source(%arg5 : memref<128x128xf32, #tpu.memory_space<hbm>>) target(%arg10 : memref<128x128xf32, #tpu.memory_space<vmem>>) target_semaphore(%run_scoped3A : memref<!tpu.dma_semaphore, #tpu.memory_space<semaphore_mem>>)
      tpu.wait_dma2 semaphore(%run_scoped3A : memref<!tpu.dma_semaphore, #tpu.memory_space<semaphore_mem>>) src(%arg5 : memref<128x128xf32, #tpu.memory_space<hbm>>) dst(%arg10 : memref<128x128xf32, #tpu.memory_space<vmem>>)
      tpu.yield
    }) : () -> ()
    %mul3A = arith.constant 640 : i32
    %mul3A_0 = arith.muli %arg1, %mul3A : i32
    %add3A = arith.constant 0 : i32
    %add3A_1 = arith.addi %mul3A_0, %add3A : i32
    "tpu.region"() ({
      %run_scoped3A = tpu.sem_alloc : memref<!tpu.dma_semaphore, #tpu.memory_space<semaphore_mem>>
      %dma_start3A = arith.constant 0 : i32
      %dma_start3A_21 = tpu.memref_slice %arg12[%add3A_1, %dma_start3A] : memref<10240x128xf32, #tpu.memory_space<vmem_shared>> -> memref<128x128xf32, #tpu.memory_space<vmem_shared>>
      %dma_start3A_22 = arith.constant 0 : i32
      %dma_start3A_23 = tpu.memref_slice %arg12[%add3A_1, %dma_start3A_22] : memref<10240x128xf32, #tpu.memory_space<vmem_shared>> -> memref<128x128xf32, #tpu.memory_space<vmem_shared>>
      tpu.enqueue_dma source(%arg10 : memref<128x128xf32, #tpu.memory_space<vmem>>) target(%dma_start3A_23 : memref<128x128xf32, #tpu.memory_space<vmem_shared>>) target_semaphore(%run_scoped3A : memref<!tpu.dma_semaphore, #tpu.memory_space<semaphore_mem>>)
      %dma_wait3A = arith.constant 0 : i32
      %dma_wait3A_24 = tpu.memref_slice %arg12[%add3A_1, %dma_wait3A] : memref<10240x128xf32, #tpu.memory_space<vmem_shared>> -> memref<128x128xf32, #tpu.memory_space<vmem_shared>>
      %dma_wait3A_25 = arith.constant 0 : i32
      %dma_wait3A_26 = tpu.memref_slice %arg12[%add3A_1, %dma_wait3A_25] : memref<10240x128xf32, #tpu.memory_space<vmem_shared>> -> memref<128x128xf32, #tpu.memory_space<vmem_shared>>
      tpu.wait_dma2 semaphore(%run_scoped3A : memref<!tpu.dma_semaphore, #tpu.memory_space<semaphore_mem>>) src(%arg10 : memref<128x128xf32, #tpu.memory_space<vmem>>) dst(%dma_wait3A_26 : memref<128x128xf32, #tpu.memory_space<vmem_shared>>)
      tpu.yield
    }) : () -> ()
    %add3A_2 = arith.constant 128 : i32
    %add3A_3 = arith.addi %mul3A_0, %add3A_2 : i32
    "tpu.region"() ({
      %run_scoped3A = tpu.sem_alloc : memref<!tpu.dma_semaphore, #tpu.memory_space<semaphore_mem>>
      %dma_start3A = arith.constant 0 : i32
      %dma_start3A_21 = tpu.memref_slice %arg12[%add3A_3, %dma_start3A] : memref<10240x128xf32, #tpu.memory_space<vmem_shared>> -> memref<128x128xf32, #tpu.memory_space<vmem_shared>>
      %dma_start3A_22 = arith.constant 0 : i32
      %dma_start3A_23 = tpu.memref_slice %arg12[%add3A_3, %dma_start3A_22] : memref<10240x128xf32, #tpu.memory_space<vmem_shared>> -> memref<128x128xf32, #tpu.memory_space<vmem_shared>>
      tpu.enqueue_dma source(%arg10 : memref<128x128xf32, #tpu.memory_space<vmem>>) target(%dma_start3A_23 : memref<128x128xf32, #tpu.memory_space<vmem_shared>>) target_semaphore(%run_scoped3A : memref<!tpu.dma_semaphore, #tpu.memory_space<semaphore_mem>>)
      %dma_wait3A = arith.constant 0 : i32
      %dma_wait3A_24 = tpu.memref_slice %arg12[%add3A_3, %dma_wait3A] : memref<10240x128xf32, #tpu.memory_space<vmem_shared>> -> memref<128x128xf32, #tpu.memory_space<vmem_shared>>
      %dma_wait3A_25 = arith.constant 0 : i32
      %dma_wait3A_26 = tpu.memref_slice %arg12[%add3A_3, %dma_wait3A_25] : memref<10240x128xf32, #tpu.memory_space<vmem_shared>> -> memref<128x128xf32, #tpu.memory_space<vmem_shared>>
      tpu.wait_dma2 semaphore(%run_scoped3A : memref<!tpu.dma_semaphore, #tpu.memory_space<semaphore_mem>>) src(%arg10 : memref<128x128xf32, #tpu.memory_space<vmem>>) dst(%dma_wait3A_26 : memref<128x128xf32, #tpu.memory_space<vmem_shared>>)
      tpu.yield
    }) : () -> ()
    %add3A_4 = arith.constant 256 : i32
    %add3A_5 = arith.addi %mul3A_0, %add3A_4 : i32
    "tpu.region"() ({
      %run_scoped3A = tpu.sem_alloc : memref<!tpu.dma_semaphore, #tpu.memory_space<semaphore_mem>>
      %dma_start3A = arith.constant 0 : i32
      %dma_start3A_21 = tpu.memref_slice %arg12[%add3A_5, %dma_start3A] : memref<10240x128xf32, #tpu.memory_space<vmem_shared>> -> memref<128x128xf32, #tpu.memory_space<vmem_shared>>
      %dma_start3A_22 = arith.constant 0 : i32
      %dma_start3A_23 = tpu.memref_slice %arg12[%add3A_5, %dma_start3A_22] : memref<10240x128xf32, #tpu.memory_space<vmem_shared>> -> memref<128x128xf32, #tpu.memory_space<vmem_shared>>
      tpu.enqueue_dma source(%arg10 : memref<128x128xf32, #tpu.memory_space<vmem>>) target(%dma_start3A_23 : memref<128x128xf32, #tpu.memory_space<vmem_shared>>) target_semaphore(%run_scoped3A : memref<!tpu.dma_semaphore, #tpu.memory_space<semaphore_mem>>)
      %dma_wait3A = arith.constant 0 : i32
      %dma_wait3A_24 = tpu.memref_slice %arg12[%add3A_5, %dma_wait3A] : memref<10240x128xf32, #tpu.memory_space<vmem_shared>> -> memref<128x128xf32, #tpu.memory_space<vmem_shared>>
      %dma_wait3A_25 = arith.constant 0 : i32
      %dma_wait3A_26 = tpu.memref_slice %arg12[%add3A_5, %dma_wait3A_25] : memref<10240x128xf32, #tpu.memory_space<vmem_shared>> -> memref<128x128xf32, #tpu.memory_space<vmem_shared>>
      tpu.wait_dma2 semaphore(%run_scoped3A : memref<!tpu.dma_semaphore, #tpu.memory_space<semaphore_mem>>) src(%arg10 : memref<128x128xf32, #tpu.memory_space<vmem>>) dst(%dma_wait3A_26 : memref<128x128xf32, #tpu.memory_space<vmem_shared>>)
      tpu.yield
    }) : () -> ()
    %add3A_6 = arith.constant 384 : i32
    %add3A_7 = arith.addi %mul3A_0, %add3A_6 : i32
    "tpu.region"() ({
      %run_scoped3A = tpu.sem_alloc : memref<!tpu.dma_semaphore, #tpu.memory_space<semaphore_mem>>
      %dma_start3A = arith.constant 0 : i32
      %dma_start3A_21 = tpu.memref_slice %arg12[%add3A_7, %dma_start3A] : memref<10240x128xf32, #tpu.memory_space<vmem_shared>> -> memref<128x128xf32, #tpu.memory_space<vmem_shared>>
      %dma_start3A_22 = arith.constant 0 : i32
      %dma_start3A_23 = tpu.memref_slice %arg12[%add3A_7, %dma_start3A_22] : memref<10240x128xf32, #tpu.memory_space<vmem_shared>> -> memref<128x128xf32, #tpu.memory_space<vmem_shared>>
      tpu.enqueue_dma source(%arg10 : memref<128x128xf32, #tpu.memory_space<vmem>>) target(%dma_start3A_23 : memref<128x128xf32, #tpu.memory_space<vmem_shared>>) target_semaphore(%run_scoped3A : memref<!tpu.dma_semaphore, #tpu.memory_space<semaphore_mem>>)
      %dma_wait3A = arith.constant 0 : i32
      %dma_wait3A_24 = tpu.memref_slice %arg12[%add3A_7, %dma_wait3A] : memref<10240x128xf32, #tpu.memory_space<vmem_shared>> -> memref<128x128xf32, #tpu.memory_space<vmem_shared>>
      %dma_wait3A_25 = arith.constant 0 : i32
      %dma_wait3A_26 = tpu.memref_slice %arg12[%add3A_7, %dma_wait3A_25] : memref<10240x128xf32, #tpu.memory_space<vmem_shared>> -> memref<128x128xf32, #tpu.memory_space<vmem_shared>>
      tpu.wait_dma2 semaphore(%run_scoped3A : memref<!tpu.dma_semaphore, #tpu.memory_space<semaphore_mem>>) src(%arg10 : memref<128x128xf32, #tpu.memory_space<vmem>>) dst(%dma_wait3A_26 : memref<128x128xf32, #tpu.memory_space<vmem_shared>>)
      tpu.yield
    }) : () -> ()
    %add3A_8 = arith.constant 512 : i32
    %add3A_9 = arith.addi %mul3A_0, %add3A_8 : i32
    "tpu.region"() ({
      %run_scoped3A = tpu.sem_alloc : memref<!tpu.dma_semaphore, #tpu.memory_space<semaphore_mem>>
      %dma_start3A = arith.constant 0 : i32
      %dma_start3A_21 = tpu.memref_slice %arg12[%add3A_9, %dma_start3A] : memref<10240x128xf32, #tpu.memory_space<vmem_shared>> -> memref<128x128xf32, #tpu.memory_space<vmem_shared>>
      %dma_start3A_22 = arith.constant 0 : i32
      %dma_start3A_23 = tpu.memref_slice %arg12[%add3A_9, %dma_start3A_22] : memref<10240x128xf32, #tpu.memory_space<vmem_shared>> -> memref<128x128xf32, #tpu.memory_space<vmem_shared>>
      tpu.enqueue_dma source(%arg10 : memref<128x128xf32, #tpu.memory_space<vmem>>) target(%dma_start3A_23 : memref<128x128xf32, #tpu.memory_space<vmem_shared>>) target_semaphore(%run_scoped3A : memref<!tpu.dma_semaphore, #tpu.memory_space<semaphore_mem>>)
      %dma_wait3A = arith.constant 0 : i32
      %dma_wait3A_24 = tpu.memref_slice %arg12[%add3A_9, %dma_wait3A] : memref<10240x128xf32, #tpu.memory_space<vmem_shared>> -> memref<128x128xf32, #tpu.memory_space<vmem_shared>>
      %dma_wait3A_25 = arith.constant 0 : i32
      %dma_wait3A_26 = tpu.memref_slice %arg12[%add3A_9, %dma_wait3A_25] : memref<10240x128xf32, #tpu.memory_space<vmem_shared>> -> memref<128x128xf32, #tpu.memory_space<vmem_shared>>
      tpu.wait_dma2 semaphore(%run_scoped3A : memref<!tpu.dma_semaphore, #tpu.memory_space<semaphore_mem>>) src(%arg10 : memref<128x128xf32, #tpu.memory_space<vmem>>) dst(%dma_wait3A_26 : memref<128x128xf32, #tpu.memory_space<vmem_shared>>)
      tpu.yield
    }) : () -> ()
    %barrier3A = arith.constant 0 : index
    tpu.barrier barrier_id(%barrier3A)
    %eq3A = arith.constant 0 : i32
    %eq3A_10 = arith.cmpi eq, %arg0, %eq3A : i32
    %convert_element_type3A = arith.extui %eq3A_10 : i1 to i32
    %cond3A = arith.constant 0 : i32
    %cond3A_11 = arith.cmpi ne, %convert_element_type3A, %cond3A : i32
    scf.if %cond3A_11 {
      %mul3A_21 = arith.constant 120 : i32
      %mul3A_22 = arith.muli %arg1, %mul3A_21 : i32
      %dma_start3A = arith.constant 0 : i32
      %dma_start3A_23 = arith.constant 0 : i32
      %dma_start3A_24 = tpu.memref_slice %arg7[%dma_start3A, %dma_start3A_23] : memref<120x128xi32, #tpu.memory_space<vmem>> -> memref<120x128xi32, #tpu.memory_space<vmem>>
      %dma_start3A_25 = arith.constant 0 : i32
      %dma_start3A_26 = tpu.memref_slice %arg4[%mul3A_22, %dma_start3A_25] : memref<2560x128xi32, #tpu.memory_space<hbm>> -> memref<120x128xi32, #tpu.memory_space<hbm>>
      %dma_start3A_27 = arith.constant 0 : i32
      %dma_start3A_28 = arith.constant 0 : i32
      %dma_start3A_29 = tpu.memref_slice %arg7[%dma_start3A_27, %dma_start3A_28] : memref<120x128xi32, #tpu.memory_space<vmem>> -> memref<120x128xi32, #tpu.memory_space<vmem>>
      %dma_start3A_30 = arith.constant 0 : i32
      %dma_start3A_31 = tpu.memref_slice %arg4[%mul3A_22, %dma_start3A_30] : memref<2560x128xi32, #tpu.memory_space<hbm>> -> memref<120x128xi32, #tpu.memory_space<hbm>>
      tpu.enqueue_dma source(%dma_start3A_31 : memref<120x128xi32, #tpu.memory_space<hbm>>) target(%dma_start3A_29 : memref<120x128xi32, #tpu.memory_space<vmem>>) target_semaphore(%arg13 : memref<!tpu.dma_semaphore, #tpu.memory_space<semaphore_mem>>)
      "tpu.region"() ({
        %run_scoped3A = tpu.sem_alloc : memref<!tpu.dma_semaphore, #tpu.memory_space<semaphore_mem>>
        %dma_start3A_60 = arith.constant 0 : i32
        %dma_start3A_61 = tpu.memref_slice %arg3[%mul3A_22, %dma_start3A_60] : memref<2560x128xi32, #tpu.memory_space<hbm>> -> memref<2x128xi32, #tpu.memory_space<hbm>>
        %dma_start3A_62 = arith.constant 0 : i32
        %dma_start3A_63 = tpu.memref_slice %arg3[%mul3A_22, %dma_start3A_62] : memref<2560x128xi32, #tpu.memory_space<hbm>> -> memref<2x128xi32, #tpu.memory_space<hbm>>
        tpu.enqueue_dma source(%dma_start3A_63 : memref<2x128xi32, #tpu.memory_space<hbm>>) target(%arg8 : memref<2x128xi32, #tpu.memory_space<vmem>>) target_semaphore(%run_scoped3A : memref<!tpu.dma_semaphore, #tpu.memory_space<semaphore_mem>>)
        %dma_wait3A_64 = arith.constant 0 : i32
        %dma_wait3A_65 = tpu.memref_slice %arg3[%mul3A_22, %dma_wait3A_64] : memref<2560x128xi32, #tpu.memory_space<hbm>> -> memref<2x128xi32, #tpu.memory_space<hbm>>
        %dma_wait3A_66 = arith.constant 0 : i32
        %dma_wait3A_67 = tpu.memref_slice %arg3[%mul3A_22, %dma_wait3A_66] : memref<2560x128xi32, #tpu.memory_space<hbm>> -> memref<2x128xi32, #tpu.memory_space<hbm>>
        tpu.wait_dma2 semaphore(%run_scoped3A : memref<!tpu.dma_semaphore, #tpu.memory_space<semaphore_mem>>) src(%dma_wait3A_67 : memref<2x128xi32, #tpu.memory_space<hbm>>) dst(%arg8 : memref<2x128xi32, #tpu.memory_space<vmem>>)
        tpu.yield
      }) : () -> ()
      %add3A_32 = arith.constant 2 : i32
      %add3A_33 = arith.addi %mul3A_22, %add3A_32 : i32
      "tpu.region"() ({
        %run_scoped3A = tpu.sem_alloc : memref<!tpu.dma_semaphore, #tpu.memory_space<semaphore_mem>>
        %dma_start3A_60 = arith.constant 0 : i32
        %dma_start3A_61 = tpu.memref_slice %arg3[%add3A_33, %dma_start3A_60] : memref<2560x128xi32, #tpu.memory_space<hbm>> -> memref<2x128xi32, #tpu.memory_space<hbm>>
        %dma_start3A_62 = arith.constant 0 : i32
        %dma_start3A_63 = tpu.memref_slice %arg3[%add3A_33, %dma_start3A_62] : memref<2560x128xi32, #tpu.memory_space<hbm>> -> memref<2x128xi32, #tpu.memory_space<hbm>>
        tpu.enqueue_dma source(%dma_start3A_63 : memref<2x128xi32, #tpu.memory_space<hbm>>) target(%arg9 : memref<2x128xi32, #tpu.memory_space<vmem>>) target_semaphore(%run_scoped3A : memref<!tpu.dma_semaphore, #tpu.memory_space<semaphore_mem>>)
        %dma_wait3A_64 = arith.constant 0 : i32
        %dma_wait3A_65 = tpu.memref_slice %arg3[%add3A_33, %dma_wait3A_64] : memref<2560x128xi32, #tpu.memory_space<hbm>> -> memref<2x128xi32, #tpu.memory_space<hbm>>
        %dma_wait3A_66 = arith.constant 0 : i32
        %dma_wait3A_67 = tpu.memref_slice %arg3[%add3A_33, %dma_wait3A_66] : memref<2560x128xi32, #tpu.memory_space<hbm>> -> memref<2x128xi32, #tpu.memory_space<hbm>>
        tpu.wait_dma2 semaphore(%run_scoped3A : memref<!tpu.dma_semaphore, #tpu.memory_space<semaphore_mem>>) src(%dma_wait3A_67 : memref<2x128xi32, #tpu.memory_space<hbm>>) dst(%arg9 : memref<2x128xi32, #tpu.memory_space<vmem>>)
        tpu.yield
      }) : () -> ()
      %dma_wait3A = arith.constant 0 : i32
      %dma_wait3A_34 = arith.constant 0 : i32
      %dma_wait3A_35 = tpu.memref_slice %arg7[%dma_wait3A, %dma_wait3A_34] : memref<120x128xi32, #tpu.memory_space<vmem>> -> memref<120x128xi32, #tpu.memory_space<vmem>>
      %dma_wait3A_36 = arith.constant 0 : i32
      %dma_wait3A_37 = tpu.memref_slice %arg4[%mul3A_22, %dma_wait3A_36] : memref<2560x128xi32, #tpu.memory_space<hbm>> -> memref<120x128xi32, #tpu.memory_space<hbm>>
      %dma_wait3A_38 = arith.constant 0 : i32
      %dma_wait3A_39 = arith.constant 0 : i32
      %dma_wait3A_40 = tpu.memref_slice %arg7[%dma_wait3A_38, %dma_wait3A_39] : memref<120x128xi32, #tpu.memory_space<vmem>> -> memref<120x128xi32, #tpu.memory_space<vmem>>
      %dma_wait3A_41 = arith.constant 0 : i32
      %dma_wait3A_42 = tpu.memref_slice %arg4[%mul3A_22, %dma_wait3A_41] : memref<2560x128xi32, #tpu.memory_space<hbm>> -> memref<120x128xi32, #tpu.memory_space<hbm>>
      tpu.wait_dma2 semaphore(%arg13 : memref<!tpu.dma_semaphore, #tpu.memory_space<semaphore_mem>>) src(%dma_wait3A_42 : memref<120x128xi32, #tpu.memory_space<hbm>>) dst(%dma_wait3A_40 : memref<120x128xi32, #tpu.memory_space<vmem>>)
      %scan3A = arith.constant 0 : i32
      %scan3A_43 = arith.constant 0 : i32
      %scan3A_44 = arith.constant 30 : i32
      %scan3A_45 = arith.addi %scan3A_43, %scan3A_44 : i32
      %scan3A_46 = arith.constant 1 : i32
      scf.for %scan3A_60 = %scan3A_43 to %scan3A_45 step %scan3A_46  : i32 {
        %mul3A_61 = arith.constant 2 : i32
        %mul3A_62 = arith.muli %scan3A_60, %mul3A_61 : i32
        %add3A_63 = arith.constant 0 : i32
        %add3A_64 = arith.addi %mul3A_62, %add3A_63 : i32
        %mul3A_65 = arith.constant 2 : i32
        %mul3A_66 = arith.muli %add3A_64, %mul3A_65 : i32
        %gt3A = arith.constant 0 : i32
        %gt3A_67 = arith.cmpi sgt, %scan3A_60, %gt3A : i32
        %convert_element_type3A_68 = arith.extui %gt3A_67 : i1 to i32
        %cond3A_69 = arith.constant 0 : i32
        %cond3A_70 = arith.cmpi ne, %convert_element_type3A_68, %cond3A_69 : i32
        scf.if %cond3A_70 {
          %dma_wait3A_201 = arith.constant 0 : i32
          %dma_wait3A_202 = arith.constant 0 : i32
          %dma_wait3A_203 = tpu.memref_slice %arg3[%dma_wait3A_201, %dma_wait3A_202] : memref<2560x128xi32, #tpu.memory_space<hbm>> -> memref<2x128xi32, #tpu.memory_space<hbm>>
          %dma_wait3A_204 = arith.constant 0 : i32
          %dma_wait3A_205 = arith.constant 0 : i32
          %dma_wait3A_206 = tpu.memref_slice %arg3[%dma_wait3A_204, %dma_wait3A_205] : memref<2560x128xi32, #tpu.memory_space<hbm>> -> memref<2x128xi32, #tpu.memory_space<hbm>>
          tpu.wait_dma2 semaphore(%arg14 : memref<!tpu.dma_semaphore, #tpu.memory_space<semaphore_mem>>) src(%dma_wait3A_206 : memref<2x128xi32, #tpu.memory_space<hbm>>) dst(%arg8 : memref<2x128xi32, #tpu.memory_space<vmem>>)
        } else {
        }
        %gt3A_71 = arith.constant 0 : i32
        %gt3A_72 = arith.cmpi sgt, %scan3A_60, %gt3A_71 : i32
        %convert_element_type3A_73 = arith.extui %gt3A_72 : i1 to i32
        %cond3A_74 = arith.constant 0 : i32
        %cond3A_75 = arith.cmpi ne, %convert_element_type3A_73, %cond3A_74 : i32
        scf.if %cond3A_75 {
          %dma_wait3A_201 = arith.constant 0 : i32
          %dma_wait3A_202 = arith.constant 0 : i32
          %dma_wait3A_203 = tpu.memref_slice %arg2[%dma_wait3A_201, %dma_wait3A_202] : memref<10000x128xf32, #tpu.memory_space<hbm>> -> memref<128x128xf32, #tpu.memory_space<hbm>>
          %dma_wait3A_204 = arith.constant 0 : i32
          %dma_wait3A_205 = arith.constant 0 : i32
          %dma_wait3A_206 = tpu.memref_slice %arg2[%dma_wait3A_204, %dma_wait3A_205] : memref<10000x128xf32, #tpu.memory_space<hbm>> -> memref<128x128xf32, #tpu.memory_space<hbm>>
          tpu.wait_dma2 semaphore(%arg18 : memref<!tpu.dma_semaphore, #tpu.memory_space<semaphore_mem>>) src(%dma_wait3A_206 : memref<128x128xf32, #tpu.memory_space<hbm>>) dst(%arg10 : memref<128x128xf32, #tpu.memory_space<vmem>>)
        } else {
        }
        %dma_start3A_76 = arith.constant 0 : i32
        %dma_start3A_77 = arith.constant 0 : i32
        %dma_start3A_78 = tpu.memref_slice %arg8[%dma_start3A_76, %dma_start3A_77] : memref<2x128xi32, #tpu.memory_space<vmem>> -> memref<1x128xi32, #tpu.memory_space<vmem>>
        %dma_start3A_79 = tpu.memref_squeeze %dma_start3A_78 : memref<1x128xi32, #tpu.memory_space<vmem>> -> memref<128xi32, #tpu.memory_space<vmem>>
        %dma_start3A_80 = arith.constant 0 : i32
        %dma_start3A_81 = arith.constant 0 : i32
        %dma_start3A_82 = tpu.memref_slice %arg2[%dma_start3A_80, %dma_start3A_81] : memref<10000x128xf32, #tpu.memory_space<hbm>> -> memref<10000x128xf32, #tpu.memory_space<hbm>>
        tpu.enqueue_indirect_dma source(%dma_start3A_82 : memref<10000x128xf32, #tpu.memory_space<hbm>>) target(%arg10 : memref<128x128xf32, #tpu.memory_space<vmem>>) offsets(%dma_start3A_79 : memref<128xi32, #tpu.memory_space<vmem>>) semaphore(%arg16 : memref<!tpu.dma_semaphore, #tpu.memory_space<semaphore_mem>>)
        %gt3A_83 = arith.constant 0 : i32
        %gt3A_84 = arith.cmpi sgt, %scan3A_60, %gt3A_83 : i32
        %convert_element_type3A_85 = arith.extui %gt3A_84 : i1 to i32
        %cond3A_86 = arith.constant 0 : i32
        %cond3A_87 = arith.cmpi ne, %convert_element_type3A_85, %cond3A_86 : i32
        scf.if %cond3A_87 {
          %dma_wait3A_201 = arith.constant 0 : i32
          %dma_wait3A_202 = arith.constant 0 : i32
          %dma_wait3A_203 = tpu.memref_slice %arg2[%dma_wait3A_201, %dma_wait3A_202] : memref<10000x128xf32, #tpu.memory_space<hbm>> -> memref<128x128xf32, #tpu.memory_space<hbm>>
          %dma_wait3A_204 = arith.constant 0 : i32
          %dma_wait3A_205 = arith.constant 0 : i32
          %dma_wait3A_206 = tpu.memref_slice %arg2[%dma_wait3A_204, %dma_wait3A_205] : memref<10000x128xf32, #tpu.memory_space<hbm>> -> memref<128x128xf32, #tpu.memory_space<hbm>>
          tpu.wait_dma2 semaphore(%arg19 : memref<!tpu.dma_semaphore, #tpu.memory_space<semaphore_mem>>) src(%dma_wait3A_206 : memref<128x128xf32, #tpu.memory_space<hbm>>) dst(%arg11 : memref<128x128xf32, #tpu.memory_space<vmem>>)
        } else {
        }
        %dma_start3A_88 = arith.constant 1 : i32
        %dma_start3A_89 = arith.constant 0 : i32
        %dma_start3A_90 = tpu.memref_slice %arg8[%dma_start3A_88, %dma_start3A_89] : memref<2x128xi32, #tpu.memory_space<vmem>> -> memref<1x128xi32, #tpu.memory_space<vmem>>
        %dma_start3A_91 = tpu.memref_squeeze %dma_start3A_90 : memref<1x128xi32, #tpu.memory_space<vmem>> -> memref<128xi32, #tpu.memory_space<vmem>>
        %dma_start3A_92 = arith.constant 0 : i32
        %dma_start3A_93 = arith.constant 0 : i32
        %dma_start3A_94 = tpu.memref_slice %arg2[%dma_start3A_92, %dma_start3A_93] : memref<10000x128xf32, #tpu.memory_space<hbm>> -> memref<10000x128xf32, #tpu.memory_space<hbm>>
        tpu.enqueue_indirect_dma source(%dma_start3A_94 : memref<10000x128xf32, #tpu.memory_space<hbm>>) target(%arg11 : memref<128x128xf32, #tpu.memory_space<vmem>>) offsets(%dma_start3A_91 : memref<128xi32, #tpu.memory_space<vmem>>) semaphore(%arg17 : memref<!tpu.dma_semaphore, #tpu.memory_space<semaphore_mem>>)
        %dma_wait3A_95 = arith.constant 0 : i32
        %dma_wait3A_96 = arith.constant 0 : i32
        %dma_wait3A_97 = tpu.memref_slice %arg8[%dma_wait3A_95, %dma_wait3A_96] : memref<2x128xi32, #tpu.memory_space<vmem>> -> memref<1x128xi32, #tpu.memory_space<vmem>>
        %dma_wait3A_98 = tpu.memref_squeeze %dma_wait3A_97 : memref<1x128xi32, #tpu.memory_space<vmem>> -> memref<128xi32, #tpu.memory_space<vmem>>
        %dma_wait3A_99 = arith.constant 0 : i32
        %dma_wait3A_100 = arith.constant 0 : i32
        %dma_wait3A_101 = tpu.memref_slice %arg2[%dma_wait3A_99, %dma_wait3A_100] : memref<10000x128xf32, #tpu.memory_space<hbm>> -> memref<10000x128xf32, #tpu.memory_space<hbm>>
        tpu.wait_indirect_dma semaphore(%arg16 : memref<!tpu.dma_semaphore, #tpu.memory_space<semaphore_mem>>) src(%dma_wait3A_101 : memref<10000x128xf32, #tpu.memory_space<hbm>>) dst(%arg10 : memref<128x128xf32, #tpu.memory_space<vmem>>)
        %add3A_102 = arith.constant 0 : i32
        %add3A_103 = arith.addi %mul3A_66, %add3A_102 : i32
        %dma_start3A_104 = arith.constant 0 : i32
        %dma_start3A_105 = tpu.memref_slice %arg7[%add3A_103, %dma_start3A_104] : memref<120x128xi32, #tpu.memory_space<vmem>> -> memref<1x128xi32, #tpu.memory_space<vmem>>
        %dma_start3A_106 = tpu.memref_squeeze %dma_start3A_105 : memref<1x128xi32, #tpu.memory_space<vmem>> -> memref<128xi32, #tpu.memory_space<vmem>>
        %dma_start3A_107 = arith.constant 0 : i32
        %dma_start3A_108 = arith.constant 0 : i32
        %dma_start3A_109 = tpu.memref_slice %arg12[%dma_start3A_107, %dma_start3A_108] : memref<10240x128xf32, #tpu.memory_space<vmem_shared>> -> memref<10240x128xf32, #tpu.memory_space<vmem_shared>>
        tpu.enqueue_indirect_dma source(%arg10 : memref<128x128xf32, #tpu.memory_space<vmem>>) target(%dma_start3A_109 : memref<10240x128xf32, #tpu.memory_space<vmem_shared>>) offsets(%dma_start3A_106 : memref<128xi32, #tpu.memory_space<vmem>>) semaphore(%arg18 : memref<!tpu.dma_semaphore, #tpu.memory_space<semaphore_mem>>) {add = true}
        %dma_wait3A_110 = arith.constant 1 : i32
        %dma_wait3A_111 = arith.constant 0 : i32
        %dma_wait3A_112 = tpu.memref_slice %arg8[%dma_wait3A_110, %dma_wait3A_111] : memref<2x128xi32, #tpu.memory_space<vmem>> -> memref<1x128xi32, #tpu.memory_space<vmem>>
        %dma_wait3A_113 = tpu.memref_squeeze %dma_wait3A_112 : memref<1x128xi32, #tpu.memory_space<vmem>> -> memref<128xi32, #tpu.memory_space<vmem>>
        %dma_wait3A_114 = arith.constant 0 : i32
        %dma_wait3A_115 = arith.constant 0 : i32
        %dma_wait3A_116 = tpu.memref_slice %arg2[%dma_wait3A_114, %dma_wait3A_115] : memref<10000x128xf32, #tpu.memory_space<hbm>> -> memref<10000x128xf32, #tpu.memory_space<hbm>>
        tpu.wait_indirect_dma semaphore(%arg17 : memref<!tpu.dma_semaphore, #tpu.memory_space<semaphore_mem>>) src(%dma_wait3A_116 : memref<10000x128xf32, #tpu.memory_space<hbm>>) dst(%arg11 : memref<128x128xf32, #tpu.memory_space<vmem>>)
        %add3A_117 = arith.constant 1 : i32
        %add3A_118 = arith.addi %mul3A_66, %add3A_117 : i32
        %dma_start3A_119 = arith.constant 0 : i32
        %dma_start3A_120 = tpu.memref_slice %arg7[%add3A_118, %dma_start3A_119] : memref<120x128xi32, #tpu.memory_space<vmem>> -> memref<1x128xi32, #tpu.memory_space<vmem>>
        %dma_start3A_121 = tpu.memref_squeeze %dma_start3A_120 : memref<1x128xi32, #tpu.memory_space<vmem>> -> memref<128xi32, #tpu.memory_space<vmem>>
        %dma_start3A_122 = arith.constant 0 : i32
        %dma_start3A_123 = arith.constant 0 : i32
        %dma_start3A_124 = tpu.memref_slice %arg12[%dma_start3A_122, %dma_start3A_123] : memref<10240x128xf32, #tpu.memory_space<vmem_shared>> -> memref<10240x128xf32, #tpu.memory_space<vmem_shared>>
        tpu.enqueue_indirect_dma source(%arg11 : memref<128x128xf32, #tpu.memory_space<vmem>>) target(%dma_start3A_124 : memref<10240x128xf32, #tpu.memory_space<vmem_shared>>) offsets(%dma_start3A_121 : memref<128xi32, #tpu.memory_space<vmem>>) semaphore(%arg19 : memref<!tpu.dma_semaphore, #tpu.memory_space<semaphore_mem>>) {add = true}
        %lt3A = arith.constant 29 : i32
        %lt3A_125 = arith.cmpi slt, %scan3A_60, %lt3A : i32
        %convert_element_type3A_126 = arith.extui %lt3A_125 : i1 to i32
        %cond3A_127 = arith.constant 0 : i32
        %cond3A_128 = arith.cmpi ne, %convert_element_type3A_126, %cond3A_127 : i32
        scf.if %cond3A_128 {
          %add3A_201 = arith.addi %mul3A_22, %mul3A_66 : i32
          %add3A_202 = arith.constant 4 : i32
          %add3A_203 = arith.addi %add3A_201, %add3A_202 : i32
          %dma_start3A_204 = arith.constant 0 : i32
          %dma_start3A_205 = tpu.memref_slice %arg3[%add3A_203, %dma_start3A_204] : memref<2560x128xi32, #tpu.memory_space<hbm>> -> memref<2x128xi32, #tpu.memory_space<hbm>>
          %dma_start3A_206 = arith.constant 0 : i32
          %dma_start3A_207 = tpu.memref_slice %arg3[%add3A_203, %dma_start3A_206] : memref<2560x128xi32, #tpu.memory_space<hbm>> -> memref<2x128xi32, #tpu.memory_space<hbm>>
          tpu.enqueue_dma source(%dma_start3A_207 : memref<2x128xi32, #tpu.memory_space<hbm>>) target(%arg8 : memref<2x128xi32, #tpu.memory_space<vmem>>) target_semaphore(%arg14 : memref<!tpu.dma_semaphore, #tpu.memory_space<semaphore_mem>>)
        } else {
        }
        %mul3A_129 = arith.constant 2 : i32
        %mul3A_130 = arith.muli %scan3A_60, %mul3A_129 : i32
        %add3A_131 = arith.constant 1 : i32
        %add3A_132 = arith.addi %mul3A_130, %add3A_131 : i32
        %mul3A_133 = arith.constant 2 : i32
        %mul3A_134 = arith.muli %add3A_132, %mul3A_133 : i32
        %gt3A_135 = arith.constant 0 : i32
        %gt3A_136 = arith.cmpi sgt, %scan3A_60, %gt3A_135 : i32
        %convert_element_type3A_137 = arith.extui %gt3A_136 : i1 to i32
        %cond3A_138 = arith.constant 0 : i32
        %cond3A_139 = arith.cmpi ne, %convert_element_type3A_137, %cond3A_138 : i32
        scf.if %cond3A_139 {
          %dma_wait3A_201 = arith.constant 0 : i32
          %dma_wait3A_202 = arith.constant 0 : i32
          %dma_wait3A_203 = tpu.memref_slice %arg3[%dma_wait3A_201, %dma_wait3A_202] : memref<2560x128xi32, #tpu.memory_space<hbm>> -> memref<2x128xi32, #tpu.memory_space<hbm>>
          %dma_wait3A_204 = arith.constant 0 : i32
          %dma_wait3A_205 = arith.constant 0 : i32
          %dma_wait3A_206 = tpu.memref_slice %arg3[%dma_wait3A_204, %dma_wait3A_205] : memref<2560x128xi32, #tpu.memory_space<hbm>> -> memref<2x128xi32, #tpu.memory_space<hbm>>
          tpu.wait_dma2 semaphore(%arg15 : memref<!tpu.dma_semaphore, #tpu.memory_space<semaphore_mem>>) src(%dma_wait3A_206 : memref<2x128xi32, #tpu.memory_space<hbm>>) dst(%arg9 : memref<2x128xi32, #tpu.memory_space<vmem>>)
        } else {
        }
        %dma_wait3A_140 = arith.constant 0 : i32
        %dma_wait3A_141 = arith.constant 0 : i32
        %dma_wait3A_142 = tpu.memref_slice %arg2[%dma_wait3A_140, %dma_wait3A_141] : memref<10000x128xf32, #tpu.memory_space<hbm>> -> memref<128x128xf32, #tpu.memory_space<hbm>>
        %dma_wait3A_143 = arith.constant 0 : i32
        %dma_wait3A_144 = arith.constant 0 : i32
        %dma_wait3A_145 = tpu.memref_slice %arg2[%dma_wait3A_143, %dma_wait3A_144] : memref<10000x128xf32, #tpu.memory_space<hbm>> -> memref<128x128xf32, #tpu.memory_space<hbm>>
        tpu.wait_dma2 semaphore(%arg18 : memref<!tpu.dma_semaphore, #tpu.memory_space<semaphore_mem>>) src(%dma_wait3A_145 : memref<128x128xf32, #tpu.memory_space<hbm>>) dst(%arg10 : memref<128x128xf32, #tpu.memory_space<vmem>>)
        %dma_start3A_146 = arith.constant 0 : i32
        %dma_start3A_147 = arith.constant 0 : i32
        %dma_start3A_148 = tpu.memref_slice %arg9[%dma_start3A_146, %dma_start3A_147] : memref<2x128xi32, #tpu.memory_space<vmem>> -> memref<1x128xi32, #tpu.memory_space<vmem>>
        %dma_start3A_149 = tpu.memref_squeeze %dma_start3A_148 : memref<1x128xi32, #tpu.memory_space<vmem>> -> memref<128xi32, #tpu.memory_space<vmem>>
        %dma_start3A_150 = arith.constant 0 : i32
        %dma_start3A_151 = arith.constant 0 : i32
        %dma_start3A_152 = tpu.memref_slice %arg2[%dma_start3A_150, %dma_start3A_151] : memref<10000x128xf32, #tpu.memory_space<hbm>> -> memref<10000x128xf32, #tpu.memory_space<hbm>>
        tpu.enqueue_indirect_dma source(%dma_start3A_152 : memref<10000x128xf32, #tpu.memory_space<hbm>>) target(%arg10 : memref<128x128xf32, #tpu.memory_space<vmem>>) offsets(%dma_start3A_149 : memref<128xi32, #tpu.memory_space<vmem>>) semaphore(%arg16 : memref<!tpu.dma_semaphore, #tpu.memory_space<semaphore_mem>>)
        %dma_wait3A_153 = arith.constant 0 : i32
        %dma_wait3A_154 = arith.constant 0 : i32
        %dma_wait3A_155 = tpu.memref_slice %arg2[%dma_wait3A_153, %dma_wait3A_154] : memref<10000x128xf32, #tpu.memory_space<hbm>> -> memref<128x128xf32, #tpu.memory_space<hbm>>
        %dma_wait3A_156 = arith.constant 0 : i32
        %dma_wait3A_157 = arith.constant 0 : i32
        %dma_wait3A_158 = tpu.memref_slice %arg2[%dma_wait3A_156, %dma_wait3A_157] : memref<10000x128xf32, #tpu.memory_space<hbm>> -> memref<128x128xf32, #tpu.memory_space<hbm>>
        tpu.wait_dma2 semaphore(%arg19 : memref<!tpu.dma_semaphore, #tpu.memory_space<semaphore_mem>>) src(%dma_wait3A_158 : memref<128x128xf32, #tpu.memory_space<hbm>>) dst(%arg11 : memref<128x128xf32, #tpu.memory_space<vmem>>)
        %dma_start3A_159 = arith.constant 1 : i32
        %dma_start3A_160 = arith.constant 0 : i32
        %dma_start3A_161 = tpu.memref_slice %arg9[%dma_start3A_159, %dma_start3A_160] : memref<2x128xi32, #tpu.memory_space<vmem>> -> memref<1x128xi32, #tpu.memory_space<vmem>>
        %dma_start3A_162 = tpu.memref_squeeze %dma_start3A_161 : memref<1x128xi32, #tpu.memory_space<vmem>> -> memref<128xi32, #tpu.memory_space<vmem>>
        %dma_start3A_163 = arith.constant 0 : i32
        %dma_start3A_164 = arith.constant 0 : i32
        %dma_start3A_165 = tpu.memref_slice %arg2[%dma_start3A_163, %dma_start3A_164] : memref<10000x128xf32, #tpu.memory_space<hbm>> -> memref<10000x128xf32, #tpu.memory_space<hbm>>
        tpu.enqueue_indirect_dma source(%dma_start3A_165 : memref<10000x128xf32, #tpu.memory_space<hbm>>) target(%arg11 : memref<128x128xf32, #tpu.memory_space<vmem>>) offsets(%dma_start3A_162 : memref<128xi32, #tpu.memory_space<vmem>>) semaphore(%arg17 : memref<!tpu.dma_semaphore, #tpu.memory_space<semaphore_mem>>)
        %dma_wait3A_166 = arith.constant 0 : i32
        %dma_wait3A_167 = arith.constant 0 : i32
        %dma_wait3A_168 = tpu.memref_slice %arg9[%dma_wait3A_166, %dma_wait3A_167] : memref<2x128xi32, #tpu.memory_space<vmem>> -> memref<1x128xi32, #tpu.memory_space<vmem>>
        %dma_wait3A_169 = tpu.memref_squeeze %dma_wait3A_168 : memref<1x128xi32, #tpu.memory_space<vmem>> -> memref<128xi32, #tpu.memory_space<vmem>>
        %dma_wait3A_170 = arith.constant 0 : i32
        %dma_wait3A_171 = arith.constant 0 : i32
        %dma_wait3A_172 = tpu.memref_slice %arg2[%dma_wait3A_170, %dma_wait3A_171] : memref<10000x128xf32, #tpu.memory_space<hbm>> -> memref<10000x128xf32, #tpu.memory_space<hbm>>
        tpu.wait_indirect_dma semaphore(%arg16 : memref<!tpu.dma_semaphore, #tpu.memory_space<semaphore_mem>>) src(%dma_wait3A_172 : memref<10000x128xf32, #tpu.memory_space<hbm>>) dst(%arg10 : memref<128x128xf32, #tpu.memory_space<vmem>>)
        %add3A_173 = arith.constant 0 : i32
        %add3A_174 = arith.addi %mul3A_134, %add3A_173 : i32
        %dma_start3A_175 = arith.constant 0 : i32
        %dma_start3A_176 = tpu.memref_slice %arg7[%add3A_174, %dma_start3A_175] : memref<120x128xi32, #tpu.memory_space<vmem>> -> memref<1x128xi32, #tpu.memory_space<vmem>>
        %dma_start3A_177 = tpu.memref_squeeze %dma_start3A_176 : memref<1x128xi32, #tpu.memory_space<vmem>> -> memref<128xi32, #tpu.memory_space<vmem>>
        %dma_start3A_178 = arith.constant 0 : i32
        %dma_start3A_179 = arith.constant 0 : i32
        %dma_start3A_180 = tpu.memref_slice %arg12[%dma_start3A_178, %dma_start3A_179] : memref<10240x128xf32, #tpu.memory_space<vmem_shared>> -> memref<10240x128xf32, #tpu.memory_space<vmem_shared>>
        tpu.enqueue_indirect_dma source(%arg10 : memref<128x128xf32, #tpu.memory_space<vmem>>) target(%dma_start3A_180 : memref<10240x128xf32, #tpu.memory_space<vmem_shared>>) offsets(%dma_start3A_177 : memref<128xi32, #tpu.memory_space<vmem>>) semaphore(%arg18 : memref<!tpu.dma_semaphore, #tpu.memory_space<semaphore_mem>>) {add = true}
        %dma_wait3A_181 = arith.constant 1 : i32
        %dma_wait3A_182 = arith.constant 0 : i32
        %dma_wait3A_183 = tpu.memref_slice %arg9[%dma_wait3A_181, %dma_wait3A_182] : memref<2x128xi32, #tpu.memory_space<vmem>> -> memref<1x128xi32, #tpu.memory_space<vmem>>
        %dma_wait3A_184 = tpu.memref_squeeze %dma_wait3A_183 : memref<1x128xi32, #tpu.memory_space<vmem>> -> memref<128xi32, #tpu.memory_space<vmem>>
        %dma_wait3A_185 = arith.constant 0 : i32
        %dma_wait3A_186 = arith.constant 0 : i32
        %dma_wait3A_187 = tpu.memref_slice %arg2[%dma_wait3A_185, %dma_wait3A_186] : memref<10000x128xf32, #tpu.memory_space<hbm>> -> memref<10000x128xf32, #tpu.memory_space<hbm>>
        tpu.wait_indirect_dma semaphore(%arg17 : memref<!tpu.dma_semaphore, #tpu.memory_space<semaphore_mem>>) src(%dma_wait3A_187 : memref<10000x128xf32, #tpu.memory_space<hbm>>) dst(%arg11 : memref<128x128xf32, #tpu.memory_space<vmem>>)
        %add3A_188 = arith.constant 1 : i32
        %add3A_189 = arith.addi %mul3A_134, %add3A_188 : i32
        %dma_start3A_190 = arith.constant 0 : i32
        %dma_start3A_191 = tpu.memref_slice %arg7[%add3A_189, %dma_start3A_190] : memref<120x128xi32, #tpu.memory_space<vmem>> -> memref<1x128xi32, #tpu.memory_space<vmem>>
        %dma_start3A_192 = tpu.memref_squeeze %dma_start3A_191 : memref<1x128xi32, #tpu.memory_space<vmem>> -> memref<128xi32, #tpu.memory_space<vmem>>
        %dma_start3A_193 = arith.constant 0 : i32
        %dma_start3A_194 = arith.constant 0 : i32
        %dma_start3A_195 = tpu.memref_slice %arg12[%dma_start3A_193, %dma_start3A_194] : memref<10240x128xf32, #tpu.memory_space<vmem_shared>> -> memref<10240x128xf32, #tpu.memory_space<vmem_shared>>
        tpu.enqueue_indirect_dma source(%arg11 : memref<128x128xf32, #tpu.memory_space<vmem>>) target(%dma_start3A_195 : memref<10240x128xf32, #tpu.memory_space<vmem_shared>>) offsets(%dma_start3A_192 : memref<128xi32, #tpu.memory_space<vmem>>) semaphore(%arg19 : memref<!tpu.dma_semaphore, #tpu.memory_space<semaphore_mem>>) {add = true}
        %lt3A_196 = arith.constant 29 : i32
        %lt3A_197 = arith.cmpi slt, %scan3A_60, %lt3A_196 : i32
        %convert_element_type3A_198 = arith.extui %lt3A_197 : i1 to i32
        %cond3A_199 = arith.constant 0 : i32
        %cond3A_200 = arith.cmpi ne, %convert_element_type3A_198, %cond3A_199 : i32
        scf.if %cond3A_200 {
          %add3A_201 = arith.addi %mul3A_22, %mul3A_134 : i32
          %add3A_202 = arith.constant 4 : i32
          %add3A_203 = arith.addi %add3A_201, %add3A_202 : i32
          %dma_start3A_204 = arith.constant 0 : i32
          %dma_start3A_205 = tpu.memref_slice %arg3[%add3A_203, %dma_start3A_204] : memref<2560x128xi32, #tpu.memory_space<hbm>> -> memref<2x128xi32, #tpu.memory_space<hbm>>
          %dma_start3A_206 = arith.constant 0 : i32
          %dma_start3A_207 = tpu.memref_slice %arg3[%add3A_203, %dma_start3A_206] : memref<2560x128xi32, #tpu.memory_space<hbm>> -> memref<2x128xi32, #tpu.memory_space<hbm>>
          tpu.enqueue_dma source(%dma_start3A_207 : memref<2x128xi32, #tpu.memory_space<hbm>>) target(%arg9 : memref<2x128xi32, #tpu.memory_space<vmem>>) target_semaphore(%arg15 : memref<!tpu.dma_semaphore, #tpu.memory_space<semaphore_mem>>)
        } else {
        }
      }
      %scan3A_47 = arith.constant 30 : i32
      %dma_wait3A_48 = arith.constant 0 : i32
      %dma_wait3A_49 = arith.constant 0 : i32
      %dma_wait3A_50 = tpu.memref_slice %arg2[%dma_wait3A_48, %dma_wait3A_49] : memref<10000x128xf32, #tpu.memory_space<hbm>> -> memref<128x128xf32, #tpu.memory_space<hbm>>
      %dma_wait3A_51 = arith.constant 0 : i32
      %dma_wait3A_52 = arith.constant 0 : i32
      %dma_wait3A_53 = tpu.memref_slice %arg2[%dma_wait3A_51, %dma_wait3A_52] : memref<10000x128xf32, #tpu.memory_space<hbm>> -> memref<128x128xf32, #tpu.memory_space<hbm>>
      tpu.wait_dma2 semaphore(%arg18 : memref<!tpu.dma_semaphore, #tpu.memory_space<semaphore_mem>>) src(%dma_wait3A_53 : memref<128x128xf32, #tpu.memory_space<hbm>>) dst(%arg10 : memref<128x128xf32, #tpu.memory_space<vmem>>)
      %dma_wait3A_54 = arith.constant 0 : i32
      %dma_wait3A_55 = arith.constant 0 : i32
      %dma_wait3A_56 = tpu.memref_slice %arg2[%dma_wait3A_54, %dma_wait3A_55] : memref<10000x128xf32, #tpu.memory_space<hbm>> -> memref<128x128xf32, #tpu.memory_space<hbm>>
      %dma_wait3A_57 = arith.constant 0 : i32
      %dma_wait3A_58 = arith.constant 0 : i32
      %dma_wait3A_59 = tpu.memref_slice %arg2[%dma_wait3A_57, %dma_wait3A_58] : memref<10000x128xf32, #tpu.memory_space<hbm>> -> memref<128x128xf32, #tpu.memory_space<hbm>>
      tpu.wait_dma2 semaphore(%arg19 : memref<!tpu.dma_semaphore, #tpu.memory_space<semaphore_mem>>) src(%dma_wait3A_59 : memref<128x128xf32, #tpu.memory_space<hbm>>) dst(%arg11 : memref<128x128xf32, #tpu.memory_space<vmem>>)
    } else {
    }
    %eq3A_12 = arith.constant 1 : i32
    %eq3A_13 = arith.cmpi eq, %arg0, %eq3A_12 : i32
    %convert_element_type3A_14 = arith.extui %eq3A_13 : i1 to i32
    %cond3A_15 = arith.constant 0 : i32
    %cond3A_16 = arith.cmpi ne, %convert_element_type3A_14, %cond3A_15 : i32
    scf.if %cond3A_16 {
      %mul3A_21 = arith.constant 40 : i32
      %mul3A_22 = arith.muli %arg1, %mul3A_21 : i32
      %add3A_23 = arith.constant 1920 : i32
      %add3A_24 = arith.addi %add3A_23, %mul3A_22 : i32
      %dma_start3A = arith.constant 0 : i32
      %dma_start3A_25 = arith.constant 0 : i32
      %dma_start3A_26 = tpu.memref_slice %arg7[%dma_start3A, %dma_start3A_25] : memref<120x128xi32, #tpu.memory_space<vmem>> -> memref<40x128xi32, #tpu.memory_space<vmem>>
      %dma_start3A_27 = arith.constant 0 : i32
      %dma_start3A_28 = tpu.memref_slice %arg4[%add3A_24, %dma_start3A_27] : memref<2560x128xi32, #tpu.memory_space<hbm>> -> memref<40x128xi32, #tpu.memory_space<hbm>>
      %dma_start3A_29 = arith.constant 0 : i32
      %dma_start3A_30 = arith.constant 0 : i32
      %dma_start3A_31 = tpu.memref_slice %arg7[%dma_start3A_29, %dma_start3A_30] : memref<120x128xi32, #tpu.memory_space<vmem>> -> memref<40x128xi32, #tpu.memory_space<vmem>>
      %dma_start3A_32 = arith.constant 0 : i32
      %dma_start3A_33 = tpu.memref_slice %arg4[%add3A_24, %dma_start3A_32] : memref<2560x128xi32, #tpu.memory_space<hbm>> -> memref<40x128xi32, #tpu.memory_space<hbm>>
      tpu.enqueue_dma source(%dma_start3A_33 : memref<40x128xi32, #tpu.memory_space<hbm>>) target(%dma_start3A_31 : memref<40x128xi32, #tpu.memory_space<vmem>>) target_semaphore(%arg13 : memref<!tpu.dma_semaphore, #tpu.memory_space<semaphore_mem>>)
      "tpu.region"() ({
        %run_scoped3A = tpu.sem_alloc : memref<!tpu.dma_semaphore, #tpu.memory_space<semaphore_mem>>
        %dma_start3A_62 = arith.constant 0 : i32
        %dma_start3A_63 = tpu.memref_slice %arg3[%add3A_24, %dma_start3A_62] : memref<2560x128xi32, #tpu.memory_space<hbm>> -> memref<2x128xi32, #tpu.memory_space<hbm>>
        %dma_start3A_64 = arith.constant 0 : i32
        %dma_start3A_65 = tpu.memref_slice %arg3[%add3A_24, %dma_start3A_64] : memref<2560x128xi32, #tpu.memory_space<hbm>> -> memref<2x128xi32, #tpu.memory_space<hbm>>
        tpu.enqueue_dma source(%dma_start3A_65 : memref<2x128xi32, #tpu.memory_space<hbm>>) target(%arg8 : memref<2x128xi32, #tpu.memory_space<vmem>>) target_semaphore(%run_scoped3A : memref<!tpu.dma_semaphore, #tpu.memory_space<semaphore_mem>>)
        %dma_wait3A_66 = arith.constant 0 : i32
        %dma_wait3A_67 = tpu.memref_slice %arg3[%add3A_24, %dma_wait3A_66] : memref<2560x128xi32, #tpu.memory_space<hbm>> -> memref<2x128xi32, #tpu.memory_space<hbm>>
        %dma_wait3A_68 = arith.constant 0 : i32
        %dma_wait3A_69 = tpu.memref_slice %arg3[%add3A_24, %dma_wait3A_68] : memref<2560x128xi32, #tpu.memory_space<hbm>> -> memref<2x128xi32, #tpu.memory_space<hbm>>
        tpu.wait_dma2 semaphore(%run_scoped3A : memref<!tpu.dma_semaphore, #tpu.memory_space<semaphore_mem>>) src(%dma_wait3A_69 : memref<2x128xi32, #tpu.memory_space<hbm>>) dst(%arg8 : memref<2x128xi32, #tpu.memory_space<vmem>>)
        tpu.yield
      }) : () -> ()
      %add3A_34 = arith.constant 2 : i32
      %add3A_35 = arith.addi %add3A_24, %add3A_34 : i32
      "tpu.region"() ({
        %run_scoped3A = tpu.sem_alloc : memref<!tpu.dma_semaphore, #tpu.memory_space<semaphore_mem>>
        %dma_start3A_62 = arith.constant 0 : i32
        %dma_start3A_63 = tpu.memref_slice %arg3[%add3A_35, %dma_start3A_62] : memref<2560x128xi32, #tpu.memory_space<hbm>> -> memref<2x128xi32, #tpu.memory_space<hbm>>
        %dma_start3A_64 = arith.constant 0 : i32
        %dma_start3A_65 = tpu.memref_slice %arg3[%add3A_35, %dma_start3A_64] : memref<2560x128xi32, #tpu.memory_space<hbm>> -> memref<2x128xi32, #tpu.memory_space<hbm>>
        tpu.enqueue_dma source(%dma_start3A_65 : memref<2x128xi32, #tpu.memory_space<hbm>>) target(%arg9 : memref<2x128xi32, #tpu.memory_space<vmem>>) target_semaphore(%run_scoped3A : memref<!tpu.dma_semaphore, #tpu.memory_space<semaphore_mem>>)
        %dma_wait3A_66 = arith.constant 0 : i32
        %dma_wait3A_67 = tpu.memref_slice %arg3[%add3A_35, %dma_wait3A_66] : memref<2560x128xi32, #tpu.memory_space<hbm>> -> memref<2x128xi32, #tpu.memory_space<hbm>>
        %dma_wait3A_68 = arith.constant 0 : i32
        %dma_wait3A_69 = tpu.memref_slice %arg3[%add3A_35, %dma_wait3A_68] : memref<2560x128xi32, #tpu.memory_space<hbm>> -> memref<2x128xi32, #tpu.memory_space<hbm>>
        tpu.wait_dma2 semaphore(%run_scoped3A : memref<!tpu.dma_semaphore, #tpu.memory_space<semaphore_mem>>) src(%dma_wait3A_69 : memref<2x128xi32, #tpu.memory_space<hbm>>) dst(%arg9 : memref<2x128xi32, #tpu.memory_space<vmem>>)
        tpu.yield
      }) : () -> ()
      %dma_wait3A = arith.constant 0 : i32
      %dma_wait3A_36 = arith.constant 0 : i32
      %dma_wait3A_37 = tpu.memref_slice %arg7[%dma_wait3A, %dma_wait3A_36] : memref<120x128xi32, #tpu.memory_space<vmem>> -> memref<40x128xi32, #tpu.memory_space<vmem>>
      %dma_wait3A_38 = arith.constant 0 : i32
      %dma_wait3A_39 = tpu.memref_slice %arg4[%add3A_24, %dma_wait3A_38] : memref<2560x128xi32, #tpu.memory_space<hbm>> -> memref<40x128xi32, #tpu.memory_space<hbm>>
      %dma_wait3A_40 = arith.constant 0 : i32
      %dma_wait3A_41 = arith.constant 0 : i32
      %dma_wait3A_42 = tpu.memref_slice %arg7[%dma_wait3A_40, %dma_wait3A_41] : memref<120x128xi32, #tpu.memory_space<vmem>> -> memref<40x128xi32, #tpu.memory_space<vmem>>
      %dma_wait3A_43 = arith.constant 0 : i32
      %dma_wait3A_44 = tpu.memref_slice %arg4[%add3A_24, %dma_wait3A_43] : memref<2560x128xi32, #tpu.memory_space<hbm>> -> memref<40x128xi32, #tpu.memory_space<hbm>>
      tpu.wait_dma2 semaphore(%arg13 : memref<!tpu.dma_semaphore, #tpu.memory_space<semaphore_mem>>) src(%dma_wait3A_44 : memref<40x128xi32, #tpu.memory_space<hbm>>) dst(%dma_wait3A_42 : memref<40x128xi32, #tpu.memory_space<vmem>>)
      %scan3A = arith.constant 0 : i32
      %scan3A_45 = arith.constant 0 : i32
      %scan3A_46 = arith.constant 10 : i32
      %scan3A_47 = arith.addi %scan3A_45, %scan3A_46 : i32
      %scan3A_48 = arith.constant 1 : i32
      scf.for %scan3A_62 = %scan3A_45 to %scan3A_47 step %scan3A_48  : i32 {
        %mul3A_63 = arith.constant 2 : i32
        %mul3A_64 = arith.muli %scan3A_62, %mul3A_63 : i32
        %add3A_65 = arith.constant 0 : i32
        %add3A_66 = arith.addi %mul3A_64, %add3A_65 : i32
        %mul3A_67 = arith.constant 2 : i32
        %mul3A_68 = arith.muli %add3A_66, %mul3A_67 : i32
        %gt3A = arith.constant 0 : i32
        %gt3A_69 = arith.cmpi sgt, %scan3A_62, %gt3A : i32
        %convert_element_type3A_70 = arith.extui %gt3A_69 : i1 to i32
        %cond3A_71 = arith.constant 0 : i32
        %cond3A_72 = arith.cmpi ne, %convert_element_type3A_70, %cond3A_71 : i32
        scf.if %cond3A_72 {
          %dma_wait3A_203 = arith.constant 0 : i32
          %dma_wait3A_204 = arith.constant 0 : i32
          %dma_wait3A_205 = tpu.memref_slice %arg3[%dma_wait3A_203, %dma_wait3A_204] : memref<2560x128xi32, #tpu.memory_space<hbm>> -> memref<2x128xi32, #tpu.memory_space<hbm>>
          %dma_wait3A_206 = arith.constant 0 : i32
          %dma_wait3A_207 = arith.constant 0 : i32
          %dma_wait3A_208 = tpu.memref_slice %arg3[%dma_wait3A_206, %dma_wait3A_207] : memref<2560x128xi32, #tpu.memory_space<hbm>> -> memref<2x128xi32, #tpu.memory_space<hbm>>
          tpu.wait_dma2 semaphore(%arg14 : memref<!tpu.dma_semaphore, #tpu.memory_space<semaphore_mem>>) src(%dma_wait3A_208 : memref<2x128xi32, #tpu.memory_space<hbm>>) dst(%arg8 : memref<2x128xi32, #tpu.memory_space<vmem>>)
        } else {
        }
        %gt3A_73 = arith.constant 0 : i32
        %gt3A_74 = arith.cmpi sgt, %scan3A_62, %gt3A_73 : i32
        %convert_element_type3A_75 = arith.extui %gt3A_74 : i1 to i32
        %cond3A_76 = arith.constant 0 : i32
        %cond3A_77 = arith.cmpi ne, %convert_element_type3A_75, %cond3A_76 : i32
        scf.if %cond3A_77 {
          %dma_wait3A_203 = arith.constant 0 : i32
          %dma_wait3A_204 = arith.constant 0 : i32
          %dma_wait3A_205 = tpu.memref_slice %arg2[%dma_wait3A_203, %dma_wait3A_204] : memref<10000x128xf32, #tpu.memory_space<hbm>> -> memref<128x128xf32, #tpu.memory_space<hbm>>
          %dma_wait3A_206 = arith.constant 0 : i32
          %dma_wait3A_207 = arith.constant 0 : i32
          %dma_wait3A_208 = tpu.memref_slice %arg2[%dma_wait3A_206, %dma_wait3A_207] : memref<10000x128xf32, #tpu.memory_space<hbm>> -> memref<128x128xf32, #tpu.memory_space<hbm>>
          tpu.wait_dma2 semaphore(%arg18 : memref<!tpu.dma_semaphore, #tpu.memory_space<semaphore_mem>>) src(%dma_wait3A_208 : memref<128x128xf32, #tpu.memory_space<hbm>>) dst(%arg10 : memref<128x128xf32, #tpu.memory_space<vmem>>)
        } else {
        }
        %dma_start3A_78 = arith.constant 0 : i32
        %dma_start3A_79 = arith.constant 0 : i32
        %dma_start3A_80 = tpu.memref_slice %arg8[%dma_start3A_78, %dma_start3A_79] : memref<2x128xi32, #tpu.memory_space<vmem>> -> memref<1x128xi32, #tpu.memory_space<vmem>>
        %dma_start3A_81 = tpu.memref_squeeze %dma_start3A_80 : memref<1x128xi32, #tpu.memory_space<vmem>> -> memref<128xi32, #tpu.memory_space<vmem>>
        %dma_start3A_82 = arith.constant 0 : i32
        %dma_start3A_83 = arith.constant 0 : i32
        %dma_start3A_84 = tpu.memref_slice %arg2[%dma_start3A_82, %dma_start3A_83] : memref<10000x128xf32, #tpu.memory_space<hbm>> -> memref<10000x128xf32, #tpu.memory_space<hbm>>
        tpu.enqueue_indirect_dma source(%dma_start3A_84 : memref<10000x128xf32, #tpu.memory_space<hbm>>) target(%arg10 : memref<128x128xf32, #tpu.memory_space<vmem>>) offsets(%dma_start3A_81 : memref<128xi32, #tpu.memory_space<vmem>>) semaphore(%arg16 : memref<!tpu.dma_semaphore, #tpu.memory_space<semaphore_mem>>)
        %gt3A_85 = arith.constant 0 : i32
        %gt3A_86 = arith.cmpi sgt, %scan3A_62, %gt3A_85 : i32
        %convert_element_type3A_87 = arith.extui %gt3A_86 : i1 to i32
        %cond3A_88 = arith.constant 0 : i32
        %cond3A_89 = arith.cmpi ne, %convert_element_type3A_87, %cond3A_88 : i32
        scf.if %cond3A_89 {
          %dma_wait3A_203 = arith.constant 0 : i32
          %dma_wait3A_204 = arith.constant 0 : i32
          %dma_wait3A_205 = tpu.memref_slice %arg2[%dma_wait3A_203, %dma_wait3A_204] : memref<10000x128xf32, #tpu.memory_space<hbm>> -> memref<128x128xf32, #tpu.memory_space<hbm>>
          %dma_wait3A_206 = arith.constant 0 : i32
          %dma_wait3A_207 = arith.constant 0 : i32
          %dma_wait3A_208 = tpu.memref_slice %arg2[%dma_wait3A_206, %dma_wait3A_207] : memref<10000x128xf32, #tpu.memory_space<hbm>> -> memref<128x128xf32, #tpu.memory_space<hbm>>
          tpu.wait_dma2 semaphore(%arg19 : memref<!tpu.dma_semaphore, #tpu.memory_space<semaphore_mem>>) src(%dma_wait3A_208 : memref<128x128xf32, #tpu.memory_space<hbm>>) dst(%arg11 : memref<128x128xf32, #tpu.memory_space<vmem>>)
        } else {
        }
        %dma_start3A_90 = arith.constant 1 : i32
        %dma_start3A_91 = arith.constant 0 : i32
        %dma_start3A_92 = tpu.memref_slice %arg8[%dma_start3A_90, %dma_start3A_91] : memref<2x128xi32, #tpu.memory_space<vmem>> -> memref<1x128xi32, #tpu.memory_space<vmem>>
        %dma_start3A_93 = tpu.memref_squeeze %dma_start3A_92 : memref<1x128xi32, #tpu.memory_space<vmem>> -> memref<128xi32, #tpu.memory_space<vmem>>
        %dma_start3A_94 = arith.constant 0 : i32
        %dma_start3A_95 = arith.constant 0 : i32
        %dma_start3A_96 = tpu.memref_slice %arg2[%dma_start3A_94, %dma_start3A_95] : memref<10000x128xf32, #tpu.memory_space<hbm>> -> memref<10000x128xf32, #tpu.memory_space<hbm>>
        tpu.enqueue_indirect_dma source(%dma_start3A_96 : memref<10000x128xf32, #tpu.memory_space<hbm>>) target(%arg11 : memref<128x128xf32, #tpu.memory_space<vmem>>) offsets(%dma_start3A_93 : memref<128xi32, #tpu.memory_space<vmem>>) semaphore(%arg17 : memref<!tpu.dma_semaphore, #tpu.memory_space<semaphore_mem>>)
        %dma_wait3A_97 = arith.constant 0 : i32
        %dma_wait3A_98 = arith.constant 0 : i32
        %dma_wait3A_99 = tpu.memref_slice %arg8[%dma_wait3A_97, %dma_wait3A_98] : memref<2x128xi32, #tpu.memory_space<vmem>> -> memref<1x128xi32, #tpu.memory_space<vmem>>
        %dma_wait3A_100 = tpu.memref_squeeze %dma_wait3A_99 : memref<1x128xi32, #tpu.memory_space<vmem>> -> memref<128xi32, #tpu.memory_space<vmem>>
        %dma_wait3A_101 = arith.constant 0 : i32
        %dma_wait3A_102 = arith.constant 0 : i32
        %dma_wait3A_103 = tpu.memref_slice %arg2[%dma_wait3A_101, %dma_wait3A_102] : memref<10000x128xf32, #tpu.memory_space<hbm>> -> memref<10000x128xf32, #tpu.memory_space<hbm>>
        tpu.wait_indirect_dma semaphore(%arg16 : memref<!tpu.dma_semaphore, #tpu.memory_space<semaphore_mem>>) src(%dma_wait3A_103 : memref<10000x128xf32, #tpu.memory_space<hbm>>) dst(%arg10 : memref<128x128xf32, #tpu.memory_space<vmem>>)
        %add3A_104 = arith.constant 0 : i32
        %add3A_105 = arith.addi %mul3A_68, %add3A_104 : i32
        %dma_start3A_106 = arith.constant 0 : i32
        %dma_start3A_107 = tpu.memref_slice %arg7[%add3A_105, %dma_start3A_106] : memref<120x128xi32, #tpu.memory_space<vmem>> -> memref<1x128xi32, #tpu.memory_space<vmem>>
        %dma_start3A_108 = tpu.memref_squeeze %dma_start3A_107 : memref<1x128xi32, #tpu.memory_space<vmem>> -> memref<128xi32, #tpu.memory_space<vmem>>
        %dma_start3A_109 = arith.constant 0 : i32
        %dma_start3A_110 = arith.constant 0 : i32
        %dma_start3A_111 = tpu.memref_slice %arg12[%dma_start3A_109, %dma_start3A_110] : memref<10240x128xf32, #tpu.memory_space<vmem_shared>> -> memref<10240x128xf32, #tpu.memory_space<vmem_shared>>
        tpu.enqueue_indirect_dma source(%arg10 : memref<128x128xf32, #tpu.memory_space<vmem>>) target(%dma_start3A_111 : memref<10240x128xf32, #tpu.memory_space<vmem_shared>>) offsets(%dma_start3A_108 : memref<128xi32, #tpu.memory_space<vmem>>) semaphore(%arg18 : memref<!tpu.dma_semaphore, #tpu.memory_space<semaphore_mem>>) {add = true}
        %dma_wait3A_112 = arith.constant 1 : i32
        %dma_wait3A_113 = arith.constant 0 : i32
        %dma_wait3A_114 = tpu.memref_slice %arg8[%dma_wait3A_112, %dma_wait3A_113] : memref<2x128xi32, #tpu.memory_space<vmem>> -> memref<1x128xi32, #tpu.memory_space<vmem>>
        %dma_wait3A_115 = tpu.memref_squeeze %dma_wait3A_114 : memref<1x128xi32, #tpu.memory_space<vmem>> -> memref<128xi32, #tpu.memory_space<vmem>>
        %dma_wait3A_116 = arith.constant 0 : i32
        %dma_wait3A_117 = arith.constant 0 : i32
        %dma_wait3A_118 = tpu.memref_slice %arg2[%dma_wait3A_116, %dma_wait3A_117] : memref<10000x128xf32, #tpu.memory_space<hbm>> -> memref<10000x128xf32, #tpu.memory_space<hbm>>
        tpu.wait_indirect_dma semaphore(%arg17 : memref<!tpu.dma_semaphore, #tpu.memory_space<semaphore_mem>>) src(%dma_wait3A_118 : memref<10000x128xf32, #tpu.memory_space<hbm>>) dst(%arg11 : memref<128x128xf32, #tpu.memory_space<vmem>>)
        %add3A_119 = arith.constant 1 : i32
        %add3A_120 = arith.addi %mul3A_68, %add3A_119 : i32
        %dma_start3A_121 = arith.constant 0 : i32
        %dma_start3A_122 = tpu.memref_slice %arg7[%add3A_120, %dma_start3A_121] : memref<120x128xi32, #tpu.memory_space<vmem>> -> memref<1x128xi32, #tpu.memory_space<vmem>>
        %dma_start3A_123 = tpu.memref_squeeze %dma_start3A_122 : memref<1x128xi32, #tpu.memory_space<vmem>> -> memref<128xi32, #tpu.memory_space<vmem>>
        %dma_start3A_124 = arith.constant 0 : i32
        %dma_start3A_125 = arith.constant 0 : i32
        %dma_start3A_126 = tpu.memref_slice %arg12[%dma_start3A_124, %dma_start3A_125] : memref<10240x128xf32, #tpu.memory_space<vmem_shared>> -> memref<10240x128xf32, #tpu.memory_space<vmem_shared>>
        tpu.enqueue_indirect_dma source(%arg11 : memref<128x128xf32, #tpu.memory_space<vmem>>) target(%dma_start3A_126 : memref<10240x128xf32, #tpu.memory_space<vmem_shared>>) offsets(%dma_start3A_123 : memref<128xi32, #tpu.memory_space<vmem>>) semaphore(%arg19 : memref<!tpu.dma_semaphore, #tpu.memory_space<semaphore_mem>>) {add = true}
        %lt3A = arith.constant 9 : i32
        %lt3A_127 = arith.cmpi slt, %scan3A_62, %lt3A : i32
        %convert_element_type3A_128 = arith.extui %lt3A_127 : i1 to i32
        %cond3A_129 = arith.constant 0 : i32
        %cond3A_130 = arith.cmpi ne, %convert_element_type3A_128, %cond3A_129 : i32
        scf.if %cond3A_130 {
          %add3A_203 = arith.addi %add3A_24, %mul3A_68 : i32
          %add3A_204 = arith.constant 4 : i32
          %add3A_205 = arith.addi %add3A_203, %add3A_204 : i32
          %dma_start3A_206 = arith.constant 0 : i32
          %dma_start3A_207 = tpu.memref_slice %arg3[%add3A_205, %dma_start3A_206] : memref<2560x128xi32, #tpu.memory_space<hbm>> -> memref<2x128xi32, #tpu.memory_space<hbm>>
          %dma_start3A_208 = arith.constant 0 : i32
          %dma_start3A_209 = tpu.memref_slice %arg3[%add3A_205, %dma_start3A_208] : memref<2560x128xi32, #tpu.memory_space<hbm>> -> memref<2x128xi32, #tpu.memory_space<hbm>>
          tpu.enqueue_dma source(%dma_start3A_209 : memref<2x128xi32, #tpu.memory_space<hbm>>) target(%arg8 : memref<2x128xi32, #tpu.memory_space<vmem>>) target_semaphore(%arg14 : memref<!tpu.dma_semaphore, #tpu.memory_space<semaphore_mem>>)
        } else {
        }
        %mul3A_131 = arith.constant 2 : i32
        %mul3A_132 = arith.muli %scan3A_62, %mul3A_131 : i32
        %add3A_133 = arith.constant 1 : i32
        %add3A_134 = arith.addi %mul3A_132, %add3A_133 : i32
        %mul3A_135 = arith.constant 2 : i32
        %mul3A_136 = arith.muli %add3A_134, %mul3A_135 : i32
        %gt3A_137 = arith.constant 0 : i32
        %gt3A_138 = arith.cmpi sgt, %scan3A_62, %gt3A_137 : i32
        %convert_element_type3A_139 = arith.extui %gt3A_138 : i1 to i32
        %cond3A_140 = arith.constant 0 : i32
        %cond3A_141 = arith.cmpi ne, %convert_element_type3A_139, %cond3A_140 : i32
        scf.if %cond3A_141 {
          %dma_wait3A_203 = arith.constant 0 : i32
          %dma_wait3A_204 = arith.constant 0 : i32
          %dma_wait3A_205 = tpu.memref_slice %arg3[%dma_wait3A_203, %dma_wait3A_204] : memref<2560x128xi32, #tpu.memory_space<hbm>> -> memref<2x128xi32, #tpu.memory_space<hbm>>
          %dma_wait3A_206 = arith.constant 0 : i32
          %dma_wait3A_207 = arith.constant 0 : i32
          %dma_wait3A_208 = tpu.memref_slice %arg3[%dma_wait3A_206, %dma_wait3A_207] : memref<2560x128xi32, #tpu.memory_space<hbm>> -> memref<2x128xi32, #tpu.memory_space<hbm>>
          tpu.wait_dma2 semaphore(%arg15 : memref<!tpu.dma_semaphore, #tpu.memory_space<semaphore_mem>>) src(%dma_wait3A_208 : memref<2x128xi32, #tpu.memory_space<hbm>>) dst(%arg9 : memref<2x128xi32, #tpu.memory_space<vmem>>)
        } else {
        }
        %dma_wait3A_142 = arith.constant 0 : i32
        %dma_wait3A_143 = arith.constant 0 : i32
        %dma_wait3A_144 = tpu.memref_slice %arg2[%dma_wait3A_142, %dma_wait3A_143] : memref<10000x128xf32, #tpu.memory_space<hbm>> -> memref<128x128xf32, #tpu.memory_space<hbm>>
        %dma_wait3A_145 = arith.constant 0 : i32
        %dma_wait3A_146 = arith.constant 0 : i32
        %dma_wait3A_147 = tpu.memref_slice %arg2[%dma_wait3A_145, %dma_wait3A_146] : memref<10000x128xf32, #tpu.memory_space<hbm>> -> memref<128x128xf32, #tpu.memory_space<hbm>>
        tpu.wait_dma2 semaphore(%arg18 : memref<!tpu.dma_semaphore, #tpu.memory_space<semaphore_mem>>) src(%dma_wait3A_147 : memref<128x128xf32, #tpu.memory_space<hbm>>) dst(%arg10 : memref<128x128xf32, #tpu.memory_space<vmem>>)
        %dma_start3A_148 = arith.constant 0 : i32
        %dma_start3A_149 = arith.constant 0 : i32
        %dma_start3A_150 = tpu.memref_slice %arg9[%dma_start3A_148, %dma_start3A_149] : memref<2x128xi32, #tpu.memory_space<vmem>> -> memref<1x128xi32, #tpu.memory_space<vmem>>
        %dma_start3A_151 = tpu.memref_squeeze %dma_start3A_150 : memref<1x128xi32, #tpu.memory_space<vmem>> -> memref<128xi32, #tpu.memory_space<vmem>>
        %dma_start3A_152 = arith.constant 0 : i32
        %dma_start3A_153 = arith.constant 0 : i32
        %dma_start3A_154 = tpu.memref_slice %arg2[%dma_start3A_152, %dma_start3A_153] : memref<10000x128xf32, #tpu.memory_space<hbm>> -> memref<10000x128xf32, #tpu.memory_space<hbm>>
        tpu.enqueue_indirect_dma source(%dma_start3A_154 : memref<10000x128xf32, #tpu.memory_space<hbm>>) target(%arg10 : memref<128x128xf32, #tpu.memory_space<vmem>>) offsets(%dma_start3A_151 : memref<128xi32, #tpu.memory_space<vmem>>) semaphore(%arg16 : memref<!tpu.dma_semaphore, #tpu.memory_space<semaphore_mem>>)
        %dma_wait3A_155 = arith.constant 0 : i32
        %dma_wait3A_156 = arith.constant 0 : i32
        %dma_wait3A_157 = tpu.memref_slice %arg2[%dma_wait3A_155, %dma_wait3A_156] : memref<10000x128xf32, #tpu.memory_space<hbm>> -> memref<128x128xf32, #tpu.memory_space<hbm>>
        %dma_wait3A_158 = arith.constant 0 : i32
        %dma_wait3A_159 = arith.constant 0 : i32
        %dma_wait3A_160 = tpu.memref_slice %arg2[%dma_wait3A_158, %dma_wait3A_159] : memref<10000x128xf32, #tpu.memory_space<hbm>> -> memref<128x128xf32, #tpu.memory_space<hbm>>
        tpu.wait_dma2 semaphore(%arg19 : memref<!tpu.dma_semaphore, #tpu.memory_space<semaphore_mem>>) src(%dma_wait3A_160 : memref<128x128xf32, #tpu.memory_space<hbm>>) dst(%arg11 : memref<128x128xf32, #tpu.memory_space<vmem>>)
        %dma_start3A_161 = arith.constant 1 : i32
        %dma_start3A_162 = arith.constant 0 : i32
        %dma_start3A_163 = tpu.memref_slice %arg9[%dma_start3A_161, %dma_start3A_162] : memref<2x128xi32, #tpu.memory_space<vmem>> -> memref<1x128xi32, #tpu.memory_space<vmem>>
        %dma_start3A_164 = tpu.memref_squeeze %dma_start3A_163 : memref<1x128xi32, #tpu.memory_space<vmem>> -> memref<128xi32, #tpu.memory_space<vmem>>
        %dma_start3A_165 = arith.constant 0 : i32
        %dma_start3A_166 = arith.constant 0 : i32
        %dma_start3A_167 = tpu.memref_slice %arg2[%dma_start3A_165, %dma_start3A_166] : memref<10000x128xf32, #tpu.memory_space<hbm>> -> memref<10000x128xf32, #tpu.memory_space<hbm>>
        tpu.enqueue_indirect_dma source(%dma_start3A_167 : memref<10000x128xf32, #tpu.memory_space<hbm>>) target(%arg11 : memref<128x128xf32, #tpu.memory_space<vmem>>) offsets(%dma_start3A_164 : memref<128xi32, #tpu.memory_space<vmem>>) semaphore(%arg17 : memref<!tpu.dma_semaphore, #tpu.memory_space<semaphore_mem>>)
        %dma_wait3A_168 = arith.constant 0 : i32
        %dma_wait3A_169 = arith.constant 0 : i32
        %dma_wait3A_170 = tpu.memref_slice %arg9[%dma_wait3A_168, %dma_wait3A_169] : memref<2x128xi32, #tpu.memory_space<vmem>> -> memref<1x128xi32, #tpu.memory_space<vmem>>
        %dma_wait3A_171 = tpu.memref_squeeze %dma_wait3A_170 : memref<1x128xi32, #tpu.memory_space<vmem>> -> memref<128xi32, #tpu.memory_space<vmem>>
        %dma_wait3A_172 = arith.constant 0 : i32
        %dma_wait3A_173 = arith.constant 0 : i32
        %dma_wait3A_174 = tpu.memref_slice %arg2[%dma_wait3A_172, %dma_wait3A_173] : memref<10000x128xf32, #tpu.memory_space<hbm>> -> memref<10000x128xf32, #tpu.memory_space<hbm>>
        tpu.wait_indirect_dma semaphore(%arg16 : memref<!tpu.dma_semaphore, #tpu.memory_space<semaphore_mem>>) src(%dma_wait3A_174 : memref<10000x128xf32, #tpu.memory_space<hbm>>) dst(%arg10 : memref<128x128xf32, #tpu.memory_space<vmem>>)
        %add3A_175 = arith.constant 0 : i32
        %add3A_176 = arith.addi %mul3A_136, %add3A_175 : i32
        %dma_start3A_177 = arith.constant 0 : i32
        %dma_start3A_178 = tpu.memref_slice %arg7[%add3A_176, %dma_start3A_177] : memref<120x128xi32, #tpu.memory_space<vmem>> -> memref<1x128xi32, #tpu.memory_space<vmem>>
        %dma_start3A_179 = tpu.memref_squeeze %dma_start3A_178 : memref<1x128xi32, #tpu.memory_space<vmem>> -> memref<128xi32, #tpu.memory_space<vmem>>
        %dma_start3A_180 = arith.constant 0 : i32
        %dma_start3A_181 = arith.constant 0 : i32
        %dma_start3A_182 = tpu.memref_slice %arg12[%dma_start3A_180, %dma_start3A_181] : memref<10240x128xf32, #tpu.memory_space<vmem_shared>> -> memref<10240x128xf32, #tpu.memory_space<vmem_shared>>
        tpu.enqueue_indirect_dma source(%arg10 : memref<128x128xf32, #tpu.memory_space<vmem>>) target(%dma_start3A_182 : memref<10240x128xf32, #tpu.memory_space<vmem_shared>>) offsets(%dma_start3A_179 : memref<128xi32, #tpu.memory_space<vmem>>) semaphore(%arg18 : memref<!tpu.dma_semaphore, #tpu.memory_space<semaphore_mem>>) {add = true}
        %dma_wait3A_183 = arith.constant 1 : i32
        %dma_wait3A_184 = arith.constant 0 : i32
        %dma_wait3A_185 = tpu.memref_slice %arg9[%dma_wait3A_183, %dma_wait3A_184] : memref<2x128xi32, #tpu.memory_space<vmem>> -> memref<1x128xi32, #tpu.memory_space<vmem>>
        %dma_wait3A_186 = tpu.memref_squeeze %dma_wait3A_185 : memref<1x128xi32, #tpu.memory_space<vmem>> -> memref<128xi32, #tpu.memory_space<vmem>>
        %dma_wait3A_187 = arith.constant 0 : i32
        %dma_wait3A_188 = arith.constant 0 : i32
        %dma_wait3A_189 = tpu.memref_slice %arg2[%dma_wait3A_187, %dma_wait3A_188] : memref<10000x128xf32, #tpu.memory_space<hbm>> -> memref<10000x128xf32, #tpu.memory_space<hbm>>
        tpu.wait_indirect_dma semaphore(%arg17 : memref<!tpu.dma_semaphore, #tpu.memory_space<semaphore_mem>>) src(%dma_wait3A_189 : memref<10000x128xf32, #tpu.memory_space<hbm>>) dst(%arg11 : memref<128x128xf32, #tpu.memory_space<vmem>>)
        %add3A_190 = arith.constant 1 : i32
        %add3A_191 = arith.addi %mul3A_136, %add3A_190 : i32
        %dma_start3A_192 = arith.constant 0 : i32
        %dma_start3A_193 = tpu.memref_slice %arg7[%add3A_191, %dma_start3A_192] : memref<120x128xi32, #tpu.memory_space<vmem>> -> memref<1x128xi32, #tpu.memory_space<vmem>>
        %dma_start3A_194 = tpu.memref_squeeze %dma_start3A_193 : memref<1x128xi32, #tpu.memory_space<vmem>> -> memref<128xi32, #tpu.memory_space<vmem>>
        %dma_start3A_195 = arith.constant 0 : i32
        %dma_start3A_196 = arith.constant 0 : i32
        %dma_start3A_197 = tpu.memref_slice %arg12[%dma_start3A_195, %dma_start3A_196] : memref<10240x128xf32, #tpu.memory_space<vmem_shared>> -> memref<10240x128xf32, #tpu.memory_space<vmem_shared>>
        tpu.enqueue_indirect_dma source(%arg11 : memref<128x128xf32, #tpu.memory_space<vmem>>) target(%dma_start3A_197 : memref<10240x128xf32, #tpu.memory_space<vmem_shared>>) offsets(%dma_start3A_194 : memref<128xi32, #tpu.memory_space<vmem>>) semaphore(%arg19 : memref<!tpu.dma_semaphore, #tpu.memory_space<semaphore_mem>>) {add = true}
        %lt3A_198 = arith.constant 9 : i32
        %lt3A_199 = arith.cmpi slt, %scan3A_62, %lt3A_198 : i32
        %convert_element_type3A_200 = arith.extui %lt3A_199 : i1 to i32
        %cond3A_201 = arith.constant 0 : i32
        %cond3A_202 = arith.cmpi ne, %convert_element_type3A_200, %cond3A_201 : i32
        scf.if %cond3A_202 {
          %add3A_203 = arith.addi %add3A_24, %mul3A_136 : i32
          %add3A_204 = arith.constant 4 : i32
          %add3A_205 = arith.addi %add3A_203, %add3A_204 : i32
          %dma_start3A_206 = arith.constant 0 : i32
          %dma_start3A_207 = tpu.memref_slice %arg3[%add3A_205, %dma_start3A_206] : memref<2560x128xi32, #tpu.memory_space<hbm>> -> memref<2x128xi32, #tpu.memory_space<hbm>>
          %dma_start3A_208 = arith.constant 0 : i32
          %dma_start3A_209 = tpu.memref_slice %arg3[%add3A_205, %dma_start3A_208] : memref<2560x128xi32, #tpu.memory_space<hbm>> -> memref<2x128xi32, #tpu.memory_space<hbm>>
          tpu.enqueue_dma source(%dma_start3A_209 : memref<2x128xi32, #tpu.memory_space<hbm>>) target(%arg9 : memref<2x128xi32, #tpu.memory_space<vmem>>) target_semaphore(%arg15 : memref<!tpu.dma_semaphore, #tpu.memory_space<semaphore_mem>>)
        } else {
        }
      }
      %scan3A_49 = arith.constant 10 : i32
      %dma_wait3A_50 = arith.constant 0 : i32
      %dma_wait3A_51 = arith.constant 0 : i32
      %dma_wait3A_52 = tpu.memref_slice %arg2[%dma_wait3A_50, %dma_wait3A_51] : memref<10000x128xf32, #tpu.memory_space<hbm>> -> memref<128x128xf32, #tpu.memory_space<hbm>>
      %dma_wait3A_53 = arith.constant 0 : i32
      %dma_wait3A_54 = arith.constant 0 : i32
      %dma_wait3A_55 = tpu.memref_slice %arg2[%dma_wait3A_53, %dma_wait3A_54] : memref<10000x128xf32, #tpu.memory_space<hbm>> -> memref<128x128xf32, #tpu.memory_space<hbm>>
      tpu.wait_dma2 semaphore(%arg18 : memref<!tpu.dma_semaphore, #tpu.memory_space<semaphore_mem>>) src(%dma_wait3A_55 : memref<128x128xf32, #tpu.memory_space<hbm>>) dst(%arg10 : memref<128x128xf32, #tpu.memory_space<vmem>>)
      %dma_wait3A_56 = arith.constant 0 : i32
      %dma_wait3A_57 = arith.constant 0 : i32
      %dma_wait3A_58 = tpu.memref_slice %arg2[%dma_wait3A_56, %dma_wait3A_57] : memref<10000x128xf32, #tpu.memory_space<hbm>> -> memref<128x128xf32, #tpu.memory_space<hbm>>
      %dma_wait3A_59 = arith.constant 0 : i32
      %dma_wait3A_60 = arith.constant 0 : i32
      %dma_wait3A_61 = tpu.memref_slice %arg2[%dma_wait3A_59, %dma_wait3A_60] : memref<10000x128xf32, #tpu.memory_space<hbm>> -> memref<128x128xf32, #tpu.memory_space<hbm>>
      tpu.wait_dma2 semaphore(%arg19 : memref<!tpu.dma_semaphore, #tpu.memory_space<semaphore_mem>>) src(%dma_wait3A_61 : memref<128x128xf32, #tpu.memory_space<hbm>>) dst(%arg11 : memref<128x128xf32, #tpu.memory_space<vmem>>)
    } else {
    }
    %barrier3A_17 = arith.constant 0 : index
    tpu.barrier barrier_id(%barrier3A_17)
    %mul3A_18 = arith.constant 10240 : i32
    %mul3A_19 = arith.muli %arg0, %mul3A_18 : i32
    %add3A_20 = arith.addi %mul3A_19, %mul3A_0 : i32
    "tpu.region"() ({
      %run_scoped3A = tpu.sem_alloc : memref<!tpu.dma_semaphore, #tpu.memory_space<semaphore_mem>>
      %dma_start3A = arith.constant 0 : i32
      %dma_start3A_21 = tpu.memref_slice %arg6[%add3A_20, %dma_start3A] : memref<20480x128xf32, #tpu.memory_space<hbm>> -> memref<640x128xf32, #tpu.memory_space<hbm>>
      %dma_start3A_22 = arith.constant 0 : i32
      %dma_start3A_23 = tpu.memref_slice %arg12[%mul3A_0, %dma_start3A_22] : memref<10240x128xf32, #tpu.memory_space<vmem_shared>> -> memref<640x128xf32, #tpu.memory_space<vmem_shared>>
      tpu.enqueue_dma source(%dma_start3A_23 : memref<640x128xf32, #tpu.memory_space<vmem_shared>>) target(%dma_start3A_21 : memref<640x128xf32, #tpu.memory_space<hbm>>) target_semaphore(%run_scoped3A : memref<!tpu.dma_semaphore, #tpu.memory_space<semaphore_mem>>)
      %dma_wait3A = arith.constant 0 : i32
      %dma_wait3A_24 = tpu.memref_slice %arg6[%add3A_20, %dma_wait3A] : memref<20480x128xf32, #tpu.memory_space<hbm>> -> memref<640x128xf32, #tpu.memory_space<hbm>>
      %dma_wait3A_25 = arith.constant 0 : i32
      %dma_wait3A_26 = tpu.memref_slice %arg12[%mul3A_0, %dma_wait3A_25] : memref<10240x128xf32, #tpu.memory_space<vmem_shared>> -> memref<640x128xf32, #tpu.memory_space<vmem_shared>>
      tpu.wait_dma2 semaphore(%run_scoped3A : memref<!tpu.dma_semaphore, #tpu.memory_space<semaphore_mem>>) src(%dma_wait3A_26 : memref<640x128xf32, #tpu.memory_space<vmem_shared>>) dst(%dma_wait3A_24 : memref<640x128xf32, #tpu.memory_space<hbm>>)
      tpu.yield
    }) : () -> ()
    return
  }
}

#map = affine_map<(d0, d1) -> (0, 0)>
module attributes {stable_mosaic.version = 14 : i64} {
  func.func @kg(%arg0: i32, %arg1: i32, %arg2: memref<10000x128xf32, #tpu.memory_space<hbm>>, %arg3: memref<2560x128xi32, #tpu.memory_space<hbm>>, %arg4: memref<2560x128xi32, #tpu.memory_space<hbm>>, %arg5: memref<128x128xf32, #tpu.memory_space<hbm>>, %arg6: memref<20480x128xf32, #tpu.memory_space<hbm>>, %arg7: memref<120x128xi32, #tpu.memory_space<vmem>>, %arg8: memref<2x128xi32, #tpu.memory_space<vmem>>, %arg9: memref<2x128xi32, #tpu.memory_space<vmem>>, %arg10: memref<128x128xf32, #tpu.memory_space<vmem>>, %arg11: memref<128x128xf32, #tpu.memory_space<vmem>>, %arg12: memref<10240x128xf32, #tpu.memory_space<vmem_shared>>, %arg13: memref<!tpu.dma_semaphore, #tpu.memory_space<semaphore_mem>>, %arg14: memref<!tpu.dma_semaphore, #tpu.memory_space<semaphore_mem>>, %arg15: memref<!tpu.dma_semaphore, #tpu.memory_space<semaphore_mem>>, %arg16: memref<!tpu.dma_semaphore, #tpu.memory_space<semaphore_mem>>, %arg17: memref<!tpu.dma_semaphore, #tpu.memory_space<semaphore_mem>>, %arg18: memref<!tpu.dma_semaphore, #tpu.memory_space<semaphore_mem>>, %arg19: memref<!tpu.dma_semaphore, #tpu.memory_space<semaphore_mem>>) attributes {dimension_semantics = [#tpu.dimension_semantics<core_parallel>, #tpu.dimension_semantics<subcore_parallel>], iteration_bounds = array<i64: 2, 16>, scalar_prefetch = 0 : i64, scratch_operands = 13 : i64, tpu.core_type = #tpu.core_type<sc_vector_subcore>, window_params = [{transform_indices = #map}, {transform_indices = #map}, {transform_indices = #map}, {transform_indices = #map}, {transform_indices = #map}]} {
    "tpu.region"() ({
      %run_scoped3A = tpu.sem_alloc : memref<!tpu.dma_semaphore, #tpu.memory_space<semaphore_mem>>
      tpu.enqueue_dma source(%arg5 : memref<128x128xf32, #tpu.memory_space<hbm>>) target(%arg10 : memref<128x128xf32, #tpu.memory_space<vmem>>) target_semaphore(%run_scoped3A : memref<!tpu.dma_semaphore, #tpu.memory_space<semaphore_mem>>)
      tpu.wait_dma2 semaphore(%run_scoped3A : memref<!tpu.dma_semaphore, #tpu.memory_space<semaphore_mem>>) src(%arg5 : memref<128x128xf32, #tpu.memory_space<hbm>>) dst(%arg10 : memref<128x128xf32, #tpu.memory_space<vmem>>)
      tpu.yield
    }) : () -> ()
    %mul3A = arith.constant 640 : i32
    %mul3A_0 = arith.muli %arg1, %mul3A : i32
    %add3A = arith.constant 0 : i32
    %add3A_1 = arith.addi %mul3A_0, %add3A : i32
    "tpu.region"() ({
      %run_scoped3A = tpu.sem_alloc : memref<!tpu.dma_semaphore, #tpu.memory_space<semaphore_mem>>
      %dma_start3A = arith.constant 0 : i32
      %dma_start3A_21 = tpu.memref_slice %arg12[%add3A_1, %dma_start3A] : memref<10240x128xf32, #tpu.memory_space<vmem_shared>> -> memref<128x128xf32, #tpu.memory_space<vmem_shared>>
      %dma_start3A_22 = arith.constant 0 : i32
      %dma_start3A_23 = tpu.memref_slice %arg12[%add3A_1, %dma_start3A_22] : memref<10240x128xf32, #tpu.memory_space<vmem_shared>> -> memref<128x128xf32, #tpu.memory_space<vmem_shared>>
      tpu.enqueue_dma source(%arg10 : memref<128x128xf32, #tpu.memory_space<vmem>>) target(%dma_start3A_23 : memref<128x128xf32, #tpu.memory_space<vmem_shared>>) target_semaphore(%run_scoped3A : memref<!tpu.dma_semaphore, #tpu.memory_space<semaphore_mem>>)
      %dma_wait3A = arith.constant 0 : i32
      %dma_wait3A_24 = tpu.memref_slice %arg12[%add3A_1, %dma_wait3A] : memref<10240x128xf32, #tpu.memory_space<vmem_shared>> -> memref<128x128xf32, #tpu.memory_space<vmem_shared>>
      %dma_wait3A_25 = arith.constant 0 : i32
      %dma_wait3A_26 = tpu.memref_slice %arg12[%add3A_1, %dma_wait3A_25] : memref<10240x128xf32, #tpu.memory_space<vmem_shared>> -> memref<128x128xf32, #tpu.memory_space<vmem_shared>>
      tpu.wait_dma2 semaphore(%run_scoped3A : memref<!tpu.dma_semaphore, #tpu.memory_space<semaphore_mem>>) src(%arg10 : memref<128x128xf32, #tpu.memory_space<vmem>>) dst(%dma_wait3A_26 : memref<128x128xf32, #tpu.memory_space<vmem_shared>>)
      tpu.yield
    }) : () -> ()
    %add3A_2 = arith.constant 128 : i32
    %add3A_3 = arith.addi %mul3A_0, %add3A_2 : i32
    "tpu.region"() ({
      %run_scoped3A = tpu.sem_alloc : memref<!tpu.dma_semaphore, #tpu.memory_space<semaphore_mem>>
      %dma_start3A = arith.constant 0 : i32
      %dma_start3A_21 = tpu.memref_slice %arg12[%add3A_3, %dma_start3A] : memref<10240x128xf32, #tpu.memory_space<vmem_shared>> -> memref<128x128xf32, #tpu.memory_space<vmem_shared>>
      %dma_start3A_22 = arith.constant 0 : i32
      %dma_start3A_23 = tpu.memref_slice %arg12[%add3A_3, %dma_start3A_22] : memref<10240x128xf32, #tpu.memory_space<vmem_shared>> -> memref<128x128xf32, #tpu.memory_space<vmem_shared>>
      tpu.enqueue_dma source(%arg10 : memref<128x128xf32, #tpu.memory_space<vmem>>) target(%dma_start3A_23 : memref<128x128xf32, #tpu.memory_space<vmem_shared>>) target_semaphore(%run_scoped3A : memref<!tpu.dma_semaphore, #tpu.memory_space<semaphore_mem>>)
      %dma_wait3A = arith.constant 0 : i32
      %dma_wait3A_24 = tpu.memref_slice %arg12[%add3A_3, %dma_wait3A] : memref<10240x128xf32, #tpu.memory_space<vmem_shared>> -> memref<128x128xf32, #tpu.memory_space<vmem_shared>>
      %dma_wait3A_25 = arith.constant 0 : i32
      %dma_wait3A_26 = tpu.memref_slice %arg12[%add3A_3, %dma_wait3A_25] : memref<10240x128xf32, #tpu.memory_space<vmem_shared>> -> memref<128x128xf32, #tpu.memory_space<vmem_shared>>
      tpu.wait_dma2 semaphore(%run_scoped3A : memref<!tpu.dma_semaphore, #tpu.memory_space<semaphore_mem>>) src(%arg10 : memref<128x128xf32, #tpu.memory_space<vmem>>) dst(%dma_wait3A_26 : memref<128x128xf32, #tpu.memory_space<vmem_shared>>)
      tpu.yield
    }) : () -> ()
    %add3A_4 = arith.constant 256 : i32
    %add3A_5 = arith.addi %mul3A_0, %add3A_4 : i32
    "tpu.region"() ({
      %run_scoped3A = tpu.sem_alloc : memref<!tpu.dma_semaphore, #tpu.memory_space<semaphore_mem>>
      %dma_start3A = arith.constant 0 : i32
      %dma_start3A_21 = tpu.memref_slice %arg12[%add3A_5, %dma_start3A] : memref<10240x128xf32, #tpu.memory_space<vmem_shared>> -> memref<128x128xf32, #tpu.memory_space<vmem_shared>>
      %dma_start3A_22 = arith.constant 0 : i32
      %dma_start3A_23 = tpu.memref_slice %arg12[%add3A_5, %dma_start3A_22] : memref<10240x128xf32, #tpu.memory_space<vmem_shared>> -> memref<128x128xf32, #tpu.memory_space<vmem_shared>>
      tpu.enqueue_dma source(%arg10 : memref<128x128xf32, #tpu.memory_space<vmem>>) target(%dma_start3A_23 : memref<128x128xf32, #tpu.memory_space<vmem_shared>>) target_semaphore(%run_scoped3A : memref<!tpu.dma_semaphore, #tpu.memory_space<semaphore_mem>>)
      %dma_wait3A = arith.constant 0 : i32
      %dma_wait3A_24 = tpu.memref_slice %arg12[%add3A_5, %dma_wait3A] : memref<10240x128xf32, #tpu.memory_space<vmem_shared>> -> memref<128x128xf32, #tpu.memory_space<vmem_shared>>
      %dma_wait3A_25 = arith.constant 0 : i32
      %dma_wait3A_26 = tpu.memref_slice %arg12[%add3A_5, %dma_wait3A_25] : memref<10240x128xf32, #tpu.memory_space<vmem_shared>> -> memref<128x128xf32, #tpu.memory_space<vmem_shared>>
      tpu.wait_dma2 semaphore(%run_scoped3A : memref<!tpu.dma_semaphore, #tpu.memory_space<semaphore_mem>>) src(%arg10 : memref<128x128xf32, #tpu.memory_space<vmem>>) dst(%dma_wait3A_26 : memref<128x128xf32, #tpu.memory_space<vmem_shared>>)
      tpu.yield
    }) : () -> ()
    %add3A_6 = arith.constant 384 : i32
    %add3A_7 = arith.addi %mul3A_0, %add3A_6 : i32
    "tpu.region"() ({
      %run_scoped3A = tpu.sem_alloc : memref<!tpu.dma_semaphore, #tpu.memory_space<semaphore_mem>>
      %dma_start3A = arith.constant 0 : i32
      %dma_start3A_21 = tpu.memref_slice %arg12[%add3A_7, %dma_start3A] : memref<10240x128xf32, #tpu.memory_space<vmem_shared>> -> memref<128x128xf32, #tpu.memory_space<vmem_shared>>
      %dma_start3A_22 = arith.constant 0 : i32
      %dma_start3A_23 = tpu.memref_slice %arg12[%add3A_7, %dma_start3A_22] : memref<10240x128xf32, #tpu.memory_space<vmem_shared>> -> memref<128x128xf32, #tpu.memory_space<vmem_shared>>
      tpu.enqueue_dma source(%arg10 : memref<128x128xf32, #tpu.memory_space<vmem>>) target(%dma_start3A_23 : memref<128x128xf32, #tpu.memory_space<vmem_shared>>) target_semaphore(%run_scoped3A : memref<!tpu.dma_semaphore, #tpu.memory_space<semaphore_mem>>)
      %dma_wait3A = arith.constant 0 : i32
      %dma_wait3A_24 = tpu.memref_slice %arg12[%add3A_7, %dma_wait3A] : memref<10240x128xf32, #tpu.memory_space<vmem_shared>> -> memref<128x128xf32, #tpu.memory_space<vmem_shared>>
      %dma_wait3A_25 = arith.constant 0 : i32
      %dma_wait3A_26 = tpu.memref_slice %arg12[%add3A_7, %dma_wait3A_25] : memref<10240x128xf32, #tpu.memory_space<vmem_shared>> -> memref<128x128xf32, #tpu.memory_space<vmem_shared>>
      tpu.wait_dma2 semaphore(%run_scoped3A : memref<!tpu.dma_semaphore, #tpu.memory_space<semaphore_mem>>) src(%arg10 : memref<128x128xf32, #tpu.memory_space<vmem>>) dst(%dma_wait3A_26 : memref<128x128xf32, #tpu.memory_space<vmem_shared>>)
      tpu.yield
    }) : () -> ()
    %add3A_8 = arith.constant 512 : i32
    %add3A_9 = arith.addi %mul3A_0, %add3A_8 : i32
    "tpu.region"() ({
      %run_scoped3A = tpu.sem_alloc : memref<!tpu.dma_semaphore, #tpu.memory_space<semaphore_mem>>
      %dma_start3A = arith.constant 0 : i32
      %dma_start3A_21 = tpu.memref_slice %arg12[%add3A_9, %dma_start3A] : memref<10240x128xf32, #tpu.memory_space<vmem_shared>> -> memref<128x128xf32, #tpu.memory_space<vmem_shared>>
      %dma_start3A_22 = arith.constant 0 : i32
      %dma_start3A_23 = tpu.memref_slice %arg12[%add3A_9, %dma_start3A_22] : memref<10240x128xf32, #tpu.memory_space<vmem_shared>> -> memref<128x128xf32, #tpu.memory_space<vmem_shared>>
      tpu.enqueue_dma source(%arg10 : memref<128x128xf32, #tpu.memory_space<vmem>>) target(%dma_start3A_23 : memref<128x128xf32, #tpu.memory_space<vmem_shared>>) target_semaphore(%run_scoped3A : memref<!tpu.dma_semaphore, #tpu.memory_space<semaphore_mem>>)
      %dma_wait3A = arith.constant 0 : i32
      %dma_wait3A_24 = tpu.memref_slice %arg12[%add3A_9, %dma_wait3A] : memref<10240x128xf32, #tpu.memory_space<vmem_shared>> -> memref<128x128xf32, #tpu.memory_space<vmem_shared>>
      %dma_wait3A_25 = arith.constant 0 : i32
      %dma_wait3A_26 = tpu.memref_slice %arg12[%add3A_9, %dma_wait3A_25] : memref<10240x128xf32, #tpu.memory_space<vmem_shared>> -> memref<128x128xf32, #tpu.memory_space<vmem_shared>>
      tpu.wait_dma2 semaphore(%run_scoped3A : memref<!tpu.dma_semaphore, #tpu.memory_space<semaphore_mem>>) src(%arg10 : memref<128x128xf32, #tpu.memory_space<vmem>>) dst(%dma_wait3A_26 : memref<128x128xf32, #tpu.memory_space<vmem_shared>>)
      tpu.yield
    }) : () -> ()
    %barrier3A = arith.constant 0 : index
    tpu.barrier barrier_id(%barrier3A)
    %eq3A = arith.constant 0 : i32
    %eq3A_10 = arith.cmpi eq, %arg0, %eq3A : i32
    %convert_element_type3A = arith.extui %eq3A_10 : i1 to i32
    %cond3A = arith.constant 0 : i32
    %cond3A_11 = arith.cmpi ne, %convert_element_type3A, %cond3A : i32
    scf.if %cond3A_11 {
      %mul3A_21 = arith.constant 120 : i32
      %mul3A_22 = arith.muli %arg1, %mul3A_21 : i32
      %dma_start3A = arith.constant 0 : i32
      %dma_start3A_23 = arith.constant 0 : i32
      %dma_start3A_24 = tpu.memref_slice %arg7[%dma_start3A, %dma_start3A_23] : memref<120x128xi32, #tpu.memory_space<vmem>> -> memref<120x128xi32, #tpu.memory_space<vmem>>
      %dma_start3A_25 = arith.constant 0 : i32
      %dma_start3A_26 = tpu.memref_slice %arg4[%mul3A_22, %dma_start3A_25] : memref<2560x128xi32, #tpu.memory_space<hbm>> -> memref<120x128xi32, #tpu.memory_space<hbm>>
      %dma_start3A_27 = arith.constant 0 : i32
      %dma_start3A_28 = arith.constant 0 : i32
      %dma_start3A_29 = tpu.memref_slice %arg7[%dma_start3A_27, %dma_start3A_28] : memref<120x128xi32, #tpu.memory_space<vmem>> -> memref<120x128xi32, #tpu.memory_space<vmem>>
      %dma_start3A_30 = arith.constant 0 : i32
      %dma_start3A_31 = tpu.memref_slice %arg4[%mul3A_22, %dma_start3A_30] : memref<2560x128xi32, #tpu.memory_space<hbm>> -> memref<120x128xi32, #tpu.memory_space<hbm>>
      tpu.enqueue_dma source(%dma_start3A_31 : memref<120x128xi32, #tpu.memory_space<hbm>>) target(%dma_start3A_29 : memref<120x128xi32, #tpu.memory_space<vmem>>) target_semaphore(%arg13 : memref<!tpu.dma_semaphore, #tpu.memory_space<semaphore_mem>>)
      "tpu.region"() ({
        %run_scoped3A = tpu.sem_alloc : memref<!tpu.dma_semaphore, #tpu.memory_space<semaphore_mem>>
        %dma_start3A_60 = arith.constant 0 : i32
        %dma_start3A_61 = tpu.memref_slice %arg3[%mul3A_22, %dma_start3A_60] : memref<2560x128xi32, #tpu.memory_space<hbm>> -> memref<2x128xi32, #tpu.memory_space<hbm>>
        %dma_start3A_62 = arith.constant 0 : i32
        %dma_start3A_63 = tpu.memref_slice %arg3[%mul3A_22, %dma_start3A_62] : memref<2560x128xi32, #tpu.memory_space<hbm>> -> memref<2x128xi32, #tpu.memory_space<hbm>>
        tpu.enqueue_dma source(%dma_start3A_63 : memref<2x128xi32, #tpu.memory_space<hbm>>) target(%arg8 : memref<2x128xi32, #tpu.memory_space<vmem>>) target_semaphore(%run_scoped3A : memref<!tpu.dma_semaphore, #tpu.memory_space<semaphore_mem>>)
        %dma_wait3A_64 = arith.constant 0 : i32
        %dma_wait3A_65 = tpu.memref_slice %arg3[%mul3A_22, %dma_wait3A_64] : memref<2560x128xi32, #tpu.memory_space<hbm>> -> memref<2x128xi32, #tpu.memory_space<hbm>>
        %dma_wait3A_66 = arith.constant 0 : i32
        %dma_wait3A_67 = tpu.memref_slice %arg3[%mul3A_22, %dma_wait3A_66] : memref<2560x128xi32, #tpu.memory_space<hbm>> -> memref<2x128xi32, #tpu.memory_space<hbm>>
        tpu.wait_dma2 semaphore(%run_scoped3A : memref<!tpu.dma_semaphore, #tpu.memory_space<semaphore_mem>>) src(%dma_wait3A_67 : memref<2x128xi32, #tpu.memory_space<hbm>>) dst(%arg8 : memref<2x128xi32, #tpu.memory_space<vmem>>)
        tpu.yield
      }) : () -> ()
      %add3A_32 = arith.constant 2 : i32
      %add3A_33 = arith.addi %mul3A_22, %add3A_32 : i32
      "tpu.region"() ({
        %run_scoped3A = tpu.sem_alloc : memref<!tpu.dma_semaphore, #tpu.memory_space<semaphore_mem>>
        %dma_start3A_60 = arith.constant 0 : i32
        %dma_start3A_61 = tpu.memref_slice %arg3[%add3A_33, %dma_start3A_60] : memref<2560x128xi32, #tpu.memory_space<hbm>> -> memref<2x128xi32, #tpu.memory_space<hbm>>
        %dma_start3A_62 = arith.constant 0 : i32
        %dma_start3A_63 = tpu.memref_slice %arg3[%add3A_33, %dma_start3A_62] : memref<2560x128xi32, #tpu.memory_space<hbm>> -> memref<2x128xi32, #tpu.memory_space<hbm>>
        tpu.enqueue_dma source(%dma_start3A_63 : memref<2x128xi32, #tpu.memory_space<hbm>>) target(%arg9 : memref<2x128xi32, #tpu.memory_space<vmem>>) target_semaphore(%run_scoped3A : memref<!tpu.dma_semaphore, #tpu.memory_space<semaphore_mem>>)
        %dma_wait3A_64 = arith.constant 0 : i32
        %dma_wait3A_65 = tpu.memref_slice %arg3[%add3A_33, %dma_wait3A_64] : memref<2560x128xi32, #tpu.memory_space<hbm>> -> memref<2x128xi32, #tpu.memory_space<hbm>>
        %dma_wait3A_66 = arith.constant 0 : i32
        %dma_wait3A_67 = tpu.memref_slice %arg3[%add3A_33, %dma_wait3A_66] : memref<2560x128xi32, #tpu.memory_space<hbm>> -> memref<2x128xi32, #tpu.memory_space<hbm>>
        tpu.wait_dma2 semaphore(%run_scoped3A : memref<!tpu.dma_semaphore, #tpu.memory_space<semaphore_mem>>) src(%dma_wait3A_67 : memref<2x128xi32, #tpu.memory_space<hbm>>) dst(%arg9 : memref<2x128xi32, #tpu.memory_space<vmem>>)
        tpu.yield
      }) : () -> ()
      %dma_wait3A = arith.constant 0 : i32
      %dma_wait3A_34 = arith.constant 0 : i32
      %dma_wait3A_35 = tpu.memref_slice %arg7[%dma_wait3A, %dma_wait3A_34] : memref<120x128xi32, #tpu.memory_space<vmem>> -> memref<120x128xi32, #tpu.memory_space<vmem>>
      %dma_wait3A_36 = arith.constant 0 : i32
      %dma_wait3A_37 = tpu.memref_slice %arg4[%mul3A_22, %dma_wait3A_36] : memref<2560x128xi32, #tpu.memory_space<hbm>> -> memref<120x128xi32, #tpu.memory_space<hbm>>
      %dma_wait3A_38 = arith.constant 0 : i32
      %dma_wait3A_39 = arith.constant 0 : i32
      %dma_wait3A_40 = tpu.memref_slice %arg7[%dma_wait3A_38, %dma_wait3A_39] : memref<120x128xi32, #tpu.memory_space<vmem>> -> memref<120x128xi32, #tpu.memory_space<vmem>>
      %dma_wait3A_41 = arith.constant 0 : i32
      %dma_wait3A_42 = tpu.memref_slice %arg4[%mul3A_22, %dma_wait3A_41] : memref<2560x128xi32, #tpu.memory_space<hbm>> -> memref<120x128xi32, #tpu.memory_space<hbm>>
      tpu.wait_dma2 semaphore(%arg13 : memref<!tpu.dma_semaphore, #tpu.memory_space<semaphore_mem>>) src(%dma_wait3A_42 : memref<120x128xi32, #tpu.memory_space<hbm>>) dst(%dma_wait3A_40 : memref<120x128xi32, #tpu.memory_space<vmem>>)
      %scan3A = arith.constant 0 : i32
      %scan3A_43 = arith.constant 0 : i32
      %scan3A_44 = arith.constant 30 : i32
      %scan3A_45 = arith.addi %scan3A_43, %scan3A_44 : i32
      %scan3A_46 = arith.constant 1 : i32
      scf.for %scan3A_60 = %scan3A_43 to %scan3A_45 step %scan3A_46  : i32 {
        %mul3A_61 = arith.constant 2 : i32
        %mul3A_62 = arith.muli %scan3A_60, %mul3A_61 : i32
        %add3A_63 = arith.constant 0 : i32
        %add3A_64 = arith.addi %mul3A_62, %add3A_63 : i32
        %mul3A_65 = arith.constant 2 : i32
        %mul3A_66 = arith.muli %add3A_64, %mul3A_65 : i32
        %gt3A = arith.constant 0 : i32
        %gt3A_67 = arith.cmpi sgt, %scan3A_60, %gt3A : i32
        %convert_element_type3A_68 = arith.extui %gt3A_67 : i1 to i32
        %cond3A_69 = arith.constant 0 : i32
        %cond3A_70 = arith.cmpi ne, %convert_element_type3A_68, %cond3A_69 : i32
        scf.if %cond3A_70 {
          %dma_wait3A_201 = arith.constant 0 : i32
          %dma_wait3A_202 = arith.constant 0 : i32
          %dma_wait3A_203 = tpu.memref_slice %arg3[%dma_wait3A_201, %dma_wait3A_202] : memref<2560x128xi32, #tpu.memory_space<hbm>> -> memref<2x128xi32, #tpu.memory_space<hbm>>
          %dma_wait3A_204 = arith.constant 0 : i32
          %dma_wait3A_205 = arith.constant 0 : i32
          %dma_wait3A_206 = tpu.memref_slice %arg3[%dma_wait3A_204, %dma_wait3A_205] : memref<2560x128xi32, #tpu.memory_space<hbm>> -> memref<2x128xi32, #tpu.memory_space<hbm>>
          tpu.wait_dma2 semaphore(%arg14 : memref<!tpu.dma_semaphore, #tpu.memory_space<semaphore_mem>>) src(%dma_wait3A_206 : memref<2x128xi32, #tpu.memory_space<hbm>>) dst(%arg8 : memref<2x128xi32, #tpu.memory_space<vmem>>)
        } else {
        }
        %gt3A_71 = arith.constant 0 : i32
        %gt3A_72 = arith.cmpi sgt, %scan3A_60, %gt3A_71 : i32
        %convert_element_type3A_73 = arith.extui %gt3A_72 : i1 to i32
        %cond3A_74 = arith.constant 0 : i32
        %cond3A_75 = arith.cmpi ne, %convert_element_type3A_73, %cond3A_74 : i32
        scf.if %cond3A_75 {
          %dma_wait3A_201 = arith.constant 0 : i32
          %dma_wait3A_202 = arith.constant 0 : i32
          %dma_wait3A_203 = tpu.memref_slice %arg2[%dma_wait3A_201, %dma_wait3A_202] : memref<10000x128xf32, #tpu.memory_space<hbm>> -> memref<128x128xf32, #tpu.memory_space<hbm>>
          %dma_wait3A_204 = arith.constant 0 : i32
          %dma_wait3A_205 = arith.constant 0 : i32
          %dma_wait3A_206 = tpu.memref_slice %arg2[%dma_wait3A_204, %dma_wait3A_205] : memref<10000x128xf32, #tpu.memory_space<hbm>> -> memref<128x128xf32, #tpu.memory_space<hbm>>
          tpu.wait_dma2 semaphore(%arg18 : memref<!tpu.dma_semaphore, #tpu.memory_space<semaphore_mem>>) src(%dma_wait3A_206 : memref<128x128xf32, #tpu.memory_space<hbm>>) dst(%arg10 : memref<128x128xf32, #tpu.memory_space<vmem>>)
        } else {
        }
        %dma_start3A_76 = arith.constant 0 : i32
        %dma_start3A_77 = arith.constant 0 : i32
        %dma_start3A_78 = tpu.memref_slice %arg8[%dma_start3A_76, %dma_start3A_77] : memref<2x128xi32, #tpu.memory_space<vmem>> -> memref<1x128xi32, #tpu.memory_space<vmem>>
        %dma_start3A_79 = tpu.memref_squeeze %dma_start3A_78 : memref<1x128xi32, #tpu.memory_space<vmem>> -> memref<128xi32, #tpu.memory_space<vmem>>
        %dma_start3A_80 = arith.constant 0 : i32
        %dma_start3A_81 = arith.constant 0 : i32
        %dma_start3A_82 = tpu.memref_slice %arg2[%dma_start3A_80, %dma_start3A_81] : memref<10000x128xf32, #tpu.memory_space<hbm>> -> memref<10000x128xf32, #tpu.memory_space<hbm>>
        tpu.enqueue_indirect_dma source(%dma_start3A_82 : memref<10000x128xf32, #tpu.memory_space<hbm>>) target(%arg10 : memref<128x128xf32, #tpu.memory_space<vmem>>) offsets(%dma_start3A_79 : memref<128xi32, #tpu.memory_space<vmem>>) semaphore(%arg16 : memref<!tpu.dma_semaphore, #tpu.memory_space<semaphore_mem>>)
        %gt3A_83 = arith.constant 0 : i32
        %gt3A_84 = arith.cmpi sgt, %scan3A_60, %gt3A_83 : i32
        %convert_element_type3A_85 = arith.extui %gt3A_84 : i1 to i32
        %cond3A_86 = arith.constant 0 : i32
        %cond3A_87 = arith.cmpi ne, %convert_element_type3A_85, %cond3A_86 : i32
        scf.if %cond3A_87 {
          %dma_wait3A_201 = arith.constant 0 : i32
          %dma_wait3A_202 = arith.constant 0 : i32
          %dma_wait3A_203 = tpu.memref_slice %arg2[%dma_wait3A_201, %dma_wait3A_202] : memref<10000x128xf32, #tpu.memory_space<hbm>> -> memref<128x128xf32, #tpu.memory_space<hbm>>
          %dma_wait3A_204 = arith.constant 0 : i32
          %dma_wait3A_205 = arith.constant 0 : i32
          %dma_wait3A_206 = tpu.memref_slice %arg2[%dma_wait3A_204, %dma_wait3A_205] : memref<10000x128xf32, #tpu.memory_space<hbm>> -> memref<128x128xf32, #tpu.memory_space<hbm>>
          tpu.wait_dma2 semaphore(%arg19 : memref<!tpu.dma_semaphore, #tpu.memory_space<semaphore_mem>>) src(%dma_wait3A_206 : memref<128x128xf32, #tpu.memory_space<hbm>>) dst(%arg11 : memref<128x128xf32, #tpu.memory_space<vmem>>)
        } else {
        }
        %dma_start3A_88 = arith.constant 1 : i32
        %dma_start3A_89 = arith.constant 0 : i32
        %dma_start3A_90 = tpu.memref_slice %arg8[%dma_start3A_88, %dma_start3A_89] : memref<2x128xi32, #tpu.memory_space<vmem>> -> memref<1x128xi32, #tpu.memory_space<vmem>>
        %dma_start3A_91 = tpu.memref_squeeze %dma_start3A_90 : memref<1x128xi32, #tpu.memory_space<vmem>> -> memref<128xi32, #tpu.memory_space<vmem>>
        %dma_start3A_92 = arith.constant 0 : i32
        %dma_start3A_93 = arith.constant 0 : i32
        %dma_start3A_94 = tpu.memref_slice %arg2[%dma_start3A_92, %dma_start3A_93] : memref<10000x128xf32, #tpu.memory_space<hbm>> -> memref<10000x128xf32, #tpu.memory_space<hbm>>
        tpu.enqueue_indirect_dma source(%dma_start3A_94 : memref<10000x128xf32, #tpu.memory_space<hbm>>) target(%arg11 : memref<128x128xf32, #tpu.memory_space<vmem>>) offsets(%dma_start3A_91 : memref<128xi32, #tpu.memory_space<vmem>>) semaphore(%arg17 : memref<!tpu.dma_semaphore, #tpu.memory_space<semaphore_mem>>)
        %dma_wait3A_95 = arith.constant 0 : i32
        %dma_wait3A_96 = arith.constant 0 : i32
        %dma_wait3A_97 = tpu.memref_slice %arg8[%dma_wait3A_95, %dma_wait3A_96] : memref<2x128xi32, #tpu.memory_space<vmem>> -> memref<1x128xi32, #tpu.memory_space<vmem>>
        %dma_wait3A_98 = tpu.memref_squeeze %dma_wait3A_97 : memref<1x128xi32, #tpu.memory_space<vmem>> -> memref<128xi32, #tpu.memory_space<vmem>>
        %dma_wait3A_99 = arith.constant 0 : i32
        %dma_wait3A_100 = arith.constant 0 : i32
        %dma_wait3A_101 = tpu.memref_slice %arg2[%dma_wait3A_99, %dma_wait3A_100] : memref<10000x128xf32, #tpu.memory_space<hbm>> -> memref<10000x128xf32, #tpu.memory_space<hbm>>
        tpu.wait_indirect_dma semaphore(%arg16 : memref<!tpu.dma_semaphore, #tpu.memory_space<semaphore_mem>>) src(%dma_wait3A_101 : memref<10000x128xf32, #tpu.memory_space<hbm>>) dst(%arg10 : memref<128x128xf32, #tpu.memory_space<vmem>>)
        %add3A_102 = arith.constant 0 : i32
        %add3A_103 = arith.addi %mul3A_66, %add3A_102 : i32
        %dma_start3A_104 = arith.constant 0 : i32
        %dma_start3A_105 = tpu.memref_slice %arg7[%add3A_103, %dma_start3A_104] : memref<120x128xi32, #tpu.memory_space<vmem>> -> memref<1x128xi32, #tpu.memory_space<vmem>>
        %dma_start3A_106 = tpu.memref_squeeze %dma_start3A_105 : memref<1x128xi32, #tpu.memory_space<vmem>> -> memref<128xi32, #tpu.memory_space<vmem>>
        %dma_start3A_107 = arith.constant 0 : i32
        %dma_start3A_108 = arith.constant 0 : i32
        %dma_start3A_109 = tpu.memref_slice %arg12[%dma_start3A_107, %dma_start3A_108] : memref<10240x128xf32, #tpu.memory_space<vmem_shared>> -> memref<10240x128xf32, #tpu.memory_space<vmem_shared>>
        tpu.enqueue_indirect_dma source(%arg10 : memref<128x128xf32, #tpu.memory_space<vmem>>) target(%dma_start3A_109 : memref<10240x128xf32, #tpu.memory_space<vmem_shared>>) offsets(%dma_start3A_106 : memref<128xi32, #tpu.memory_space<vmem>>) semaphore(%arg18 : memref<!tpu.dma_semaphore, #tpu.memory_space<semaphore_mem>>) {add = true}
        %dma_wait3A_110 = arith.constant 1 : i32
        %dma_wait3A_111 = arith.constant 0 : i32
        %dma_wait3A_112 = tpu.memref_slice %arg8[%dma_wait3A_110, %dma_wait3A_111] : memref<2x128xi32, #tpu.memory_space<vmem>> -> memref<1x128xi32, #tpu.memory_space<vmem>>
        %dma_wait3A_113 = tpu.memref_squeeze %dma_wait3A_112 : memref<1x128xi32, #tpu.memory_space<vmem>> -> memref<128xi32, #tpu.memory_space<vmem>>
        %dma_wait3A_114 = arith.constant 0 : i32
        %dma_wait3A_115 = arith.constant 0 : i32
        %dma_wait3A_116 = tpu.memref_slice %arg2[%dma_wait3A_114, %dma_wait3A_115] : memref<10000x128xf32, #tpu.memory_space<hbm>> -> memref<10000x128xf32, #tpu.memory_space<hbm>>
        tpu.wait_indirect_dma semaphore(%arg17 : memref<!tpu.dma_semaphore, #tpu.memory_space<semaphore_mem>>) src(%dma_wait3A_116 : memref<10000x128xf32, #tpu.memory_space<hbm>>) dst(%arg11 : memref<128x128xf32, #tpu.memory_space<vmem>>)
        %add3A_117 = arith.constant 1 : i32
        %add3A_118 = arith.addi %mul3A_66, %add3A_117 : i32
        %dma_start3A_119 = arith.constant 0 : i32
        %dma_start3A_120 = tpu.memref_slice %arg7[%add3A_118, %dma_start3A_119] : memref<120x128xi32, #tpu.memory_space<vmem>> -> memref<1x128xi32, #tpu.memory_space<vmem>>
        %dma_start3A_121 = tpu.memref_squeeze %dma_start3A_120 : memref<1x128xi32, #tpu.memory_space<vmem>> -> memref<128xi32, #tpu.memory_space<vmem>>
        %dma_start3A_122 = arith.constant 0 : i32
        %dma_start3A_123 = arith.constant 0 : i32
        %dma_start3A_124 = tpu.memref_slice %arg12[%dma_start3A_122, %dma_start3A_123] : memref<10240x128xf32, #tpu.memory_space<vmem_shared>> -> memref<10240x128xf32, #tpu.memory_space<vmem_shared>>
        tpu.enqueue_indirect_dma source(%arg11 : memref<128x128xf32, #tpu.memory_space<vmem>>) target(%dma_start3A_124 : memref<10240x128xf32, #tpu.memory_space<vmem_shared>>) offsets(%dma_start3A_121 : memref<128xi32, #tpu.memory_space<vmem>>) semaphore(%arg19 : memref<!tpu.dma_semaphore, #tpu.memory_space<semaphore_mem>>) {add = true}
        %lt3A = arith.constant 29 : i32
        %lt3A_125 = arith.cmpi slt, %scan3A_60, %lt3A : i32
        %convert_element_type3A_126 = arith.extui %lt3A_125 : i1 to i32
        %cond3A_127 = arith.constant 0 : i32
        %cond3A_128 = arith.cmpi ne, %convert_element_type3A_126, %cond3A_127 : i32
        scf.if %cond3A_128 {
          %add3A_201 = arith.addi %mul3A_22, %mul3A_66 : i32
          %add3A_202 = arith.constant 4 : i32
          %add3A_203 = arith.addi %add3A_201, %add3A_202 : i32
          %dma_start3A_204 = arith.constant 0 : i32
          %dma_start3A_205 = tpu.memref_slice %arg3[%add3A_203, %dma_start3A_204] : memref<2560x128xi32, #tpu.memory_space<hbm>> -> memref<2x128xi32, #tpu.memory_space<hbm>>
          %dma_start3A_206 = arith.constant 0 : i32
          %dma_start3A_207 = tpu.memref_slice %arg3[%add3A_203, %dma_start3A_206] : memref<2560x128xi32, #tpu.memory_space<hbm>> -> memref<2x128xi32, #tpu.memory_space<hbm>>
          tpu.enqueue_dma source(%dma_start3A_207 : memref<2x128xi32, #tpu.memory_space<hbm>>) target(%arg8 : memref<2x128xi32, #tpu.memory_space<vmem>>) target_semaphore(%arg14 : memref<!tpu.dma_semaphore, #tpu.memory_space<semaphore_mem>>)
        } else {
        }
        %mul3A_129 = arith.constant 2 : i32
        %mul3A_130 = arith.muli %scan3A_60, %mul3A_129 : i32
        %add3A_131 = arith.constant 1 : i32
        %add3A_132 = arith.addi %mul3A_130, %add3A_131 : i32
        %mul3A_133 = arith.constant 2 : i32
        %mul3A_134 = arith.muli %add3A_132, %mul3A_133 : i32
        %gt3A_135 = arith.constant 0 : i32
        %gt3A_136 = arith.cmpi sgt, %scan3A_60, %gt3A_135 : i32
        %convert_element_type3A_137 = arith.extui %gt3A_136 : i1 to i32
        %cond3A_138 = arith.constant 0 : i32
        %cond3A_139 = arith.cmpi ne, %convert_element_type3A_137, %cond3A_138 : i32
        scf.if %cond3A_139 {
          %dma_wait3A_201 = arith.constant 0 : i32
          %dma_wait3A_202 = arith.constant 0 : i32
          %dma_wait3A_203 = tpu.memref_slice %arg3[%dma_wait3A_201, %dma_wait3A_202] : memref<2560x128xi32, #tpu.memory_space<hbm>> -> memref<2x128xi32, #tpu.memory_space<hbm>>
          %dma_wait3A_204 = arith.constant 0 : i32
          %dma_wait3A_205 = arith.constant 0 : i32
          %dma_wait3A_206 = tpu.memref_slice %arg3[%dma_wait3A_204, %dma_wait3A_205] : memref<2560x128xi32, #tpu.memory_space<hbm>> -> memref<2x128xi32, #tpu.memory_space<hbm>>
          tpu.wait_dma2 semaphore(%arg15 : memref<!tpu.dma_semaphore, #tpu.memory_space<semaphore_mem>>) src(%dma_wait3A_206 : memref<2x128xi32, #tpu.memory_space<hbm>>) dst(%arg9 : memref<2x128xi32, #tpu.memory_space<vmem>>)
        } else {
        }
        %dma_wait3A_140 = arith.constant 0 : i32
        %dma_wait3A_141 = arith.constant 0 : i32
        %dma_wait3A_142 = tpu.memref_slice %arg2[%dma_wait3A_140, %dma_wait3A_141] : memref<10000x128xf32, #tpu.memory_space<hbm>> -> memref<128x128xf32, #tpu.memory_space<hbm>>
        %dma_wait3A_143 = arith.constant 0 : i32
        %dma_wait3A_144 = arith.constant 0 : i32
        %dma_wait3A_145 = tpu.memref_slice %arg2[%dma_wait3A_143, %dma_wait3A_144] : memref<10000x128xf32, #tpu.memory_space<hbm>> -> memref<128x128xf32, #tpu.memory_space<hbm>>
        tpu.wait_dma2 semaphore(%arg18 : memref<!tpu.dma_semaphore, #tpu.memory_space<semaphore_mem>>) src(%dma_wait3A_145 : memref<128x128xf32, #tpu.memory_space<hbm>>) dst(%arg10 : memref<128x128xf32, #tpu.memory_space<vmem>>)
        %dma_start3A_146 = arith.constant 0 : i32
        %dma_start3A_147 = arith.constant 0 : i32
        %dma_start3A_148 = tpu.memref_slice %arg9[%dma_start3A_146, %dma_start3A_147] : memref<2x128xi32, #tpu.memory_space<vmem>> -> memref<1x128xi32, #tpu.memory_space<vmem>>
        %dma_start3A_149 = tpu.memref_squeeze %dma_start3A_148 : memref<1x128xi32, #tpu.memory_space<vmem>> -> memref<128xi32, #tpu.memory_space<vmem>>
        %dma_start3A_150 = arith.constant 0 : i32
        %dma_start3A_151 = arith.constant 0 : i32
        %dma_start3A_152 = tpu.memref_slice %arg2[%dma_start3A_150, %dma_start3A_151] : memref<10000x128xf32, #tpu.memory_space<hbm>> -> memref<10000x128xf32, #tpu.memory_space<hbm>>
        tpu.enqueue_indirect_dma source(%dma_start3A_152 : memref<10000x128xf32, #tpu.memory_space<hbm>>) target(%arg10 : memref<128x128xf32, #tpu.memory_space<vmem>>) offsets(%dma_start3A_149 : memref<128xi32, #tpu.memory_space<vmem>>) semaphore(%arg16 : memref<!tpu.dma_semaphore, #tpu.memory_space<semaphore_mem>>)
        %dma_wait3A_153 = arith.constant 0 : i32
        %dma_wait3A_154 = arith.constant 0 : i32
        %dma_wait3A_155 = tpu.memref_slice %arg2[%dma_wait3A_153, %dma_wait3A_154] : memref<10000x128xf32, #tpu.memory_space<hbm>> -> memref<128x128xf32, #tpu.memory_space<hbm>>
        %dma_wait3A_156 = arith.constant 0 : i32
        %dma_wait3A_157 = arith.constant 0 : i32
        %dma_wait3A_158 = tpu.memref_slice %arg2[%dma_wait3A_156, %dma_wait3A_157] : memref<10000x128xf32, #tpu.memory_space<hbm>> -> memref<128x128xf32, #tpu.memory_space<hbm>>
        tpu.wait_dma2 semaphore(%arg19 : memref<!tpu.dma_semaphore, #tpu.memory_space<semaphore_mem>>) src(%dma_wait3A_158 : memref<128x128xf32, #tpu.memory_space<hbm>>) dst(%arg11 : memref<128x128xf32, #tpu.memory_space<vmem>>)
        %dma_start3A_159 = arith.constant 1 : i32
        %dma_start3A_160 = arith.constant 0 : i32
        %dma_start3A_161 = tpu.memref_slice %arg9[%dma_start3A_159, %dma_start3A_160] : memref<2x128xi32, #tpu.memory_space<vmem>> -> memref<1x128xi32, #tpu.memory_space<vmem>>
        %dma_start3A_162 = tpu.memref_squeeze %dma_start3A_161 : memref<1x128xi32, #tpu.memory_space<vmem>> -> memref<128xi32, #tpu.memory_space<vmem>>
        %dma_start3A_163 = arith.constant 0 : i32
        %dma_start3A_164 = arith.constant 0 : i32
        %dma_start3A_165 = tpu.memref_slice %arg2[%dma_start3A_163, %dma_start3A_164] : memref<10000x128xf32, #tpu.memory_space<hbm>> -> memref<10000x128xf32, #tpu.memory_space<hbm>>
        tpu.enqueue_indirect_dma source(%dma_start3A_165 : memref<10000x128xf32, #tpu.memory_space<hbm>>) target(%arg11 : memref<128x128xf32, #tpu.memory_space<vmem>>) offsets(%dma_start3A_162 : memref<128xi32, #tpu.memory_space<vmem>>) semaphore(%arg17 : memref<!tpu.dma_semaphore, #tpu.memory_space<semaphore_mem>>)
        %dma_wait3A_166 = arith.constant 0 : i32
        %dma_wait3A_167 = arith.constant 0 : i32
        %dma_wait3A_168 = tpu.memref_slice %arg9[%dma_wait3A_166, %dma_wait3A_167] : memref<2x128xi32, #tpu.memory_space<vmem>> -> memref<1x128xi32, #tpu.memory_space<vmem>>
        %dma_wait3A_169 = tpu.memref_squeeze %dma_wait3A_168 : memref<1x128xi32, #tpu.memory_space<vmem>> -> memref<128xi32, #tpu.memory_space<vmem>>
        %dma_wait3A_170 = arith.constant 0 : i32
        %dma_wait3A_171 = arith.constant 0 : i32
        %dma_wait3A_172 = tpu.memref_slice %arg2[%dma_wait3A_170, %dma_wait3A_171] : memref<10000x128xf32, #tpu.memory_space<hbm>> -> memref<10000x128xf32, #tpu.memory_space<hbm>>
        tpu.wait_indirect_dma semaphore(%arg16 : memref<!tpu.dma_semaphore, #tpu.memory_space<semaphore_mem>>) src(%dma_wait3A_172 : memref<10000x128xf32, #tpu.memory_space<hbm>>) dst(%arg10 : memref<128x128xf32, #tpu.memory_space<vmem>>)
        %add3A_173 = arith.constant 0 : i32
        %add3A_174 = arith.addi %mul3A_134, %add3A_173 : i32
        %dma_start3A_175 = arith.constant 0 : i32
        %dma_start3A_176 = tpu.memref_slice %arg7[%add3A_174, %dma_start3A_175] : memref<120x128xi32, #tpu.memory_space<vmem>> -> memref<1x128xi32, #tpu.memory_space<vmem>>
        %dma_start3A_177 = tpu.memref_squeeze %dma_start3A_176 : memref<1x128xi32, #tpu.memory_space<vmem>> -> memref<128xi32, #tpu.memory_space<vmem>>
        %dma_start3A_178 = arith.constant 0 : i32
        %dma_start3A_179 = arith.constant 0 : i32
        %dma_start3A_180 = tpu.memref_slice %arg12[%dma_start3A_178, %dma_start3A_179] : memref<10240x128xf32, #tpu.memory_space<vmem_shared>> -> memref<10240x128xf32, #tpu.memory_space<vmem_shared>>
        tpu.enqueue_indirect_dma source(%arg10 : memref<128x128xf32, #tpu.memory_space<vmem>>) target(%dma_start3A_180 : memref<10240x128xf32, #tpu.memory_space<vmem_shared>>) offsets(%dma_start3A_177 : memref<128xi32, #tpu.memory_space<vmem>>) semaphore(%arg18 : memref<!tpu.dma_semaphore, #tpu.memory_space<semaphore_mem>>) {add = true}
        %dma_wait3A_181 = arith.constant 1 : i32
        %dma_wait3A_182 = arith.constant 0 : i32
        %dma_wait3A_183 = tpu.memref_slice %arg9[%dma_wait3A_181, %dma_wait3A_182] : memref<2x128xi32, #tpu.memory_space<vmem>> -> memref<1x128xi32, #tpu.memory_space<vmem>>
        %dma_wait3A_184 = tpu.memref_squeeze %dma_wait3A_183 : memref<1x128xi32, #tpu.memory_space<vmem>> -> memref<128xi32, #tpu.memory_space<vmem>>
        %dma_wait3A_185 = arith.constant 0 : i32
        %dma_wait3A_186 = arith.constant 0 : i32
        %dma_wait3A_187 = tpu.memref_slice %arg2[%dma_wait3A_185, %dma_wait3A_186] : memref<10000x128xf32, #tpu.memory_space<hbm>> -> memref<10000x128xf32, #tpu.memory_space<hbm>>
        tpu.wait_indirect_dma semaphore(%arg17 : memref<!tpu.dma_semaphore, #tpu.memory_space<semaphore_mem>>) src(%dma_wait3A_187 : memref<10000x128xf32, #tpu.memory_space<hbm>>) dst(%arg11 : memref<128x128xf32, #tpu.memory_space<vmem>>)
        %add3A_188 = arith.constant 1 : i32
        %add3A_189 = arith.addi %mul3A_134, %add3A_188 : i32
        %dma_start3A_190 = arith.constant 0 : i32
        %dma_start3A_191 = tpu.memref_slice %arg7[%add3A_189, %dma_start3A_190] : memref<120x128xi32, #tpu.memory_space<vmem>> -> memref<1x128xi32, #tpu.memory_space<vmem>>
        %dma_start3A_192 = tpu.memref_squeeze %dma_start3A_191 : memref<1x128xi32, #tpu.memory_space<vmem>> -> memref<128xi32, #tpu.memory_space<vmem>>
        %dma_start3A_193 = arith.constant 0 : i32
        %dma_start3A_194 = arith.constant 0 : i32
        %dma_start3A_195 = tpu.memref_slice %arg12[%dma_start3A_193, %dma_start3A_194] : memref<10240x128xf32, #tpu.memory_space<vmem_shared>> -> memref<10240x128xf32, #tpu.memory_space<vmem_shared>>
        tpu.enqueue_indirect_dma source(%arg11 : memref<128x128xf32, #tpu.memory_space<vmem>>) target(%dma_start3A_195 : memref<10240x128xf32, #tpu.memory_space<vmem_shared>>) offsets(%dma_start3A_192 : memref<128xi32, #tpu.memory_space<vmem>>) semaphore(%arg19 : memref<!tpu.dma_semaphore, #tpu.memory_space<semaphore_mem>>) {add = true}
        %lt3A_196 = arith.constant 29 : i32
        %lt3A_197 = arith.cmpi slt, %scan3A_60, %lt3A_196 : i32
        %convert_element_type3A_198 = arith.extui %lt3A_197 : i1 to i32
        %cond3A_199 = arith.constant 0 : i32
        %cond3A_200 = arith.cmpi ne, %convert_element_type3A_198, %cond3A_199 : i32
        scf.if %cond3A_200 {
          %add3A_201 = arith.addi %mul3A_22, %mul3A_134 : i32
          %add3A_202 = arith.constant 4 : i32
          %add3A_203 = arith.addi %add3A_201, %add3A_202 : i32
          %dma_start3A_204 = arith.constant 0 : i32
          %dma_start3A_205 = tpu.memref_slice %arg3[%add3A_203, %dma_start3A_204] : memref<2560x128xi32, #tpu.memory_space<hbm>> -> memref<2x128xi32, #tpu.memory_space<hbm>>
          %dma_start3A_206 = arith.constant 0 : i32
          %dma_start3A_207 = tpu.memref_slice %arg3[%add3A_203, %dma_start3A_206] : memref<2560x128xi32, #tpu.memory_space<hbm>> -> memref<2x128xi32, #tpu.memory_space<hbm>>
          tpu.enqueue_dma source(%dma_start3A_207 : memref<2x128xi32, #tpu.memory_space<hbm>>) target(%arg9 : memref<2x128xi32, #tpu.memory_space<vmem>>) target_semaphore(%arg15 : memref<!tpu.dma_semaphore, #tpu.memory_space<semaphore_mem>>)
        } else {
        }
      }
      %scan3A_47 = arith.constant 30 : i32
      %dma_wait3A_48 = arith.constant 0 : i32
      %dma_wait3A_49 = arith.constant 0 : i32
      %dma_wait3A_50 = tpu.memref_slice %arg2[%dma_wait3A_48, %dma_wait3A_49] : memref<10000x128xf32, #tpu.memory_space<hbm>> -> memref<128x128xf32, #tpu.memory_space<hbm>>
      %dma_wait3A_51 = arith.constant 0 : i32
      %dma_wait3A_52 = arith.constant 0 : i32
      %dma_wait3A_53 = tpu.memref_slice %arg2[%dma_wait3A_51, %dma_wait3A_52] : memref<10000x128xf32, #tpu.memory_space<hbm>> -> memref<128x128xf32, #tpu.memory_space<hbm>>
      tpu.wait_dma2 semaphore(%arg18 : memref<!tpu.dma_semaphore, #tpu.memory_space<semaphore_mem>>) src(%dma_wait3A_53 : memref<128x128xf32, #tpu.memory_space<hbm>>) dst(%arg10 : memref<128x128xf32, #tpu.memory_space<vmem>>)
      %dma_wait3A_54 = arith.constant 0 : i32
      %dma_wait3A_55 = arith.constant 0 : i32
      %dma_wait3A_56 = tpu.memref_slice %arg2[%dma_wait3A_54, %dma_wait3A_55] : memref<10000x128xf32, #tpu.memory_space<hbm>> -> memref<128x128xf32, #tpu.memory_space<hbm>>
      %dma_wait3A_57 = arith.constant 0 : i32
      %dma_wait3A_58 = arith.constant 0 : i32
      %dma_wait3A_59 = tpu.memref_slice %arg2[%dma_wait3A_57, %dma_wait3A_58] : memref<10000x128xf32, #tpu.memory_space<hbm>> -> memref<128x128xf32, #tpu.memory_space<hbm>>
      tpu.wait_dma2 semaphore(%arg19 : memref<!tpu.dma_semaphore, #tpu.memory_space<semaphore_mem>>) src(%dma_wait3A_59 : memref<128x128xf32, #tpu.memory_space<hbm>>) dst(%arg11 : memref<128x128xf32, #tpu.memory_space<vmem>>)
    } else {
    }
    %eq3A_12 = arith.constant 1 : i32
    %eq3A_13 = arith.cmpi eq, %arg0, %eq3A_12 : i32
    %convert_element_type3A_14 = arith.extui %eq3A_13 : i1 to i32
    %cond3A_15 = arith.constant 0 : i32
    %cond3A_16 = arith.cmpi ne, %convert_element_type3A_14, %cond3A_15 : i32
    scf.if %cond3A_16 {
      %mul3A_21 = arith.constant 40 : i32
      %mul3A_22 = arith.muli %arg1, %mul3A_21 : i32
      %add3A_23 = arith.constant 1920 : i32
      %add3A_24 = arith.addi %add3A_23, %mul3A_22 : i32
      %dma_start3A = arith.constant 0 : i32
      %dma_start3A_25 = arith.constant 0 : i32
      %dma_start3A_26 = tpu.memref_slice %arg7[%dma_start3A, %dma_start3A_25] : memref<120x128xi32, #tpu.memory_space<vmem>> -> memref<40x128xi32, #tpu.memory_space<vmem>>
      %dma_start3A_27 = arith.constant 0 : i32
      %dma_start3A_28 = tpu.memref_slice %arg4[%add3A_24, %dma_start3A_27] : memref<2560x128xi32, #tpu.memory_space<hbm>> -> memref<40x128xi32, #tpu.memory_space<hbm>>
      %dma_start3A_29 = arith.constant 0 : i32
      %dma_start3A_30 = arith.constant 0 : i32
      %dma_start3A_31 = tpu.memref_slice %arg7[%dma_start3A_29, %dma_start3A_30] : memref<120x128xi32, #tpu.memory_space<vmem>> -> memref<40x128xi32, #tpu.memory_space<vmem>>
      %dma_start3A_32 = arith.constant 0 : i32
      %dma_start3A_33 = tpu.memref_slice %arg4[%add3A_24, %dma_start3A_32] : memref<2560x128xi32, #tpu.memory_space<hbm>> -> memref<40x128xi32, #tpu.memory_space<hbm>>
      tpu.enqueue_dma source(%dma_start3A_33 : memref<40x128xi32, #tpu.memory_space<hbm>>) target(%dma_start3A_31 : memref<40x128xi32, #tpu.memory_space<vmem>>) target_semaphore(%arg13 : memref<!tpu.dma_semaphore, #tpu.memory_space<semaphore_mem>>)
      "tpu.region"() ({
        %run_scoped3A = tpu.sem_alloc : memref<!tpu.dma_semaphore, #tpu.memory_space<semaphore_mem>>
        %dma_start3A_62 = arith.constant 0 : i32
        %dma_start3A_63 = tpu.memref_slice %arg3[%add3A_24, %dma_start3A_62] : memref<2560x128xi32, #tpu.memory_space<hbm>> -> memref<2x128xi32, #tpu.memory_space<hbm>>
        %dma_start3A_64 = arith.constant 0 : i32
        %dma_start3A_65 = tpu.memref_slice %arg3[%add3A_24, %dma_start3A_64] : memref<2560x128xi32, #tpu.memory_space<hbm>> -> memref<2x128xi32, #tpu.memory_space<hbm>>
        tpu.enqueue_dma source(%dma_start3A_65 : memref<2x128xi32, #tpu.memory_space<hbm>>) target(%arg8 : memref<2x128xi32, #tpu.memory_space<vmem>>) target_semaphore(%run_scoped3A : memref<!tpu.dma_semaphore, #tpu.memory_space<semaphore_mem>>)
        %dma_wait3A_66 = arith.constant 0 : i32
        %dma_wait3A_67 = tpu.memref_slice %arg3[%add3A_24, %dma_wait3A_66] : memref<2560x128xi32, #tpu.memory_space<hbm>> -> memref<2x128xi32, #tpu.memory_space<hbm>>
        %dma_wait3A_68 = arith.constant 0 : i32
        %dma_wait3A_69 = tpu.memref_slice %arg3[%add3A_24, %dma_wait3A_68] : memref<2560x128xi32, #tpu.memory_space<hbm>> -> memref<2x128xi32, #tpu.memory_space<hbm>>
        tpu.wait_dma2 semaphore(%run_scoped3A : memref<!tpu.dma_semaphore, #tpu.memory_space<semaphore_mem>>) src(%dma_wait3A_69 : memref<2x128xi32, #tpu.memory_space<hbm>>) dst(%arg8 : memref<2x128xi32, #tpu.memory_space<vmem>>)
        tpu.yield
      }) : () -> ()
      %add3A_34 = arith.constant 2 : i32
      %add3A_35 = arith.addi %add3A_24, %add3A_34 : i32
      "tpu.region"() ({
        %run_scoped3A = tpu.sem_alloc : memref<!tpu.dma_semaphore, #tpu.memory_space<semaphore_mem>>
        %dma_start3A_62 = arith.constant 0 : i32
        %dma_start3A_63 = tpu.memref_slice %arg3[%add3A_35, %dma_start3A_62] : memref<2560x128xi32, #tpu.memory_space<hbm>> -> memref<2x128xi32, #tpu.memory_space<hbm>>
        %dma_start3A_64 = arith.constant 0 : i32
        %dma_start3A_65 = tpu.memref_slice %arg3[%add3A_35, %dma_start3A_64] : memref<2560x128xi32, #tpu.memory_space<hbm>> -> memref<2x128xi32, #tpu.memory_space<hbm>>
        tpu.enqueue_dma source(%dma_start3A_65 : memref<2x128xi32, #tpu.memory_space<hbm>>) target(%arg9 : memref<2x128xi32, #tpu.memory_space<vmem>>) target_semaphore(%run_scoped3A : memref<!tpu.dma_semaphore, #tpu.memory_space<semaphore_mem>>)
        %dma_wait3A_66 = arith.constant 0 : i32
        %dma_wait3A_67 = tpu.memref_slice %arg3[%add3A_35, %dma_wait3A_66] : memref<2560x128xi32, #tpu.memory_space<hbm>> -> memref<2x128xi32, #tpu.memory_space<hbm>>
        %dma_wait3A_68 = arith.constant 0 : i32
        %dma_wait3A_69 = tpu.memref_slice %arg3[%add3A_35, %dma_wait3A_68] : memref<2560x128xi32, #tpu.memory_space<hbm>> -> memref<2x128xi32, #tpu.memory_space<hbm>>
        tpu.wait_dma2 semaphore(%run_scoped3A : memref<!tpu.dma_semaphore, #tpu.memory_space<semaphore_mem>>) src(%dma_wait3A_69 : memref<2x128xi32, #tpu.memory_space<hbm>>) dst(%arg9 : memref<2x128xi32, #tpu.memory_space<vmem>>)
        tpu.yield
      }) : () -> ()
      %dma_wait3A = arith.constant 0 : i32
      %dma_wait3A_36 = arith.constant 0 : i32
      %dma_wait3A_37 = tpu.memref_slice %arg7[%dma_wait3A, %dma_wait3A_36] : memref<120x128xi32, #tpu.memory_space<vmem>> -> memref<40x128xi32, #tpu.memory_space<vmem>>
      %dma_wait3A_38 = arith.constant 0 : i32
      %dma_wait3A_39 = tpu.memref_slice %arg4[%add3A_24, %dma_wait3A_38] : memref<2560x128xi32, #tpu.memory_space<hbm>> -> memref<40x128xi32, #tpu.memory_space<hbm>>
      %dma_wait3A_40 = arith.constant 0 : i32
      %dma_wait3A_41 = arith.constant 0 : i32
      %dma_wait3A_42 = tpu.memref_slice %arg7[%dma_wait3A_40, %dma_wait3A_41] : memref<120x128xi32, #tpu.memory_space<vmem>> -> memref<40x128xi32, #tpu.memory_space<vmem>>
      %dma_wait3A_43 = arith.constant 0 : i32
      %dma_wait3A_44 = tpu.memref_slice %arg4[%add3A_24, %dma_wait3A_43] : memref<2560x128xi32, #tpu.memory_space<hbm>> -> memref<40x128xi32, #tpu.memory_space<hbm>>
      tpu.wait_dma2 semaphore(%arg13 : memref<!tpu.dma_semaphore, #tpu.memory_space<semaphore_mem>>) src(%dma_wait3A_44 : memref<40x128xi32, #tpu.memory_space<hbm>>) dst(%dma_wait3A_42 : memref<40x128xi32, #tpu.memory_space<vmem>>)
      %scan3A = arith.constant 0 : i32
      %scan3A_45 = arith.constant 0 : i32
      %scan3A_46 = arith.constant 10 : i32
      %scan3A_47 = arith.addi %scan3A_45, %scan3A_46 : i32
      %scan3A_48 = arith.constant 1 : i32
      scf.for %scan3A_62 = %scan3A_45 to %scan3A_47 step %scan3A_48  : i32 {
        %mul3A_63 = arith.constant 2 : i32
        %mul3A_64 = arith.muli %scan3A_62, %mul3A_63 : i32
        %add3A_65 = arith.constant 0 : i32
        %add3A_66 = arith.addi %mul3A_64, %add3A_65 : i32
        %mul3A_67 = arith.constant 2 : i32
        %mul3A_68 = arith.muli %add3A_66, %mul3A_67 : i32
        %gt3A = arith.constant 0 : i32
        %gt3A_69 = arith.cmpi sgt, %scan3A_62, %gt3A : i32
        %convert_element_type3A_70 = arith.extui %gt3A_69 : i1 to i32
        %cond3A_71 = arith.constant 0 : i32
        %cond3A_72 = arith.cmpi ne, %convert_element_type3A_70, %cond3A_71 : i32
        scf.if %cond3A_72 {
          %dma_wait3A_203 = arith.constant 0 : i32
          %dma_wait3A_204 = arith.constant 0 : i32
          %dma_wait3A_205 = tpu.memref_slice %arg3[%dma_wait3A_203, %dma_wait3A_204] : memref<2560x128xi32, #tpu.memory_space<hbm>> -> memref<2x128xi32, #tpu.memory_space<hbm>>
          %dma_wait3A_206 = arith.constant 0 : i32
          %dma_wait3A_207 = arith.constant 0 : i32
          %dma_wait3A_208 = tpu.memref_slice %arg3[%dma_wait3A_206, %dma_wait3A_207] : memref<2560x128xi32, #tpu.memory_space<hbm>> -> memref<2x128xi32, #tpu.memory_space<hbm>>
          tpu.wait_dma2 semaphore(%arg14 : memref<!tpu.dma_semaphore, #tpu.memory_space<semaphore_mem>>) src(%dma_wait3A_208 : memref<2x128xi32, #tpu.memory_space<hbm>>) dst(%arg8 : memref<2x128xi32, #tpu.memory_space<vmem>>)
        } else {
        }
        %gt3A_73 = arith.constant 0 : i32
        %gt3A_74 = arith.cmpi sgt, %scan3A_62, %gt3A_73 : i32
        %convert_element_type3A_75 = arith.extui %gt3A_74 : i1 to i32
        %cond3A_76 = arith.constant 0 : i32
        %cond3A_77 = arith.cmpi ne, %convert_element_type3A_75, %cond3A_76 : i32
        scf.if %cond3A_77 {
          %dma_wait3A_203 = arith.constant 0 : i32
          %dma_wait3A_204 = arith.constant 0 : i32
          %dma_wait3A_205 = tpu.memref_slice %arg2[%dma_wait3A_203, %dma_wait3A_204] : memref<10000x128xf32, #tpu.memory_space<hbm>> -> memref<128x128xf32, #tpu.memory_space<hbm>>
          %dma_wait3A_206 = arith.constant 0 : i32
          %dma_wait3A_207 = arith.constant 0 : i32
          %dma_wait3A_208 = tpu.memref_slice %arg2[%dma_wait3A_206, %dma_wait3A_207] : memref<10000x128xf32, #tpu.memory_space<hbm>> -> memref<128x128xf32, #tpu.memory_space<hbm>>
          tpu.wait_dma2 semaphore(%arg18 : memref<!tpu.dma_semaphore, #tpu.memory_space<semaphore_mem>>) src(%dma_wait3A_208 : memref<128x128xf32, #tpu.memory_space<hbm>>) dst(%arg10 : memref<128x128xf32, #tpu.memory_space<vmem>>)
        } else {
        }
        %dma_start3A_78 = arith.constant 0 : i32
        %dma_start3A_79 = arith.constant 0 : i32
        %dma_start3A_80 = tpu.memref_slice %arg8[%dma_start3A_78, %dma_start3A_79] : memref<2x128xi32, #tpu.memory_space<vmem>> -> memref<1x128xi32, #tpu.memory_space<vmem>>
        %dma_start3A_81 = tpu.memref_squeeze %dma_start3A_80 : memref<1x128xi32, #tpu.memory_space<vmem>> -> memref<128xi32, #tpu.memory_space<vmem>>
        %dma_start3A_82 = arith.constant 0 : i32
        %dma_start3A_83 = arith.constant 0 : i32
        %dma_start3A_84 = tpu.memref_slice %arg2[%dma_start3A_82, %dma_start3A_83] : memref<10000x128xf32, #tpu.memory_space<hbm>> -> memref<10000x128xf32, #tpu.memory_space<hbm>>
        tpu.enqueue_indirect_dma source(%dma_start3A_84 : memref<10000x128xf32, #tpu.memory_space<hbm>>) target(%arg10 : memref<128x128xf32, #tpu.memory_space<vmem>>) offsets(%dma_start3A_81 : memref<128xi32, #tpu.memory_space<vmem>>) semaphore(%arg16 : memref<!tpu.dma_semaphore, #tpu.memory_space<semaphore_mem>>)
        %gt3A_85 = arith.constant 0 : i32
        %gt3A_86 = arith.cmpi sgt, %scan3A_62, %gt3A_85 : i32
        %convert_element_type3A_87 = arith.extui %gt3A_86 : i1 to i32
        %cond3A_88 = arith.constant 0 : i32
        %cond3A_89 = arith.cmpi ne, %convert_element_type3A_87, %cond3A_88 : i32
        scf.if %cond3A_89 {
          %dma_wait3A_203 = arith.constant 0 : i32
          %dma_wait3A_204 = arith.constant 0 : i32
          %dma_wait3A_205 = tpu.memref_slice %arg2[%dma_wait3A_203, %dma_wait3A_204] : memref<10000x128xf32, #tpu.memory_space<hbm>> -> memref<128x128xf32, #tpu.memory_space<hbm>>
          %dma_wait3A_206 = arith.constant 0 : i32
          %dma_wait3A_207 = arith.constant 0 : i32
          %dma_wait3A_208 = tpu.memref_slice %arg2[%dma_wait3A_206, %dma_wait3A_207] : memref<10000x128xf32, #tpu.memory_space<hbm>> -> memref<128x128xf32, #tpu.memory_space<hbm>>
          tpu.wait_dma2 semaphore(%arg19 : memref<!tpu.dma_semaphore, #tpu.memory_space<semaphore_mem>>) src(%dma_wait3A_208 : memref<128x128xf32, #tpu.memory_space<hbm>>) dst(%arg11 : memref<128x128xf32, #tpu.memory_space<vmem>>)
        } else {
        }
        %dma_start3A_90 = arith.constant 1 : i32
        %dma_start3A_91 = arith.constant 0 : i32
        %dma_start3A_92 = tpu.memref_slice %arg8[%dma_start3A_90, %dma_start3A_91] : memref<2x128xi32, #tpu.memory_space<vmem>> -> memref<1x128xi32, #tpu.memory_space<vmem>>
        %dma_start3A_93 = tpu.memref_squeeze %dma_start3A_92 : memref<1x128xi32, #tpu.memory_space<vmem>> -> memref<128xi32, #tpu.memory_space<vmem>>
        %dma_start3A_94 = arith.constant 0 : i32
        %dma_start3A_95 = arith.constant 0 : i32
        %dma_start3A_96 = tpu.memref_slice %arg2[%dma_start3A_94, %dma_start3A_95] : memref<10000x128xf32, #tpu.memory_space<hbm>> -> memref<10000x128xf32, #tpu.memory_space<hbm>>
        tpu.enqueue_indirect_dma source(%dma_start3A_96 : memref<10000x128xf32, #tpu.memory_space<hbm>>) target(%arg11 : memref<128x128xf32, #tpu.memory_space<vmem>>) offsets(%dma_start3A_93 : memref<128xi32, #tpu.memory_space<vmem>>) semaphore(%arg17 : memref<!tpu.dma_semaphore, #tpu.memory_space<semaphore_mem>>)
        %dma_wait3A_97 = arith.constant 0 : i32
        %dma_wait3A_98 = arith.constant 0 : i32
        %dma_wait3A_99 = tpu.memref_slice %arg8[%dma_wait3A_97, %dma_wait3A_98] : memref<2x128xi32, #tpu.memory_space<vmem>> -> memref<1x128xi32, #tpu.memory_space<vmem>>
        %dma_wait3A_100 = tpu.memref_squeeze %dma_wait3A_99 : memref<1x128xi32, #tpu.memory_space<vmem>> -> memref<128xi32, #tpu.memory_space<vmem>>
        %dma_wait3A_101 = arith.constant 0 : i32
        %dma_wait3A_102 = arith.constant 0 : i32
        %dma_wait3A_103 = tpu.memref_slice %arg2[%dma_wait3A_101, %dma_wait3A_102] : memref<10000x128xf32, #tpu.memory_space<hbm>> -> memref<10000x128xf32, #tpu.memory_space<hbm>>
        tpu.wait_indirect_dma semaphore(%arg16 : memref<!tpu.dma_semaphore, #tpu.memory_space<semaphore_mem>>) src(%dma_wait3A_103 : memref<10000x128xf32, #tpu.memory_space<hbm>>) dst(%arg10 : memref<128x128xf32, #tpu.memory_space<vmem>>)
        %add3A_104 = arith.constant 0 : i32
        %add3A_105 = arith.addi %mul3A_68, %add3A_104 : i32
        %dma_start3A_106 = arith.constant 0 : i32
        %dma_start3A_107 = tpu.memref_slice %arg7[%add3A_105, %dma_start3A_106] : memref<120x128xi32, #tpu.memory_space<vmem>> -> memref<1x128xi32, #tpu.memory_space<vmem>>
        %dma_start3A_108 = tpu.memref_squeeze %dma_start3A_107 : memref<1x128xi32, #tpu.memory_space<vmem>> -> memref<128xi32, #tpu.memory_space<vmem>>
        %dma_start3A_109 = arith.constant 0 : i32
        %dma_start3A_110 = arith.constant 0 : i32
        %dma_start3A_111 = tpu.memref_slice %arg12[%dma_start3A_109, %dma_start3A_110] : memref<10240x128xf32, #tpu.memory_space<vmem_shared>> -> memref<10240x128xf32, #tpu.memory_space<vmem_shared>>
        tpu.enqueue_indirect_dma source(%arg10 : memref<128x128xf32, #tpu.memory_space<vmem>>) target(%dma_start3A_111 : memref<10240x128xf32, #tpu.memory_space<vmem_shared>>) offsets(%dma_start3A_108 : memref<128xi32, #tpu.memory_space<vmem>>) semaphore(%arg18 : memref<!tpu.dma_semaphore, #tpu.memory_space<semaphore_mem>>) {add = true}
        %dma_wait3A_112 = arith.constant 1 : i32
        %dma_wait3A_113 = arith.constant 0 : i32
        %dma_wait3A_114 = tpu.memref_slice %arg8[%dma_wait3A_112, %dma_wait3A_113] : memref<2x128xi32, #tpu.memory_space<vmem>> -> memref<1x128xi32, #tpu.memory_space<vmem>>
        %dma_wait3A_115 = tpu.memref_squeeze %dma_wait3A_114 : memref<1x128xi32, #tpu.memory_space<vmem>> -> memref<128xi32, #tpu.memory_space<vmem>>
        %dma_wait3A_116 = arith.constant 0 : i32
        %dma_wait3A_117 = arith.constant 0 : i32
        %dma_wait3A_118 = tpu.memref_slice %arg2[%dma_wait3A_116, %dma_wait3A_117] : memref<10000x128xf32, #tpu.memory_space<hbm>> -> memref<10000x128xf32, #tpu.memory_space<hbm>>
        tpu.wait_indirect_dma semaphore(%arg17 : memref<!tpu.dma_semaphore, #tpu.memory_space<semaphore_mem>>) src(%dma_wait3A_118 : memref<10000x128xf32, #tpu.memory_space<hbm>>) dst(%arg11 : memref<128x128xf32, #tpu.memory_space<vmem>>)
        %add3A_119 = arith.constant 1 : i32
        %add3A_120 = arith.addi %mul3A_68, %add3A_119 : i32
        %dma_start3A_121 = arith.constant 0 : i32
        %dma_start3A_122 = tpu.memref_slice %arg7[%add3A_120, %dma_start3A_121] : memref<120x128xi32, #tpu.memory_space<vmem>> -> memref<1x128xi32, #tpu.memory_space<vmem>>
        %dma_start3A_123 = tpu.memref_squeeze %dma_start3A_122 : memref<1x128xi32, #tpu.memory_space<vmem>> -> memref<128xi32, #tpu.memory_space<vmem>>
        %dma_start3A_124 = arith.constant 0 : i32
        %dma_start3A_125 = arith.constant 0 : i32
        %dma_start3A_126 = tpu.memref_slice %arg12[%dma_start3A_124, %dma_start3A_125] : memref<10240x128xf32, #tpu.memory_space<vmem_shared>> -> memref<10240x128xf32, #tpu.memory_space<vmem_shared>>
        tpu.enqueue_indirect_dma source(%arg11 : memref<128x128xf32, #tpu.memory_space<vmem>>) target(%dma_start3A_126 : memref<10240x128xf32, #tpu.memory_space<vmem_shared>>) offsets(%dma_start3A_123 : memref<128xi32, #tpu.memory_space<vmem>>) semaphore(%arg19 : memref<!tpu.dma_semaphore, #tpu.memory_space<semaphore_mem>>) {add = true}
        %lt3A = arith.constant 9 : i32
        %lt3A_127 = arith.cmpi slt, %scan3A_62, %lt3A : i32
        %convert_element_type3A_128 = arith.extui %lt3A_127 : i1 to i32
        %cond3A_129 = arith.constant 0 : i32
        %cond3A_130 = arith.cmpi ne, %convert_element_type3A_128, %cond3A_129 : i32
        scf.if %cond3A_130 {
          %add3A_203 = arith.addi %add3A_24, %mul3A_68 : i32
          %add3A_204 = arith.constant 4 : i32
          %add3A_205 = arith.addi %add3A_203, %add3A_204 : i32
          %dma_start3A_206 = arith.constant 0 : i32
          %dma_start3A_207 = tpu.memref_slice %arg3[%add3A_205, %dma_start3A_206] : memref<2560x128xi32, #tpu.memory_space<hbm>> -> memref<2x128xi32, #tpu.memory_space<hbm>>
          %dma_start3A_208 = arith.constant 0 : i32
          %dma_start3A_209 = tpu.memref_slice %arg3[%add3A_205, %dma_start3A_208] : memref<2560x128xi32, #tpu.memory_space<hbm>> -> memref<2x128xi32, #tpu.memory_space<hbm>>
          tpu.enqueue_dma source(%dma_start3A_209 : memref<2x128xi32, #tpu.memory_space<hbm>>) target(%arg8 : memref<2x128xi32, #tpu.memory_space<vmem>>) target_semaphore(%arg14 : memref<!tpu.dma_semaphore, #tpu.memory_space<semaphore_mem>>)
        } else {
        }
        %mul3A_131 = arith.constant 2 : i32
        %mul3A_132 = arith.muli %scan3A_62, %mul3A_131 : i32
        %add3A_133 = arith.constant 1 : i32
        %add3A_134 = arith.addi %mul3A_132, %add3A_133 : i32
        %mul3A_135 = arith.constant 2 : i32
        %mul3A_136 = arith.muli %add3A_134, %mul3A_135 : i32
        %gt3A_137 = arith.constant 0 : i32
        %gt3A_138 = arith.cmpi sgt, %scan3A_62, %gt3A_137 : i32
        %convert_element_type3A_139 = arith.extui %gt3A_138 : i1 to i32
        %cond3A_140 = arith.constant 0 : i32
        %cond3A_141 = arith.cmpi ne, %convert_element_type3A_139, %cond3A_140 : i32
        scf.if %cond3A_141 {
          %dma_wait3A_203 = arith.constant 0 : i32
          %dma_wait3A_204 = arith.constant 0 : i32
          %dma_wait3A_205 = tpu.memref_slice %arg3[%dma_wait3A_203, %dma_wait3A_204] : memref<2560x128xi32, #tpu.memory_space<hbm>> -> memref<2x128xi32, #tpu.memory_space<hbm>>
          %dma_wait3A_206 = arith.constant 0 : i32
          %dma_wait3A_207 = arith.constant 0 : i32
          %dma_wait3A_208 = tpu.memref_slice %arg3[%dma_wait3A_206, %dma_wait3A_207] : memref<2560x128xi32, #tpu.memory_space<hbm>> -> memref<2x128xi32, #tpu.memory_space<hbm>>
          tpu.wait_dma2 semaphore(%arg15 : memref<!tpu.dma_semaphore, #tpu.memory_space<semaphore_mem>>) src(%dma_wait3A_208 : memref<2x128xi32, #tpu.memory_space<hbm>>) dst(%arg9 : memref<2x128xi32, #tpu.memory_space<vmem>>)
        } else {
        }
        %dma_wait3A_142 = arith.constant 0 : i32
        %dma_wait3A_143 = arith.constant 0 : i32
        %dma_wait3A_144 = tpu.memref_slice %arg2[%dma_wait3A_142, %dma_wait3A_143] : memref<10000x128xf32, #tpu.memory_space<hbm>> -> memref<128x128xf32, #tpu.memory_space<hbm>>
        %dma_wait3A_145 = arith.constant 0 : i32
        %dma_wait3A_146 = arith.constant 0 : i32
        %dma_wait3A_147 = tpu.memref_slice %arg2[%dma_wait3A_145, %dma_wait3A_146] : memref<10000x128xf32, #tpu.memory_space<hbm>> -> memref<128x128xf32, #tpu.memory_space<hbm>>
        tpu.wait_dma2 semaphore(%arg18 : memref<!tpu.dma_semaphore, #tpu.memory_space<semaphore_mem>>) src(%dma_wait3A_147 : memref<128x128xf32, #tpu.memory_space<hbm>>) dst(%arg10 : memref<128x128xf32, #tpu.memory_space<vmem>>)
        %dma_start3A_148 = arith.constant 0 : i32
        %dma_start3A_149 = arith.constant 0 : i32
        %dma_start3A_150 = tpu.memref_slice %arg9[%dma_start3A_148, %dma_start3A_149] : memref<2x128xi32, #tpu.memory_space<vmem>> -> memref<1x128xi32, #tpu.memory_space<vmem>>
        %dma_start3A_151 = tpu.memref_squeeze %dma_start3A_150 : memref<1x128xi32, #tpu.memory_space<vmem>> -> memref<128xi32, #tpu.memory_space<vmem>>
        %dma_start3A_152 = arith.constant 0 : i32
        %dma_start3A_153 = arith.constant 0 : i32
        %dma_start3A_154 = tpu.memref_slice %arg2[%dma_start3A_152, %dma_start3A_153] : memref<10000x128xf32, #tpu.memory_space<hbm>> -> memref<10000x128xf32, #tpu.memory_space<hbm>>
        tpu.enqueue_indirect_dma source(%dma_start3A_154 : memref<10000x128xf32, #tpu.memory_space<hbm>>) target(%arg10 : memref<128x128xf32, #tpu.memory_space<vmem>>) offsets(%dma_start3A_151 : memref<128xi32, #tpu.memory_space<vmem>>) semaphore(%arg16 : memref<!tpu.dma_semaphore, #tpu.memory_space<semaphore_mem>>)
        %dma_wait3A_155 = arith.constant 0 : i32
        %dma_wait3A_156 = arith.constant 0 : i32
        %dma_wait3A_157 = tpu.memref_slice %arg2[%dma_wait3A_155, %dma_wait3A_156] : memref<10000x128xf32, #tpu.memory_space<hbm>> -> memref<128x128xf32, #tpu.memory_space<hbm>>
        %dma_wait3A_158 = arith.constant 0 : i32
        %dma_wait3A_159 = arith.constant 0 : i32
        %dma_wait3A_160 = tpu.memref_slice %arg2[%dma_wait3A_158, %dma_wait3A_159] : memref<10000x128xf32, #tpu.memory_space<hbm>> -> memref<128x128xf32, #tpu.memory_space<hbm>>
        tpu.wait_dma2 semaphore(%arg19 : memref<!tpu.dma_semaphore, #tpu.memory_space<semaphore_mem>>) src(%dma_wait3A_160 : memref<128x128xf32, #tpu.memory_space<hbm>>) dst(%arg11 : memref<128x128xf32, #tpu.memory_space<vmem>>)
        %dma_start3A_161 = arith.constant 1 : i32
        %dma_start3A_162 = arith.constant 0 : i32
        %dma_start3A_163 = tpu.memref_slice %arg9[%dma_start3A_161, %dma_start3A_162] : memref<2x128xi32, #tpu.memory_space<vmem>> -> memref<1x128xi32, #tpu.memory_space<vmem>>
        %dma_start3A_164 = tpu.memref_squeeze %dma_start3A_163 : memref<1x128xi32, #tpu.memory_space<vmem>> -> memref<128xi32, #tpu.memory_space<vmem>>
        %dma_start3A_165 = arith.constant 0 : i32
        %dma_start3A_166 = arith.constant 0 : i32
        %dma_start3A_167 = tpu.memref_slice %arg2[%dma_start3A_165, %dma_start3A_166] : memref<10000x128xf32, #tpu.memory_space<hbm>> -> memref<10000x128xf32, #tpu.memory_space<hbm>>
        tpu.enqueue_indirect_dma source(%dma_start3A_167 : memref<10000x128xf32, #tpu.memory_space<hbm>>) target(%arg11 : memref<128x128xf32, #tpu.memory_space<vmem>>) offsets(%dma_start3A_164 : memref<128xi32, #tpu.memory_space<vmem>>) semaphore(%arg17 : memref<!tpu.dma_semaphore, #tpu.memory_space<semaphore_mem>>)
        %dma_wait3A_168 = arith.constant 0 : i32
        %dma_wait3A_169 = arith.constant 0 : i32
        %dma_wait3A_170 = tpu.memref_slice %arg9[%dma_wait3A_168, %dma_wait3A_169] : memref<2x128xi32, #tpu.memory_space<vmem>> -> memref<1x128xi32, #tpu.memory_space<vmem>>
        %dma_wait3A_171 = tpu.memref_squeeze %dma_wait3A_170 : memref<1x128xi32, #tpu.memory_space<vmem>> -> memref<128xi32, #tpu.memory_space<vmem>>
        %dma_wait3A_172 = arith.constant 0 : i32
        %dma_wait3A_173 = arith.constant 0 : i32
        %dma_wait3A_174 = tpu.memref_slice %arg2[%dma_wait3A_172, %dma_wait3A_173] : memref<10000x128xf32, #tpu.memory_space<hbm>> -> memref<10000x128xf32, #tpu.memory_space<hbm>>
        tpu.wait_indirect_dma semaphore(%arg16 : memref<!tpu.dma_semaphore, #tpu.memory_space<semaphore_mem>>) src(%dma_wait3A_174 : memref<10000x128xf32, #tpu.memory_space<hbm>>) dst(%arg10 : memref<128x128xf32, #tpu.memory_space<vmem>>)
        %add3A_175 = arith.constant 0 : i32
        %add3A_176 = arith.addi %mul3A_136, %add3A_175 : i32
        %dma_start3A_177 = arith.constant 0 : i32
        %dma_start3A_178 = tpu.memref_slice %arg7[%add3A_176, %dma_start3A_177] : memref<120x128xi32, #tpu.memory_space<vmem>> -> memref<1x128xi32, #tpu.memory_space<vmem>>
        %dma_start3A_179 = tpu.memref_squeeze %dma_start3A_178 : memref<1x128xi32, #tpu.memory_space<vmem>> -> memref<128xi32, #tpu.memory_space<vmem>>
        %dma_start3A_180 = arith.constant 0 : i32
        %dma_start3A_181 = arith.constant 0 : i32
        %dma_start3A_182 = tpu.memref_slice %arg12[%dma_start3A_180, %dma_start3A_181] : memref<10240x128xf32, #tpu.memory_space<vmem_shared>> -> memref<10240x128xf32, #tpu.memory_space<vmem_shared>>
        tpu.enqueue_indirect_dma source(%arg10 : memref<128x128xf32, #tpu.memory_space<vmem>>) target(%dma_start3A_182 : memref<10240x128xf32, #tpu.memory_space<vmem_shared>>) offsets(%dma_start3A_179 : memref<128xi32, #tpu.memory_space<vmem>>) semaphore(%arg18 : memref<!tpu.dma_semaphore, #tpu.memory_space<semaphore_mem>>) {add = true}
        %dma_wait3A_183 = arith.constant 1 : i32
        %dma_wait3A_184 = arith.constant 0 : i32
        %dma_wait3A_185 = tpu.memref_slice %arg9[%dma_wait3A_183, %dma_wait3A_184] : memref<2x128xi32, #tpu.memory_space<vmem>> -> memref<1x128xi32, #tpu.memory_space<vmem>>
        %dma_wait3A_186 = tpu.memref_squeeze %dma_wait3A_185 : memref<1x128xi32, #tpu.memory_space<vmem>> -> memref<128xi32, #tpu.memory_space<vmem>>
        %dma_wait3A_187 = arith.constant 0 : i32
        %dma_wait3A_188 = arith.constant 0 : i32
        %dma_wait3A_189 = tpu.memref_slice %arg2[%dma_wait3A_187, %dma_wait3A_188] : memref<10000x128xf32, #tpu.memory_space<hbm>> -> memref<10000x128xf32, #tpu.memory_space<hbm>>
        tpu.wait_indirect_dma semaphore(%arg17 : memref<!tpu.dma_semaphore, #tpu.memory_space<semaphore_mem>>) src(%dma_wait3A_189 : memref<10000x128xf32, #tpu.memory_space<hbm>>) dst(%arg11 : memref<128x128xf32, #tpu.memory_space<vmem>>)
        %add3A_190 = arith.constant 1 : i32
        %add3A_191 = arith.addi %mul3A_136, %add3A_190 : i32
        %dma_start3A_192 = arith.constant 0 : i32
        %dma_start3A_193 = tpu.memref_slice %arg7[%add3A_191, %dma_start3A_192] : memref<120x128xi32, #tpu.memory_space<vmem>> -> memref<1x128xi32, #tpu.memory_space<vmem>>
        %dma_start3A_194 = tpu.memref_squeeze %dma_start3A_193 : memref<1x128xi32, #tpu.memory_space<vmem>> -> memref<128xi32, #tpu.memory_space<vmem>>
        %dma_start3A_195 = arith.constant 0 : i32
        %dma_start3A_196 = arith.constant 0 : i32
        %dma_start3A_197 = tpu.memref_slice %arg12[%dma_start3A_195, %dma_start3A_196] : memref<10240x128xf32, #tpu.memory_space<vmem_shared>> -> memref<10240x128xf32, #tpu.memory_space<vmem_shared>>
        tpu.enqueue_indirect_dma source(%arg11 : memref<128x128xf32, #tpu.memory_space<vmem>>) target(%dma_start3A_197 : memref<10240x128xf32, #tpu.memory_space<vmem_shared>>) offsets(%dma_start3A_194 : memref<128xi32, #tpu.memory_space<vmem>>) semaphore(%arg19 : memref<!tpu.dma_semaphore, #tpu.memory_space<semaphore_mem>>) {add = true}
        %lt3A_198 = arith.constant 9 : i32
        %lt3A_199 = arith.cmpi slt, %scan3A_62, %lt3A_198 : i32
        %convert_element_type3A_200 = arith.extui %lt3A_199 : i1 to i32
        %cond3A_201 = arith.constant 0 : i32
        %cond3A_202 = arith.cmpi ne, %convert_element_type3A_200, %cond3A_201 : i32
        scf.if %cond3A_202 {
          %add3A_203 = arith.addi %add3A_24, %mul3A_136 : i32
          %add3A_204 = arith.constant 4 : i32
          %add3A_205 = arith.addi %add3A_203, %add3A_204 : i32
          %dma_start3A_206 = arith.constant 0 : i32
          %dma_start3A_207 = tpu.memref_slice %arg3[%add3A_205, %dma_start3A_206] : memref<2560x128xi32, #tpu.memory_space<hbm>> -> memref<2x128xi32, #tpu.memory_space<hbm>>
          %dma_start3A_208 = arith.constant 0 : i32
          %dma_start3A_209 = tpu.memref_slice %arg3[%add3A_205, %dma_start3A_208] : memref<2560x128xi32, #tpu.memory_space<hbm>> -> memref<2x128xi32, #tpu.memory_space<hbm>>
          tpu.enqueue_dma source(%dma_start3A_209 : memref<2x128xi32, #tpu.memory_space<hbm>>) target(%arg9 : memref<2x128xi32, #tpu.memory_space<vmem>>) target_semaphore(%arg15 : memref<!tpu.dma_semaphore, #tpu.memory_space<semaphore_mem>>)
        } else {
        }
      }
      %scan3A_49 = arith.constant 10 : i32
      %dma_wait3A_50 = arith.constant 0 : i32
      %dma_wait3A_51 = arith.constant 0 : i32
      %dma_wait3A_52 = tpu.memref_slice %arg2[%dma_wait3A_50, %dma_wait3A_51] : memref<10000x128xf32, #tpu.memory_space<hbm>> -> memref<128x128xf32, #tpu.memory_space<hbm>>
      %dma_wait3A_53 = arith.constant 0 : i32
      %dma_wait3A_54 = arith.constant 0 : i32
      %dma_wait3A_55 = tpu.memref_slice %arg2[%dma_wait3A_53, %dma_wait3A_54] : memref<10000x128xf32, #tpu.memory_space<hbm>> -> memref<128x128xf32, #tpu.memory_space<hbm>>
      tpu.wait_dma2 semaphore(%arg18 : memref<!tpu.dma_semaphore, #tpu.memory_space<semaphore_mem>>) src(%dma_wait3A_55 : memref<128x128xf32, #tpu.memory_space<hbm>>) dst(%arg10 : memref<128x128xf32, #tpu.memory_space<vmem>>)
      %dma_wait3A_56 = arith.constant 0 : i32
      %dma_wait3A_57 = arith.constant 0 : i32
      %dma_wait3A_58 = tpu.memref_slice %arg2[%dma_wait3A_56, %dma_wait3A_57] : memref<10000x128xf32, #tpu.memory_space<hbm>> -> memref<128x128xf32, #tpu.memory_space<hbm>>
      %dma_wait3A_59 = arith.constant 0 : i32
      %dma_wait3A_60 = arith.constant 0 : i32
      %dma_wait3A_61 = tpu.memref_slice %arg2[%dma_wait3A_59, %dma_wait3A_60] : memref<10000x128xf32, #tpu.memory_space<hbm>> -> memref<128x128xf32, #tpu.memory_space<hbm>>
      tpu.wait_dma2 semaphore(%arg19 : memref<!tpu.dma_semaphore, #tpu.memory_space<semaphore_mem>>) src(%dma_wait3A_61 : memref<128x128xf32, #tpu.memory_space<hbm>>) dst(%arg11 : memref<128x128xf32, #tpu.memory_space<vmem>>)
    } else {
    }
    %barrier3A_17 = arith.constant 0 : index
    tpu.barrier barrier_id(%barrier3A_17)
    %mul3A_18 = arith.constant 10240 : i32
    %mul3A_19 = arith.muli %arg0, %mul3A_18 : i32
    %add3A_20 = arith.addi %mul3A_19, %mul3A_0 : i32
    "tpu.region"() ({
      %run_scoped3A = tpu.sem_alloc : memref<!tpu.dma_semaphore, #tpu.memory_space<semaphore_mem>>
      %dma_start3A = arith.constant 0 : i32
      %dma_start3A_21 = tpu.memref_slice %arg6[%add3A_20, %dma_start3A] : memref<20480x128xf32, #tpu.memory_space<hbm>> -> memref<640x128xf32, #tpu.memory_space<hbm>>
      %dma_start3A_22 = arith.constant 0 : i32
      %dma_start3A_23 = tpu.memref_slice %arg12[%mul3A_0, %dma_start3A_22] : memref<10240x128xf32, #tpu.memory_space<vmem_shared>> -> memref<640x128xf32, #tpu.memory_space<vmem_shared>>
      tpu.enqueue_dma source(%dma_start3A_23 : memref<640x128xf32, #tpu.memory_space<vmem_shared>>) target(%dma_start3A_21 : memref<640x128xf32, #tpu.memory_space<hbm>>) target_semaphore(%run_scoped3A : memref<!tpu.dma_semaphore, #tpu.memory_space<semaphore_mem>>)
      %dma_wait3A = arith.constant 0 : i32
      %dma_wait3A_24 = tpu.memref_slice %arg6[%add3A_20, %dma_wait3A] : memref<20480x128xf32, #tpu.memory_space<hbm>> -> memref<640x128xf32, #tpu.memory_space<hbm>>
      %dma_wait3A_25 = arith.constant 0 : i32
      %dma_wait3A_26 = tpu.memref_slice %arg12[%mul3A_0, %dma_wait3A_25] : memref<10240x128xf32, #tpu.memory_space<vmem_shared>> -> memref<640x128xf32, #tpu.memory_space<vmem_shared>>
      tpu.wait_dma2 semaphore(%run_scoped3A : memref<!tpu.dma_semaphore, #tpu.memory_space<semaphore_mem>>) src(%dma_wait3A_26 : memref<640x128xf32, #tpu.memory_space<vmem_shared>>) dst(%dma_wait3A_24 : memref<640x128xf32, #tpu.memory_space<hbm>>)
      tpu.yield
    }) : () -> ()
    return
  }
}

#map = affine_map<(d0, d1) -> (0, 0)>
module attributes {stable_mosaic.version = 14 : i64} {
  func.func @kg(%arg0: i32, %arg1: i32, %arg2: memref<10000x128xf32, #tpu.memory_space<hbm>>, %arg3: memref<2560x128xi32, #tpu.memory_space<hbm>>, %arg4: memref<2560x128xi32, #tpu.memory_space<hbm>>, %arg5: memref<128x128xf32, #tpu.memory_space<hbm>>, %arg6: memref<20480x128xf32, #tpu.memory_space<hbm>>, %arg7: memref<120x128xi32, #tpu.memory_space<vmem>>, %arg8: memref<2x128xi32, #tpu.memory_space<vmem>>, %arg9: memref<2x128xi32, #tpu.memory_space<vmem>>, %arg10: memref<128x128xf32, #tpu.memory_space<vmem>>, %arg11: memref<128x128xf32, #tpu.memory_space<vmem>>, %arg12: memref<10240x128xf32, #tpu.memory_space<vmem_shared>>, %arg13: memref<!tpu.dma_semaphore, #tpu.memory_space<semaphore_mem>>, %arg14: memref<!tpu.dma_semaphore, #tpu.memory_space<semaphore_mem>>, %arg15: memref<!tpu.dma_semaphore, #tpu.memory_space<semaphore_mem>>, %arg16: memref<!tpu.dma_semaphore, #tpu.memory_space<semaphore_mem>>, %arg17: memref<!tpu.dma_semaphore, #tpu.memory_space<semaphore_mem>>, %arg18: memref<!tpu.dma_semaphore, #tpu.memory_space<semaphore_mem>>, %arg19: memref<!tpu.dma_semaphore, #tpu.memory_space<semaphore_mem>>) attributes {dimension_semantics = [#tpu.dimension_semantics<core_parallel>, #tpu.dimension_semantics<subcore_parallel>], iteration_bounds = array<i64: 2, 16>, scalar_prefetch = 0 : i64, scratch_operands = 13 : i64, tpu.core_type = #tpu.core_type<sc_vector_subcore>, window_params = [{transform_indices = #map}, {transform_indices = #map}, {transform_indices = #map}, {transform_indices = #map}, {transform_indices = #map}]} {
    "tpu.region"() ({
      %run_scoped3A = tpu.sem_alloc : memref<!tpu.dma_semaphore, #tpu.memory_space<semaphore_mem>>
      tpu.enqueue_dma source(%arg5 : memref<128x128xf32, #tpu.memory_space<hbm>>) target(%arg10 : memref<128x128xf32, #tpu.memory_space<vmem>>) target_semaphore(%run_scoped3A : memref<!tpu.dma_semaphore, #tpu.memory_space<semaphore_mem>>)
      tpu.wait_dma2 semaphore(%run_scoped3A : memref<!tpu.dma_semaphore, #tpu.memory_space<semaphore_mem>>) src(%arg5 : memref<128x128xf32, #tpu.memory_space<hbm>>) dst(%arg10 : memref<128x128xf32, #tpu.memory_space<vmem>>)
      tpu.yield
    }) : () -> ()
    %mul3A = arith.constant 640 : i32
    %mul3A_0 = arith.muli %arg1, %mul3A : i32
    %add3A = arith.constant 0 : i32
    %add3A_1 = arith.addi %mul3A_0, %add3A : i32
    "tpu.region"() ({
      %run_scoped3A = tpu.sem_alloc : memref<!tpu.dma_semaphore, #tpu.memory_space<semaphore_mem>>
      %dma_start3A = arith.constant 0 : i32
      %dma_start3A_21 = tpu.memref_slice %arg12[%add3A_1, %dma_start3A] : memref<10240x128xf32, #tpu.memory_space<vmem_shared>> -> memref<128x128xf32, #tpu.memory_space<vmem_shared>>
      %dma_start3A_22 = arith.constant 0 : i32
      %dma_start3A_23 = tpu.memref_slice %arg12[%add3A_1, %dma_start3A_22] : memref<10240x128xf32, #tpu.memory_space<vmem_shared>> -> memref<128x128xf32, #tpu.memory_space<vmem_shared>>
      tpu.enqueue_dma source(%arg10 : memref<128x128xf32, #tpu.memory_space<vmem>>) target(%dma_start3A_23 : memref<128x128xf32, #tpu.memory_space<vmem_shared>>) target_semaphore(%run_scoped3A : memref<!tpu.dma_semaphore, #tpu.memory_space<semaphore_mem>>)
      %dma_wait3A = arith.constant 0 : i32
      %dma_wait3A_24 = tpu.memref_slice %arg12[%add3A_1, %dma_wait3A] : memref<10240x128xf32, #tpu.memory_space<vmem_shared>> -> memref<128x128xf32, #tpu.memory_space<vmem_shared>>
      %dma_wait3A_25 = arith.constant 0 : i32
      %dma_wait3A_26 = tpu.memref_slice %arg12[%add3A_1, %dma_wait3A_25] : memref<10240x128xf32, #tpu.memory_space<vmem_shared>> -> memref<128x128xf32, #tpu.memory_space<vmem_shared>>
      tpu.wait_dma2 semaphore(%run_scoped3A : memref<!tpu.dma_semaphore, #tpu.memory_space<semaphore_mem>>) src(%arg10 : memref<128x128xf32, #tpu.memory_space<vmem>>) dst(%dma_wait3A_26 : memref<128x128xf32, #tpu.memory_space<vmem_shared>>)
      tpu.yield
    }) : () -> ()
    %add3A_2 = arith.constant 128 : i32
    %add3A_3 = arith.addi %mul3A_0, %add3A_2 : i32
    "tpu.region"() ({
      %run_scoped3A = tpu.sem_alloc : memref<!tpu.dma_semaphore, #tpu.memory_space<semaphore_mem>>
      %dma_start3A = arith.constant 0 : i32
      %dma_start3A_21 = tpu.memref_slice %arg12[%add3A_3, %dma_start3A] : memref<10240x128xf32, #tpu.memory_space<vmem_shared>> -> memref<128x128xf32, #tpu.memory_space<vmem_shared>>
      %dma_start3A_22 = arith.constant 0 : i32
      %dma_start3A_23 = tpu.memref_slice %arg12[%add3A_3, %dma_start3A_22] : memref<10240x128xf32, #tpu.memory_space<vmem_shared>> -> memref<128x128xf32, #tpu.memory_space<vmem_shared>>
      tpu.enqueue_dma source(%arg10 : memref<128x128xf32, #tpu.memory_space<vmem>>) target(%dma_start3A_23 : memref<128x128xf32, #tpu.memory_space<vmem_shared>>) target_semaphore(%run_scoped3A : memref<!tpu.dma_semaphore, #tpu.memory_space<semaphore_mem>>)
      %dma_wait3A = arith.constant 0 : i32
      %dma_wait3A_24 = tpu.memref_slice %arg12[%add3A_3, %dma_wait3A] : memref<10240x128xf32, #tpu.memory_space<vmem_shared>> -> memref<128x128xf32, #tpu.memory_space<vmem_shared>>
      %dma_wait3A_25 = arith.constant 0 : i32
      %dma_wait3A_26 = tpu.memref_slice %arg12[%add3A_3, %dma_wait3A_25] : memref<10240x128xf32, #tpu.memory_space<vmem_shared>> -> memref<128x128xf32, #tpu.memory_space<vmem_shared>>
      tpu.wait_dma2 semaphore(%run_scoped3A : memref<!tpu.dma_semaphore, #tpu.memory_space<semaphore_mem>>) src(%arg10 : memref<128x128xf32, #tpu.memory_space<vmem>>) dst(%dma_wait3A_26 : memref<128x128xf32, #tpu.memory_space<vmem_shared>>)
      tpu.yield
    }) : () -> ()
    %add3A_4 = arith.constant 256 : i32
    %add3A_5 = arith.addi %mul3A_0, %add3A_4 : i32
    "tpu.region"() ({
      %run_scoped3A = tpu.sem_alloc : memref<!tpu.dma_semaphore, #tpu.memory_space<semaphore_mem>>
      %dma_start3A = arith.constant 0 : i32
      %dma_start3A_21 = tpu.memref_slice %arg12[%add3A_5, %dma_start3A] : memref<10240x128xf32, #tpu.memory_space<vmem_shared>> -> memref<128x128xf32, #tpu.memory_space<vmem_shared>>
      %dma_start3A_22 = arith.constant 0 : i32
      %dma_start3A_23 = tpu.memref_slice %arg12[%add3A_5, %dma_start3A_22] : memref<10240x128xf32, #tpu.memory_space<vmem_shared>> -> memref<128x128xf32, #tpu.memory_space<vmem_shared>>
      tpu.enqueue_dma source(%arg10 : memref<128x128xf32, #tpu.memory_space<vmem>>) target(%dma_start3A_23 : memref<128x128xf32, #tpu.memory_space<vmem_shared>>) target_semaphore(%run_scoped3A : memref<!tpu.dma_semaphore, #tpu.memory_space<semaphore_mem>>)
      %dma_wait3A = arith.constant 0 : i32
      %dma_wait3A_24 = tpu.memref_slice %arg12[%add3A_5, %dma_wait3A] : memref<10240x128xf32, #tpu.memory_space<vmem_shared>> -> memref<128x128xf32, #tpu.memory_space<vmem_shared>>
      %dma_wait3A_25 = arith.constant 0 : i32
      %dma_wait3A_26 = tpu.memref_slice %arg12[%add3A_5, %dma_wait3A_25] : memref<10240x128xf32, #tpu.memory_space<vmem_shared>> -> memref<128x128xf32, #tpu.memory_space<vmem_shared>>
      tpu.wait_dma2 semaphore(%run_scoped3A : memref<!tpu.dma_semaphore, #tpu.memory_space<semaphore_mem>>) src(%arg10 : memref<128x128xf32, #tpu.memory_space<vmem>>) dst(%dma_wait3A_26 : memref<128x128xf32, #tpu.memory_space<vmem_shared>>)
      tpu.yield
    }) : () -> ()
    %add3A_6 = arith.constant 384 : i32
    %add3A_7 = arith.addi %mul3A_0, %add3A_6 : i32
    "tpu.region"() ({
      %run_scoped3A = tpu.sem_alloc : memref<!tpu.dma_semaphore, #tpu.memory_space<semaphore_mem>>
      %dma_start3A = arith.constant 0 : i32
      %dma_start3A_21 = tpu.memref_slice %arg12[%add3A_7, %dma_start3A] : memref<10240x128xf32, #tpu.memory_space<vmem_shared>> -> memref<128x128xf32, #tpu.memory_space<vmem_shared>>
      %dma_start3A_22 = arith.constant 0 : i32
      %dma_start3A_23 = tpu.memref_slice %arg12[%add3A_7, %dma_start3A_22] : memref<10240x128xf32, #tpu.memory_space<vmem_shared>> -> memref<128x128xf32, #tpu.memory_space<vmem_shared>>
      tpu.enqueue_dma source(%arg10 : memref<128x128xf32, #tpu.memory_space<vmem>>) target(%dma_start3A_23 : memref<128x128xf32, #tpu.memory_space<vmem_shared>>) target_semaphore(%run_scoped3A : memref<!tpu.dma_semaphore, #tpu.memory_space<semaphore_mem>>)
      %dma_wait3A = arith.constant 0 : i32
      %dma_wait3A_24 = tpu.memref_slice %arg12[%add3A_7, %dma_wait3A] : memref<10240x128xf32, #tpu.memory_space<vmem_shared>> -> memref<128x128xf32, #tpu.memory_space<vmem_shared>>
      %dma_wait3A_25 = arith.constant 0 : i32
      %dma_wait3A_26 = tpu.memref_slice %arg12[%add3A_7, %dma_wait3A_25] : memref<10240x128xf32, #tpu.memory_space<vmem_shared>> -> memref<128x128xf32, #tpu.memory_space<vmem_shared>>
      tpu.wait_dma2 semaphore(%run_scoped3A : memref<!tpu.dma_semaphore, #tpu.memory_space<semaphore_mem>>) src(%arg10 : memref<128x128xf32, #tpu.memory_space<vmem>>) dst(%dma_wait3A_26 : memref<128x128xf32, #tpu.memory_space<vmem_shared>>)
      tpu.yield
    }) : () -> ()
    %add3A_8 = arith.constant 512 : i32
    %add3A_9 = arith.addi %mul3A_0, %add3A_8 : i32
    "tpu.region"() ({
      %run_scoped3A = tpu.sem_alloc : memref<!tpu.dma_semaphore, #tpu.memory_space<semaphore_mem>>
      %dma_start3A = arith.constant 0 : i32
      %dma_start3A_21 = tpu.memref_slice %arg12[%add3A_9, %dma_start3A] : memref<10240x128xf32, #tpu.memory_space<vmem_shared>> -> memref<128x128xf32, #tpu.memory_space<vmem_shared>>
      %dma_start3A_22 = arith.constant 0 : i32
      %dma_start3A_23 = tpu.memref_slice %arg12[%add3A_9, %dma_start3A_22] : memref<10240x128xf32, #tpu.memory_space<vmem_shared>> -> memref<128x128xf32, #tpu.memory_space<vmem_shared>>
      tpu.enqueue_dma source(%arg10 : memref<128x128xf32, #tpu.memory_space<vmem>>) target(%dma_start3A_23 : memref<128x128xf32, #tpu.memory_space<vmem_shared>>) target_semaphore(%run_scoped3A : memref<!tpu.dma_semaphore, #tpu.memory_space<semaphore_mem>>)
      %dma_wait3A = arith.constant 0 : i32
      %dma_wait3A_24 = tpu.memref_slice %arg12[%add3A_9, %dma_wait3A] : memref<10240x128xf32, #tpu.memory_space<vmem_shared>> -> memref<128x128xf32, #tpu.memory_space<vmem_shared>>
      %dma_wait3A_25 = arith.constant 0 : i32
      %dma_wait3A_26 = tpu.memref_slice %arg12[%add3A_9, %dma_wait3A_25] : memref<10240x128xf32, #tpu.memory_space<vmem_shared>> -> memref<128x128xf32, #tpu.memory_space<vmem_shared>>
      tpu.wait_dma2 semaphore(%run_scoped3A : memref<!tpu.dma_semaphore, #tpu.memory_space<semaphore_mem>>) src(%arg10 : memref<128x128xf32, #tpu.memory_space<vmem>>) dst(%dma_wait3A_26 : memref<128x128xf32, #tpu.memory_space<vmem_shared>>)
      tpu.yield
    }) : () -> ()
    %barrier3A = arith.constant 0 : index
    tpu.barrier barrier_id(%barrier3A)
    %eq3A = arith.constant 0 : i32
    %eq3A_10 = arith.cmpi eq, %arg0, %eq3A : i32
    %convert_element_type3A = arith.extui %eq3A_10 : i1 to i32
    %cond3A = arith.constant 0 : i32
    %cond3A_11 = arith.cmpi ne, %convert_element_type3A, %cond3A : i32
    scf.if %cond3A_11 {
      %mul3A_21 = arith.constant 120 : i32
      %mul3A_22 = arith.muli %arg1, %mul3A_21 : i32
      %dma_start3A = arith.constant 0 : i32
      %dma_start3A_23 = arith.constant 0 : i32
      %dma_start3A_24 = tpu.memref_slice %arg7[%dma_start3A, %dma_start3A_23] : memref<120x128xi32, #tpu.memory_space<vmem>> -> memref<120x128xi32, #tpu.memory_space<vmem>>
      %dma_start3A_25 = arith.constant 0 : i32
      %dma_start3A_26 = tpu.memref_slice %arg4[%mul3A_22, %dma_start3A_25] : memref<2560x128xi32, #tpu.memory_space<hbm>> -> memref<120x128xi32, #tpu.memory_space<hbm>>
      %dma_start3A_27 = arith.constant 0 : i32
      %dma_start3A_28 = arith.constant 0 : i32
      %dma_start3A_29 = tpu.memref_slice %arg7[%dma_start3A_27, %dma_start3A_28] : memref<120x128xi32, #tpu.memory_space<vmem>> -> memref<120x128xi32, #tpu.memory_space<vmem>>
      %dma_start3A_30 = arith.constant 0 : i32
      %dma_start3A_31 = tpu.memref_slice %arg4[%mul3A_22, %dma_start3A_30] : memref<2560x128xi32, #tpu.memory_space<hbm>> -> memref<120x128xi32, #tpu.memory_space<hbm>>
      tpu.enqueue_dma source(%dma_start3A_31 : memref<120x128xi32, #tpu.memory_space<hbm>>) target(%dma_start3A_29 : memref<120x128xi32, #tpu.memory_space<vmem>>) target_semaphore(%arg13 : memref<!tpu.dma_semaphore, #tpu.memory_space<semaphore_mem>>)
      "tpu.region"() ({
        %run_scoped3A = tpu.sem_alloc : memref<!tpu.dma_semaphore, #tpu.memory_space<semaphore_mem>>
        %dma_start3A_60 = arith.constant 0 : i32
        %dma_start3A_61 = tpu.memref_slice %arg3[%mul3A_22, %dma_start3A_60] : memref<2560x128xi32, #tpu.memory_space<hbm>> -> memref<2x128xi32, #tpu.memory_space<hbm>>
        %dma_start3A_62 = arith.constant 0 : i32
        %dma_start3A_63 = tpu.memref_slice %arg3[%mul3A_22, %dma_start3A_62] : memref<2560x128xi32, #tpu.memory_space<hbm>> -> memref<2x128xi32, #tpu.memory_space<hbm>>
        tpu.enqueue_dma source(%dma_start3A_63 : memref<2x128xi32, #tpu.memory_space<hbm>>) target(%arg8 : memref<2x128xi32, #tpu.memory_space<vmem>>) target_semaphore(%run_scoped3A : memref<!tpu.dma_semaphore, #tpu.memory_space<semaphore_mem>>)
        %dma_wait3A_64 = arith.constant 0 : i32
        %dma_wait3A_65 = tpu.memref_slice %arg3[%mul3A_22, %dma_wait3A_64] : memref<2560x128xi32, #tpu.memory_space<hbm>> -> memref<2x128xi32, #tpu.memory_space<hbm>>
        %dma_wait3A_66 = arith.constant 0 : i32
        %dma_wait3A_67 = tpu.memref_slice %arg3[%mul3A_22, %dma_wait3A_66] : memref<2560x128xi32, #tpu.memory_space<hbm>> -> memref<2x128xi32, #tpu.memory_space<hbm>>
        tpu.wait_dma2 semaphore(%run_scoped3A : memref<!tpu.dma_semaphore, #tpu.memory_space<semaphore_mem>>) src(%dma_wait3A_67 : memref<2x128xi32, #tpu.memory_space<hbm>>) dst(%arg8 : memref<2x128xi32, #tpu.memory_space<vmem>>)
        tpu.yield
      }) : () -> ()
      %add3A_32 = arith.constant 2 : i32
      %add3A_33 = arith.addi %mul3A_22, %add3A_32 : i32
      "tpu.region"() ({
        %run_scoped3A = tpu.sem_alloc : memref<!tpu.dma_semaphore, #tpu.memory_space<semaphore_mem>>
        %dma_start3A_60 = arith.constant 0 : i32
        %dma_start3A_61 = tpu.memref_slice %arg3[%add3A_33, %dma_start3A_60] : memref<2560x128xi32, #tpu.memory_space<hbm>> -> memref<2x128xi32, #tpu.memory_space<hbm>>
        %dma_start3A_62 = arith.constant 0 : i32
        %dma_start3A_63 = tpu.memref_slice %arg3[%add3A_33, %dma_start3A_62] : memref<2560x128xi32, #tpu.memory_space<hbm>> -> memref<2x128xi32, #tpu.memory_space<hbm>>
        tpu.enqueue_dma source(%dma_start3A_63 : memref<2x128xi32, #tpu.memory_space<hbm>>) target(%arg9 : memref<2x128xi32, #tpu.memory_space<vmem>>) target_semaphore(%run_scoped3A : memref<!tpu.dma_semaphore, #tpu.memory_space<semaphore_mem>>)
        %dma_wait3A_64 = arith.constant 0 : i32
        %dma_wait3A_65 = tpu.memref_slice %arg3[%add3A_33, %dma_wait3A_64] : memref<2560x128xi32, #tpu.memory_space<hbm>> -> memref<2x128xi32, #tpu.memory_space<hbm>>
        %dma_wait3A_66 = arith.constant 0 : i32
        %dma_wait3A_67 = tpu.memref_slice %arg3[%add3A_33, %dma_wait3A_66] : memref<2560x128xi32, #tpu.memory_space<hbm>> -> memref<2x128xi32, #tpu.memory_space<hbm>>
        tpu.wait_dma2 semaphore(%run_scoped3A : memref<!tpu.dma_semaphore, #tpu.memory_space<semaphore_mem>>) src(%dma_wait3A_67 : memref<2x128xi32, #tpu.memory_space<hbm>>) dst(%arg9 : memref<2x128xi32, #tpu.memory_space<vmem>>)
        tpu.yield
      }) : () -> ()
      %dma_wait3A = arith.constant 0 : i32
      %dma_wait3A_34 = arith.constant 0 : i32
      %dma_wait3A_35 = tpu.memref_slice %arg7[%dma_wait3A, %dma_wait3A_34] : memref<120x128xi32, #tpu.memory_space<vmem>> -> memref<120x128xi32, #tpu.memory_space<vmem>>
      %dma_wait3A_36 = arith.constant 0 : i32
      %dma_wait3A_37 = tpu.memref_slice %arg4[%mul3A_22, %dma_wait3A_36] : memref<2560x128xi32, #tpu.memory_space<hbm>> -> memref<120x128xi32, #tpu.memory_space<hbm>>
      %dma_wait3A_38 = arith.constant 0 : i32
      %dma_wait3A_39 = arith.constant 0 : i32
      %dma_wait3A_40 = tpu.memref_slice %arg7[%dma_wait3A_38, %dma_wait3A_39] : memref<120x128xi32, #tpu.memory_space<vmem>> -> memref<120x128xi32, #tpu.memory_space<vmem>>
      %dma_wait3A_41 = arith.constant 0 : i32
      %dma_wait3A_42 = tpu.memref_slice %arg4[%mul3A_22, %dma_wait3A_41] : memref<2560x128xi32, #tpu.memory_space<hbm>> -> memref<120x128xi32, #tpu.memory_space<hbm>>
      tpu.wait_dma2 semaphore(%arg13 : memref<!tpu.dma_semaphore, #tpu.memory_space<semaphore_mem>>) src(%dma_wait3A_42 : memref<120x128xi32, #tpu.memory_space<hbm>>) dst(%dma_wait3A_40 : memref<120x128xi32, #tpu.memory_space<vmem>>)
      %scan3A = arith.constant 0 : i32
      %scan3A_43 = arith.constant 0 : i32
      %scan3A_44 = arith.constant 30 : i32
      %scan3A_45 = arith.addi %scan3A_43, %scan3A_44 : i32
      %scan3A_46 = arith.constant 1 : i32
      scf.for %scan3A_60 = %scan3A_43 to %scan3A_45 step %scan3A_46  : i32 {
        %mul3A_61 = arith.constant 2 : i32
        %mul3A_62 = arith.muli %scan3A_60, %mul3A_61 : i32
        %add3A_63 = arith.constant 0 : i32
        %add3A_64 = arith.addi %mul3A_62, %add3A_63 : i32
        %mul3A_65 = arith.constant 2 : i32
        %mul3A_66 = arith.muli %add3A_64, %mul3A_65 : i32
        %gt3A = arith.constant 0 : i32
        %gt3A_67 = arith.cmpi sgt, %scan3A_60, %gt3A : i32
        %convert_element_type3A_68 = arith.extui %gt3A_67 : i1 to i32
        %cond3A_69 = arith.constant 0 : i32
        %cond3A_70 = arith.cmpi ne, %convert_element_type3A_68, %cond3A_69 : i32
        scf.if %cond3A_70 {
          %dma_wait3A_201 = arith.constant 0 : i32
          %dma_wait3A_202 = arith.constant 0 : i32
          %dma_wait3A_203 = tpu.memref_slice %arg3[%dma_wait3A_201, %dma_wait3A_202] : memref<2560x128xi32, #tpu.memory_space<hbm>> -> memref<2x128xi32, #tpu.memory_space<hbm>>
          %dma_wait3A_204 = arith.constant 0 : i32
          %dma_wait3A_205 = arith.constant 0 : i32
          %dma_wait3A_206 = tpu.memref_slice %arg3[%dma_wait3A_204, %dma_wait3A_205] : memref<2560x128xi32, #tpu.memory_space<hbm>> -> memref<2x128xi32, #tpu.memory_space<hbm>>
          tpu.wait_dma2 semaphore(%arg14 : memref<!tpu.dma_semaphore, #tpu.memory_space<semaphore_mem>>) src(%dma_wait3A_206 : memref<2x128xi32, #tpu.memory_space<hbm>>) dst(%arg8 : memref<2x128xi32, #tpu.memory_space<vmem>>)
        } else {
        }
        %gt3A_71 = arith.constant 0 : i32
        %gt3A_72 = arith.cmpi sgt, %scan3A_60, %gt3A_71 : i32
        %convert_element_type3A_73 = arith.extui %gt3A_72 : i1 to i32
        %cond3A_74 = arith.constant 0 : i32
        %cond3A_75 = arith.cmpi ne, %convert_element_type3A_73, %cond3A_74 : i32
        scf.if %cond3A_75 {
          %dma_wait3A_201 = arith.constant 0 : i32
          %dma_wait3A_202 = arith.constant 0 : i32
          %dma_wait3A_203 = tpu.memref_slice %arg2[%dma_wait3A_201, %dma_wait3A_202] : memref<10000x128xf32, #tpu.memory_space<hbm>> -> memref<128x128xf32, #tpu.memory_space<hbm>>
          %dma_wait3A_204 = arith.constant 0 : i32
          %dma_wait3A_205 = arith.constant 0 : i32
          %dma_wait3A_206 = tpu.memref_slice %arg2[%dma_wait3A_204, %dma_wait3A_205] : memref<10000x128xf32, #tpu.memory_space<hbm>> -> memref<128x128xf32, #tpu.memory_space<hbm>>
          tpu.wait_dma2 semaphore(%arg18 : memref<!tpu.dma_semaphore, #tpu.memory_space<semaphore_mem>>) src(%dma_wait3A_206 : memref<128x128xf32, #tpu.memory_space<hbm>>) dst(%arg10 : memref<128x128xf32, #tpu.memory_space<vmem>>)
        } else {
        }
        %dma_start3A_76 = arith.constant 0 : i32
        %dma_start3A_77 = arith.constant 0 : i32
        %dma_start3A_78 = tpu.memref_slice %arg8[%dma_start3A_76, %dma_start3A_77] : memref<2x128xi32, #tpu.memory_space<vmem>> -> memref<1x128xi32, #tpu.memory_space<vmem>>
        %dma_start3A_79 = tpu.memref_squeeze %dma_start3A_78 : memref<1x128xi32, #tpu.memory_space<vmem>> -> memref<128xi32, #tpu.memory_space<vmem>>
        %dma_start3A_80 = arith.constant 0 : i32
        %dma_start3A_81 = arith.constant 0 : i32
        %dma_start3A_82 = tpu.memref_slice %arg2[%dma_start3A_80, %dma_start3A_81] : memref<10000x128xf32, #tpu.memory_space<hbm>> -> memref<10000x128xf32, #tpu.memory_space<hbm>>
        tpu.enqueue_indirect_dma source(%dma_start3A_82 : memref<10000x128xf32, #tpu.memory_space<hbm>>) target(%arg10 : memref<128x128xf32, #tpu.memory_space<vmem>>) offsets(%dma_start3A_79 : memref<128xi32, #tpu.memory_space<vmem>>) semaphore(%arg16 : memref<!tpu.dma_semaphore, #tpu.memory_space<semaphore_mem>>)
        %gt3A_83 = arith.constant 0 : i32
        %gt3A_84 = arith.cmpi sgt, %scan3A_60, %gt3A_83 : i32
        %convert_element_type3A_85 = arith.extui %gt3A_84 : i1 to i32
        %cond3A_86 = arith.constant 0 : i32
        %cond3A_87 = arith.cmpi ne, %convert_element_type3A_85, %cond3A_86 : i32
        scf.if %cond3A_87 {
          %dma_wait3A_201 = arith.constant 0 : i32
          %dma_wait3A_202 = arith.constant 0 : i32
          %dma_wait3A_203 = tpu.memref_slice %arg2[%dma_wait3A_201, %dma_wait3A_202] : memref<10000x128xf32, #tpu.memory_space<hbm>> -> memref<128x128xf32, #tpu.memory_space<hbm>>
          %dma_wait3A_204 = arith.constant 0 : i32
          %dma_wait3A_205 = arith.constant 0 : i32
          %dma_wait3A_206 = tpu.memref_slice %arg2[%dma_wait3A_204, %dma_wait3A_205] : memref<10000x128xf32, #tpu.memory_space<hbm>> -> memref<128x128xf32, #tpu.memory_space<hbm>>
          tpu.wait_dma2 semaphore(%arg19 : memref<!tpu.dma_semaphore, #tpu.memory_space<semaphore_mem>>) src(%dma_wait3A_206 : memref<128x128xf32, #tpu.memory_space<hbm>>) dst(%arg11 : memref<128x128xf32, #tpu.memory_space<vmem>>)
        } else {
        }
        %dma_start3A_88 = arith.constant 1 : i32
        %dma_start3A_89 = arith.constant 0 : i32
        %dma_start3A_90 = tpu.memref_slice %arg8[%dma_start3A_88, %dma_start3A_89] : memref<2x128xi32, #tpu.memory_space<vmem>> -> memref<1x128xi32, #tpu.memory_space<vmem>>
        %dma_start3A_91 = tpu.memref_squeeze %dma_start3A_90 : memref<1x128xi32, #tpu.memory_space<vmem>> -> memref<128xi32, #tpu.memory_space<vmem>>
        %dma_start3A_92 = arith.constant 0 : i32
        %dma_start3A_93 = arith.constant 0 : i32
        %dma_start3A_94 = tpu.memref_slice %arg2[%dma_start3A_92, %dma_start3A_93] : memref<10000x128xf32, #tpu.memory_space<hbm>> -> memref<10000x128xf32, #tpu.memory_space<hbm>>
        tpu.enqueue_indirect_dma source(%dma_start3A_94 : memref<10000x128xf32, #tpu.memory_space<hbm>>) target(%arg11 : memref<128x128xf32, #tpu.memory_space<vmem>>) offsets(%dma_start3A_91 : memref<128xi32, #tpu.memory_space<vmem>>) semaphore(%arg17 : memref<!tpu.dma_semaphore, #tpu.memory_space<semaphore_mem>>)
        %dma_wait3A_95 = arith.constant 0 : i32
        %dma_wait3A_96 = arith.constant 0 : i32
        %dma_wait3A_97 = tpu.memref_slice %arg8[%dma_wait3A_95, %dma_wait3A_96] : memref<2x128xi32, #tpu.memory_space<vmem>> -> memref<1x128xi32, #tpu.memory_space<vmem>>
        %dma_wait3A_98 = tpu.memref_squeeze %dma_wait3A_97 : memref<1x128xi32, #tpu.memory_space<vmem>> -> memref<128xi32, #tpu.memory_space<vmem>>
        %dma_wait3A_99 = arith.constant 0 : i32
        %dma_wait3A_100 = arith.constant 0 : i32
        %dma_wait3A_101 = tpu.memref_slice %arg2[%dma_wait3A_99, %dma_wait3A_100] : memref<10000x128xf32, #tpu.memory_space<hbm>> -> memref<10000x128xf32, #tpu.memory_space<hbm>>
        tpu.wait_indirect_dma semaphore(%arg16 : memref<!tpu.dma_semaphore, #tpu.memory_space<semaphore_mem>>) src(%dma_wait3A_101 : memref<10000x128xf32, #tpu.memory_space<hbm>>) dst(%arg10 : memref<128x128xf32, #tpu.memory_space<vmem>>)
        %add3A_102 = arith.constant 0 : i32
        %add3A_103 = arith.addi %mul3A_66, %add3A_102 : i32
        %dma_start3A_104 = arith.constant 0 : i32
        %dma_start3A_105 = tpu.memref_slice %arg7[%add3A_103, %dma_start3A_104] : memref<120x128xi32, #tpu.memory_space<vmem>> -> memref<1x128xi32, #tpu.memory_space<vmem>>
        %dma_start3A_106 = tpu.memref_squeeze %dma_start3A_105 : memref<1x128xi32, #tpu.memory_space<vmem>> -> memref<128xi32, #tpu.memory_space<vmem>>
        %dma_start3A_107 = arith.constant 0 : i32
        %dma_start3A_108 = arith.constant 0 : i32
        %dma_start3A_109 = tpu.memref_slice %arg12[%dma_start3A_107, %dma_start3A_108] : memref<10240x128xf32, #tpu.memory_space<vmem_shared>> -> memref<10240x128xf32, #tpu.memory_space<vmem_shared>>
        tpu.enqueue_indirect_dma source(%arg10 : memref<128x128xf32, #tpu.memory_space<vmem>>) target(%dma_start3A_109 : memref<10240x128xf32, #tpu.memory_space<vmem_shared>>) offsets(%dma_start3A_106 : memref<128xi32, #tpu.memory_space<vmem>>) semaphore(%arg18 : memref<!tpu.dma_semaphore, #tpu.memory_space<semaphore_mem>>) {add = true}
        %dma_wait3A_110 = arith.constant 1 : i32
        %dma_wait3A_111 = arith.constant 0 : i32
        %dma_wait3A_112 = tpu.memref_slice %arg8[%dma_wait3A_110, %dma_wait3A_111] : memref<2x128xi32, #tpu.memory_space<vmem>> -> memref<1x128xi32, #tpu.memory_space<vmem>>
        %dma_wait3A_113 = tpu.memref_squeeze %dma_wait3A_112 : memref<1x128xi32, #tpu.memory_space<vmem>> -> memref<128xi32, #tpu.memory_space<vmem>>
        %dma_wait3A_114 = arith.constant 0 : i32
        %dma_wait3A_115 = arith.constant 0 : i32
        %dma_wait3A_116 = tpu.memref_slice %arg2[%dma_wait3A_114, %dma_wait3A_115] : memref<10000x128xf32, #tpu.memory_space<hbm>> -> memref<10000x128xf32, #tpu.memory_space<hbm>>
        tpu.wait_indirect_dma semaphore(%arg17 : memref<!tpu.dma_semaphore, #tpu.memory_space<semaphore_mem>>) src(%dma_wait3A_116 : memref<10000x128xf32, #tpu.memory_space<hbm>>) dst(%arg11 : memref<128x128xf32, #tpu.memory_space<vmem>>)
        %add3A_117 = arith.constant 1 : i32
        %add3A_118 = arith.addi %mul3A_66, %add3A_117 : i32
        %dma_start3A_119 = arith.constant 0 : i32
        %dma_start3A_120 = tpu.memref_slice %arg7[%add3A_118, %dma_start3A_119] : memref<120x128xi32, #tpu.memory_space<vmem>> -> memref<1x128xi32, #tpu.memory_space<vmem>>
        %dma_start3A_121 = tpu.memref_squeeze %dma_start3A_120 : memref<1x128xi32, #tpu.memory_space<vmem>> -> memref<128xi32, #tpu.memory_space<vmem>>
        %dma_start3A_122 = arith.constant 0 : i32
        %dma_start3A_123 = arith.constant 0 : i32
        %dma_start3A_124 = tpu.memref_slice %arg12[%dma_start3A_122, %dma_start3A_123] : memref<10240x128xf32, #tpu.memory_space<vmem_shared>> -> memref<10240x128xf32, #tpu.memory_space<vmem_shared>>
        tpu.enqueue_indirect_dma source(%arg11 : memref<128x128xf32, #tpu.memory_space<vmem>>) target(%dma_start3A_124 : memref<10240x128xf32, #tpu.memory_space<vmem_shared>>) offsets(%dma_start3A_121 : memref<128xi32, #tpu.memory_space<vmem>>) semaphore(%arg19 : memref<!tpu.dma_semaphore, #tpu.memory_space<semaphore_mem>>) {add = true}
        %lt3A = arith.constant 29 : i32
        %lt3A_125 = arith.cmpi slt, %scan3A_60, %lt3A : i32
        %convert_element_type3A_126 = arith.extui %lt3A_125 : i1 to i32
        %cond3A_127 = arith.constant 0 : i32
        %cond3A_128 = arith.cmpi ne, %convert_element_type3A_126, %cond3A_127 : i32
        scf.if %cond3A_128 {
          %add3A_201 = arith.addi %mul3A_22, %mul3A_66 : i32
          %add3A_202 = arith.constant 4 : i32
          %add3A_203 = arith.addi %add3A_201, %add3A_202 : i32
          %dma_start3A_204 = arith.constant 0 : i32
          %dma_start3A_205 = tpu.memref_slice %arg3[%add3A_203, %dma_start3A_204] : memref<2560x128xi32, #tpu.memory_space<hbm>> -> memref<2x128xi32, #tpu.memory_space<hbm>>
          %dma_start3A_206 = arith.constant 0 : i32
          %dma_start3A_207 = tpu.memref_slice %arg3[%add3A_203, %dma_start3A_206] : memref<2560x128xi32, #tpu.memory_space<hbm>> -> memref<2x128xi32, #tpu.memory_space<hbm>>
          tpu.enqueue_dma source(%dma_start3A_207 : memref<2x128xi32, #tpu.memory_space<hbm>>) target(%arg8 : memref<2x128xi32, #tpu.memory_space<vmem>>) target_semaphore(%arg14 : memref<!tpu.dma_semaphore, #tpu.memory_space<semaphore_mem>>)
        } else {
        }
        %mul3A_129 = arith.constant 2 : i32
        %mul3A_130 = arith.muli %scan3A_60, %mul3A_129 : i32
        %add3A_131 = arith.constant 1 : i32
        %add3A_132 = arith.addi %mul3A_130, %add3A_131 : i32
        %mul3A_133 = arith.constant 2 : i32
        %mul3A_134 = arith.muli %add3A_132, %mul3A_133 : i32
        %gt3A_135 = arith.constant 0 : i32
        %gt3A_136 = arith.cmpi sgt, %scan3A_60, %gt3A_135 : i32
        %convert_element_type3A_137 = arith.extui %gt3A_136 : i1 to i32
        %cond3A_138 = arith.constant 0 : i32
        %cond3A_139 = arith.cmpi ne, %convert_element_type3A_137, %cond3A_138 : i32
        scf.if %cond3A_139 {
          %dma_wait3A_201 = arith.constant 0 : i32
          %dma_wait3A_202 = arith.constant 0 : i32
          %dma_wait3A_203 = tpu.memref_slice %arg3[%dma_wait3A_201, %dma_wait3A_202] : memref<2560x128xi32, #tpu.memory_space<hbm>> -> memref<2x128xi32, #tpu.memory_space<hbm>>
          %dma_wait3A_204 = arith.constant 0 : i32
          %dma_wait3A_205 = arith.constant 0 : i32
          %dma_wait3A_206 = tpu.memref_slice %arg3[%dma_wait3A_204, %dma_wait3A_205] : memref<2560x128xi32, #tpu.memory_space<hbm>> -> memref<2x128xi32, #tpu.memory_space<hbm>>
          tpu.wait_dma2 semaphore(%arg15 : memref<!tpu.dma_semaphore, #tpu.memory_space<semaphore_mem>>) src(%dma_wait3A_206 : memref<2x128xi32, #tpu.memory_space<hbm>>) dst(%arg9 : memref<2x128xi32, #tpu.memory_space<vmem>>)
        } else {
        }
        %dma_wait3A_140 = arith.constant 0 : i32
        %dma_wait3A_141 = arith.constant 0 : i32
        %dma_wait3A_142 = tpu.memref_slice %arg2[%dma_wait3A_140, %dma_wait3A_141] : memref<10000x128xf32, #tpu.memory_space<hbm>> -> memref<128x128xf32, #tpu.memory_space<hbm>>
        %dma_wait3A_143 = arith.constant 0 : i32
        %dma_wait3A_144 = arith.constant 0 : i32
        %dma_wait3A_145 = tpu.memref_slice %arg2[%dma_wait3A_143, %dma_wait3A_144] : memref<10000x128xf32, #tpu.memory_space<hbm>> -> memref<128x128xf32, #tpu.memory_space<hbm>>
        tpu.wait_dma2 semaphore(%arg18 : memref<!tpu.dma_semaphore, #tpu.memory_space<semaphore_mem>>) src(%dma_wait3A_145 : memref<128x128xf32, #tpu.memory_space<hbm>>) dst(%arg10 : memref<128x128xf32, #tpu.memory_space<vmem>>)
        %dma_start3A_146 = arith.constant 0 : i32
        %dma_start3A_147 = arith.constant 0 : i32
        %dma_start3A_148 = tpu.memref_slice %arg9[%dma_start3A_146, %dma_start3A_147] : memref<2x128xi32, #tpu.memory_space<vmem>> -> memref<1x128xi32, #tpu.memory_space<vmem>>
        %dma_start3A_149 = tpu.memref_squeeze %dma_start3A_148 : memref<1x128xi32, #tpu.memory_space<vmem>> -> memref<128xi32, #tpu.memory_space<vmem>>
        %dma_start3A_150 = arith.constant 0 : i32
        %dma_start3A_151 = arith.constant 0 : i32
        %dma_start3A_152 = tpu.memref_slice %arg2[%dma_start3A_150, %dma_start3A_151] : memref<10000x128xf32, #tpu.memory_space<hbm>> -> memref<10000x128xf32, #tpu.memory_space<hbm>>
        tpu.enqueue_indirect_dma source(%dma_start3A_152 : memref<10000x128xf32, #tpu.memory_space<hbm>>) target(%arg10 : memref<128x128xf32, #tpu.memory_space<vmem>>) offsets(%dma_start3A_149 : memref<128xi32, #tpu.memory_space<vmem>>) semaphore(%arg16 : memref<!tpu.dma_semaphore, #tpu.memory_space<semaphore_mem>>)
        %dma_wait3A_153 = arith.constant 0 : i32
        %dma_wait3A_154 = arith.constant 0 : i32
        %dma_wait3A_155 = tpu.memref_slice %arg2[%dma_wait3A_153, %dma_wait3A_154] : memref<10000x128xf32, #tpu.memory_space<hbm>> -> memref<128x128xf32, #tpu.memory_space<hbm>>
        %dma_wait3A_156 = arith.constant 0 : i32
        %dma_wait3A_157 = arith.constant 0 : i32
        %dma_wait3A_158 = tpu.memref_slice %arg2[%dma_wait3A_156, %dma_wait3A_157] : memref<10000x128xf32, #tpu.memory_space<hbm>> -> memref<128x128xf32, #tpu.memory_space<hbm>>
        tpu.wait_dma2 semaphore(%arg19 : memref<!tpu.dma_semaphore, #tpu.memory_space<semaphore_mem>>) src(%dma_wait3A_158 : memref<128x128xf32, #tpu.memory_space<hbm>>) dst(%arg11 : memref<128x128xf32, #tpu.memory_space<vmem>>)
        %dma_start3A_159 = arith.constant 1 : i32
        %dma_start3A_160 = arith.constant 0 : i32
        %dma_start3A_161 = tpu.memref_slice %arg9[%dma_start3A_159, %dma_start3A_160] : memref<2x128xi32, #tpu.memory_space<vmem>> -> memref<1x128xi32, #tpu.memory_space<vmem>>
        %dma_start3A_162 = tpu.memref_squeeze %dma_start3A_161 : memref<1x128xi32, #tpu.memory_space<vmem>> -> memref<128xi32, #tpu.memory_space<vmem>>
        %dma_start3A_163 = arith.constant 0 : i32
        %dma_start3A_164 = arith.constant 0 : i32
        %dma_start3A_165 = tpu.memref_slice %arg2[%dma_start3A_163, %dma_start3A_164] : memref<10000x128xf32, #tpu.memory_space<hbm>> -> memref<10000x128xf32, #tpu.memory_space<hbm>>
        tpu.enqueue_indirect_dma source(%dma_start3A_165 : memref<10000x128xf32, #tpu.memory_space<hbm>>) target(%arg11 : memref<128x128xf32, #tpu.memory_space<vmem>>) offsets(%dma_start3A_162 : memref<128xi32, #tpu.memory_space<vmem>>) semaphore(%arg17 : memref<!tpu.dma_semaphore, #tpu.memory_space<semaphore_mem>>)
        %dma_wait3A_166 = arith.constant 0 : i32
        %dma_wait3A_167 = arith.constant 0 : i32
        %dma_wait3A_168 = tpu.memref_slice %arg9[%dma_wait3A_166, %dma_wait3A_167] : memref<2x128xi32, #tpu.memory_space<vmem>> -> memref<1x128xi32, #tpu.memory_space<vmem>>
        %dma_wait3A_169 = tpu.memref_squeeze %dma_wait3A_168 : memref<1x128xi32, #tpu.memory_space<vmem>> -> memref<128xi32, #tpu.memory_space<vmem>>
        %dma_wait3A_170 = arith.constant 0 : i32
        %dma_wait3A_171 = arith.constant 0 : i32
        %dma_wait3A_172 = tpu.memref_slice %arg2[%dma_wait3A_170, %dma_wait3A_171] : memref<10000x128xf32, #tpu.memory_space<hbm>> -> memref<10000x128xf32, #tpu.memory_space<hbm>>
        tpu.wait_indirect_dma semaphore(%arg16 : memref<!tpu.dma_semaphore, #tpu.memory_space<semaphore_mem>>) src(%dma_wait3A_172 : memref<10000x128xf32, #tpu.memory_space<hbm>>) dst(%arg10 : memref<128x128xf32, #tpu.memory_space<vmem>>)
        %add3A_173 = arith.constant 0 : i32
        %add3A_174 = arith.addi %mul3A_134, %add3A_173 : i32
        %dma_start3A_175 = arith.constant 0 : i32
        %dma_start3A_176 = tpu.memref_slice %arg7[%add3A_174, %dma_start3A_175] : memref<120x128xi32, #tpu.memory_space<vmem>> -> memref<1x128xi32, #tpu.memory_space<vmem>>
        %dma_start3A_177 = tpu.memref_squeeze %dma_start3A_176 : memref<1x128xi32, #tpu.memory_space<vmem>> -> memref<128xi32, #tpu.memory_space<vmem>>
        %dma_start3A_178 = arith.constant 0 : i32
        %dma_start3A_179 = arith.constant 0 : i32
        %dma_start3A_180 = tpu.memref_slice %arg12[%dma_start3A_178, %dma_start3A_179] : memref<10240x128xf32, #tpu.memory_space<vmem_shared>> -> memref<10240x128xf32, #tpu.memory_space<vmem_shared>>
        tpu.enqueue_indirect_dma source(%arg10 : memref<128x128xf32, #tpu.memory_space<vmem>>) target(%dma_start3A_180 : memref<10240x128xf32, #tpu.memory_space<vmem_shared>>) offsets(%dma_start3A_177 : memref<128xi32, #tpu.memory_space<vmem>>) semaphore(%arg18 : memref<!tpu.dma_semaphore, #tpu.memory_space<semaphore_mem>>) {add = true}
        %dma_wait3A_181 = arith.constant 1 : i32
        %dma_wait3A_182 = arith.constant 0 : i32
        %dma_wait3A_183 = tpu.memref_slice %arg9[%dma_wait3A_181, %dma_wait3A_182] : memref<2x128xi32, #tpu.memory_space<vmem>> -> memref<1x128xi32, #tpu.memory_space<vmem>>
        %dma_wait3A_184 = tpu.memref_squeeze %dma_wait3A_183 : memref<1x128xi32, #tpu.memory_space<vmem>> -> memref<128xi32, #tpu.memory_space<vmem>>
        %dma_wait3A_185 = arith.constant 0 : i32
        %dma_wait3A_186 = arith.constant 0 : i32
        %dma_wait3A_187 = tpu.memref_slice %arg2[%dma_wait3A_185, %dma_wait3A_186] : memref<10000x128xf32, #tpu.memory_space<hbm>> -> memref<10000x128xf32, #tpu.memory_space<hbm>>
        tpu.wait_indirect_dma semaphore(%arg17 : memref<!tpu.dma_semaphore, #tpu.memory_space<semaphore_mem>>) src(%dma_wait3A_187 : memref<10000x128xf32, #tpu.memory_space<hbm>>) dst(%arg11 : memref<128x128xf32, #tpu.memory_space<vmem>>)
        %add3A_188 = arith.constant 1 : i32
        %add3A_189 = arith.addi %mul3A_134, %add3A_188 : i32
        %dma_start3A_190 = arith.constant 0 : i32
        %dma_start3A_191 = tpu.memref_slice %arg7[%add3A_189, %dma_start3A_190] : memref<120x128xi32, #tpu.memory_space<vmem>> -> memref<1x128xi32, #tpu.memory_space<vmem>>
        %dma_start3A_192 = tpu.memref_squeeze %dma_start3A_191 : memref<1x128xi32, #tpu.memory_space<vmem>> -> memref<128xi32, #tpu.memory_space<vmem>>
        %dma_start3A_193 = arith.constant 0 : i32
        %dma_start3A_194 = arith.constant 0 : i32
        %dma_start3A_195 = tpu.memref_slice %arg12[%dma_start3A_193, %dma_start3A_194] : memref<10240x128xf32, #tpu.memory_space<vmem_shared>> -> memref<10240x128xf32, #tpu.memory_space<vmem_shared>>
        tpu.enqueue_indirect_dma source(%arg11 : memref<128x128xf32, #tpu.memory_space<vmem>>) target(%dma_start3A_195 : memref<10240x128xf32, #tpu.memory_space<vmem_shared>>) offsets(%dma_start3A_192 : memref<128xi32, #tpu.memory_space<vmem>>) semaphore(%arg19 : memref<!tpu.dma_semaphore, #tpu.memory_space<semaphore_mem>>) {add = true}
        %lt3A_196 = arith.constant 29 : i32
        %lt3A_197 = arith.cmpi slt, %scan3A_60, %lt3A_196 : i32
        %convert_element_type3A_198 = arith.extui %lt3A_197 : i1 to i32
        %cond3A_199 = arith.constant 0 : i32
        %cond3A_200 = arith.cmpi ne, %convert_element_type3A_198, %cond3A_199 : i32
        scf.if %cond3A_200 {
          %add3A_201 = arith.addi %mul3A_22, %mul3A_134 : i32
          %add3A_202 = arith.constant 4 : i32
          %add3A_203 = arith.addi %add3A_201, %add3A_202 : i32
          %dma_start3A_204 = arith.constant 0 : i32
          %dma_start3A_205 = tpu.memref_slice %arg3[%add3A_203, %dma_start3A_204] : memref<2560x128xi32, #tpu.memory_space<hbm>> -> memref<2x128xi32, #tpu.memory_space<hbm>>
          %dma_start3A_206 = arith.constant 0 : i32
          %dma_start3A_207 = tpu.memref_slice %arg3[%add3A_203, %dma_start3A_206] : memref<2560x128xi32, #tpu.memory_space<hbm>> -> memref<2x128xi32, #tpu.memory_space<hbm>>
          tpu.enqueue_dma source(%dma_start3A_207 : memref<2x128xi32, #tpu.memory_space<hbm>>) target(%arg9 : memref<2x128xi32, #tpu.memory_space<vmem>>) target_semaphore(%arg15 : memref<!tpu.dma_semaphore, #tpu.memory_space<semaphore_mem>>)
        } else {
        }
      }
      %scan3A_47 = arith.constant 30 : i32
      %dma_wait3A_48 = arith.constant 0 : i32
      %dma_wait3A_49 = arith.constant 0 : i32
      %dma_wait3A_50 = tpu.memref_slice %arg2[%dma_wait3A_48, %dma_wait3A_49] : memref<10000x128xf32, #tpu.memory_space<hbm>> -> memref<128x128xf32, #tpu.memory_space<hbm>>
      %dma_wait3A_51 = arith.constant 0 : i32
      %dma_wait3A_52 = arith.constant 0 : i32
      %dma_wait3A_53 = tpu.memref_slice %arg2[%dma_wait3A_51, %dma_wait3A_52] : memref<10000x128xf32, #tpu.memory_space<hbm>> -> memref<128x128xf32, #tpu.memory_space<hbm>>
      tpu.wait_dma2 semaphore(%arg18 : memref<!tpu.dma_semaphore, #tpu.memory_space<semaphore_mem>>) src(%dma_wait3A_53 : memref<128x128xf32, #tpu.memory_space<hbm>>) dst(%arg10 : memref<128x128xf32, #tpu.memory_space<vmem>>)
      %dma_wait3A_54 = arith.constant 0 : i32
      %dma_wait3A_55 = arith.constant 0 : i32
      %dma_wait3A_56 = tpu.memref_slice %arg2[%dma_wait3A_54, %dma_wait3A_55] : memref<10000x128xf32, #tpu.memory_space<hbm>> -> memref<128x128xf32, #tpu.memory_space<hbm>>
      %dma_wait3A_57 = arith.constant 0 : i32
      %dma_wait3A_58 = arith.constant 0 : i32
      %dma_wait3A_59 = tpu.memref_slice %arg2[%dma_wait3A_57, %dma_wait3A_58] : memref<10000x128xf32, #tpu.memory_space<hbm>> -> memref<128x128xf32, #tpu.memory_space<hbm>>
      tpu.wait_dma2 semaphore(%arg19 : memref<!tpu.dma_semaphore, #tpu.memory_space<semaphore_mem>>) src(%dma_wait3A_59 : memref<128x128xf32, #tpu.memory_space<hbm>>) dst(%arg11 : memref<128x128xf32, #tpu.memory_space<vmem>>)
    } else {
    }
    %eq3A_12 = arith.constant 1 : i32
    %eq3A_13 = arith.cmpi eq, %arg0, %eq3A_12 : i32
    %convert_element_type3A_14 = arith.extui %eq3A_13 : i1 to i32
    %cond3A_15 = arith.constant 0 : i32
    %cond3A_16 = arith.cmpi ne, %convert_element_type3A_14, %cond3A_15 : i32
    scf.if %cond3A_16 {
      %mul3A_21 = arith.constant 40 : i32
      %mul3A_22 = arith.muli %arg1, %mul3A_21 : i32
      %add3A_23 = arith.constant 1920 : i32
      %add3A_24 = arith.addi %add3A_23, %mul3A_22 : i32
      %dma_start3A = arith.constant 0 : i32
      %dma_start3A_25 = arith.constant 0 : i32
      %dma_start3A_26 = tpu.memref_slice %arg7[%dma_start3A, %dma_start3A_25] : memref<120x128xi32, #tpu.memory_space<vmem>> -> memref<40x128xi32, #tpu.memory_space<vmem>>
      %dma_start3A_27 = arith.constant 0 : i32
      %dma_start3A_28 = tpu.memref_slice %arg4[%add3A_24, %dma_start3A_27] : memref<2560x128xi32, #tpu.memory_space<hbm>> -> memref<40x128xi32, #tpu.memory_space<hbm>>
      %dma_start3A_29 = arith.constant 0 : i32
      %dma_start3A_30 = arith.constant 0 : i32
      %dma_start3A_31 = tpu.memref_slice %arg7[%dma_start3A_29, %dma_start3A_30] : memref<120x128xi32, #tpu.memory_space<vmem>> -> memref<40x128xi32, #tpu.memory_space<vmem>>
      %dma_start3A_32 = arith.constant 0 : i32
      %dma_start3A_33 = tpu.memref_slice %arg4[%add3A_24, %dma_start3A_32] : memref<2560x128xi32, #tpu.memory_space<hbm>> -> memref<40x128xi32, #tpu.memory_space<hbm>>
      tpu.enqueue_dma source(%dma_start3A_33 : memref<40x128xi32, #tpu.memory_space<hbm>>) target(%dma_start3A_31 : memref<40x128xi32, #tpu.memory_space<vmem>>) target_semaphore(%arg13 : memref<!tpu.dma_semaphore, #tpu.memory_space<semaphore_mem>>)
      "tpu.region"() ({
        %run_scoped3A = tpu.sem_alloc : memref<!tpu.dma_semaphore, #tpu.memory_space<semaphore_mem>>
        %dma_start3A_62 = arith.constant 0 : i32
        %dma_start3A_63 = tpu.memref_slice %arg3[%add3A_24, %dma_start3A_62] : memref<2560x128xi32, #tpu.memory_space<hbm>> -> memref<2x128xi32, #tpu.memory_space<hbm>>
        %dma_start3A_64 = arith.constant 0 : i32
        %dma_start3A_65 = tpu.memref_slice %arg3[%add3A_24, %dma_start3A_64] : memref<2560x128xi32, #tpu.memory_space<hbm>> -> memref<2x128xi32, #tpu.memory_space<hbm>>
        tpu.enqueue_dma source(%dma_start3A_65 : memref<2x128xi32, #tpu.memory_space<hbm>>) target(%arg8 : memref<2x128xi32, #tpu.memory_space<vmem>>) target_semaphore(%run_scoped3A : memref<!tpu.dma_semaphore, #tpu.memory_space<semaphore_mem>>)
        %dma_wait3A_66 = arith.constant 0 : i32
        %dma_wait3A_67 = tpu.memref_slice %arg3[%add3A_24, %dma_wait3A_66] : memref<2560x128xi32, #tpu.memory_space<hbm>> -> memref<2x128xi32, #tpu.memory_space<hbm>>
        %dma_wait3A_68 = arith.constant 0 : i32
        %dma_wait3A_69 = tpu.memref_slice %arg3[%add3A_24, %dma_wait3A_68] : memref<2560x128xi32, #tpu.memory_space<hbm>> -> memref<2x128xi32, #tpu.memory_space<hbm>>
        tpu.wait_dma2 semaphore(%run_scoped3A : memref<!tpu.dma_semaphore, #tpu.memory_space<semaphore_mem>>) src(%dma_wait3A_69 : memref<2x128xi32, #tpu.memory_space<hbm>>) dst(%arg8 : memref<2x128xi32, #tpu.memory_space<vmem>>)
        tpu.yield
      }) : () -> ()
      %add3A_34 = arith.constant 2 : i32
      %add3A_35 = arith.addi %add3A_24, %add3A_34 : i32
      "tpu.region"() ({
        %run_scoped3A = tpu.sem_alloc : memref<!tpu.dma_semaphore, #tpu.memory_space<semaphore_mem>>
        %dma_start3A_62 = arith.constant 0 : i32
        %dma_start3A_63 = tpu.memref_slice %arg3[%add3A_35, %dma_start3A_62] : memref<2560x128xi32, #tpu.memory_space<hbm>> -> memref<2x128xi32, #tpu.memory_space<hbm>>
        %dma_start3A_64 = arith.constant 0 : i32
        %dma_start3A_65 = tpu.memref_slice %arg3[%add3A_35, %dma_start3A_64] : memref<2560x128xi32, #tpu.memory_space<hbm>> -> memref<2x128xi32, #tpu.memory_space<hbm>>
        tpu.enqueue_dma source(%dma_start3A_65 : memref<2x128xi32, #tpu.memory_space<hbm>>) target(%arg9 : memref<2x128xi32, #tpu.memory_space<vmem>>) target_semaphore(%run_scoped3A : memref<!tpu.dma_semaphore, #tpu.memory_space<semaphore_mem>>)
        %dma_wait3A_66 = arith.constant 0 : i32
        %dma_wait3A_67 = tpu.memref_slice %arg3[%add3A_35, %dma_wait3A_66] : memref<2560x128xi32, #tpu.memory_space<hbm>> -> memref<2x128xi32, #tpu.memory_space<hbm>>
        %dma_wait3A_68 = arith.constant 0 : i32
        %dma_wait3A_69 = tpu.memref_slice %arg3[%add3A_35, %dma_wait3A_68] : memref<2560x128xi32, #tpu.memory_space<hbm>> -> memref<2x128xi32, #tpu.memory_space<hbm>>
        tpu.wait_dma2 semaphore(%run_scoped3A : memref<!tpu.dma_semaphore, #tpu.memory_space<semaphore_mem>>) src(%dma_wait3A_69 : memref<2x128xi32, #tpu.memory_space<hbm>>) dst(%arg9 : memref<2x128xi32, #tpu.memory_space<vmem>>)
        tpu.yield
      }) : () -> ()
      %dma_wait3A = arith.constant 0 : i32
      %dma_wait3A_36 = arith.constant 0 : i32
      %dma_wait3A_37 = tpu.memref_slice %arg7[%dma_wait3A, %dma_wait3A_36] : memref<120x128xi32, #tpu.memory_space<vmem>> -> memref<40x128xi32, #tpu.memory_space<vmem>>
      %dma_wait3A_38 = arith.constant 0 : i32
      %dma_wait3A_39 = tpu.memref_slice %arg4[%add3A_24, %dma_wait3A_38] : memref<2560x128xi32, #tpu.memory_space<hbm>> -> memref<40x128xi32, #tpu.memory_space<hbm>>
      %dma_wait3A_40 = arith.constant 0 : i32
      %dma_wait3A_41 = arith.constant 0 : i32
      %dma_wait3A_42 = tpu.memref_slice %arg7[%dma_wait3A_40, %dma_wait3A_41] : memref<120x128xi32, #tpu.memory_space<vmem>> -> memref<40x128xi32, #tpu.memory_space<vmem>>
      %dma_wait3A_43 = arith.constant 0 : i32
      %dma_wait3A_44 = tpu.memref_slice %arg4[%add3A_24, %dma_wait3A_43] : memref<2560x128xi32, #tpu.memory_space<hbm>> -> memref<40x128xi32, #tpu.memory_space<hbm>>
      tpu.wait_dma2 semaphore(%arg13 : memref<!tpu.dma_semaphore, #tpu.memory_space<semaphore_mem>>) src(%dma_wait3A_44 : memref<40x128xi32, #tpu.memory_space<hbm>>) dst(%dma_wait3A_42 : memref<40x128xi32, #tpu.memory_space<vmem>>)
      %scan3A = arith.constant 0 : i32
      %scan3A_45 = arith.constant 0 : i32
      %scan3A_46 = arith.constant 10 : i32
      %scan3A_47 = arith.addi %scan3A_45, %scan3A_46 : i32
      %scan3A_48 = arith.constant 1 : i32
      scf.for %scan3A_62 = %scan3A_45 to %scan3A_47 step %scan3A_48  : i32 {
        %mul3A_63 = arith.constant 2 : i32
        %mul3A_64 = arith.muli %scan3A_62, %mul3A_63 : i32
        %add3A_65 = arith.constant 0 : i32
        %add3A_66 = arith.addi %mul3A_64, %add3A_65 : i32
        %mul3A_67 = arith.constant 2 : i32
        %mul3A_68 = arith.muli %add3A_66, %mul3A_67 : i32
        %gt3A = arith.constant 0 : i32
        %gt3A_69 = arith.cmpi sgt, %scan3A_62, %gt3A : i32
        %convert_element_type3A_70 = arith.extui %gt3A_69 : i1 to i32
        %cond3A_71 = arith.constant 0 : i32
        %cond3A_72 = arith.cmpi ne, %convert_element_type3A_70, %cond3A_71 : i32
        scf.if %cond3A_72 {
          %dma_wait3A_203 = arith.constant 0 : i32
          %dma_wait3A_204 = arith.constant 0 : i32
          %dma_wait3A_205 = tpu.memref_slice %arg3[%dma_wait3A_203, %dma_wait3A_204] : memref<2560x128xi32, #tpu.memory_space<hbm>> -> memref<2x128xi32, #tpu.memory_space<hbm>>
          %dma_wait3A_206 = arith.constant 0 : i32
          %dma_wait3A_207 = arith.constant 0 : i32
          %dma_wait3A_208 = tpu.memref_slice %arg3[%dma_wait3A_206, %dma_wait3A_207] : memref<2560x128xi32, #tpu.memory_space<hbm>> -> memref<2x128xi32, #tpu.memory_space<hbm>>
          tpu.wait_dma2 semaphore(%arg14 : memref<!tpu.dma_semaphore, #tpu.memory_space<semaphore_mem>>) src(%dma_wait3A_208 : memref<2x128xi32, #tpu.memory_space<hbm>>) dst(%arg8 : memref<2x128xi32, #tpu.memory_space<vmem>>)
        } else {
        }
        %gt3A_73 = arith.constant 0 : i32
        %gt3A_74 = arith.cmpi sgt, %scan3A_62, %gt3A_73 : i32
        %convert_element_type3A_75 = arith.extui %gt3A_74 : i1 to i32
        %cond3A_76 = arith.constant 0 : i32
        %cond3A_77 = arith.cmpi ne, %convert_element_type3A_75, %cond3A_76 : i32
        scf.if %cond3A_77 {
          %dma_wait3A_203 = arith.constant 0 : i32
          %dma_wait3A_204 = arith.constant 0 : i32
          %dma_wait3A_205 = tpu.memref_slice %arg2[%dma_wait3A_203, %dma_wait3A_204] : memref<10000x128xf32, #tpu.memory_space<hbm>> -> memref<128x128xf32, #tpu.memory_space<hbm>>
          %dma_wait3A_206 = arith.constant 0 : i32
          %dma_wait3A_207 = arith.constant 0 : i32
          %dma_wait3A_208 = tpu.memref_slice %arg2[%dma_wait3A_206, %dma_wait3A_207] : memref<10000x128xf32, #tpu.memory_space<hbm>> -> memref<128x128xf32, #tpu.memory_space<hbm>>
          tpu.wait_dma2 semaphore(%arg18 : memref<!tpu.dma_semaphore, #tpu.memory_space<semaphore_mem>>) src(%dma_wait3A_208 : memref<128x128xf32, #tpu.memory_space<hbm>>) dst(%arg10 : memref<128x128xf32, #tpu.memory_space<vmem>>)
        } else {
        }
        %dma_start3A_78 = arith.constant 0 : i32
        %dma_start3A_79 = arith.constant 0 : i32
        %dma_start3A_80 = tpu.memref_slice %arg8[%dma_start3A_78, %dma_start3A_79] : memref<2x128xi32, #tpu.memory_space<vmem>> -> memref<1x128xi32, #tpu.memory_space<vmem>>
        %dma_start3A_81 = tpu.memref_squeeze %dma_start3A_80 : memref<1x128xi32, #tpu.memory_space<vmem>> -> memref<128xi32, #tpu.memory_space<vmem>>
        %dma_start3A_82 = arith.constant 0 : i32
        %dma_start3A_83 = arith.constant 0 : i32
        %dma_start3A_84 = tpu.memref_slice %arg2[%dma_start3A_82, %dma_start3A_83] : memref<10000x128xf32, #tpu.memory_space<hbm>> -> memref<10000x128xf32, #tpu.memory_space<hbm>>
        tpu.enqueue_indirect_dma source(%dma_start3A_84 : memref<10000x128xf32, #tpu.memory_space<hbm>>) target(%arg10 : memref<128x128xf32, #tpu.memory_space<vmem>>) offsets(%dma_start3A_81 : memref<128xi32, #tpu.memory_space<vmem>>) semaphore(%arg16 : memref<!tpu.dma_semaphore, #tpu.memory_space<semaphore_mem>>)
        %gt3A_85 = arith.constant 0 : i32
        %gt3A_86 = arith.cmpi sgt, %scan3A_62, %gt3A_85 : i32
        %convert_element_type3A_87 = arith.extui %gt3A_86 : i1 to i32
        %cond3A_88 = arith.constant 0 : i32
        %cond3A_89 = arith.cmpi ne, %convert_element_type3A_87, %cond3A_88 : i32
        scf.if %cond3A_89 {
          %dma_wait3A_203 = arith.constant 0 : i32
          %dma_wait3A_204 = arith.constant 0 : i32
          %dma_wait3A_205 = tpu.memref_slice %arg2[%dma_wait3A_203, %dma_wait3A_204] : memref<10000x128xf32, #tpu.memory_space<hbm>> -> memref<128x128xf32, #tpu.memory_space<hbm>>
          %dma_wait3A_206 = arith.constant 0 : i32
          %dma_wait3A_207 = arith.constant 0 : i32
          %dma_wait3A_208 = tpu.memref_slice %arg2[%dma_wait3A_206, %dma_wait3A_207] : memref<10000x128xf32, #tpu.memory_space<hbm>> -> memref<128x128xf32, #tpu.memory_space<hbm>>
          tpu.wait_dma2 semaphore(%arg19 : memref<!tpu.dma_semaphore, #tpu.memory_space<semaphore_mem>>) src(%dma_wait3A_208 : memref<128x128xf32, #tpu.memory_space<hbm>>) dst(%arg11 : memref<128x128xf32, #tpu.memory_space<vmem>>)
        } else {
        }
        %dma_start3A_90 = arith.constant 1 : i32
        %dma_start3A_91 = arith.constant 0 : i32
        %dma_start3A_92 = tpu.memref_slice %arg8[%dma_start3A_90, %dma_start3A_91] : memref<2x128xi32, #tpu.memory_space<vmem>> -> memref<1x128xi32, #tpu.memory_space<vmem>>
        %dma_start3A_93 = tpu.memref_squeeze %dma_start3A_92 : memref<1x128xi32, #tpu.memory_space<vmem>> -> memref<128xi32, #tpu.memory_space<vmem>>
        %dma_start3A_94 = arith.constant 0 : i32
        %dma_start3A_95 = arith.constant 0 : i32
        %dma_start3A_96 = tpu.memref_slice %arg2[%dma_start3A_94, %dma_start3A_95] : memref<10000x128xf32, #tpu.memory_space<hbm>> -> memref<10000x128xf32, #tpu.memory_space<hbm>>
        tpu.enqueue_indirect_dma source(%dma_start3A_96 : memref<10000x128xf32, #tpu.memory_space<hbm>>) target(%arg11 : memref<128x128xf32, #tpu.memory_space<vmem>>) offsets(%dma_start3A_93 : memref<128xi32, #tpu.memory_space<vmem>>) semaphore(%arg17 : memref<!tpu.dma_semaphore, #tpu.memory_space<semaphore_mem>>)
        %dma_wait3A_97 = arith.constant 0 : i32
        %dma_wait3A_98 = arith.constant 0 : i32
        %dma_wait3A_99 = tpu.memref_slice %arg8[%dma_wait3A_97, %dma_wait3A_98] : memref<2x128xi32, #tpu.memory_space<vmem>> -> memref<1x128xi32, #tpu.memory_space<vmem>>
        %dma_wait3A_100 = tpu.memref_squeeze %dma_wait3A_99 : memref<1x128xi32, #tpu.memory_space<vmem>> -> memref<128xi32, #tpu.memory_space<vmem>>
        %dma_wait3A_101 = arith.constant 0 : i32
        %dma_wait3A_102 = arith.constant 0 : i32
        %dma_wait3A_103 = tpu.memref_slice %arg2[%dma_wait3A_101, %dma_wait3A_102] : memref<10000x128xf32, #tpu.memory_space<hbm>> -> memref<10000x128xf32, #tpu.memory_space<hbm>>
        tpu.wait_indirect_dma semaphore(%arg16 : memref<!tpu.dma_semaphore, #tpu.memory_space<semaphore_mem>>) src(%dma_wait3A_103 : memref<10000x128xf32, #tpu.memory_space<hbm>>) dst(%arg10 : memref<128x128xf32, #tpu.memory_space<vmem>>)
        %add3A_104 = arith.constant 0 : i32
        %add3A_105 = arith.addi %mul3A_68, %add3A_104 : i32
        %dma_start3A_106 = arith.constant 0 : i32
        %dma_start3A_107 = tpu.memref_slice %arg7[%add3A_105, %dma_start3A_106] : memref<120x128xi32, #tpu.memory_space<vmem>> -> memref<1x128xi32, #tpu.memory_space<vmem>>
        %dma_start3A_108 = tpu.memref_squeeze %dma_start3A_107 : memref<1x128xi32, #tpu.memory_space<vmem>> -> memref<128xi32, #tpu.memory_space<vmem>>
        %dma_start3A_109 = arith.constant 0 : i32
        %dma_start3A_110 = arith.constant 0 : i32
        %dma_start3A_111 = tpu.memref_slice %arg12[%dma_start3A_109, %dma_start3A_110] : memref<10240x128xf32, #tpu.memory_space<vmem_shared>> -> memref<10240x128xf32, #tpu.memory_space<vmem_shared>>
        tpu.enqueue_indirect_dma source(%arg10 : memref<128x128xf32, #tpu.memory_space<vmem>>) target(%dma_start3A_111 : memref<10240x128xf32, #tpu.memory_space<vmem_shared>>) offsets(%dma_start3A_108 : memref<128xi32, #tpu.memory_space<vmem>>) semaphore(%arg18 : memref<!tpu.dma_semaphore, #tpu.memory_space<semaphore_mem>>) {add = true}
        %dma_wait3A_112 = arith.constant 1 : i32
        %dma_wait3A_113 = arith.constant 0 : i32
        %dma_wait3A_114 = tpu.memref_slice %arg8[%dma_wait3A_112, %dma_wait3A_113] : memref<2x128xi32, #tpu.memory_space<vmem>> -> memref<1x128xi32, #tpu.memory_space<vmem>>
        %dma_wait3A_115 = tpu.memref_squeeze %dma_wait3A_114 : memref<1x128xi32, #tpu.memory_space<vmem>> -> memref<128xi32, #tpu.memory_space<vmem>>
        %dma_wait3A_116 = arith.constant 0 : i32
        %dma_wait3A_117 = arith.constant 0 : i32
        %dma_wait3A_118 = tpu.memref_slice %arg2[%dma_wait3A_116, %dma_wait3A_117] : memref<10000x128xf32, #tpu.memory_space<hbm>> -> memref<10000x128xf32, #tpu.memory_space<hbm>>
        tpu.wait_indirect_dma semaphore(%arg17 : memref<!tpu.dma_semaphore, #tpu.memory_space<semaphore_mem>>) src(%dma_wait3A_118 : memref<10000x128xf32, #tpu.memory_space<hbm>>) dst(%arg11 : memref<128x128xf32, #tpu.memory_space<vmem>>)
        %add3A_119 = arith.constant 1 : i32
        %add3A_120 = arith.addi %mul3A_68, %add3A_119 : i32
        %dma_start3A_121 = arith.constant 0 : i32
        %dma_start3A_122 = tpu.memref_slice %arg7[%add3A_120, %dma_start3A_121] : memref<120x128xi32, #tpu.memory_space<vmem>> -> memref<1x128xi32, #tpu.memory_space<vmem>>
        %dma_start3A_123 = tpu.memref_squeeze %dma_start3A_122 : memref<1x128xi32, #tpu.memory_space<vmem>> -> memref<128xi32, #tpu.memory_space<vmem>>
        %dma_start3A_124 = arith.constant 0 : i32
        %dma_start3A_125 = arith.constant 0 : i32
        %dma_start3A_126 = tpu.memref_slice %arg12[%dma_start3A_124, %dma_start3A_125] : memref<10240x128xf32, #tpu.memory_space<vmem_shared>> -> memref<10240x128xf32, #tpu.memory_space<vmem_shared>>
        tpu.enqueue_indirect_dma source(%arg11 : memref<128x128xf32, #tpu.memory_space<vmem>>) target(%dma_start3A_126 : memref<10240x128xf32, #tpu.memory_space<vmem_shared>>) offsets(%dma_start3A_123 : memref<128xi32, #tpu.memory_space<vmem>>) semaphore(%arg19 : memref<!tpu.dma_semaphore, #tpu.memory_space<semaphore_mem>>) {add = true}
        %lt3A = arith.constant 9 : i32
        %lt3A_127 = arith.cmpi slt, %scan3A_62, %lt3A : i32
        %convert_element_type3A_128 = arith.extui %lt3A_127 : i1 to i32
        %cond3A_129 = arith.constant 0 : i32
        %cond3A_130 = arith.cmpi ne, %convert_element_type3A_128, %cond3A_129 : i32
        scf.if %cond3A_130 {
          %add3A_203 = arith.addi %add3A_24, %mul3A_68 : i32
          %add3A_204 = arith.constant 4 : i32
          %add3A_205 = arith.addi %add3A_203, %add3A_204 : i32
          %dma_start3A_206 = arith.constant 0 : i32
          %dma_start3A_207 = tpu.memref_slice %arg3[%add3A_205, %dma_start3A_206] : memref<2560x128xi32, #tpu.memory_space<hbm>> -> memref<2x128xi32, #tpu.memory_space<hbm>>
          %dma_start3A_208 = arith.constant 0 : i32
          %dma_start3A_209 = tpu.memref_slice %arg3[%add3A_205, %dma_start3A_208] : memref<2560x128xi32, #tpu.memory_space<hbm>> -> memref<2x128xi32, #tpu.memory_space<hbm>>
          tpu.enqueue_dma source(%dma_start3A_209 : memref<2x128xi32, #tpu.memory_space<hbm>>) target(%arg8 : memref<2x128xi32, #tpu.memory_space<vmem>>) target_semaphore(%arg14 : memref<!tpu.dma_semaphore, #tpu.memory_space<semaphore_mem>>)
        } else {
        }
        %mul3A_131 = arith.constant 2 : i32
        %mul3A_132 = arith.muli %scan3A_62, %mul3A_131 : i32
        %add3A_133 = arith.constant 1 : i32
        %add3A_134 = arith.addi %mul3A_132, %add3A_133 : i32
        %mul3A_135 = arith.constant 2 : i32
        %mul3A_136 = arith.muli %add3A_134, %mul3A_135 : i32
        %gt3A_137 = arith.constant 0 : i32
        %gt3A_138 = arith.cmpi sgt, %scan3A_62, %gt3A_137 : i32
        %convert_element_type3A_139 = arith.extui %gt3A_138 : i1 to i32
        %cond3A_140 = arith.constant 0 : i32
        %cond3A_141 = arith.cmpi ne, %convert_element_type3A_139, %cond3A_140 : i32
        scf.if %cond3A_141 {
          %dma_wait3A_203 = arith.constant 0 : i32
          %dma_wait3A_204 = arith.constant 0 : i32
          %dma_wait3A_205 = tpu.memref_slice %arg3[%dma_wait3A_203, %dma_wait3A_204] : memref<2560x128xi32, #tpu.memory_space<hbm>> -> memref<2x128xi32, #tpu.memory_space<hbm>>
          %dma_wait3A_206 = arith.constant 0 : i32
          %dma_wait3A_207 = arith.constant 0 : i32
          %dma_wait3A_208 = tpu.memref_slice %arg3[%dma_wait3A_206, %dma_wait3A_207] : memref<2560x128xi32, #tpu.memory_space<hbm>> -> memref<2x128xi32, #tpu.memory_space<hbm>>
          tpu.wait_dma2 semaphore(%arg15 : memref<!tpu.dma_semaphore, #tpu.memory_space<semaphore_mem>>) src(%dma_wait3A_208 : memref<2x128xi32, #tpu.memory_space<hbm>>) dst(%arg9 : memref<2x128xi32, #tpu.memory_space<vmem>>)
        } else {
        }
        %dma_wait3A_142 = arith.constant 0 : i32
        %dma_wait3A_143 = arith.constant 0 : i32
        %dma_wait3A_144 = tpu.memref_slice %arg2[%dma_wait3A_142, %dma_wait3A_143] : memref<10000x128xf32, #tpu.memory_space<hbm>> -> memref<128x128xf32, #tpu.memory_space<hbm>>
        %dma_wait3A_145 = arith.constant 0 : i32
        %dma_wait3A_146 = arith.constant 0 : i32
        %dma_wait3A_147 = tpu.memref_slice %arg2[%dma_wait3A_145, %dma_wait3A_146] : memref<10000x128xf32, #tpu.memory_space<hbm>> -> memref<128x128xf32, #tpu.memory_space<hbm>>
        tpu.wait_dma2 semaphore(%arg18 : memref<!tpu.dma_semaphore, #tpu.memory_space<semaphore_mem>>) src(%dma_wait3A_147 : memref<128x128xf32, #tpu.memory_space<hbm>>) dst(%arg10 : memref<128x128xf32, #tpu.memory_space<vmem>>)
        %dma_start3A_148 = arith.constant 0 : i32
        %dma_start3A_149 = arith.constant 0 : i32
        %dma_start3A_150 = tpu.memref_slice %arg9[%dma_start3A_148, %dma_start3A_149] : memref<2x128xi32, #tpu.memory_space<vmem>> -> memref<1x128xi32, #tpu.memory_space<vmem>>
        %dma_start3A_151 = tpu.memref_squeeze %dma_start3A_150 : memref<1x128xi32, #tpu.memory_space<vmem>> -> memref<128xi32, #tpu.memory_space<vmem>>
        %dma_start3A_152 = arith.constant 0 : i32
        %dma_start3A_153 = arith.constant 0 : i32
        %dma_start3A_154 = tpu.memref_slice %arg2[%dma_start3A_152, %dma_start3A_153] : memref<10000x128xf32, #tpu.memory_space<hbm>> -> memref<10000x128xf32, #tpu.memory_space<hbm>>
        tpu.enqueue_indirect_dma source(%dma_start3A_154 : memref<10000x128xf32, #tpu.memory_space<hbm>>) target(%arg10 : memref<128x128xf32, #tpu.memory_space<vmem>>) offsets(%dma_start3A_151 : memref<128xi32, #tpu.memory_space<vmem>>) semaphore(%arg16 : memref<!tpu.dma_semaphore, #tpu.memory_space<semaphore_mem>>)
        %dma_wait3A_155 = arith.constant 0 : i32
        %dma_wait3A_156 = arith.constant 0 : i32
        %dma_wait3A_157 = tpu.memref_slice %arg2[%dma_wait3A_155, %dma_wait3A_156] : memref<10000x128xf32, #tpu.memory_space<hbm>> -> memref<128x128xf32, #tpu.memory_space<hbm>>
        %dma_wait3A_158 = arith.constant 0 : i32
        %dma_wait3A_159 = arith.constant 0 : i32
        %dma_wait3A_160 = tpu.memref_slice %arg2[%dma_wait3A_158, %dma_wait3A_159] : memref<10000x128xf32, #tpu.memory_space<hbm>> -> memref<128x128xf32, #tpu.memory_space<hbm>>
        tpu.wait_dma2 semaphore(%arg19 : memref<!tpu.dma_semaphore, #tpu.memory_space<semaphore_mem>>) src(%dma_wait3A_160 : memref<128x128xf32, #tpu.memory_space<hbm>>) dst(%arg11 : memref<128x128xf32, #tpu.memory_space<vmem>>)
        %dma_start3A_161 = arith.constant 1 : i32
        %dma_start3A_162 = arith.constant 0 : i32
        %dma_start3A_163 = tpu.memref_slice %arg9[%dma_start3A_161, %dma_start3A_162] : memref<2x128xi32, #tpu.memory_space<vmem>> -> memref<1x128xi32, #tpu.memory_space<vmem>>
        %dma_start3A_164 = tpu.memref_squeeze %dma_start3A_163 : memref<1x128xi32, #tpu.memory_space<vmem>> -> memref<128xi32, #tpu.memory_space<vmem>>
        %dma_start3A_165 = arith.constant 0 : i32
        %dma_start3A_166 = arith.constant 0 : i32
        %dma_start3A_167 = tpu.memref_slice %arg2[%dma_start3A_165, %dma_start3A_166] : memref<10000x128xf32, #tpu.memory_space<hbm>> -> memref<10000x128xf32, #tpu.memory_space<hbm>>
        tpu.enqueue_indirect_dma source(%dma_start3A_167 : memref<10000x128xf32, #tpu.memory_space<hbm>>) target(%arg11 : memref<128x128xf32, #tpu.memory_space<vmem>>) offsets(%dma_start3A_164 : memref<128xi32, #tpu.memory_space<vmem>>) semaphore(%arg17 : memref<!tpu.dma_semaphore, #tpu.memory_space<semaphore_mem>>)
        %dma_wait3A_168 = arith.constant 0 : i32
        %dma_wait3A_169 = arith.constant 0 : i32
        %dma_wait3A_170 = tpu.memref_slice %arg9[%dma_wait3A_168, %dma_wait3A_169] : memref<2x128xi32, #tpu.memory_space<vmem>> -> memref<1x128xi32, #tpu.memory_space<vmem>>
        %dma_wait3A_171 = tpu.memref_squeeze %dma_wait3A_170 : memref<1x128xi32, #tpu.memory_space<vmem>> -> memref<128xi32, #tpu.memory_space<vmem>>
        %dma_wait3A_172 = arith.constant 0 : i32
        %dma_wait3A_173 = arith.constant 0 : i32
        %dma_wait3A_174 = tpu.memref_slice %arg2[%dma_wait3A_172, %dma_wait3A_173] : memref<10000x128xf32, #tpu.memory_space<hbm>> -> memref<10000x128xf32, #tpu.memory_space<hbm>>
        tpu.wait_indirect_dma semaphore(%arg16 : memref<!tpu.dma_semaphore, #tpu.memory_space<semaphore_mem>>) src(%dma_wait3A_174 : memref<10000x128xf32, #tpu.memory_space<hbm>>) dst(%arg10 : memref<128x128xf32, #tpu.memory_space<vmem>>)
        %add3A_175 = arith.constant 0 : i32
        %add3A_176 = arith.addi %mul3A_136, %add3A_175 : i32
        %dma_start3A_177 = arith.constant 0 : i32
        %dma_start3A_178 = tpu.memref_slice %arg7[%add3A_176, %dma_start3A_177] : memref<120x128xi32, #tpu.memory_space<vmem>> -> memref<1x128xi32, #tpu.memory_space<vmem>>
        %dma_start3A_179 = tpu.memref_squeeze %dma_start3A_178 : memref<1x128xi32, #tpu.memory_space<vmem>> -> memref<128xi32, #tpu.memory_space<vmem>>
        %dma_start3A_180 = arith.constant 0 : i32
        %dma_start3A_181 = arith.constant 0 : i32
        %dma_start3A_182 = tpu.memref_slice %arg12[%dma_start3A_180, %dma_start3A_181] : memref<10240x128xf32, #tpu.memory_space<vmem_shared>> -> memref<10240x128xf32, #tpu.memory_space<vmem_shared>>
        tpu.enqueue_indirect_dma source(%arg10 : memref<128x128xf32, #tpu.memory_space<vmem>>) target(%dma_start3A_182 : memref<10240x128xf32, #tpu.memory_space<vmem_shared>>) offsets(%dma_start3A_179 : memref<128xi32, #tpu.memory_space<vmem>>) semaphore(%arg18 : memref<!tpu.dma_semaphore, #tpu.memory_space<semaphore_mem>>) {add = true}
        %dma_wait3A_183 = arith.constant 1 : i32
        %dma_wait3A_184 = arith.constant 0 : i32
        %dma_wait3A_185 = tpu.memref_slice %arg9[%dma_wait3A_183, %dma_wait3A_184] : memref<2x128xi32, #tpu.memory_space<vmem>> -> memref<1x128xi32, #tpu.memory_space<vmem>>
        %dma_wait3A_186 = tpu.memref_squeeze %dma_wait3A_185 : memref<1x128xi32, #tpu.memory_space<vmem>> -> memref<128xi32, #tpu.memory_space<vmem>>
        %dma_wait3A_187 = arith.constant 0 : i32
        %dma_wait3A_188 = arith.constant 0 : i32
        %dma_wait3A_189 = tpu.memref_slice %arg2[%dma_wait3A_187, %dma_wait3A_188] : memref<10000x128xf32, #tpu.memory_space<hbm>> -> memref<10000x128xf32, #tpu.memory_space<hbm>>
        tpu.wait_indirect_dma semaphore(%arg17 : memref<!tpu.dma_semaphore, #tpu.memory_space<semaphore_mem>>) src(%dma_wait3A_189 : memref<10000x128xf32, #tpu.memory_space<hbm>>) dst(%arg11 : memref<128x128xf32, #tpu.memory_space<vmem>>)
        %add3A_190 = arith.constant 1 : i32
        %add3A_191 = arith.addi %mul3A_136, %add3A_190 : i32
        %dma_start3A_192 = arith.constant 0 : i32
        %dma_start3A_193 = tpu.memref_slice %arg7[%add3A_191, %dma_start3A_192] : memref<120x128xi32, #tpu.memory_space<vmem>> -> memref<1x128xi32, #tpu.memory_space<vmem>>
        %dma_start3A_194 = tpu.memref_squeeze %dma_start3A_193 : memref<1x128xi32, #tpu.memory_space<vmem>> -> memref<128xi32, #tpu.memory_space<vmem>>
        %dma_start3A_195 = arith.constant 0 : i32
        %dma_start3A_196 = arith.constant 0 : i32
        %dma_start3A_197 = tpu.memref_slice %arg12[%dma_start3A_195, %dma_start3A_196] : memref<10240x128xf32, #tpu.memory_space<vmem_shared>> -> memref<10240x128xf32, #tpu.memory_space<vmem_shared>>
        tpu.enqueue_indirect_dma source(%arg11 : memref<128x128xf32, #tpu.memory_space<vmem>>) target(%dma_start3A_197 : memref<10240x128xf32, #tpu.memory_space<vmem_shared>>) offsets(%dma_start3A_194 : memref<128xi32, #tpu.memory_space<vmem>>) semaphore(%arg19 : memref<!tpu.dma_semaphore, #tpu.memory_space<semaphore_mem>>) {add = true}
        %lt3A_198 = arith.constant 9 : i32
        %lt3A_199 = arith.cmpi slt, %scan3A_62, %lt3A_198 : i32
        %convert_element_type3A_200 = arith.extui %lt3A_199 : i1 to i32
        %cond3A_201 = arith.constant 0 : i32
        %cond3A_202 = arith.cmpi ne, %convert_element_type3A_200, %cond3A_201 : i32
        scf.if %cond3A_202 {
          %add3A_203 = arith.addi %add3A_24, %mul3A_136 : i32
          %add3A_204 = arith.constant 4 : i32
          %add3A_205 = arith.addi %add3A_203, %add3A_204 : i32
          %dma_start3A_206 = arith.constant 0 : i32
          %dma_start3A_207 = tpu.memref_slice %arg3[%add3A_205, %dma_start3A_206] : memref<2560x128xi32, #tpu.memory_space<hbm>> -> memref<2x128xi32, #tpu.memory_space<hbm>>
          %dma_start3A_208 = arith.constant 0 : i32
          %dma_start3A_209 = tpu.memref_slice %arg3[%add3A_205, %dma_start3A_208] : memref<2560x128xi32, #tpu.memory_space<hbm>> -> memref<2x128xi32, #tpu.memory_space<hbm>>
          tpu.enqueue_dma source(%dma_start3A_209 : memref<2x128xi32, #tpu.memory_space<hbm>>) target(%arg9 : memref<2x128xi32, #tpu.memory_space<vmem>>) target_semaphore(%arg15 : memref<!tpu.dma_semaphore, #tpu.memory_space<semaphore_mem>>)
        } else {
        }
      }
      %scan3A_49 = arith.constant 10 : i32
      %dma_wait3A_50 = arith.constant 0 : i32
      %dma_wait3A_51 = arith.constant 0 : i32
      %dma_wait3A_52 = tpu.memref_slice %arg2[%dma_wait3A_50, %dma_wait3A_51] : memref<10000x128xf32, #tpu.memory_space<hbm>> -> memref<128x128xf32, #tpu.memory_space<hbm>>
      %dma_wait3A_53 = arith.constant 0 : i32
      %dma_wait3A_54 = arith.constant 0 : i32
      %dma_wait3A_55 = tpu.memref_slice %arg2[%dma_wait3A_53, %dma_wait3A_54] : memref<10000x128xf32, #tpu.memory_space<hbm>> -> memref<128x128xf32, #tpu.memory_space<hbm>>
      tpu.wait_dma2 semaphore(%arg18 : memref<!tpu.dma_semaphore, #tpu.memory_space<semaphore_mem>>) src(%dma_wait3A_55 : memref<128x128xf32, #tpu.memory_space<hbm>>) dst(%arg10 : memref<128x128xf32, #tpu.memory_space<vmem>>)
      %dma_wait3A_56 = arith.constant 0 : i32
      %dma_wait3A_57 = arith.constant 0 : i32
      %dma_wait3A_58 = tpu.memref_slice %arg2[%dma_wait3A_56, %dma_wait3A_57] : memref<10000x128xf32, #tpu.memory_space<hbm>> -> memref<128x128xf32, #tpu.memory_space<hbm>>
      %dma_wait3A_59 = arith.constant 0 : i32
      %dma_wait3A_60 = arith.constant 0 : i32
      %dma_wait3A_61 = tpu.memref_slice %arg2[%dma_wait3A_59, %dma_wait3A_60] : memref<10000x128xf32, #tpu.memory_space<hbm>> -> memref<128x128xf32, #tpu.memory_space<hbm>>
      tpu.wait_dma2 semaphore(%arg19 : memref<!tpu.dma_semaphore, #tpu.memory_space<semaphore_mem>>) src(%dma_wait3A_61 : memref<128x128xf32, #tpu.memory_space<hbm>>) dst(%arg11 : memref<128x128xf32, #tpu.memory_space<vmem>>)
    } else {
    }
    %barrier3A_17 = arith.constant 0 : index
    tpu.barrier barrier_id(%barrier3A_17)
    %mul3A_18 = arith.constant 10240 : i32
    %mul3A_19 = arith.muli %arg0, %mul3A_18 : i32
    %add3A_20 = arith.addi %mul3A_19, %mul3A_0 : i32
    "tpu.region"() ({
      %run_scoped3A = tpu.sem_alloc : memref<!tpu.dma_semaphore, #tpu.memory_space<semaphore_mem>>
      %dma_start3A = arith.constant 0 : i32
      %dma_start3A_21 = tpu.memref_slice %arg6[%add3A_20, %dma_start3A] : memref<20480x128xf32, #tpu.memory_space<hbm>> -> memref<640x128xf32, #tpu.memory_space<hbm>>
      %dma_start3A_22 = arith.constant 0 : i32
      %dma_start3A_23 = tpu.memref_slice %arg12[%mul3A_0, %dma_start3A_22] : memref<10240x128xf32, #tpu.memory_space<vmem_shared>> -> memref<640x128xf32, #tpu.memory_space<vmem_shared>>
      tpu.enqueue_dma source(%dma_start3A_23 : memref<640x128xf32, #tpu.memory_space<vmem_shared>>) target(%dma_start3A_21 : memref<640x128xf32, #tpu.memory_space<hbm>>) target_semaphore(%run_scoped3A : memref<!tpu.dma_semaphore, #tpu.memory_space<semaphore_mem>>)
      %dma_wait3A = arith.constant 0 : i32
      %dma_wait3A_24 = tpu.memref_slice %arg6[%add3A_20, %dma_wait3A] : memref<20480x128xf32, #tpu.memory_space<hbm>> -> memref<640x128xf32, #tpu.memory_space<hbm>>
      %dma_wait3A_25 = arith.constant 0 : i32
      %dma_wait3A_26 = tpu.memref_slice %arg12[%mul3A_0, %dma_wait3A_25] : memref<10240x128xf32, #tpu.memory_space<vmem_shared>> -> memref<640x128xf32, #tpu.memory_space<vmem_shared>>
      tpu.wait_dma2 semaphore(%run_scoped3A : memref<!tpu.dma_semaphore, #tpu.memory_space<semaphore_mem>>) src(%dma_wait3A_26 : memref<640x128xf32, #tpu.memory_space<vmem_shared>>) dst(%dma_wait3A_24 : memref<640x128xf32, #tpu.memory_space<hbm>>)
      tpu.yield
    }) : () -> ()
    return
  }
}

module attributes {stable_mosaic.version = 14 : i64} {
  func.func @body(%arg0: i32, %arg1: memref<80x128xf32, #tpu.memory_space<vmem>>, %arg2: memref<80x128xf32, #tpu.memory_space<vmem>>, %arg3: memref<80x128xf32, #tpu.memory_space<vmem>>, %arg4: memref<80x128xf32, #tpu.memory_space<vmem>>, %arg5: memref<8x128xf32, #tpu.memory_space<vmem>>, %arg6: memref<128x128xf32, #tpu.memory_space<vmem>>, %arg7: memref<80x128xf32, #tpu.memory_space<vmem>>, %arg8: memref<80x16xf32, #tpu.memory_space<vmem>>) attributes {dimension_semantics = [#tpu.dimension_semantics<arbitrary>], iteration_bounds = array<i64: 125>, scalar_prefetch = 0 : i64, scratch_operands = 0 : i64, tpu.core_type = #tpu.core_type<tc>, window_params = [{transform_indices = @transform_0, window_bounds = array<i64: 80, 128>}, {transform_indices = @transform_1, window_bounds = array<i64: 80, 128>}, {transform_indices = @transform_2, window_bounds = array<i64: 80, 128>}, {transform_indices = @transform_3, window_bounds = array<i64: 80, 128>}, {pipeline_mode = #tpu.pipeline_mode<synchronous>, transform_indices = @transform_4, window_bounds = array<i64: 8, 128>}, {pipeline_mode = #tpu.pipeline_mode<synchronous>, transform_indices = @transform_5, window_bounds = array<i64: 128, 128>}, {transform_indices = @transform_6, window_bounds = array<i64: 80, 128>}, {transform_indices = @transform_7, window_bounds = array<i64: 80, 16>}]} {
    %get3A = arith.constant 0 : index
    %get3A_0 = arith.constant 0 : index
    %get3A_1 = vector.load %arg3[%get3A, %get3A_0] : memref<80x128xf32, #tpu.memory_space<vmem>>, vector<80x1xf32>
    %get3A_2 = arith.constant 0 : index
    %get3A_3 = arith.constant 0 : index
    %get3A_4 = vector.load %arg4[%get3A_2, %get3A_3] : memref<80x128xf32, #tpu.memory_space<vmem>>, vector<80x1xf32>
    %add3A = arith.addf %get3A_1, %get3A_4 : vector<80x1xf32>
    %max3A = arith.constant 1.000000e+00 : f32
    %max3A_5 = vector.broadcast %max3A : f32 to vector<80x1xf32>
    %max3A_6 = arith.maximumf %add3A, %max3A_5 : vector<80x1xf32>
    %div3A = arith.constant 1.000000e+00 : f32
    %div3A_7 = vector.broadcast %div3A : f32 to vector<80x1xf32>
    %div3A_8 = arith.divf %div3A_7, %max3A_6 : vector<80x1xf32>
    %get3A_9 = arith.constant 0 : index
    %get3A_10 = arith.constant 0 : index
    %get3A_11 = vector.load %arg1[%get3A_9, %get3A_10] : memref<80x128xf32, #tpu.memory_space<vmem>>, vector<80x128xf32>
    %get3A_12 = arith.constant 0 : index
    %get3A_13 = arith.constant 0 : index
    %get3A_14 = vector.load %arg2[%get3A_12, %get3A_13] : memref<80x128xf32, #tpu.memory_space<vmem>>, vector<80x128xf32>
    %add3A_15 = arith.addf %get3A_11, %get3A_14 : vector<80x128xf32>
    %mul3A = vector.broadcast %div3A_8 : vector<80x1xf32> to vector<80x128xf32>
    %mul3A_16 = arith.mulf %add3A_15, %mul3A : vector<80x128xf32>
    %get3A_17 = arith.constant 0 : index
    %get3A_18 = arith.constant 0 : index
    %get3A_19 = vector.load %arg5[%get3A_17, %get3A_18] : memref<8x128xf32, #tpu.memory_space<vmem>>, vector<1x128xf32>
    %add3A_20 = vector.broadcast %get3A_19 : vector<1x128xf32> to vector<80x128xf32>
    %add3A_21 = arith.addf %mul3A_16, %add3A_20 : vector<80x128xf32>
    %max3A_22 = arith.constant 0.000000e+00 : f32
    %max3A_23 = vector.broadcast %max3A_22 : f32 to vector<80x128xf32>
    %max3A_24 = arith.maximumf %add3A_21, %max3A_23 : vector<80x128xf32>
    %get3A_25 = arith.constant 0 : index
    %get3A_26 = arith.constant 0 : index
    %get3A_27 = vector.load %arg6[%get3A_25, %get3A_26] : memref<128x128xf32, #tpu.memory_space<vmem>>, vector<128x128xf32>
    %dot_general3A = arith.constant dense<0.000000e+00> : vector<80x128xf32>
    %dot_general3A_28 = tpu.matmul %max3A_24, %get3A_27, %dot_general3A {dimension_numbers = #tpu.dot_dimension_numbers<[1], [1], [0], [0], [0, 0, 1, 0], [], []>, transpose_lhs_hint = false} : vector<80x128xf32>, vector<128x128xf32>, vector<80x128xf32> -> vector<80x128xf32>
    %swap3A = arith.constant 0 : index
    %swap3A_29 = arith.constant 0 : index
    %swap3A_30 = vector.load %arg7[%swap3A, %swap3A_29] : memref<80x128xf32, #tpu.memory_space<vmem>>, vector<80x128xf32>
    tpu.vector_store %arg7[%swap3A, %swap3A_29], %dot_general3A_28 {strides = array<i32>} : memref<80x128xf32, #tpu.memory_space<vmem>>, vector<80x128xf32>,
    %broadcast_in_dim3A = vector.shape_cast %div3A_8 : vector<80x1xf32> to vector<80x1xf32>
    %broadcast_in_dim3A_31 = vector.broadcast %broadcast_in_dim3A : vector<80x1xf32> to vector<80x16xf32>
    %swap3A_32 = arith.constant 0 : index
    %swap3A_33 = arith.constant 0 : index
    %swap3A_34 = vector.load %arg8[%swap3A_32, %swap3A_33] : memref<80x16xf32, #tpu.memory_space<vmem>>, vector<80x16xf32>
    tpu.vector_store %arg8[%swap3A_32, %swap3A_33], %broadcast_in_dim3A_31 {strides = array<i32>} : memref<80x16xf32, #tpu.memory_space<vmem>>, vector<80x16xf32>,
    return
  }
  func.func @transform_0(%arg0: i32) -> (i32, i32) {
    %c0_i32 = arith.constant 0 : i32
    %c0_i32_0 = arith.constant 0 : i32
    return %arg0, %c0_i32 : i32, i32
  }
  func.func @transform_1(%arg0: i32) -> (i32, i32) {
    %add3A = arith.constant 128 : i32
    %add3A_0 = arith.addi %arg0, %add3A : i32
    %c0_i32 = arith.constant 0 : i32
    %c0_i32_1 = arith.constant 0 : i32
    return %add3A_0, %c0_i32 : i32, i32
  }
  func.func @transform_2(%arg0: i32) -> (i32, i32) {
    %c0_i32 = arith.constant 0 : i32
    %c0_i32_0 = arith.constant 0 : i32
    return %arg0, %c0_i32 : i32, i32
  }
  func.func @transform_3(%arg0: i32) -> (i32, i32) {
    %add3A = arith.constant 128 : i32
    %add3A_0 = arith.addi %arg0, %add3A : i32
    %c0_i32 = arith.constant 0 : i32
    %c0_i32_1 = arith.constant 0 : i32
    return %add3A_0, %c0_i32 : i32, i32
  }
  func.func @transform_4(%arg0: i32) -> (i32, i32) {
    %c0_i32 = arith.constant 0 : i32
    %c0_i32_0 = arith.constant 0 : i32
    %c0_i32_1 = arith.constant 0 : i32
    return %c0_i32, %c0_i32_0 : i32, i32
  }
  func.func @transform_5(%arg0: i32) -> (i32, i32) {
    %c0_i32 = arith.constant 0 : i32
    %c0_i32_0 = arith.constant 0 : i32
    %c0_i32_1 = arith.constant 0 : i32
    return %c0_i32, %c0_i32_0 : i32, i32
  }
  func.func @transform_6(%arg0: i32) -> (i32, i32) {
    %c0_i32 = arith.constant 0 : i32
    %c0_i32_0 = arith.constant 0 : i32
    return %arg0, %c0_i32 : i32, i32
  }
  func.func @transform_7(%arg0: i32) -> (i32, i32) {
    %c0_i32 = arith.constant 0 : i32
    %c0_i32_0 = arith.constant 0 : i32
    return %arg0, %c0_i32 : i32, i32
  }
}

module attributes {stable_mosaic.version = 14 : i64} {
  func.func @body(%arg0: i32, %arg1: memref<80x128xf32, #tpu.memory_space<vmem>>, %arg2: memref<128x128xf32, #tpu.memory_space<vmem>>, %arg3: memref<80x128xf32, #tpu.memory_space<vmem>>) attributes {dimension_semantics = [#tpu.dimension_semantics<arbitrary>], iteration_bounds = array<i64: 125>, scalar_prefetch = 0 : i64, scratch_operands = 0 : i64, tpu.core_type = #tpu.core_type<tc>, window_params = [{transform_indices = @transform_0, window_bounds = array<i64: 80, 128>}, {pipeline_mode = #tpu.pipeline_mode<synchronous>, transform_indices = @transform_1, window_bounds = array<i64: 128, 128>}, {transform_indices = @transform_2, window_bounds = array<i64: 80, 128>}]} {
    %get3A = arith.constant 0 : index
    %get3A_0 = arith.constant 0 : index
    %get3A_1 = vector.load %arg1[%get3A, %get3A_0] : memref<80x128xf32, #tpu.memory_space<vmem>>, vector<80x128xf32>
    %get3A_2 = arith.constant 0 : index
    %get3A_3 = arith.constant 0 : index
    %get3A_4 = vector.load %arg2[%get3A_2, %get3A_3] : memref<128x128xf32, #tpu.memory_space<vmem>>, vector<128x128xf32>
    %dot_general3A = arith.constant dense<0.000000e+00> : vector<80x128xf32>
    %dot_general3A_5 = tpu.matmul %get3A_1, %get3A_4, %dot_general3A {dimension_numbers = #tpu.dot_dimension_numbers<[1], [1], [0], [0], [0, 0, 1, 0], [], []>, transpose_lhs_hint = false} : vector<80x128xf32>, vector<128x128xf32>, vector<80x128xf32> -> vector<80x128xf32>
    %swap3A = arith.constant 0 : index
    %swap3A_6 = arith.constant 0 : index
    %swap3A_7 = vector.load %arg3[%swap3A, %swap3A_6] : memref<80x128xf32, #tpu.memory_space<vmem>>, vector<80x128xf32>
    tpu.vector_store %arg3[%swap3A, %swap3A_6], %dot_general3A_5 {strides = array<i32>} : memref<80x128xf32, #tpu.memory_space<vmem>>, vector<80x128xf32>,
    return
  }
  func.func @transform_0(%arg0: i32) -> (i32, i32) {
    %c0_i32 = arith.constant 0 : i32
    %c0_i32_0 = arith.constant 0 : i32
    return %arg0, %c0_i32 : i32, i32
  }
  func.func @transform_1(%arg0: i32) -> (i32, i32) {
    %c0_i32 = arith.constant 0 : i32
    %c0_i32_0 = arith.constant 0 : i32
    %c0_i32_1 = arith.constant 0 : i32
    return %c0_i32, %c0_i32_0 : i32, i32
  }
  func.func @transform_2(%arg0: i32) -> (i32, i32) {
    %c0_i32 = arith.constant 0 : i32
    %c0_i32_0 = arith.constant 0 : i32
    return %arg0, %c0_i32 : i32, i32
  }
}

module attributes {stable_mosaic.version = 14 : i64} {
  func.func @body(%arg0: i32, %arg1: memref<80x128xf32, #tpu.memory_space<vmem>>, %arg2: memref<80x128xf32, #tpu.memory_space<vmem>>, %arg3: memref<80x16xf32, #tpu.memory_space<vmem>>, %arg4: memref<8x128xf32, #tpu.memory_space<vmem>>, %arg5: memref<128x128xf32, #tpu.memory_space<vmem>>, %arg6: memref<80x128xf32, #tpu.memory_space<vmem>>) attributes {dimension_semantics = [#tpu.dimension_semantics<arbitrary>], iteration_bounds = array<i64: 125>, scalar_prefetch = 0 : i64, scratch_operands = 0 : i64, tpu.core_type = #tpu.core_type<tc>, window_params = [{transform_indices = @transform_0, window_bounds = array<i64: 80, 128>}, {transform_indices = @transform_1, window_bounds = array<i64: 80, 128>}, {transform_indices = @transform_2, window_bounds = array<i64: 80, 16>}, {pipeline_mode = #tpu.pipeline_mode<synchronous>, transform_indices = @transform_3, window_bounds = array<i64: 8, 128>}, {pipeline_mode = #tpu.pipeline_mode<synchronous>, transform_indices = @transform_4, window_bounds = array<i64: 128, 128>}, {transform_indices = @transform_5, window_bounds = array<i64: 80, 128>}]} {
    %get3A = arith.constant 0 : index
    %get3A_0 = arith.constant 0 : index
    %get3A_1 = vector.load %arg1[%get3A, %get3A_0] : memref<80x128xf32, #tpu.memory_space<vmem>>, vector<80x128xf32>
    %get3A_2 = arith.constant 0 : index
    %get3A_3 = arith.constant 0 : index
    %get3A_4 = vector.load %arg2[%get3A_2, %get3A_3] : memref<80x128xf32, #tpu.memory_space<vmem>>, vector<80x128xf32>
    %add3A = arith.addf %get3A_1, %get3A_4 : vector<80x128xf32>
    %get3A_5 = arith.constant 0 : index
    %get3A_6 = arith.constant 0 : index
    %get3A_7 = vector.load %arg3[%get3A_5, %get3A_6] : memref<80x16xf32, #tpu.memory_space<vmem>>, vector<80x1xf32>
    %mul3A = vector.broadcast %get3A_7 : vector<80x1xf32> to vector<80x128xf32>
    %mul3A_8 = arith.mulf %add3A, %mul3A : vector<80x128xf32>
    %get3A_9 = arith.constant 0 : index
    %get3A_10 = arith.constant 0 : index
    %get3A_11 = vector.load %arg4[%get3A_9, %get3A_10] : memref<8x128xf32, #tpu.memory_space<vmem>>, vector<1x128xf32>
    %add3A_12 = vector.broadcast %get3A_11 : vector<1x128xf32> to vector<80x128xf32>
    %add3A_13 = arith.addf %mul3A_8, %add3A_12 : vector<80x128xf32>
    %max3A = arith.constant 0.000000e+00 : f32
    %max3A_14 = vector.broadcast %max3A : f32 to vector<80x128xf32>
    %max3A_15 = arith.maximumf %add3A_13, %max3A_14 : vector<80x128xf32>
    %get3A_16 = arith.constant 0 : index
    %get3A_17 = arith.constant 0 : index
    %get3A_18 = vector.load %arg5[%get3A_16, %get3A_17] : memref<128x128xf32, #tpu.memory_space<vmem>>, vector<128x128xf32>
    %dot_general3A = arith.constant dense<0.000000e+00> : vector<80x128xf32>
    %dot_general3A_19 = tpu.matmul %max3A_15, %get3A_18, %dot_general3A {dimension_numbers = #tpu.dot_dimension_numbers<[1], [1], [0], [0], [0, 0, 1, 0], [], []>, transpose_lhs_hint = false} : vector<80x128xf32>, vector<128x128xf32>, vector<80x128xf32> -> vector<80x128xf32>
    %swap3A = arith.constant 0 : index
    %swap3A_20 = arith.constant 0 : index
    %swap3A_21 = vector.load %arg6[%swap3A, %swap3A_20] : memref<80x128xf32, #tpu.memory_space<vmem>>, vector<80x128xf32>
    tpu.vector_store %arg6[%swap3A, %swap3A_20], %dot_general3A_19 {strides = array<i32>} : memref<80x128xf32, #tpu.memory_space<vmem>>, vector<80x128xf32>,
    return
  }
  func.func @transform_0(%arg0: i32) -> (i32, i32) {
    %c0_i32 = arith.constant 0 : i32
    %c0_i32_0 = arith.constant 0 : i32
    return %arg0, %c0_i32 : i32, i32
  }
  func.func @transform_1(%arg0: i32) -> (i32, i32) {
    %add3A = arith.constant 128 : i32
    %add3A_0 = arith.addi %arg0, %add3A : i32
    %c0_i32 = arith.constant 0 : i32
    %c0_i32_1 = arith.constant 0 : i32
    return %add3A_0, %c0_i32 : i32, i32
  }
  func.func @transform_2(%arg0: i32) -> (i32, i32) {
    %c0_i32 = arith.constant 0 : i32
    %c0_i32_0 = arith.constant 0 : i32
    return %arg0, %c0_i32 : i32, i32
  }
  func.func @transform_3(%arg0: i32) -> (i32, i32) {
    %c0_i32 = arith.constant 0 : i32
    %c0_i32_0 = arith.constant 0 : i32
    %c0_i32_1 = arith.constant 0 : i32
    return %c0_i32, %c0_i32_0 : i32, i32
  }
  func.func @transform_4(%arg0: i32) -> (i32, i32) {
    %c0_i32 = arith.constant 0 : i32
    %c0_i32_0 = arith.constant 0 : i32
    %c0_i32_1 = arith.constant 0 : i32
    return %c0_i32, %c0_i32_0 : i32, i32
  }
  func.func @transform_5(%arg0: i32) -> (i32, i32) {
    %c0_i32 = arith.constant 0 : i32
    %c0_i32_0 = arith.constant 0 : i32
    return %arg0, %c0_i32 : i32, i32
  }
}

module attributes {stable_mosaic.version = 14 : i64} {
  func.func @body(%arg0: i32, %arg1: memref<80x128xf32, #tpu.memory_space<vmem>>, %arg2: memref<80x128xf32, #tpu.memory_space<vmem>>, %arg3: memref<80x16xf32, #tpu.memory_space<vmem>>, %arg4: memref<8x128xf32, #tpu.memory_space<vmem>>, %arg5: memref<80x128xf32, #tpu.memory_space<vmem>>) attributes {dimension_semantics = [#tpu.dimension_semantics<arbitrary>], iteration_bounds = array<i64: 125>, scalar_prefetch = 0 : i64, scratch_operands = 0 : i64, tpu.core_type = #tpu.core_type<tc>, window_params = [{transform_indices = @transform_0, window_bounds = array<i64: 80, 128>}, {transform_indices = @transform_1, window_bounds = array<i64: 80, 128>}, {transform_indices = @transform_2, window_bounds = array<i64: 80, 16>}, {pipeline_mode = #tpu.pipeline_mode<synchronous>, transform_indices = @transform_3, window_bounds = array<i64: 8, 128>}, {transform_indices = @transform_4, window_bounds = array<i64: 80, 128>}]} {
    %get3A = arith.constant 0 : index
    %get3A_0 = arith.constant 0 : index
    %get3A_1 = vector.load %arg1[%get3A, %get3A_0] : memref<80x128xf32, #tpu.memory_space<vmem>>, vector<80x128xf32>
    %get3A_2 = arith.constant 0 : index
    %get3A_3 = arith.constant 0 : index
    %get3A_4 = vector.load %arg2[%get3A_2, %get3A_3] : memref<80x128xf32, #tpu.memory_space<vmem>>, vector<80x128xf32>
    %add3A = arith.addf %get3A_1, %get3A_4 : vector<80x128xf32>
    %get3A_5 = arith.constant 0 : index
    %get3A_6 = arith.constant 0 : index
    %get3A_7 = vector.load %arg3[%get3A_5, %get3A_6] : memref<80x16xf32, #tpu.memory_space<vmem>>, vector<80x1xf32>
    %mul3A = vector.broadcast %get3A_7 : vector<80x1xf32> to vector<80x128xf32>
    %mul3A_8 = arith.mulf %add3A, %mul3A : vector<80x128xf32>
    %get3A_9 = arith.constant 0 : index
    %get3A_10 = arith.constant 0 : index
    %get3A_11 = vector.load %arg4[%get3A_9, %get3A_10] : memref<8x128xf32, #tpu.memory_space<vmem>>, vector<1x128xf32>
    %add3A_12 = vector.broadcast %get3A_11 : vector<1x128xf32> to vector<80x128xf32>
    %add3A_13 = arith.addf %mul3A_8, %add3A_12 : vector<80x128xf32>
    %swap3A = arith.constant 0 : index
    %swap3A_14 = arith.constant 0 : index
    %swap3A_15 = vector.load %arg5[%swap3A, %swap3A_14] : memref<80x128xf32, #tpu.memory_space<vmem>>, vector<80x128xf32>
    tpu.vector_store %arg5[%swap3A, %swap3A_14], %add3A_13 {strides = array<i32>} : memref<80x128xf32, #tpu.memory_space<vmem>>, vector<80x128xf32>,
    return
  }
  func.func @transform_0(%arg0: i32) -> (i32, i32) {
    %c0_i32 = arith.constant 0 : i32
    %c0_i32_0 = arith.constant 0 : i32
    return %arg0, %c0_i32 : i32, i32
  }
  func.func @transform_1(%arg0: i32) -> (i32, i32) {
    %add3A = arith.constant 128 : i32
    %add3A_0 = arith.addi %arg0, %add3A : i32
    %c0_i32 = arith.constant 0 : i32
    %c0_i32_1 = arith.constant 0 : i32
    return %add3A_0, %c0_i32 : i32, i32
  }
  func.func @transform_2(%arg0: i32) -> (i32, i32) {
    %c0_i32 = arith.constant 0 : i32
    %c0_i32_0 = arith.constant 0 : i32
    return %arg0, %c0_i32 : i32, i32
  }
  func.func @transform_3(%arg0: i32) -> (i32, i32) {
    %c0_i32 = arith.constant 0 : i32
    %c0_i32_0 = arith.constant 0 : i32
    %c0_i32_1 = arith.constant 0 : i32
    return %c0_i32, %c0_i32_0 : i32, i32
  }
  func.func @transform_4(%arg0: i32) -> (i32, i32) {
    %c0_i32 = arith.constant 0 : i32
    %c0_i32_0 = arith.constant 0 : i32
    return %arg0, %c0_i32 : i32, i32
  }
}

</mosaic_0001>

<sc_bundles>
// kernel: kernel.10.cloned.1.call-start
scs
__scs_entry_jumppad:
0x0: {  	(pc) =	sbr.rel $0x88, $3  }
0x1: {  	(tag) =	ssettag $0x0;
	lr =	simm.s32 $0x1  }
0x2: {  	[smem:$0x3F99] =	sst lr;
	_ =	strace $0xD0000000  }
0x3: {  	_ = 	snop  }
0x4: {  	_ = 	snop  }
0x5: {  	_ = 	snop  }
0x6: {  	_ = 	snop  }
0x7: {  	_ = 	snop  }
__scs_overlays_trampoline_lowered:
0x8: {  	[smem:$0x3FA8] =	sst s0  }
0x9: {  	[smem:$0x3FA9] =	sst s1  }
0xa: {  	[smem:$0x3FAA] =	sst s2  }
0xb: {  	[smem:$0x3FAB] =	sst s3  }
0xc: {  	[smem:$0x3FAC] =	sst s4  }
0xd: {  	[smem:$0x3FAD] =	sst s5  }
0xe: {  	[smem:$0x3FAE] =	sst s6  }
0xf: {  	[smem:$0x3FAF] =	sst s7  }
0x10: {  	[smem:$0x3FB0] =	sst s8  }
0x11: {  	[smem:$0x3FB1] =	sst s9;
	s0 =	simm.s32 @!p0 $0x0  }
0x12: {  	s1 =	sld [smem:$0x3F97];
	s0 =	simm.s32 @p0 $0x1  }
0x13: {  	[smem:$0x3FB2] =	sst s0;
	s0 =	simm.s32 @!p1 $0x0  }
0x14: {  	s2 =	sld [smem:$0x3F96];
	s0 =	simm.s32 @p1 $0x1  }
0x15: {  	[smem:$0x3FB3] =	sst s0;
	s0 =	simm.s32 @!p2 $0x0  }
0x16: {  	s3 =	sld [smem:$0x3FDB];
	s0 =	simm.s32 @p2 $0x1  }
0x17: {  	s4 =	simm.s32 $0x1BF5;
	[smem:$0x3FB5] =	sst s0  }
0x18: {  	s0 =	sld [smem:$0x3F98];
	_ =	swait.ge [sflag:s4], $0x0  }
0x19: {  	s7 =	sld [smem:$0x3F99]  }
0x1a: {  	s8 =	sadd.s32 $0xFFFFE003, lr  }
0x1b: {  	s9 =	sadd.s32 $0xFFFFFEF7, lr;
	s5 =	simm.s32 $0xFFFFFFFF;
	p2 =	slt.u32 s8, $0xFFFFF086  }
0x1c: {  	p1 =	slt.u32 s9, $0xF7A;
	s5 =	simm.s32 @!p2 $0x0  }
0x1d: {  	s5 =	simm.s32 @p1 $0x1;
	p0 =	seq.s32 s7, s2  }
0x1e: {  	s7 =	smul.u32 @!p0 $0xF7A, s2;
	p2 =	seq.s32 @!p0 s5, $0x0  }
0x1f: {  	s9 =	smul.u32 $0xF7A, s1;
	s8 =	simm.s32 @!p0 $0x1BF5;
	p2 =	por !p2, p0  }
0x20: {  	[sflag:s8] =	ssyncset.s32 @!p0 $0xFFFFF086;
	s6 =	sadd.s32 @!p0 s3, s7;
	s7 =	simm.s32 @!p0 $0x108  }
0x21: {  	s3 =	sadd.s32 s3, s9;
	s6 =	sadd.s32 @!p0 $0x88, s6;
	s7 =	simm.s32 @p2 $0x1082  }
0x22: {  	[simem:s7], [sflag:s8] =	dma.local @!p0 [hbm:s6], $0xF7A  }
0x23: {  	s9 =	sor.u32 $0xD0000000, s2;
	s6 =	simm.s32 $0x108;
	_ =	swait.ge @!p0 [sflag:s8], $0x0  }
0x24: {  	s3 =	sadd.s32 $0x88, s3;
	s6 =	simm.s32 @!p1 $0x1082;
	[sflag:s4] =	ssyncset.s32 $0xFFFFF086  }
0x25: {  	[simem:s6], [sflag:s4] =	dma.local [hbm:s3], $0xF7A  }
0x26: {  	[smem:$0x3F99] =	sst s1;
	(tag) =	ssettag s2;
	_ =	strace s9  }
0x27: {  	s1 =	sld [smem:$0x3FA9]  }
0x28: {  	s2 =	sld [smem:$0x3FAA]  }
0x29: {  	s4 =	sld [smem:$0x3FAC]  }
0x2a: {  	p0 =	seq.s32 s5, $0x0;
	s5 =	sld [smem:$0x3FAD]  }
0x2b: {  	s6 =	sld [smem:$0x3FAE]  }
0x2c: {  	s7 =	sld [smem:$0x3FAF]  }
0x2d: {  	s3 =	simm.s32 $0x108;
	s8 =	sld [smem:$0x3FB0]  }
0x2e: {  	s3 =	simm.s32 @!p0 $0x1082;
	s9 =	sld [smem:$0x3FB1]  }
0x2f: {  	lr =	sadd.s32 s0, s3;
	s0 =	sld [smem:$0x3FA8]  }
0x30: {  	s3 =	sld [smem:$0x3FAB]  }
0x31: {  	[smem:$0x3FB4] =	sst s10  }
0x32: {  	s10 =	sld [smem:$0x3FB2];
	_ =	sdelay $0x3  }
0x33: {  	p0 =	seq.s32 s10, $0x1;
	s10 =	sld [smem:$0x3FB4];
	_ =	sdelay $0x3  }
0x34: {  	[smem:$0x3FB4] =	sst s10  }
0x35: {  	s10 =	sld [smem:$0x3FB3];
	_ =	sdelay $0x3  }
0x36: {  	p1 =	seq.s32 s10, $0x1;
	s10 =	sld [smem:$0x3FB4];
	_ =	sdelay $0x3  }
0x37: {  	[smem:$0x3FB4] =	sst s10  }
0x38: {  	s10 =	sld [smem:$0x3FB5]  }
0x39: {  	_ = 	snop;
	(pc) =	sbr.ind lr, $3  }
0x3a: {  	_ = 	snop  }
0x3b: {  	_ = 	snop  }
0x3c: {  	p2 =	seq.s32 s10, $0x1;
	s10 =	sld [smem:$0x3FB4]  }
0x3d: {  	_ =	shalt  }
0x3e: {  	_ =	shalt  }
0x3f: {  	_ =	shalt  }
0x40: {  	_ =	shalt  }
0x41: {  	_ =	shalt  }
0x42: {  	_ =	shalt  }
0x43: {  	_ =	shalt  }
0x44: {  	_ =	shalt  }
0x45: {  	_ =	shalt  }
0x46: {  	_ =	shalt  }
0x47: {  	_ =	shalt  }
0x48: {  	_ =	shalt  }
0x49: {  	_ =	shalt  }
0x4a: {  	_ =	shalt  }
0x4b: {  	_ =	shalt  }
0x4c: {  	_ =	shalt  }
0x4d: {  	_ =	shalt  }
0x4e: {  	_ =	shalt  }
0x4f: {  	_ =	shalt  }
0x50: {  	_ =	shalt  }
0x51: {  	_ =	shalt  }
0x52: {  	_ =	shalt  }
0x53: {  	_ =	shalt  }
0x54: {  	_ =	shalt  }
0x55: {  	_ =	shalt  }
0x56: {  	_ =	shalt  }
0x57: {  	_ =	shalt  }
0x58: {  	_ =	shalt  }
0x59: {  	_ =	shalt  }
0x5a: {  	_ =	shalt  }
0x5b: {  	_ =	shalt  }
0x5c: {  	_ =	shalt  }
0x5d: {  	_ =	shalt  }
0x5e: {  	_ =	shalt  }
0x5f: {  	_ =	shalt  }
0x60: {  	_ =	shalt  }
0x61: {  	_ =	shalt  }
0x62: {  	_ =	shalt  }
0x63: {  	_ =	shalt  }
0x64: {  	_ =	shalt  }
0x65: {  	_ =	shalt  }
0x66: {  	_ =	shalt  }
0x67: {  	_ =	shalt  }
0x68: {  	_ =	shalt  }
0x69: {  	_ =	shalt  }
0x6a: {  	_ =	shalt  }
0x6b: {  	_ =	shalt  }
0x6c: {  	_ =	shalt  }
0x6d: {  	_ =	shalt  }
0x6e: {  	_ =	shalt  }
0x6f: {  	_ =	shalt  }
0x70: {  	_ =	shalt  }
0x71: {  	_ =	shalt  }
0x72: {  	_ =	shalt  }
0x73: {  	_ =	shalt  }
0x74: {  	_ =	shalt  }
0x75: {  	_ =	shalt  }
0x76: {  	_ =	shalt  }
0x77: {  	_ =	shalt  }
0x78: {  	_ =	shalt  }
0x79: {  	_ =	shalt  }
0x7a: {  	_ =	shalt  }
0x7b: {  	_ =	shalt  }
0x7c: {  	_ =	shalt  }
0x7d: {  	_ =	shalt  }
0x7e: {  	_ =	shalt  }
0x7f: {  	_ =	shalt  }
0x80: {  	_ =	shalt  }
0x81: {  	_ =	shalt  }
0x82: {  	_ =	shalt  }
0x83: {  	_ =	shalt  }
0x84: {  	_ =	shalt  }
0x85: {  	_ =	shalt  }
0x86: {  	_ =	shalt  }
0x87: {  	_ =	shalt  }
.Lfunc_end0:
.L_simem_size_0:
called_computation_lowered:
.L_overlay_start_0:
0x88: {  	s2 =	sld [smem:$0x3FD9]  }
0x89: {  	s3 =	sld [smem:$0x3FFE];
	_ =	sdelay $0x1  }
0x8a: {  	s1 =	srdreg.scid  }
0x8b: {  	s0 =	sand.u32 $0x1, s1  }
0x8c: {  	s14 =	sshll.u32 s0, $0xA;
	s2 =	sadd.s32 s3, s2  }
0x8d: {  	s2 =	sadd.s32 s2, s14  }
0x8e: {  	[smem:$0x3FC0] =	sst s2  }
0x8f: {  	_ = 	snop  }
0x90: {  	s2 =	sld [smem:$0x3FD0];
	_ =	sdelay $0x2  }
0x91: {  	s15 =	simm.s32 $0xB;
	s4 =	simm.s32 $0x10  }
0x92: {  	[smem:s4], [sflag:s15] =	dma.local [hbm:s2], $0x1  }
0x93: {  	_ =	swait.eq [sflag:s15], $0x1  }
0x94: {  	[sflag:s15] =	ssyncset.done $0x0  }
0x95: {  	[sflag:s15] =	ssyncadd.s32 $0xFFFFFFFF  }
0x96: {  	s16 =	sld [smem:$0x10];
	(tm) =	ssettm $0x1  }
0x97: {  	s17 =	sld [smem:$0x3FFB];
	_ =	sdelay $0x3  }
0x98: {  	_ =	strace s17  }
0x99: {  	s3 =	sld [smem:$0x3FFC];
	_ =	sdelay $0x3  }
0x9a: {  	_ =	strace s3  }
0x9b: {  	s3 =	sld [smem:$0x3FFD];
	_ =	sdelay $0x3  }
0x9c: {  	_ =	strace s3  }
0x9d: {  	_ =	strace $0x8FFFFFFF  }
0x9e: {  	s18 =	sld [smem:$0x3FDB];
	_ =	sdelay $0x1  }
0x9f: {  	s19 =	simm.s32 $_scs_section_size  }
0xa0: {  	s5 =	simm.s32 $_size__tile_overlayer_lowered;
	s6 =	simm.s32 $_tile_overlayer_lowered  }
0xa1: {  	s22 =	simm.s32 $0x1BFF;
	s21 =	sshll.u32 s6, $0x1;
	s3 =	sadd.s32 s19, s18  }
0xa2: {  	s7 =	simm.s32 $0x0;
	s20 =	sshll.u32 s5, $0x1;
	s5 =	sadd.s32 s21, s3  }
0xa3: {  	[timem:s7], [sflag:s22] =	dma.local [hbm:s5], s20  }
0xa4: {  	_ =	swait.ge [sflag:s22], s20  }
0xa5: {  	s4 =	ssub.s32 $0x0, s20;
	[sflag:s22] =	ssyncset.done $0x0  }
0xa6: {  	[sflag:s22] =	ssyncadd.s32 s4;
	_ =	sdelay $0x1  }
0xa7: {  	s23 =	simm.s32 $0x1B8B  }
0xa8: {  	_ =	swait.ge [sflag:s23], $0x1  }
0xa9: {  	[sflag:s23] =	ssyncset.done $0x0  }
0xaa: {  	s25 =	simm.s32 $0x1B8E;
	s24 =	sld [smem:$0x3FFE];
	[sflag:s23] =	ssyncadd.s32 $0xFFFFFFFF  }
0xab: {  	s26 =	simm.s32 $execute0_lowered;
	[smem:$0x3FD2] =	sst s25  }
0xac: {  	s5 =	sshll.u32 s26, $0x1;
	_ =	strace $0x80000046;
	[dreg:$0x1] =	wrdreg $0xFFFFFFFF  }
0xad: {  	s28 =	simm.s32 $_size_execute0_lowered;
	s3 =	sadd.s32 s3, s5;
	[dreg:$0x0] =	wrdreg $0x0  }
0xae: {  	s5 =	sshll.u32 s28, $0x1;
	[dreg:$0x2] =	wrdreg s3  }
0xaf: {  	[dreg:$0x3] =	wrdreg s5  }
0xb0: {  	[dreg:$0x4] =	wrdreg $0xC0  }
0xb1: {  	_ =	task [dreg:s7], $0x5FFFF  }
0xb2: {  	[dreg:$0x1] =	wrdreg $0xFFFFFFFF  }
0xb3: {  	[dreg:$0x0] =	wrdreg $0x60  }
0xb4: {  	[dreg:$0x2] =	wrdreg s24  }
0xb5: {  	[dreg:$0x3] =	wrdreg s16  }
0xb6: {  	[dreg:$0x4] =	wrdreg $0x7C000  }
0xb7: {  	[dreg:$0x5] =	wrdreg $0x9  }
0xb8: {  	_ =	task.clear_ibuf [dreg:s7], $0x6FFFF;
	_ =	strace $0x90000046  }
0xb9: {  	s29 =	simm.s32 $0x9;
	_ =	strace $0x80000048  }
0xba: {  	_ =	swait.ge [sflag:s29], $0x1  }
0xbb: {  	[sflag:s29] =	ssyncadd.s32 $0xFFFFFFFF  }
0xbc: {  	_ =	strace $0x90000048  }
0xbd: {  	_ =	sfence  }
0xbe: {  	s30 =	sld [smem:$0x0];
	_ =	sdelay $0x2  }
0xbf: {  	s31 =	sshll.u32 s1, $0xD;
	s1 =	sshrl.u32 s1, $0x2  }
0xc0: {  	s3 =	sand.u32 $0x4000, s31;
	s1 =	sadd.s32 s1, s30  }
0xc1: {  	s0 =	sor.u32 s3, s0;
	s1 =	sshll.u32 s1, $0x11  }
0xc2: {  	s0 =	sor.u32 s1, s0  }
0xc3: {  	s0 =	sadd.s32 $0x8F2B, s0  }
0xc4: {  	[sflag:s0] =	ssyncadd.remote.s32 $0x1  }
0xc5: {  	_ =	sfence.sel $0xFFFF  }
0xc6: {  	[dreg:$0x0] =	wrdreg $0xFFFFFFFF;
	(pc) =	sbr.abs _section_cstart, $3  }
0xc7: {  	[dreg:$0x1] =	wrdreg $0xFFFFFFFF  }
0xc8: {  	_ =	task.clear_ibuf [dreg:s7], $0x2FFFF;
	_ =	strace $0x9FFFFFFF  }
0xc9: {  	(tm) =	ssettm $0x7FFFFFFF  }
tec
execute0_lowered:
.L_overlay_start_1:
0x0: {  	(tag) =	ssettag $0x1  }
0x1: {  	s6 =	rddreg [dreg:$0x0]  }
0x2: {  	s12 =	rddreg [dreg:$0x1]  }
0x3: {  	s2 =	rddreg [dreg:$0x2]  }
0x4: {  	s0 =	rddreg [dreg:$0x3];
	s4 =	srdreg.scid  }
0x5: {  	s1 =	stileid.u32;
	s3 =	simm.s32 $0x0;
	s17 =	simm.s32 $0x1  }
0x6: {  	s18 =	simm.s32 $0x80;
	s19 =	simm.s32 $0x2;
	s20 =	simm.s32 $0x100  }
0x7: {  	s21 =	simm.s32 $0x3;
	s22 =	simm.s32 $0x180;
	s13 =	smul.u32 $0x2800, s1  }
0x8: {  	s25 =	simm.s32 $0x0;
	s11 =	sand.u32 $0x1, s4;
	s8 =	smul.u32 $0x50000, s1  }
0x9: {  	[smem:$0x7FF] =	sst s3;
	s4 =	sadd.s32 $0xD400, s6;
	s16 =	smul.u32 $0x500, s1  }
0xa: {  	s5 =	sadd.s32 $0xCC00, s6;
	s23 =	sshll.u32 s1, $0x6;
	s7 =	smul.u32 $0x28000, s11  }
0xb: {  	_ =	strace $0x80000047;
	s9 =	ssub.s32 $0x2, s11;
	p0 =	seq.s32 s11, $0x1  }
0xc: {  	s23 =	sor.u32 $0x1C04, s23;
	s10 =	sshrl.u32 s9, $0x1;
	s8 =	sshrl.u32 s8, $0x2  }
0xd: {  	s11 =	sadd.s32 s12, s16;
	s16 =	simm.s32 $0x4;
	s7 =	sadd.s32 s13, s7  }
.Ltmp0:
0xe: {  	s15 =	ssub.s32 s9, s10;
	s13 =	sshrl.u32 s13, $0x3;
	(pc) =	sbr.rel .LBB2_1-.Ltmp0, $4  }
0xf: {  	s14 =	sadd.s32 s7, s6;
	s6 =	sadd.s32 s8, s2;
	s12 =	sadd.s32 s12, s13  }
0x10: {  	s7 =	sadd.s32 $0x4000, s6;
	s8 =	sadd.s32 $0x8000, s6;
	s9 =	sadd.s32 $0xC000, s6  }
0x11: {  	s10 =	sadd.s32 $0x10000, s6;
	s12 =	sadd.s32 $0x5000, s12;
	s13 =	sadd.s32 $0xDC00, s14  }
0x12: {  	s14 =	smax.u32 s15, $0x1;
	s15 =	simm.s32 $0x3C00;
	s24 =	sshrl.u32 s6, $0x3  }
.LBB2_7:
0x13: {  	[spmem:s2] =	stream.indirect.scatter.add.f32 [tilespmem:s15], [sflag:$0x3], $0x80, s28, s18, $0xb8;
	[tilespmem:$0x1BC00] =	vst v63  }
.LBB2_8:
0x14: {  	_ =	swait.ge [sflag:s19], $0x4000  }
0x15: {  	[sflag:s19] =	ssyncset.done $0x0  }
0x16: {  	[sflag:s19] =	ssyncadd.s32 $0xFFFFC000  }
0x17: {  	_ =	swait.ge [sflag:s21], $0x4000  }
0x18: {  	s25 =	sadd.s32 $0x1, s25;
	[sflag:s21] =	ssyncset.done $0x0  }
0x19: {  	p1 =	sne.s32 s25, s14;
	[sflag:s21] =	ssyncadd.s32 $0xFFFFC000  }
.Ltmp1:
0x1a: {  	[bflag:$0x0] =	sbarrier.arrive $0xFFFF;
	(pc) =	sbr.rel @!p1 .LBB2_9-.Ltmp1, $4  }
0x1b: {  	[hbm:s13], [sflag:s23] =	dma.local [spmem:s24], $0x2800  }
0x1c: {  	_ =	swait.ge [sflag:s16], $0x2800  }
0x1d: {  	[sflag:s16] =	ssyncset.done $0x0  }
0x1e: {  	[sflag:s16] =	ssyncadd.s32 $0xFFFFD800  }
.LBB2_1:
0x1f: {  	[tilespmem:s15], [sflag:$0x4] =	stream.linear.gather [hbm4b:s5+s3], $0x4000, $0x38;
	[tilespmem:$0x1BC00] =	vst v63  }
0x20: {  	_ =	swait.ge [sflag:s16], $0x4000  }
0x21: {  	[sflag:s16] =	ssyncset.done $0x0  }
0x22: {  	[sflag:s16] =	ssyncadd.s32 $0xFFFFC000  }
0x23: {  	[spmem:s6] =	stream.linear.scatter [tilespmem:s15], [sflag:$0x4], $0x4000, $0x38;
	[tilespmem:$0x1BC00] =	vst v63  }
0x24: {  	_ =	swait.ge [sflag:s16], $0x4000  }
0x25: {  	[sflag:s16] =	ssyncset.done $0x0  }
0x26: {  	[sflag:s16] =	ssyncadd.s32 $0xFFFFC000  }
0x27: {  	[spmem:s7] =	stream.linear.scatter [tilespmem:s15], [sflag:$0x4], $0x4000, $0x38;
	[tilespmem:$0x1BC00] =	vst v63  }
0x28: {  	_ =	swait.ge [sflag:s16], $0x4000  }
0x29: {  	[sflag:s16] =	ssyncset.done $0x0  }
0x2a: {  	[sflag:s16] =	ssyncadd.s32 $0xFFFFC000  }
0x2b: {  	[spmem:s8] =	stream.linear.scatter [tilespmem:s15], [sflag:$0x4], $0x4000, $0x38;
	[tilespmem:$0x1BC00] =	vst v63  }
0x2c: {  	_ =	swait.ge [sflag:s16], $0x4000  }
0x2d: {  	[sflag:s16] =	ssyncset.done $0x0  }
0x2e: {  	[sflag:s16] =	ssyncadd.s32 $0xFFFFC000  }
0x2f: {  	[spmem:s9] =	stream.linear.scatter [tilespmem:s15], [sflag:$0x4], $0x4000, $0x38;
	[tilespmem:$0x1BC00] =	vst v63  }
0x30: {  	_ =	swait.ge [sflag:s16], $0x4000  }
0x31: {  	[sflag:s16] =	ssyncset.done $0x0  }
0x32: {  	[sflag:s16] =	ssyncadd.s32 $0xFFFFC000  }
0x33: {  	[spmem:s10] =	stream.linear.scatter [tilespmem:s15], [sflag:$0x4], $0x4000, $0x38;
	[tilespmem:$0x1BC00] =	vst v63  }
0x34: {  	_ =	swait.ge [sflag:s16], $0x4000  }
0x35: {  	[sflag:s16] =	ssyncset.done $0x0  }
0x36: {  	[sflag:s16] =	ssyncadd.s32 $0xFFFFC000  }
0x37: {  	[tilespmem:s15], [sflag:$0x4] =	stream.linear.gather [hbm4b:s4+s3], $0x4000, $0x38;
	[tilespmem:$0x1BC00] =	vst v63  }
.Ltmp2:
0x38: {  	_ =	swait.ge [sflag:s16], $0x4000;
	(pc) =	sbr.rel @!p0 .LBB2_2-.Ltmp2, $3  }
0x39: {  	[sflag:s16] =	ssyncset.done $0x0  }
0x3a: {  	[sflag:s16] =	ssyncadd.s32 $0xFFFFC000  }
0x3b: {  	[bflag:$0x0] =	sbarrier.arrive $0xFFFF;
	_ =	sdelay $0x1  }
0x3c: {  	[tilespmem:s3], [sflag:$0x1] =	stream.linear.gather [hbm4b:s12+s3], $0x2800, $0x38;
	[tilespmem:$0x1BC00] =	vst v63  }
0x3d: {  	_ =	swait.ge [sflag:s17], $0x2800  }
0x3e: {  	[sflag:s17] =	ssyncset.done $0x0  }
0x3f: {  	[sflag:s17] =	ssyncadd.s32 $0xFFFFD800  }
0x40: {  	[spmem:s2] =	stream.indirect.scatter.add.f32 [tilespmem:s15], [sflag:$0x2], $0x80, s3, s18, $0xb8;
	[tilespmem:$0x1BC00] =	vst v63  }
0x41: {  	_ = 	snop  }
0x42: {  	[spmem:s2] =	stream.indirect.scatter.add.f32 [tilespmem:s15], [sflag:$0x3], $0x80, s18, s18, $0xb8;
	[tilespmem:$0x1BC00] =	vst v63  }
0x43: {  	_ =	swait.ge [sflag:s19], $0x4000  }
0x44: {  	[sflag:s19] =	ssyncset.done $0x0  }
0x45: {  	[sflag:s19] =	ssyncadd.s32 $0xFFFFC000  }
0x46: {  	[spmem:s2] =	stream.indirect.scatter.add.f32 [tilespmem:s15], [sflag:$0x2], $0x80, s20, s18, $0xb8;
	[tilespmem:$0x1BC00] =	vst v63  }
0x47: {  	_ =	swait.ge [sflag:s21], $0x4000  }
0x48: {  	[sflag:s21] =	ssyncset.done $0x0  }
0x49: {  	[sflag:s21] =	ssyncadd.s32 $0xFFFFC000  }
0x4a: {  	[spmem:s2] =	stream.indirect.scatter.add.f32 [tilespmem:s15], [sflag:$0x3], $0x80, s22, s18, $0xb8;
	[tilespmem:$0x1BC00] =	vst v63  }
0x4b: {  	_ =	swait.ge [sflag:s19], $0x4000  }
0x4c: {  	[sflag:s19] =	ssyncset.done $0x0  }
0x4d: {  	s26 =	simm.s32 $0x200;
	[sflag:s19] =	ssyncadd.s32 $0xFFFFC000  }
0x4e: {  	[spmem:s2] =	stream.indirect.scatter.add.f32 [tilespmem:s15], [sflag:$0x2], $0x80, s26, s18, $0xb8;
	[tilespmem:$0x1BC00] =	vst v63  }
0x4f: {  	_ =	swait.ge [sflag:s21], $0x4000  }
0x50: {  	[sflag:s21] =	ssyncset.done $0x0  }
0x51: {  	s30 =	simm.s32 $0x280;
	[sflag:s21] =	ssyncadd.s32 $0xFFFFC000  }
0x52: {  	[spmem:s2] =	stream.indirect.scatter.add.f32 [tilespmem:s15], [sflag:$0x3], $0x80, s30, s18, $0xb8;
	[tilespmem:$0x1BC00] =	vst v63  }
0x53: {  	_ =	swait.ge [sflag:s19], $0x4000  }
0x54: {  	[sflag:s19] =	ssyncset.done $0x0  }
0x55: {  	s31 =	simm.s32 $0x300;
	[sflag:s19] =	ssyncadd.s32 $0xFFFFC000  }
0x56: {  	[spmem:s2] =	stream.indirect.scatter.add.f32 [tilespmem:s15], [sflag:$0x2], $0x80, s31, s18, $0xb8;
	[tilespmem:$0x1BC00] =	vst v63  }
0x57: {  	_ =	swait.ge [sflag:s21], $0x4000  }
0x58: {  	[sflag:s21] =	ssyncset.done $0x0  }
0x59: {  	s28 =	simm.s32 $0x380;
	s26 =	simm.s32 $0xFFFF7000;
	[sflag:s21] =	ssyncadd.s32 $0xFFFFC000  }
.LBB2_6:
0x5a: {  	[spmem:s2] =	stream.indirect.scatter.add.f32 [tilespmem:s15], [sflag:$0x3], $0x80, s28, s18, $0xb8;
	[tilespmem:$0x1BC00] =	vst v63  }
0x5b: {  	s28 =	smov.u32 s26  }
0x5c: {  	p1 =	sne.s32 s26, $0xFFFFF800;
	s26 =	sadd.s32 $0x800, s26;
	_ =	swait.ge [sflag:s19], $0x4000  }
0x5d: {  	s28 =	sshra.s32 s28, $0x2;
	[sflag:s19] =	ssyncset.done $0x0  }
0x5e: {  	s29 =	sadd.s32 $0x2800, s28;
	[sflag:s19] =	ssyncadd.s32 $0xFFFFC000  }
0x5f: {  	[spmem:s2] =	stream.indirect.scatter.add.f32 [tilespmem:s15], [sflag:$0x2], $0x80, s29, s18, $0xb8;
	[tilespmem:$0x1BC00] =	vst v63  }
0x60: {  	_ =	swait.ge [sflag:s21], $0x4000  }
0x61: {  	[sflag:s21] =	ssyncset.done $0x0  }
0x62: {  	s29 =	sadd.s32 $0x2880, s28;
	[sflag:s21] =	ssyncadd.s32 $0xFFFFC000  }
0x63: {  	[spmem:s2] =	stream.indirect.scatter.add.f32 [tilespmem:s15], [sflag:$0x3], $0x80, s29, s18, $0xb8;
	[tilespmem:$0x1BC00] =	vst v63  }
0x64: {  	_ =	swait.ge [sflag:s19], $0x4000  }
0x65: {  	[sflag:s19] =	ssyncset.done $0x0  }
.Ltmp3:
0x66: {  	s29 =	sadd.s32 $0x2900, s28;
	[sflag:s19] =	ssyncadd.s32 $0xFFFFC000;
	(pc) =	sbr.rel @p1 .LBB2_6-.Ltmp3, $4  }
0x67: {  	[spmem:s2] =	stream.indirect.scatter.add.f32 [tilespmem:s15], [sflag:$0x2], $0x80, s29, s18, $0xb8;
	[tilespmem:$0x1BC00] =	vst v63  }
0x68: {  	_ =	swait.ge [sflag:s21], $0x4000  }
0x69: {  	[sflag:s21] =	ssyncset.done $0x0  }
0x6a: {  	s28 =	sadd.s32 $0x2980, s28;
	[sflag:s21] =	ssyncadd.s32 $0xFFFFC000  }
.Ltmp4:
0x6b: {  	_ = 	snop;
	(pc) =	sbr.rel .LBB2_7-.Ltmp4, $1  }
0x6c: {  	_ =	sdelay $0x3  }
.LBB2_2:
0x6d: {  	[tilespmem:s3], [sflag:$0x1] =	stream.linear.gather [hbm4b:s11+s3], $0x2800, $0x38;
	[tilespmem:$0x1BC00] =	vst v63  }
0x6e: {  	_ =	swait.ge [sflag:s17], $0x2800  }
0x6f: {  	[sflag:s17] =	ssyncset.done $0x0  }
0x70: {  	[sflag:s17] =	ssyncadd.s32 $0xFFFFD800  }
0x71: {  	[spmem:s2] =	stream.indirect.scatter.add.f32 [tilespmem:s15], [sflag:$0x2], $0x80, s3, s18, $0xb8;
	[tilespmem:$0x1BC00] =	vst v63  }
0x72: {  	_ = 	snop  }
0x73: {  	[spmem:s2] =	stream.indirect.scatter.add.f32 [tilespmem:s15], [sflag:$0x3], $0x80, s18, s18, $0xb8;
	[tilespmem:$0x1BC00] =	vst v63  }
0x74: {  	_ =	swait.ge [sflag:s19], $0x4000  }
0x75: {  	[sflag:s19] =	ssyncset.done $0x0  }
0x76: {  	[sflag:s19] =	ssyncadd.s32 $0xFFFFC000  }
0x77: {  	[spmem:s2] =	stream.indirect.scatter.add.f32 [tilespmem:s15], [sflag:$0x2], $0x80, s20, s18, $0xb8;
	[tilespmem:$0x1BC00] =	vst v63  }
0x78: {  	_ =	swait.ge [sflag:s21], $0x4000  }
0x79: {  	[sflag:s21] =	ssyncset.done $0x0  }
0x7a: {  	[sflag:s21] =	ssyncadd.s32 $0xFFFFC000  }
0x7b: {  	[spmem:s2] =	stream.indirect.scatter.add.f32 [tilespmem:s15], [sflag:$0x3], $0x80, s22, s18, $0xb8;
	[tilespmem:$0x1BC00] =	vst v63  }
0x7c: {  	_ =	swait.ge [sflag:s19], $0x4000  }
0x7d: {  	[sflag:s19] =	ssyncset.done $0x0  }
0x7e: {  	s26 =	simm.s32 $0x200;
	[sflag:s19] =	ssyncadd.s32 $0xFFFFC000  }
0x7f: {  	[spmem:s2] =	stream.indirect.scatter.add.f32 [tilespmem:s15], [sflag:$0x2], $0x80, s26, s18, $0xb8;
	[tilespmem:$0x1BC00] =	vst v63  }
0x80: {  	_ =	swait.ge [sflag:s21], $0x4000  }
0x81: {  	[sflag:s21] =	ssyncset.done $0x0  }
0x82: {  	s30 =	simm.s32 $0x280;
	[sflag:s21] =	ssyncadd.s32 $0xFFFFC000  }
0x83: {  	[spmem:s2] =	stream.indirect.scatter.add.f32 [tilespmem:s15], [sflag:$0x3], $0x80, s30, s18, $0xb8;
	[tilespmem:$0x1BC00] =	vst v63  }
0x84: {  	_ =	swait.ge [sflag:s19], $0x4000  }
0x85: {  	[sflag:s19] =	ssyncset.done $0x0  }
0x86: {  	s31 =	simm.s32 $0x300;
	[sflag:s19] =	ssyncadd.s32 $0xFFFFC000  }
0x87: {  	[spmem:s2] =	stream.indirect.scatter.add.f32 [tilespmem:s15], [sflag:$0x2], $0x80, s31, s18, $0xb8;
	[tilespmem:$0x1BC00] =	vst v63  }
0x88: {  	_ =	swait.ge [sflag:s21], $0x4000  }
0x89: {  	[sflag:s21] =	ssyncset.done $0x0  }
0x8a: {  	s28 =	simm.s32 $0x380;
	s26 =	simm.s32 $0xFFFF7000;
	[sflag:s21] =	ssyncadd.s32 $0xFFFFC000  }
.LBB2_3:
0x8b: {  	[spmem:s2] =	stream.indirect.scatter.add.f32 [tilespmem:s15], [sflag:$0x3], $0x80, s28, s18, $0xb8;
	[tilespmem:$0x1BC00] =	vst v63  }
0x8c: {  	s28 =	smov.u32 s26  }
0x8d: {  	p1 =	seq.s32 s26, $0xFFFFF800;
	s26 =	sadd.s32 $0x800, s26;
	_ =	swait.ge [sflag:s19], $0x4000  }
0x8e: {  	s28 =	sshra.s32 s28, $0x2;
	[sflag:s19] =	ssyncset.done $0x0  }
0x8f: {  	s29 =	sadd.s32 $0x2800, s28;
	[sflag:s19] =	ssyncadd.s32 $0xFFFFC000  }
0x90: {  	[spmem:s2] =	stream.indirect.scatter.add.f32 [tilespmem:s15], [sflag:$0x2], $0x80, s29, s18, $0xb8;
	[tilespmem:$0x1BC00] =	vst v63  }
0x91: {  	_ =	swait.ge [sflag:s21], $0x4000  }
0x92: {  	[sflag:s21] =	ssyncset.done $0x0  }
0x93: {  	s29 =	sadd.s32 $0x2880, s28;
	[sflag:s21] =	ssyncadd.s32 $0xFFFFC000  }
0x94: {  	[spmem:s2] =	stream.indirect.scatter.add.f32 [tilespmem:s15], [sflag:$0x3], $0x80, s29, s18, $0xb8;
	[tilespmem:$0x1BC00] =	vst v63  }
0x95: {  	_ =	swait.ge [sflag:s19], $0x4000  }
0x96: {  	[sflag:s19] =	ssyncset.done $0x0  }
.Ltmp5:
0x97: {  	s29 =	sadd.s32 $0x2900, s28;
	[sflag:s19] =	ssyncadd.s32 $0xFFFFC000;
	(pc) =	sbr.rel @!p1 .LBB2_3-.Ltmp5, $4  }
0x98: {  	[spmem:s2] =	stream.indirect.scatter.add.f32 [tilespmem:s15], [sflag:$0x2], $0x80, s29, s18, $0xb8;
	[tilespmem:$0x1BC00] =	vst v63  }
0x99: {  	_ =	swait.ge [sflag:s21], $0x4000  }
0x9a: {  	[sflag:s21] =	ssyncset.done $0x0  }
0x9b: {  	s28 =	sadd.s32 $0x2980, s28;
	[sflag:s21] =	ssyncadd.s32 $0xFFFFC000  }
.Ltmp6:
0x9c: {  	(pc) =	sbr.rel .LBB2_8-.Ltmp6, $2  }
0x9d: {  	_ =	sdelay $0x2  }
0x9e: {  	[spmem:s2] =	stream.indirect.scatter.add.f32 [tilespmem:s15], [sflag:$0x3], $0x80, s28, s18, $0xb8;
	[tilespmem:$0x1BC00] =	vst v63  }
.LBB2_9:
0x9f: {  	_ =	sfence.sel $0x180000  }
0xa0: {  	[bflag:$0x0] =	sbarrier.arrive $0xFFFF  }
0xa1: {  	p0 =	sne.s32 s1, $0x0;
	_ =	strace $0x90000047  }
0xa2: {  	s0 =	sadd.s32 @!p0 $0x100000, s0;
	[bflag:$0x2] =	sbarrier.arrive $0xFFFF  }
0xa3: {  	[sflag:s0] =	ssyncadd.tile.s32 @!p0 $0x1;
	_ =	shalt  }
.Lfunc_end2:
_tile_overlayer_lowered:
.L_overlay_start_2:
0xa4: {  	(tag) =	ssettag $0x2  }
0xa5: {  	s0 =	rddreg [dreg:$0x0];
	s2 =	stileid.u32  }
0xa6: {  	s1 =	rddreg [dreg:$0x1];
	p0 =	sne.s32 s2, $0x0  }
0xa7: {  	s3 =	rddreg [dreg:$0x2];
	[bflag:$0x3] =	sbarrier.arrive $0xFFFF;
	s2 =	simm.s32 @!p0 $0x1C04  }
0xa8: {  	[timem:s3], [sflag:s2] =	dma.local @!p0 [hbm:s0], s1  }
0xa9: {  	s0 =	simm.s32 @!p0 $0x4  }
0xaa: {  	_ =	swait.ge @!p0 [sflag:s0], s1  }
0xab: {  	s1 =	ssub.s32 @!p0 $0x0, s1;
	[sflag:s0] =	ssyncset.done @!p0 $0x0  }
0xac: {  	[sflag:s0] =	ssyncadd.s32 @!p0 s1  }
0xad: {  	[bflag:$0x3] =	sbarrier.arrive $0xFFFF  }
0xae: {  	_ =	shalt  }

// kernel: kernel.13.cloned.1.call-start
scs
__scs_entry_jumppad:
0x0: {  	(pc) =	sbr.rel $0x88, $3  }
0x1: {  	(tag) =	ssettag $0x0;
	lr =	simm.s32 $0x1  }
0x2: {  	[smem:$0x3F99] =	sst lr;
	_ =	strace $0xD0000000  }
0x3: {  	_ = 	snop  }
0x4: {  	_ = 	snop  }
0x5: {  	_ = 	snop  }
0x6: {  	_ = 	snop  }
0x7: {  	_ = 	snop  }
__scs_overlays_trampoline_lowered:
0x8: {  	[smem:$0x3FA8] =	sst s0  }
0x9: {  	[smem:$0x3FA9] =	sst s1  }
0xa: {  	[smem:$0x3FAA] =	sst s2  }
0xb: {  	[smem:$0x3FAB] =	sst s3  }
0xc: {  	[smem:$0x3FAC] =	sst s4  }
0xd: {  	[smem:$0x3FAD] =	sst s5  }
0xe: {  	[smem:$0x3FAE] =	sst s6  }
0xf: {  	[smem:$0x3FAF] =	sst s7  }
0x10: {  	[smem:$0x3FB0] =	sst s8  }
0x11: {  	[smem:$0x3FB1] =	sst s9;
	s0 =	simm.s32 @!p0 $0x0  }
0x12: {  	s1 =	sld [smem:$0x3F97];
	s0 =	simm.s32 @p0 $0x1  }
0x13: {  	[smem:$0x3FB2] =	sst s0;
	s0 =	simm.s32 @!p1 $0x0  }
0x14: {  	s2 =	sld [smem:$0x3F96];
	s0 =	simm.s32 @p1 $0x1  }
0x15: {  	[smem:$0x3FB3] =	sst s0;
	s0 =	simm.s32 @!p2 $0x0  }
0x16: {  	s3 =	sld [smem:$0x3FDB];
	s0 =	simm.s32 @p2 $0x1  }
0x17: {  	s4 =	simm.s32 $0x1BF5;
	[smem:$0x3FB5] =	sst s0  }
0x18: {  	s0 =	sld [smem:$0x3F98];
	_ =	swait.ge [sflag:s4], $0x0  }
0x19: {  	s7 =	sld [smem:$0x3F99]  }
0x1a: {  	s8 =	sadd.s32 $0xFFFFE003, lr  }
0x1b: {  	s9 =	sadd.s32 $0xFFFFFEF7, lr;
	s5 =	simm.s32 $0xFFFFFFFF;
	p2 =	slt.u32 s8, $0xFFFFF086  }
0x1c: {  	p1 =	slt.u32 s9, $0xF7A;
	s5 =	simm.s32 @!p2 $0x0  }
0x1d: {  	s5 =	simm.s32 @p1 $0x1;
	p0 =	seq.s32 s7, s2  }
0x1e: {  	s7 =	smul.u32 @!p0 $0xF7A, s2;
	p2 =	seq.s32 @!p0 s5, $0x0  }
0x1f: {  	s9 =	smul.u32 $0xF7A, s1;
	s8 =	simm.s32 @!p0 $0x1BF5;
	p2 =	por !p2, p0  }
0x20: {  	[sflag:s8] =	ssyncset.s32 @!p0 $0xFFFFF086;
	s6 =	sadd.s32 @!p0 s3, s7;
	s7 =	simm.s32 @!p0 $0x108  }
0x21: {  	s3 =	sadd.s32 s3, s9;
	s6 =	sadd.s32 @!p0 $0x88, s6;
	s7 =	simm.s32 @p2 $0x1082  }
0x22: {  	[simem:s7], [sflag:s8] =	dma.local @!p0 [hbm:s6], $0xF7A  }
0x23: {  	s9 =	sor.u32 $0xD0000000, s2;
	s6 =	simm.s32 $0x108;
	_ =	swait.ge @!p0 [sflag:s8], $0x0  }
0x24: {  	s3 =	sadd.s32 $0x88, s3;
	s6 =	simm.s32 @!p1 $0x1082;
	[sflag:s4] =	ssyncset.s32 $0xFFFFF086  }
0x25: {  	[simem:s6], [sflag:s4] =	dma.local [hbm:s3], $0xF7A  }
0x26: {  	[smem:$0x3F99] =	sst s1;
	(tag) =	ssettag s2;
	_ =	strace s9  }
0x27: {  	s1 =	sld [smem:$0x3FA9]  }
0x28: {  	s2 =	sld [smem:$0x3FAA]  }
0x29: {  	s4 =	sld [smem:$0x3FAC]  }
0x2a: {  	p0 =	seq.s32 s5, $0x0;
	s5 =	sld [smem:$0x3FAD]  }
0x2b: {  	s6 =	sld [smem:$0x3FAE]  }
0x2c: {  	s7 =	sld [smem:$0x3FAF]  }
0x2d: {  	s3 =	simm.s32 $0x108;
	s8 =	sld [smem:$0x3FB0]  }
0x2e: {  	s3 =	simm.s32 @!p0 $0x1082;
	s9 =	sld [smem:$0x3FB1]  }
0x2f: {  	lr =	sadd.s32 s0, s3;
	s0 =	sld [smem:$0x3FA8]  }
0x30: {  	s3 =	sld [smem:$0x3FAB]  }
0x31: {  	[smem:$0x3FB4] =	sst s10  }
0x32: {  	s10 =	sld [smem:$0x3FB2];
	_ =	sdelay $0x3  }
0x33: {  	p0 =	seq.s32 s10, $0x1;
	s10 =	sld [smem:$0x3FB4];
	_ =	sdelay $0x3  }
0x34: {  	[smem:$0x3FB4] =	sst s10  }
0x35: {  	s10 =	sld [smem:$0x3FB3];
	_ =	sdelay $0x3  }
0x36: {  	p1 =	seq.s32 s10, $0x1;
	s10 =	sld [smem:$0x3FB4];
	_ =	sdelay $0x3  }
0x37: {  	[smem:$0x3FB4] =	sst s10  }
0x38: {  	s10 =	sld [smem:$0x3FB5]  }
0x39: {  	_ = 	snop;
	(pc) =	sbr.ind lr, $3  }
0x3a: {  	_ = 	snop  }
0x3b: {  	_ = 	snop  }
0x3c: {  	p2 =	seq.s32 s10, $0x1;
	s10 =	sld [smem:$0x3FB4]  }
0x3d: {  	_ =	shalt  }
0x3e: {  	_ =	shalt  }
0x3f: {  	_ =	shalt  }
0x40: {  	_ =	shalt  }
0x41: {  	_ =	shalt  }
0x42: {  	_ =	shalt  }
0x43: {  	_ =	shalt  }
0x44: {  	_ =	shalt  }
0x45: {  	_ =	shalt  }
0x46: {  	_ =	shalt  }
0x47: {  	_ =	shalt  }
0x48: {  	_ =	shalt  }
0x49: {  	_ =	shalt  }
0x4a: {  	_ =	shalt  }
0x4b: {  	_ =	shalt  }
0x4c: {  	_ =	shalt  }
0x4d: {  	_ =	shalt  }
0x4e: {  	_ =	shalt  }
0x4f: {  	_ =	shalt  }
0x50: {  	_ =	shalt  }
0x51: {  	_ =	shalt  }
0x52: {  	_ =	shalt  }
0x53: {  	_ =	shalt  }
0x54: {  	_ =	shalt  }
0x55: {  	_ =	shalt  }
0x56: {  	_ =	shalt  }
0x57: {  	_ =	shalt  }
0x58: {  	_ =	shalt  }
0x59: {  	_ =	shalt  }
0x5a: {  	_ =	shalt  }
0x5b: {  	_ =	shalt  }
0x5c: {  	_ =	shalt  }
0x5d: {  	_ =	shalt  }
0x5e: {  	_ =	shalt  }
0x5f: {  	_ =	shalt  }
0x60: {  	_ =	shalt  }
0x61: {  	_ =	shalt  }
0x62: {  	_ =	shalt  }
0x63: {  	_ =	shalt  }
0x64: {  	_ =	shalt  }
0x65: {  	_ =	shalt  }
0x66: {  	_ =	shalt  }
0x67: {  	_ =	shalt  }
0x68: {  	_ =	shalt  }
0x69: {  	_ =	shalt  }
0x6a: {  	_ =	shalt  }
0x6b: {  	_ =	shalt  }
0x6c: {  	_ =	shalt  }
0x6d: {  	_ =	shalt  }
0x6e: {  	_ =	shalt  }
0x6f: {  	_ =	shalt  }
0x70: {  	_ =	shalt  }
0x71: {  	_ =	shalt  }
0x72: {  	_ =	shalt  }
0x73: {  	_ =	shalt  }
0x74: {  	_ =	shalt  }
0x75: {  	_ =	shalt  }
0x76: {  	_ =	shalt  }
0x77: {  	_ =	shalt  }
0x78: {  	_ =	shalt  }
0x79: {  	_ =	shalt  }
0x7a: {  	_ =	shalt  }
0x7b: {  	_ =	shalt  }
0x7c: {  	_ =	shalt  }
0x7d: {  	_ =	shalt  }
0x7e: {  	_ =	shalt  }
0x7f: {  	_ =	shalt  }
0x80: {  	_ =	shalt  }
0x81: {  	_ =	shalt  }
0x82: {  	_ =	shalt  }
0x83: {  	_ =	shalt  }
0x84: {  	_ =	shalt  }
0x85: {  	_ =	shalt  }
0x86: {  	_ =	shalt  }
0x87: {  	_ =	shalt  }
.Lfunc_end0:
.L_simem_size_0:
called_computation.1_lowered:
.L_overlay_start_0:
0x88: {  	s2 =	sld [smem:$0x3FD9]  }
0x89: {  	s3 =	sld [smem:$0x3FFE];
	_ =	sdelay $0x1  }
0x8a: {  	s1 =	srdreg.scid  }
0x8b: {  	s0 =	sand.u32 $0x1, s1  }
0x8c: {  	s15 =	sshll.u32 s0, $0xA;
	s2 =	sadd.s32 s3, s2  }
0x8d: {  	s2 =	sadd.s32 s2, s15  }
0x8e: {  	[smem:$0x3FC0] =	sst s2  }
0x8f: {  	_ = 	snop  }
0x90: {  	s2 =	sld [smem:$0x3FD0];
	_ =	sdelay $0x2  }
0x91: {  	s16 =	simm.s32 $0xB;
	s4 =	simm.s32 $0x10  }
0x92: {  	[smem:s4], [sflag:s16] =	dma.local [hbm:s2], $0x1  }
0x93: {  	_ =	swait.eq [sflag:s16], $0x1  }
0x94: {  	[sflag:s16] =	ssyncset.done $0x0  }
0x95: {  	[sflag:s16] =	ssyncadd.s32 $0xFFFFFFFF  }
0x96: {  	s17 =	sld [smem:$0x10];
	(tm) =	ssettm $0x1  }
0x97: {  	s18 =	sld [smem:$0x3FFB];
	_ =	sdelay $0x3  }
0x98: {  	_ =	strace s18  }
0x99: {  	s2 =	sld [smem:$0x3FFC];
	_ =	sdelay $0x3  }
0x9a: {  	_ =	strace s2  }
0x9b: {  	s2 =	sld [smem:$0x3FFD];
	_ =	sdelay $0x3  }
0x9c: {  	_ =	strace s2  }
0x9d: {  	_ =	strace $0x8FFFFFFF  }
0x9e: {  	s19 =	sld [smem:$0x3FDB];
	_ =	sdelay $0x1  }
0x9f: {  	s20 =	simm.s32 $_scs_section_size  }
0xa0: {  	s5 =	simm.s32 $_size__tile_overlayer_lowered;
	s6 =	simm.s32 $_tile_overlayer_lowered  }
0xa1: {  	s7 =	simm.s32 $0x1BFF;
	s21 =	sshll.u32 s6, $0x1;
	s4 =	sadd.s32 s20, s19  }
0xa2: {  	s22 =	simm.s32 $0x0;
	s5 =	sshll.u32 s5, $0x1;
	s6 =	sadd.s32 s21, s4  }
0xa3: {  	[timem:s22], [sflag:s7] =	dma.local [hbm:s6], s5  }
0xa4: {  	_ =	swait.ge [sflag:s7], s5  }
0xa5: {  	s5 =	ssub.s32 $0x0, s5;
	[sflag:s7] =	ssyncset.done $0x0  }
0xa6: {  	[sflag:s7] =	ssyncadd.s32 s5;
	_ =	sdelay $0x1  }
0xa7: {  	s23 =	simm.s32 $0x1B8B  }
0xa8: {  	_ =	swait.ge [sflag:s23], $0x1  }
0xa9: {  	[sflag:s23] =	ssyncset.done $0x0  }
0xaa: {  	[sflag:s23] =	ssyncadd.s32 $0xFFFFFFFF  }
0xab: {  	s5 =	sld [smem:$0x0]  }
0xac: {  	s6 =	sand.u32 $0xFFFFFFFE, s1  }
0xad: {  	p0 =	sne.s32 s1, s6  }
0xae: {  	s6 =	sshll.u32 @p0 s6, $0xE  }
0xaf: {  	s6 =	sadd.s32 @p0 $0x11B8D, s6;
	s7 =	sshll.u32 @p0 s5, $0x11  }
0xb0: {  	s6 =	sor.u32 @p0 s7, s6  }
0xb1: {  	[sflag:s6] =	ssyncadd.remote.s32 @p0 $0x1;
	_ =	sdelay $0x1  }
0xb2: {  	s6 =	simm.s32 @p0 $0x1B8D  }
0xb3: {  	_ =	swait.eq @p0 [sflag:s6], $0x1  }
0xb4: {  	[sflag:s6] =	ssyncadd.s32 @p0 $0xFFFFFFFF  }
0xb5: {  	s7 =	sshll.u32 @!p0 s1, $0xE  }
0xb6: {  	s7 =	sor.u32 @!p0 $0x4000, s7;
	s6 =	simm.s32 @!p0 $0x1B8D  }
0xb7: {  	s5 =	sshll.u32 @!p0 s5, $0x11;
	s7 =	sadd.s32 @!p0 $0x11B8D, s7;
	_ =	swait.eq @!p0 [sflag:s6], $0x1  }
0xb8: {  	s5 =	sor.u32 @!p0 s5, s7;
	[sflag:s6] =	ssyncadd.s32 @!p0 $0xFFFFFFFF  }
0xb9: {  	s25 =	simm.s32 $0x1B8E;
	s24 =	sld [smem:$0x3FFE];
	[sflag:s5] =	ssyncadd.remote.s32 @!p0 $0x1  }
0xba: {  	s26 =	simm.s32 $execute0_lowered;
	[smem:$0x3FD2] =	sst s25  }
0xbb: {  	s6 =	sshll.u32 s26, $0x1;
	_ =	strace $0x80000049;
	[dreg:$0x1] =	wrdreg $0xFFFFFFFF  }
0xbc: {  	s28 =	simm.s32 $_size_execute0_lowered;
	s4 =	sadd.s32 s4, s6;
	[dreg:$0x0] =	wrdreg $0x0  }
0xbd: {  	s6 =	sshll.u32 s28, $0x1;
	[dreg:$0x2] =	wrdreg s4  }
0xbe: {  	[dreg:$0x3] =	wrdreg s6  }
0xbf: {  	[dreg:$0x4] =	wrdreg $0xC0  }
0xc0: {  	_ =	task [dreg:s22], $0x5FFFF  }
0xc1: {  	[dreg:$0x1] =	wrdreg $0xFFFFFFFF  }
0xc2: {  	[dreg:$0x0] =	wrdreg $0x60  }
0xc3: {  	[dreg:$0x2] =	wrdreg s24  }
0xc4: {  	[dreg:$0x3] =	wrdreg s17  }
0xc5: {  	[dreg:$0x4] =	wrdreg $0xBE000  }
0xc6: {  	[dreg:$0x5] =	wrdreg $0xA  }
0xc7: {  	_ =	task.clear_ibuf [dreg:s22], $0x6FFFF;
	_ =	strace $0x90000049  }
0xc8: {  	s29 =	simm.s32 $0xA;
	_ =	strace $0x8000004B  }
0xc9: {  	_ =	swait.ge [sflag:s29], $0x1  }
0xca: {  	[sflag:s29] =	ssyncadd.s32 $0xFFFFFFFF  }
0xcb: {  	_ =	strace $0x9000004B  }
0xcc: {  	_ =	sfence  }
0xcd: {  	s30 =	sld [smem:$0x0];
	_ =	sdelay $0x2  }
0xce: {  	s31 =	sshll.u32 s1, $0xD;
	s1 =	sshrl.u32 s1, $0x2  }
0xcf: {  	s4 =	sand.u32 $0x4000, s31;
	s1 =	sadd.s32 s1, s30  }
0xd0: {  	s0 =	sor.u32 s4, s0;
	s1 =	sshll.u32 s1, $0x11  }
0xd1: {  	s0 =	sor.u32 s1, s0  }
0xd2: {  	s0 =	sadd.s32 $0x8F2B, s0  }
0xd3: {  	[sflag:s0] =	ssyncadd.remote.s32 $0x1  }
0xd4: {  	_ =	sfence.sel $0xFFFF  }
0xd5: {  	[dreg:$0x0] =	wrdreg $0xFFFFFFFF;
	(pc) =	sbr.abs _section_cstart, $3  }
0xd6: {  	[dreg:$0x1] =	wrdreg $0xFFFFFFFF  }
0xd7: {  	_ =	task.clear_ibuf [dreg:s22], $0x2FFFF;
	_ =	strace $0x9FFFFFFF  }
0xd8: {  	(tm) =	ssettm $0x7FFFFFFF  }
0xd9: {  	_ =	shalt  }
tec
execute0_lowered:
.L_overlay_start_1:
0x0: {  	(tag) =	ssettag $0x1  }
0x1: {  	s0 =	rddreg [dreg:$0x0]  }
0x2: {  	s1 =	rddreg [dreg:$0x1];
	s16 =	stileid.u32  }
0x3: {  	s2 =	rddreg [dreg:$0x2];
	s7 =	smul.u32 $0x2800, s16  }
0x4: {  	s4 =	srdreg.scid;
	s9 =	smul.u32 $0x50000, s16  }
0x5: {  	s3 =	simm.s32 $0x0;
	s29 =	simm.s32 $0x3E00;
	s20 =	smul.u32 $0x780, s16  }
0x6: {  	s30 =	simm.s32 $0x8;
	s31 =	simm.s32 $0x3C00;
	s14 =	smul.u32 $0x28, s16  }
0x7: {  	s28 =	simm.s32 $0x2;
	s6 =	sand.u32 $0x1, s4;
	s12 =	smul.u32 $0x78, s16  }
0x8: {  	[smem:$0x7FF] =	sst s3;
	s4 =	sadd.s32 $0x5DC00, s0;
	s23 =	smul.u32 $0x1400, s16  }
0x9: {  	s5 =	sadd.s32 $0x2C00, s0;
	s10 =	sadd.s32 $0xCC00, s0;
	s8 =	smul.u32 $0x28000, s6  }
0xa: {  	_ =	strace $0x8000004A;
	[dreg:$0x4] =	wrdreg s10;
	s17 =	ssub.s32 $0x2, s6  }
0xb: {  	p0 =	seq.s32 s6, $0x1;
	s18 =	sshrl.u32 s17, $0x1;
	s9 =	sshrl.u32 s9, $0x2  }
0xc: {  	s22 =	sadd.s32 s1, s20;
	s10 =	sadd.s32 s5, s20;
	s15 =	sadd.s32 $0x780, s14  }
0xd: {  	s7 =	sadd.s32 s7, s8;
	s8 =	ssub.s32 s17, s18;
	[dreg:$0x8] =	wrdreg s22  }
0xe: {  	s24 =	sadd.s32 $0x20, s10;
	s25 =	sshll.u32 s15, $0x4;
	s17 =	sshrl.u32 s23, $0x3  }
0xf: {  	[dreg:$0x9] =	wrdreg s10;
	s13 =	sadd.s32 s7, s0;
	s7 =	sadd.s32 s9, s2  }
0x10: {  	[dreg:$0xa] =	wrdreg s24;
	s0 =	sadd.s32 $0x2C40, s0;
	s1 =	sadd.s32 s1, s25  }
0x11: {  	s26 =	sadd.s32 s5, s25;
	s23 =	smax.u32 s8, $0x1;
	[dreg:$0xb] =	wrdreg s1  }
0x12: {  	s9 =	sadd.s32 $0x4000, s7;
	s19 =	sadd.s32 $0x8000, s7;
	[dreg:$0xc] =	wrdreg s26  }
0x13: {  	s21 =	sadd.s32 $0xC000, s7;
	s11 =	sadd.s32 $0x10000, s7;
	[dreg:$0x5] =	wrdreg s9  }
0x14: {  	s1 =	sadd.s32 s5, s17;
	s18 =	sadd.s32 s20, s0;
	[dreg:$0x6] =	wrdreg s19  }
0x15: {  	s0 =	sadd.s32 s25, s0;
	s22 =	sadd.s32 $0x84E00, s13;
	[dreg:$0x7] =	wrdreg s21  }
0x16: {  	s25 =	sadd.s32 $0x60, s10;
	s26 =	sadd.s32 $0x80, s10;
	[dreg:$0xd] =	wrdreg s18  }
0x17: {  	s13 =	simm.s32 $0x1;
	s17 =	simm.s32 $0x3C80;
	[dreg:$0xe] =	wrdreg s0  }
0x18: {  	s19 =	smul.u32 $0x280, s16;
	s20 =	sadd.s32 $0x7820, s1;
	[dreg:$0x12] =	wrdreg s25  }
0x19: {  	s21 =	sadd.s32 $0x7860, s1;
	[dreg:$0x13] =	wrdreg s26;
	s16 =	simm.s32 $0x80  }
.Ltmp0:
0x1a: {  	s18 =	simm.s32 $0x7E00;
	s26 =	simm.s32 $0x6;
	(pc) =	sbr.rel .LBB2_1-.Ltmp0, $4  }
0x1b: {  	s25 =	simm.s32 $0x3;
	s1 =	simm.s32 $0x0;
	[dreg:$0xf] =	wrdreg s20  }
0x1c: {  	[dreg:$0x10] =	wrdreg s21;
	s20 =	simm.s32 $0x5;
	s24 =	sadd.s32 s19, s5  }
0x1d: {  	s21 =	simm.s32 $0x7;
	s19 =	simm.s32 $0x4;
	s0 =	sadd.s32 $0x7880, s24  }
0x1e: {  	s24 =	simm.s32 $0x3D80;
	[dreg:$0x11] =	wrdreg s0;
	s0 =	simm.s32 $0x3D00  }
.LBB2_8:
0x1f: {  	_ =	swait.ge [sflag:s26], $0x4000  }
0x20: {  	[sflag:s26] =	ssyncset.done $0x0  }
0x21: {  	[sflag:s26] =	ssyncadd.s32 $0xFFFFC000  }
0x22: {  	s6 =	stileid.u32;
	_ =	swait.ge [sflag:s21], $0x4000  }
0x23: {  	s8 =	sshrl.u32 s7, $0x3;
	s1 =	sadd.s32 $0x1, s1;
	[sflag:s21] =	ssyncset.done $0x0  }
0x24: {  	s6 =	sshll.u32 s6, $0x6;
	p1 =	sne.s32 s1, s23;
	[sflag:s21] =	ssyncadd.s32 $0xFFFFC000  }
.Ltmp1:
0x25: {  	s6 =	sor.u32 $0x1C08, s6;
	[bflag:$0x0] =	sbarrier.arrive $0xFFFF;
	(pc) =	sbr.rel @!p1 .LBB2_9-.Ltmp1, $4  }
0x26: {  	[hbm:s22], [sflag:s6] =	dma.local [spmem:s8], $0x2800  }
0x27: {  	_ =	swait.ge [sflag:s30], $0x2800  }
0x28: {  	[sflag:s30] =	ssyncset.done $0x0  }
0x29: {  	[sflag:s30] =	ssyncadd.s32 $0xFFFFD800  }
.LBB2_1:
0x2a: {  	s6 =	rddreg [dreg:$0x4]  }
0x2b: {  	[tilespmem:s29], [sflag:$0x8] =	stream.linear.gather [hbm4b:s6+s3], $0x4000, $0x38;
	[tilespmem:$0x1FE00] =	vst v63  }
0x2c: {  	_ =	swait.ge [sflag:s30], $0x4000  }
0x2d: {  	[sflag:s30] =	ssyncset.done $0x0  }
0x2e: {  	[sflag:s30] =	ssyncadd.s32 $0xFFFFC000  }
0x2f: {  	[spmem:s7] =	stream.linear.scatter [tilespmem:s29], [sflag:$0x8], $0x4000, $0x38;
	[tilespmem:$0x1FE00] =	vst v63  }
0x30: {  	_ =	swait.ge [sflag:s30], $0x4000  }
0x31: {  	[sflag:s30] =	ssyncset.done $0x0  }
0x32: {  	s9 =	rddreg [dreg:$0x5];
	[sflag:s30] =	ssyncadd.s32 $0xFFFFC000  }
0x33: {  	[spmem:s9] =	stream.linear.scatter [tilespmem:s29], [sflag:$0x8], $0x4000, $0x38;
	[tilespmem:$0x1FE00] =	vst v63  }
0x34: {  	_ =	swait.ge [sflag:s30], $0x4000  }
0x35: {  	[sflag:s30] =	ssyncset.done $0x0  }
0x36: {  	s10 =	rddreg [dreg:$0x6];
	[sflag:s30] =	ssyncadd.s32 $0xFFFFC000  }
0x37: {  	[spmem:s10] =	stream.linear.scatter [tilespmem:s29], [sflag:$0x8], $0x4000, $0x38;
	[tilespmem:$0x1FE00] =	vst v63  }
0x38: {  	_ =	swait.ge [sflag:s30], $0x4000  }
0x39: {  	[sflag:s30] =	ssyncset.done $0x0  }
0x3a: {  	s14 =	rddreg [dreg:$0x7];
	[sflag:s30] =	ssyncadd.s32 $0xFFFFC000  }
0x3b: {  	[spmem:s14] =	stream.linear.scatter [tilespmem:s29], [sflag:$0x8], $0x4000, $0x38;
	[tilespmem:$0x1FE00] =	vst v63  }
0x3c: {  	_ =	swait.ge [sflag:s30], $0x4000  }
0x3d: {  	[sflag:s30] =	ssyncset.done $0x0  }
0x3e: {  	[sflag:s30] =	ssyncadd.s32 $0xFFFFC000  }
0x3f: {  	[spmem:s11] =	stream.linear.scatter [tilespmem:s29], [sflag:$0x8], $0x4000, $0x38;
	[tilespmem:$0x1FE00] =	vst v63  }
.Ltmp2:
0x40: {  	_ =	swait.ge [sflag:s30], $0x4000;
	(pc) =	sbr.rel @!p0 .LBB2_2-.Ltmp2, $3  }
0x41: {  	[sflag:s30] =	ssyncset.done $0x0  }
0x42: {  	[sflag:s30] =	ssyncadd.s32 $0xFFFFC000  }
0x43: {  	[bflag:$0x0] =	sbarrier.arrive $0xFFFF;
	_ =	sdelay $0x1  }
0x44: {  	s6 =	rddreg [dreg:$0xb]  }
0x45: {  	[tilespmem:s3], [sflag:$0x1] =	stream.linear.gather [hbm4b:s6+s3], $0x1400, $0x38;
	[tilespmem:$0x1FE00] =	vst v63  }
0x46: {  	s9 =	rddreg [dreg:$0xc]  }
0x47: {  	[tilespmem:s31], [sflag:$0x8] =	stream.linear.gather [hbm4b:s9+s3], $0x100, $0x38;
	[tilespmem:$0x1FE00] =	vst v63  }
0x48: {  	_ =	swait.ge [sflag:s30], $0x100  }
0x49: {  	[sflag:s30] =	ssyncset.done $0x0  }
0x4a: {  	s10 =	rddreg [dreg:$0xf];
	[sflag:s30] =	ssyncadd.s32 $0xFFFFFF00  }
0x4b: {  	[tilespmem:s0], [sflag:$0x8] =	stream.linear.gather [hbm4b:s10+s3], $0x100, $0x38;
	[tilespmem:$0x1FE00] =	vst v63  }
0x4c: {  	_ =	swait.ge [sflag:s30], $0x100  }
0x4d: {  	[sflag:s30] =	ssyncset.done $0x0  }
0x4e: {  	[sflag:s30] =	ssyncadd.s32 $0xFFFFFF00  }
0x4f: {  	_ =	swait.ge [sflag:s13], $0x1400  }
0x50: {  	[sflag:s13] =	ssyncset.done $0x0  }
0x51: {  	[sflag:s13] =	ssyncadd.s32 $0xFFFFEC00  }
0x52: {  	[tilespmem:s29], [sflag:$0x4] =	stream.indirect.gather [hbm4b:s4+s16], $0x80, s31, s16, $0xb8;
	[tilespmem:$0x1FE00] =	vst v63  }
0x53: {  	_ = 	snop  }
0x54: {  	[tilespmem:s18], [sflag:$0x5] =	stream.indirect.gather [hbm4b:s4+s16], $0x80, s17, s16, $0xb8;
	[tilespmem:$0x1FE00] =	vst v63  }
0x55: {  	_ =	swait.ge [sflag:s19], $0x4000  }
0x56: {  	[sflag:s19] =	ssyncset.done $0x0  }
0x57: {  	[sflag:s19] =	ssyncadd.s32 $0xFFFFC000  }
0x58: {  	[spmem:s2] =	stream.indirect.scatter.add.f32 [tilespmem:s29], [sflag:$0x6], $0x80, s3, s16, $0xb8;
	[tilespmem:$0x1FE00] =	vst v63  }
0x59: {  	_ =	swait.ge [sflag:s20], $0x4000  }
0x5a: {  	[sflag:s20] =	ssyncset.done $0x0  }
0x5b: {  	[sflag:s20] =	ssyncadd.s32 $0xFFFFC000  }
0x5c: {  	[spmem:s2] =	stream.indirect.scatter.add.f32 [tilespmem:s18], [sflag:$0x7], $0x80, s16, s16, $0xb8;
	[tilespmem:$0x1FE00] =	vst v63  }
0x5d: {  	s14 =	rddreg [dreg:$0xe]  }
0x5e: {  	[tilespmem:s31], [sflag:$0x2] =	stream.linear.gather [hbm4b:s14+s3], $0x100, $0x38;
	[tilespmem:$0x1FE00] =	vst v63  }
0x5f: {  	s14 =	simm.s32 $0x6  }
0x60: {  	_ =	swait.ge [sflag:s14], $0x4000  }
0x61: {  	[sflag:s14] =	ssyncset.done $0x0  }
0x62: {  	[sflag:s14] =	ssyncadd.s32 $0xFFFFC000  }
0x63: {  	[tilespmem:s29], [sflag:$0x4] =	stream.indirect.gather [hbm4b:s4+s16], $0x80, s0, s16, $0xb8;
	[tilespmem:$0x1FE00] =	vst v63  }
0x64: {  	_ =	swait.ge [sflag:s21], $0x4000  }
0x65: {  	[sflag:s21] =	ssyncset.done $0x0  }
0x66: {  	[sflag:s21] =	ssyncadd.s32 $0xFFFFC000  }
0x67: {  	[tilespmem:s18], [sflag:$0x5] =	stream.indirect.gather [hbm4b:s4+s16], $0x80, s24, s16, $0xb8;
	[tilespmem:$0x1FE00] =	vst v63  }
0x68: {  	_ =	swait.ge [sflag:s19], $0x4000  }
0x69: {  	[sflag:s19] =	ssyncset.done $0x0  }
0x6a: {  	s8 =	simm.s32 $0x100;
	[sflag:s19] =	ssyncadd.s32 $0xFFFFC000  }
0x6b: {  	[spmem:s2] =	stream.indirect.scatter.add.f32 [tilespmem:s29], [sflag:$0x6], $0x80, s8, s16, $0xb8;
	[tilespmem:$0x1FE00] =	vst v63  }
0x6c: {  	_ =	swait.ge [sflag:s20], $0x4000  }
0x6d: {  	[sflag:s20] =	ssyncset.done $0x0  }
0x6e: {  	s9 =	simm.s32 $0x180;
	s10 =	rddreg [dreg:$0x10];
	[sflag:s20] =	ssyncadd.s32 $0xFFFFC000  }
0x6f: {  	[spmem:s2] =	stream.indirect.scatter.add.f32 [tilespmem:s18], [sflag:$0x7], $0x80, s9, s16, $0xb8;
	[tilespmem:$0x1FE00] =	vst v63  }
0x70: {  	s6 =	simm.s32 $0x380;
	s8 =	rddreg [dreg:$0x11]  }
0x71: {  	[tilespmem:s0], [sflag:$0x3] =	stream.linear.gather [hbm4b:s10+s3], $0x100, $0x38;
	[tilespmem:$0x1FE00] =	vst v63  }
.LBB2_6:
0x72: {  	_ =	swait.ge [sflag:s28], $0x100  }
0x73: {  	[sflag:s28] =	ssyncset.done $0x0  }
0x74: {  	[sflag:s28] =	ssyncadd.s32 $0xFFFFFF00  }
0x75: {  	_ =	swait.ge [sflag:s26], $0x4000  }
0x76: {  	[sflag:s26] =	ssyncset.done $0x0  }
0x77: {  	[sflag:s26] =	ssyncadd.s32 $0xFFFFC000  }
0x78: {  	[tilespmem:s29], [sflag:$0x4] =	stream.indirect.gather [hbm4b:s4+s16], $0x80, s31, s16, $0xb8;
	[tilespmem:$0x1FE00] =	vst v63  }
0x79: {  	_ =	swait.ge [sflag:s21], $0x4000  }
0x7a: {  	[sflag:s21] =	ssyncset.done $0x0  }
0x7b: {  	[sflag:s21] =	ssyncadd.s32 $0xFFFFC000  }
0x7c: {  	[tilespmem:s18], [sflag:$0x5] =	stream.indirect.gather [hbm4b:s4+s16], $0x80, s17, s16, $0xb8;
	[tilespmem:$0x1FE00] =	vst v63  }
0x7d: {  	_ =	swait.ge [sflag:s19], $0x4000  }
0x7e: {  	[sflag:s19] =	ssyncset.done $0x0  }
0x7f: {  	s9 =	sadd.s32 $0xFFFFFE80, s6;
	[sflag:s19] =	ssyncadd.s32 $0xFFFFC000  }
0x80: {  	[spmem:s2] =	stream.indirect.scatter.add.f32 [tilespmem:s29], [sflag:$0x6], $0x80, s9, s16, $0xb8;
	[tilespmem:$0x1FE00] =	vst v63  }
0x81: {  	_ =	swait.ge [sflag:s20], $0x4000  }
0x82: {  	[sflag:s20] =	ssyncset.done $0x0  }
0x83: {  	s10 =	sadd.s32 $0xFFFFFF00, s6;
	p1 =	seq.s32 s14, $0x26;
	[sflag:s20] =	ssyncadd.s32 $0xFFFFC000  }
0x84: {  	[spmem:s2] =	stream.indirect.scatter.add.f32 [tilespmem:s18], [sflag:$0x7], $0x80, s10, s16, $0xb8;
	[tilespmem:$0x1FE00] =	vst v63  }
0x85: {  	s9 =	simm.s32 @!p1 $0x0;
	s10 =	simm.s32 @!p1 $0x3C00  }
0x86: {  	[tilespmem:s10], [sflag:$0x2] =	stream.linear.gather @!p1 [hbm4b:s8+s9], $0x100, $0x38;
	[tilespmem:$0x1FE00] =	vst v63  }
0x87: {  	_ =	swait.ge [sflag:s25], $0x100  }
0x88: {  	[sflag:s25] =	ssyncset.done $0x0  }
0x89: {  	[sflag:s25] =	ssyncadd.s32 $0xFFFFFF00  }
0x8a: {  	_ =	swait.ge [sflag:s26], $0x4000  }
0x8b: {  	[sflag:s26] =	ssyncset.done $0x0  }
0x8c: {  	[sflag:s26] =	ssyncadd.s32 $0xFFFFC000  }
0x8d: {  	[tilespmem:s29], [sflag:$0x4] =	stream.indirect.gather [hbm4b:s4+s16], $0x80, s0, s16, $0xb8;
	[tilespmem:$0x1FE00] =	vst v63  }
0x8e: {  	_ =	swait.ge [sflag:s21], $0x4000  }
0x8f: {  	[sflag:s21] =	ssyncset.done $0x0  }
0x90: {  	s9 =	smov.u32 s14;
	[sflag:s21] =	ssyncadd.s32 $0xFFFFC000  }
0x91: {  	[tilespmem:s18], [sflag:$0x5] =	stream.indirect.gather [hbm4b:s4+s16], $0x80, s24, s16, $0xb8;
	[tilespmem:$0x1FE00] =	vst v63  }
0x92: {  	s9 =	simm.s32 @p1 $0x26;
	_ =	swait.ge [sflag:s19], $0x4000  }
0x93: {  	s10 =	sshll.u32 s9, $0x7;
	[sflag:s19] =	ssyncset.done $0x0  }
0x94: {  	s10 =	sand.u32 $0x3FFFFF80, s10;
	[sflag:s19] =	ssyncadd.s32 $0xFFFFC000  }
0x95: {  	[spmem:s2] =	stream.indirect.scatter.add.f32 [tilespmem:s29], [sflag:$0x6], $0x80, s10, s16, $0xb8;
	[tilespmem:$0x1FE00] =	vst v63  }
.Ltmp3:
0x96: {  	_ = 	snop;
	(pc) =	sbr.rel @p1 .LBB2_8-.Ltmp3, $4  }
0x97: {  	_ =	swait.ge [sflag:s20], $0x4000  }
0x98: {  	[sflag:s20] =	ssyncset.done $0x0  }
0x99: {  	[sflag:s20] =	ssyncadd.s32 $0xFFFFC000  }
0x9a: {  	[spmem:s2] =	stream.indirect.scatter.add.f32 [tilespmem:s18], [sflag:$0x7], $0x80, s6, s16, $0xb8;
	[tilespmem:$0x1FE00] =	vst v63  }
0x9b: {  	s9 =	sadd.s32 s15, s9  }
0x9c: {  	s9 =	sshll.u32 s9, $0x7  }
.Ltmp4:
0x9d: {  	s9 =	sand.u32 $0xFFFFFF00, s9;
	(pc) =	sbr.rel .LBB2_6-.Ltmp4, $4  }
0x9e: {  	s9 =	sadd.s32 $0x200, s9  }
0x9f: {  	s14 =	sadd.s32 $0x4, s14;
	s9 =	sshrl.u32 s9, $0x3  }
0xa0: {  	s6 =	sadd.s32 $0x200, s6;
	s8 =	sadd.s32 $0x40, s8;
	s9 =	sadd.s32 s5, s9  }
0xa1: {  	[tilespmem:s0], [sflag:$0x3] =	stream.linear.gather [hbm4b:s9+s3], $0x100, $0x38;
	[tilespmem:$0x1FE00] =	vst v63  }
.LBB2_2:
0xa2: {  	s6 =	rddreg [dreg:$0x8]  }
0xa3: {  	[tilespmem:s3], [sflag:$0x1] =	stream.linear.gather [hbm4b:s6+s3], $0x3C00, $0x38;
	[tilespmem:$0x1FE00] =	vst v63  }
0xa4: {  	s9 =	rddreg [dreg:$0x9]  }
0xa5: {  	[tilespmem:s31], [sflag:$0x8] =	stream.linear.gather [hbm4b:s9+s3], $0x100, $0x38;
	[tilespmem:$0x1FE00] =	vst v63  }
0xa6: {  	_ =	swait.ge [sflag:s30], $0x100  }
0xa7: {  	[sflag:s30] =	ssyncset.done $0x0  }
0xa8: {  	s10 =	rddreg [dreg:$0xa];
	[sflag:s30] =	ssyncadd.s32 $0xFFFFFF00  }
0xa9: {  	[tilespmem:s0], [sflag:$0x8] =	stream.linear.gather [hbm4b:s10+s3], $0x100, $0x38;
	[tilespmem:$0x1FE00] =	vst v63  }
0xaa: {  	_ =	swait.ge [sflag:s30], $0x100  }
0xab: {  	[sflag:s30] =	ssyncset.done $0x0  }
0xac: {  	[sflag:s30] =	ssyncadd.s32 $0xFFFFFF00  }
0xad: {  	_ =	swait.ge [sflag:s13], $0x3C00  }
0xae: {  	[sflag:s13] =	ssyncset.done $0x0  }
0xaf: {  	[sflag:s13] =	ssyncadd.s32 $0xFFFFC400  }
0xb0: {  	[tilespmem:s29], [sflag:$0x4] =	stream.indirect.gather [hbm4b:s4+s16], $0x80, s31, s16, $0xb8;
	[tilespmem:$0x1FE00] =	vst v63  }
0xb1: {  	_ = 	snop  }
0xb2: {  	[tilespmem:s18], [sflag:$0x5] =	stream.indirect.gather [hbm4b:s4+s16], $0x80, s17, s16, $0xb8;
	[tilespmem:$0x1FE00] =	vst v63  }
0xb3: {  	_ =	swait.ge [sflag:s19], $0x4000  }
0xb4: {  	[sflag:s19] =	ssyncset.done $0x0  }
0xb5: {  	[sflag:s19] =	ssyncadd.s32 $0xFFFFC000  }
0xb6: {  	[spmem:s2] =	stream.indirect.scatter.add.f32 [tilespmem:s29], [sflag:$0x6], $0x80, s3, s16, $0xb8;
	[tilespmem:$0x1FE00] =	vst v63  }
0xb7: {  	_ =	swait.ge [sflag:s20], $0x4000  }
0xb8: {  	[sflag:s20] =	ssyncset.done $0x0  }
0xb9: {  	[sflag:s20] =	ssyncadd.s32 $0xFFFFC000  }
0xba: {  	[spmem:s2] =	stream.indirect.scatter.add.f32 [tilespmem:s18], [sflag:$0x7], $0x80, s16, s16, $0xb8;
	[tilespmem:$0x1FE00] =	vst v63  }
0xbb: {  	s9 =	simm.s32 $0x6;
	s14 =	rddreg [dreg:$0xd]  }
0xbc: {  	[tilespmem:s31], [sflag:$0x2] =	stream.linear.gather [hbm4b:s14+s3], $0x100, $0x38;
	[tilespmem:$0x1FE00] =	vst v63  }
0xbd: {  	_ =	swait.ge [sflag:s9], $0x4000  }
0xbe: {  	[sflag:s9] =	ssyncset.done $0x0  }
0xbf: {  	[sflag:s9] =	ssyncadd.s32 $0xFFFFC000  }
0xc0: {  	[tilespmem:s29], [sflag:$0x4] =	stream.indirect.gather [hbm4b:s4+s16], $0x80, s0, s16, $0xb8;
	[tilespmem:$0x1FE00] =	vst v63  }
0xc1: {  	_ =	swait.ge [sflag:s21], $0x4000  }
0xc2: {  	[sflag:s21] =	ssyncset.done $0x0  }
0xc3: {  	[sflag:s21] =	ssyncadd.s32 $0xFFFFC000  }
0xc4: {  	[tilespmem:s18], [sflag:$0x5] =	stream.indirect.gather [hbm4b:s4+s16], $0x80, s24, s16, $0xb8;
	[tilespmem:$0x1FE00] =	vst v63  }
0xc5: {  	_ =	swait.ge [sflag:s19], $0x4000  }
0xc6: {  	[sflag:s19] =	ssyncset.done $0x0  }
0xc7: {  	s8 =	simm.s32 $0x100;
	[sflag:s19] =	ssyncadd.s32 $0xFFFFC000  }
0xc8: {  	[spmem:s2] =	stream.indirect.scatter.add.f32 [tilespmem:s29], [sflag:$0x6], $0x80, s8, s16, $0xb8;
	[tilespmem:$0x1FE00] =	vst v63  }
0xc9: {  	_ =	swait.ge [sflag:s20], $0x4000  }
0xca: {  	[sflag:s20] =	ssyncset.done $0x0  }
0xcb: {  	s10 =	simm.s32 $0x180;
	s14 =	rddreg [dreg:$0x12];
	[sflag:s20] =	ssyncadd.s32 $0xFFFFC000  }
0xcc: {  	[spmem:s2] =	stream.indirect.scatter.add.f32 [tilespmem:s18], [sflag:$0x7], $0x80, s10, s16, $0xb8;
	[tilespmem:$0x1FE00] =	vst v63  }
0xcd: {  	s6 =	simm.s32 $0x380;
	s8 =	rddreg [dreg:$0x13]  }
0xce: {  	[tilespmem:s0], [sflag:$0x3] =	stream.linear.gather [hbm4b:s14+s3], $0x100, $0x38;
	[tilespmem:$0x1FE00] =	vst v63  }
.LBB2_3:
0xcf: {  	_ =	swait.ge [sflag:s28], $0x100  }
0xd0: {  	[sflag:s28] =	ssyncset.done $0x0  }
0xd1: {  	[sflag:s28] =	ssyncadd.s32 $0xFFFFFF00  }
0xd2: {  	_ =	swait.ge [sflag:s26], $0x4000  }
0xd3: {  	[sflag:s26] =	ssyncset.done $0x0  }
0xd4: {  	[sflag:s26] =	ssyncadd.s32 $0xFFFFC000  }
0xd5: {  	[tilespmem:s29], [sflag:$0x4] =	stream.indirect.gather [hbm4b:s4+s16], $0x80, s31, s16, $0xb8;
	[tilespmem:$0x1FE00] =	vst v63  }
0xd6: {  	_ =	swait.ge [sflag:s21], $0x4000  }
0xd7: {  	[sflag:s21] =	ssyncset.done $0x0  }
0xd8: {  	[sflag:s21] =	ssyncadd.s32 $0xFFFFC000  }
0xd9: {  	[tilespmem:s18], [sflag:$0x5] =	stream.indirect.gather [hbm4b:s4+s16], $0x80, s17, s16, $0xb8;
	[tilespmem:$0x1FE00] =	vst v63  }
0xda: {  	_ =	swait.ge [sflag:s19], $0x4000  }
0xdb: {  	[sflag:s19] =	ssyncset.done $0x0  }
0xdc: {  	s14 =	sadd.s32 $0xFFFFFE80, s6;
	[sflag:s19] =	ssyncadd.s32 $0xFFFFC000  }
0xdd: {  	[spmem:s2] =	stream.indirect.scatter.add.f32 [tilespmem:s29], [sflag:$0x6], $0x80, s14, s16, $0xb8;
	[tilespmem:$0x1FE00] =	vst v63  }
0xde: {  	_ =	swait.ge [sflag:s20], $0x4000  }
0xdf: {  	[sflag:s20] =	ssyncset.done $0x0  }
0xe0: {  	s10 =	sadd.s32 $0xFFFFFF00, s6;
	p1 =	seq.s32 s9, $0x76;
	[sflag:s20] =	ssyncadd.s32 $0xFFFFC000  }
0xe1: {  	[spmem:s2] =	stream.indirect.scatter.add.f32 [tilespmem:s18], [sflag:$0x7], $0x80, s10, s16, $0xb8;
	[tilespmem:$0x1FE00] =	vst v63  }
0xe2: {  	s14 =	simm.s32 @!p1 $0x0;
	s10 =	simm.s32 @!p1 $0x3C00  }
0xe3: {  	[tilespmem:s10], [sflag:$0x2] =	stream.linear.gather @!p1 [hbm4b:s8+s14], $0x100, $0x38;
	[tilespmem:$0x1FE00] =	vst v63  }
0xe4: {  	_ =	swait.ge [sflag:s25], $0x100  }
0xe5: {  	[sflag:s25] =	ssyncset.done $0x0  }
0xe6: {  	[sflag:s25] =	ssyncadd.s32 $0xFFFFFF00  }
0xe7: {  	_ =	swait.ge [sflag:s26], $0x4000  }
0xe8: {  	[sflag:s26] =	ssyncset.done $0x0  }
0xe9: {  	[sflag:s26] =	ssyncadd.s32 $0xFFFFC000  }
0xea: {  	[tilespmem:s29], [sflag:$0x4] =	stream.indirect.gather [hbm4b:s4+s16], $0x80, s0, s16, $0xb8;
	[tilespmem:$0x1FE00] =	vst v63  }
0xeb: {  	_ =	swait.ge [sflag:s21], $0x4000  }
0xec: {  	[sflag:s21] =	ssyncset.done $0x0  }
0xed: {  	s14 =	smov.u32 s9;
	[sflag:s21] =	ssyncadd.s32 $0xFFFFC000  }
0xee: {  	[tilespmem:s18], [sflag:$0x5] =	stream.indirect.gather [hbm4b:s4+s16], $0x80, s24, s16, $0xb8;
	[tilespmem:$0x1FE00] =	vst v63  }
0xef: {  	s14 =	simm.s32 @p1 $0x76;
	_ =	swait.ge [sflag:s19], $0x4000  }
0xf0: {  	s10 =	sshll.u32 s14, $0x7;
	[sflag:s19] =	ssyncset.done $0x0  }
0xf1: {  	s10 =	sand.u32 $0x3FFFFF80, s10;
	[sflag:s19] =	ssyncadd.s32 $0xFFFFC000  }
0xf2: {  	[spmem:s2] =	stream.indirect.scatter.add.f32 [tilespmem:s29], [sflag:$0x6], $0x80, s10, s16, $0xb8;
	[tilespmem:$0x1FE00] =	vst v63  }
.Ltmp5:
0xf3: {  	_ = 	snop;
	(pc) =	sbr.rel @p1 .LBB2_8-.Ltmp5, $4  }
0xf4: {  	_ =	swait.ge [sflag:s20], $0x4000  }
0xf5: {  	[sflag:s20] =	ssyncset.done $0x0  }
0xf6: {  	[sflag:s20] =	ssyncadd.s32 $0xFFFFC000  }
0xf7: {  	[spmem:s2] =	stream.indirect.scatter.add.f32 [tilespmem:s18], [sflag:$0x7], $0x80, s6, s16, $0xb8;
	[tilespmem:$0x1FE00] =	vst v63  }
0xf8: {  	s10 =	sadd.s32 s12, s14  }
.Ltmp6:
0xf9: {  	s10 =	sshll.u32 s10, $0x4;
	(pc) =	sbr.rel .LBB2_3-.Ltmp6, $4  }
0xfa: {  	s10 =	sadd.s32 $0x40, s10  }
0xfb: {  	s9 =	sadd.s32 $0x4, s9;
	s10 =	sand.u32 $0xFFFFFE0, s10  }
0xfc: {  	s6 =	sadd.s32 $0x200, s6;
	s8 =	sadd.s32 $0x40, s8;
	s10 =	sadd.s32 s5, s10  }
0xfd: {  	[tilespmem:s0], [sflag:$0x3] =	stream.linear.gather [hbm4b:s10+s3], $0x100, $0x38;
	[tilespmem:$0x1FE00] =	vst v63  }
.LBB2_9:
0xfe: {  	_ =	sfence.sel $0x180000  }
0xff: {  	[bflag:$0x0] =	sbarrier.arrive $0xFFFF  }
0x100: {  	_ =	strace $0x9000004A  }
0x101: {  	s0 =	stileid.u32;
	[bflag:$0x2] =	sbarrier.arrive $0xFFFF  }
0x102: {  	p0 =	sne.s32 s0, $0x0;
	s0 =	rddreg [dreg:$0x3]  }
0x103: {  	s0 =	sadd.s32 @!p0 $0x100000, s0  }
0x104: {  	[sflag:s0] =	ssyncadd.tile.s32 @!p0 $0x1;
	_ =	shalt  }
.Lfunc_end2:
_tile_overlayer_lowered:
.L_overlay_start_2:
0x105: {  	(tag) =	ssettag $0x2  }
0x106: {  	s0 =	rddreg [dreg:$0x0];
	s2 =	stileid.u32  }
0x107: {  	s1 =	rddreg [dreg:$0x1];
	p0 =	sne.s32 s2, $0x0  }
0x108: {  	s3 =	rddreg [dreg:$0x2];
	[bflag:$0x3] =	sbarrier.arrive $0xFFFF;
	s2 =	simm.s32 @!p0 $0x1C08  }
0x109: {  	[timem:s3], [sflag:s2] =	dma.local @!p0 [hbm:s0], s1  }
0x10a: {  	s0 =	simm.s32 @!p0 $0x8  }
0x10b: {  	_ =	swait.ge @!p0 [sflag:s0], s1  }
0x10c: {  	s1 =	ssub.s32 @!p0 $0x0, s1;
	[sflag:s0] =	ssyncset.done @!p0 $0x0  }
0x10d: {  	[sflag:s0] =	ssyncadd.s32 @!p0 s1  }
0x10e: {  	[bflag:$0x3] =	sbarrier.arrive $0xFFFF  }
0x10f: {  	_ =	shalt  }

// kernel: kernel.16.cloned.1.call-start
scs
__scs_entry_jumppad:
0x0: {  	(pc) =	sbr.rel $0x88, $3  }
0x1: {  	(tag) =	ssettag $0x0;
	lr =	simm.s32 $0x1  }
0x2: {  	[smem:$0x3F99] =	sst lr;
	_ =	strace $0xD0000000  }
0x3: {  	_ = 	snop  }
0x4: {  	_ = 	snop  }
0x5: {  	_ = 	snop  }
0x6: {  	_ = 	snop  }
0x7: {  	_ = 	snop  }
__scs_overlays_trampoline_lowered:
0x8: {  	[smem:$0x3FA8] =	sst s0  }
0x9: {  	[smem:$0x3FA9] =	sst s1  }
0xa: {  	[smem:$0x3FAA] =	sst s2  }
0xb: {  	[smem:$0x3FAB] =	sst s3  }
0xc: {  	[smem:$0x3FAC] =	sst s4  }
0xd: {  	[smem:$0x3FAD] =	sst s5  }
0xe: {  	[smem:$0x3FAE] =	sst s6  }
0xf: {  	[smem:$0x3FAF] =	sst s7  }
0x10: {  	[smem:$0x3FB0] =	sst s8  }
0x11: {  	[smem:$0x3FB1] =	sst s9;
	s0 =	simm.s32 @!p0 $0x0  }
0x12: {  	s1 =	sld [smem:$0x3F97];
	s0 =	simm.s32 @p0 $0x1  }
0x13: {  	[smem:$0x3FB2] =	sst s0;
	s0 =	simm.s32 @!p1 $0x0  }
0x14: {  	s2 =	sld [smem:$0x3F96];
	s0 =	simm.s32 @p1 $0x1  }
0x15: {  	[smem:$0x3FB3] =	sst s0;
	s0 =	simm.s32 @!p2 $0x0  }
0x16: {  	s3 =	sld [smem:$0x3FDB];
	s0 =	simm.s32 @p2 $0x1  }
0x17: {  	s4 =	simm.s32 $0x1BF5;
	[smem:$0x3FB5] =	sst s0  }
0x18: {  	s0 =	sld [smem:$0x3F98];
	_ =	swait.ge [sflag:s4], $0x0  }
0x19: {  	s7 =	sld [smem:$0x3F99]  }
0x1a: {  	s8 =	sadd.s32 $0xFFFFE003, lr  }
0x1b: {  	s9 =	sadd.s32 $0xFFFFFEF7, lr;
	s5 =	simm.s32 $0xFFFFFFFF;
	p2 =	slt.u32 s8, $0xFFFFF086  }
0x1c: {  	p1 =	slt.u32 s9, $0xF7A;
	s5 =	simm.s32 @!p2 $0x0  }
0x1d: {  	s5 =	simm.s32 @p1 $0x1;
	p0 =	seq.s32 s7, s2  }
0x1e: {  	s7 =	smul.u32 @!p0 $0xF7A, s2;
	p2 =	seq.s32 @!p0 s5, $0x0  }
0x1f: {  	s9 =	smul.u32 $0xF7A, s1;
	s8 =	simm.s32 @!p0 $0x1BF5;
	p2 =	por !p2, p0  }
0x20: {  	[sflag:s8] =	ssyncset.s32 @!p0 $0xFFFFF086;
	s6 =	sadd.s32 @!p0 s3, s7;
	s7 =	simm.s32 @!p0 $0x108  }
0x21: {  	s3 =	sadd.s32 s3, s9;
	s6 =	sadd.s32 @!p0 $0x88, s6;
	s7 =	simm.s32 @p2 $0x1082  }
0x22: {  	[simem:s7], [sflag:s8] =	dma.local @!p0 [hbm:s6], $0xF7A  }
0x23: {  	s9 =	sor.u32 $0xD0000000, s2;
	s6 =	simm.s32 $0x108;
	_ =	swait.ge @!p0 [sflag:s8], $0x0  }
0x24: {  	s3 =	sadd.s32 $0x88, s3;
	s6 =	simm.s32 @!p1 $0x1082;
	[sflag:s4] =	ssyncset.s32 $0xFFFFF086  }
0x25: {  	[simem:s6], [sflag:s4] =	dma.local [hbm:s3], $0xF7A  }
0x26: {  	[smem:$0x3F99] =	sst s1;
	(tag) =	ssettag s2;
	_ =	strace s9  }
0x27: {  	s1 =	sld [smem:$0x3FA9]  }
0x28: {  	s2 =	sld [smem:$0x3FAA]  }
0x29: {  	s4 =	sld [smem:$0x3FAC]  }
0x2a: {  	p0 =	seq.s32 s5, $0x0;
	s5 =	sld [smem:$0x3FAD]  }
0x2b: {  	s6 =	sld [smem:$0x3FAE]  }
0x2c: {  	s7 =	sld [smem:$0x3FAF]  }
0x2d: {  	s3 =	simm.s32 $0x108;
	s8 =	sld [smem:$0x3FB0]  }
0x2e: {  	s3 =	simm.s32 @!p0 $0x1082;
	s9 =	sld [smem:$0x3FB1]  }
0x2f: {  	lr =	sadd.s32 s0, s3;
	s0 =	sld [smem:$0x3FA8]  }
0x30: {  	s3 =	sld [smem:$0x3FAB]  }
0x31: {  	[smem:$0x3FB4] =	sst s10  }
0x32: {  	s10 =	sld [smem:$0x3FB2];
	_ =	sdelay $0x3  }
0x33: {  	p0 =	seq.s32 s10, $0x1;
	s10 =	sld [smem:$0x3FB4];
	_ =	sdelay $0x3  }
0x34: {  	[smem:$0x3FB4] =	sst s10  }
0x35: {  	s10 =	sld [smem:$0x3FB3];
	_ =	sdelay $0x3  }
0x36: {  	p1 =	seq.s32 s10, $0x1;
	s10 =	sld [smem:$0x3FB4];
	_ =	sdelay $0x3  }
0x37: {  	[smem:$0x3FB4] =	sst s10  }
0x38: {  	s10 =	sld [smem:$0x3FB5]  }
0x39: {  	_ = 	snop;
	(pc) =	sbr.ind lr, $3  }
0x3a: {  	_ = 	snop  }
0x3b: {  	_ = 	snop  }
0x3c: {  	p2 =	seq.s32 s10, $0x1;
	s10 =	sld [smem:$0x3FB4]  }
0x3d: {  	_ =	shalt  }
0x3e: {  	_ =	shalt  }
0x3f: {  	_ =	shalt  }
0x40: {  	_ =	shalt  }
0x41: {  	_ =	shalt  }
0x42: {  	_ =	shalt  }
0x43: {  	_ =	shalt  }
0x44: {  	_ =	shalt  }
0x45: {  	_ =	shalt  }
0x46: {  	_ =	shalt  }
0x47: {  	_ =	shalt  }
0x48: {  	_ =	shalt  }
0x49: {  	_ =	shalt  }
0x4a: {  	_ =	shalt  }
0x4b: {  	_ =	shalt  }
0x4c: {  	_ =	shalt  }
0x4d: {  	_ =	shalt  }
0x4e: {  	_ =	shalt  }
0x4f: {  	_ =	shalt  }
0x50: {  	_ =	shalt  }
0x51: {  	_ =	shalt  }
0x52: {  	_ =	shalt  }
0x53: {  	_ =	shalt  }
0x54: {  	_ =	shalt  }
0x55: {  	_ =	shalt  }
0x56: {  	_ =	shalt  }
0x57: {  	_ =	shalt  }
0x58: {  	_ =	shalt  }
0x59: {  	_ =	shalt  }
0x5a: {  	_ =	shalt  }
0x5b: {  	_ =	shalt  }
0x5c: {  	_ =	shalt  }
0x5d: {  	_ =	shalt  }
0x5e: {  	_ =	shalt  }
0x5f: {  	_ =	shalt  }
0x60: {  	_ =	shalt  }
0x61: {  	_ =	shalt  }
0x62: {  	_ =	shalt  }
0x63: {  	_ =	shalt  }
0x64: {  	_ =	shalt  }
0x65: {  	_ =	shalt  }
0x66: {  	_ =	shalt  }
0x67: {  	_ =	shalt  }
0x68: {  	_ =	shalt  }
0x69: {  	_ =	shalt  }
0x6a: {  	_ =	shalt  }
0x6b: {  	_ =	shalt  }
0x6c: {  	_ =	shalt  }
0x6d: {  	_ =	shalt  }
0x6e: {  	_ =	shalt  }
0x6f: {  	_ =	shalt  }
0x70: {  	_ =	shalt  }
0x71: {  	_ =	shalt  }
0x72: {  	_ =	shalt  }
0x73: {  	_ =	shalt  }
0x74: {  	_ =	shalt  }
0x75: {  	_ =	shalt  }
0x76: {  	_ =	shalt  }
0x77: {  	_ =	shalt  }
0x78: {  	_ =	shalt  }
0x79: {  	_ =	shalt  }
0x7a: {  	_ =	shalt  }
0x7b: {  	_ =	shalt  }
0x7c: {  	_ =	shalt  }
0x7d: {  	_ =	shalt  }
0x7e: {  	_ =	shalt  }
0x7f: {  	_ =	shalt  }
0x80: {  	_ =	shalt  }
0x81: {  	_ =	shalt  }
0x82: {  	_ =	shalt  }
0x83: {  	_ =	shalt  }
0x84: {  	_ =	shalt  }
0x85: {  	_ =	shalt  }
0x86: {  	_ =	shalt  }
0x87: {  	_ =	shalt  }
.Lfunc_end0:
.L_simem_size_0:
called_computation.2_lowered:
.L_overlay_start_0:
0x88: {  	s2 =	sld [smem:$0x3FD9]  }
0x89: {  	s3 =	sld [smem:$0x3FFE];
	_ =	sdelay $0x1  }
0x8a: {  	s1 =	srdreg.scid  }
0x8b: {  	s0 =	sand.u32 $0x1, s1  }
0x8c: {  	s14 =	sshll.u32 s0, $0xA;
	s2 =	sadd.s32 s3, s2  }
0x8d: {  	s2 =	sadd.s32 s2, s14  }
0x8e: {  	[smem:$0x3FC0] =	sst s2  }
0x8f: {  	_ = 	snop  }
0x90: {  	s2 =	sld [smem:$0x3FD0];
	_ =	sdelay $0x2  }
0x91: {  	s15 =	simm.s32 $0xB;
	s4 =	simm.s32 $0x10  }
0x92: {  	[smem:s4], [sflag:s15] =	dma.local [hbm:s2], $0x1  }
0x93: {  	_ =	swait.eq [sflag:s15], $0x1  }
0x94: {  	[sflag:s15] =	ssyncset.done $0x0  }
0x95: {  	[sflag:s15] =	ssyncadd.s32 $0xFFFFFFFF  }
0x96: {  	s16 =	sld [smem:$0x10];
	(tm) =	ssettm $0x1  }
0x97: {  	s17 =	sld [smem:$0x3FFB];
	_ =	sdelay $0x3  }
0x98: {  	_ =	strace s17  }
0x99: {  	s3 =	sld [smem:$0x3FFC];
	_ =	sdelay $0x3  }
0x9a: {  	_ =	strace s3  }
0x9b: {  	s3 =	sld [smem:$0x3FFD];
	_ =	sdelay $0x3  }
0x9c: {  	_ =	strace s3  }
0x9d: {  	_ =	strace $0x8FFFFFFF  }
0x9e: {  	s18 =	sld [smem:$0x3FDB];
	_ =	sdelay $0x1  }
0x9f: {  	s19 =	simm.s32 $_scs_section_size  }
0xa0: {  	s5 =	simm.s32 $_size__tile_overlayer_lowered;
	s6 =	simm.s32 $_tile_overlayer_lowered  }
0xa1: {  	s22 =	simm.s32 $0x1BFF;
	s21 =	sshll.u32 s6, $0x1;
	s3 =	sadd.s32 s19, s18  }
0xa2: {  	s7 =	simm.s32 $0x0;
	s20 =	sshll.u32 s5, $0x1;
	s5 =	sadd.s32 s21, s3  }
0xa3: {  	[timem:s7], [sflag:s22] =	dma.local [hbm:s5], s20  }
0xa4: {  	_ =	swait.ge [sflag:s22], s20  }
0xa5: {  	s4 =	ssub.s32 $0x0, s20;
	[sflag:s22] =	ssyncset.done $0x0  }
0xa6: {  	[sflag:s22] =	ssyncadd.s32 s4;
	_ =	sdelay $0x1  }
0xa7: {  	s23 =	simm.s32 $0x1B8B  }
0xa8: {  	_ =	swait.ge [sflag:s23], $0x1  }
0xa9: {  	[sflag:s23] =	ssyncset.done $0x0  }
0xaa: {  	s25 =	simm.s32 $0x1B8E;
	s24 =	sld [smem:$0x3FFE];
	[sflag:s23] =	ssyncadd.s32 $0xFFFFFFFF  }
0xab: {  	s26 =	simm.s32 $execute0_lowered;
	[smem:$0x3FD2] =	sst s25  }
0xac: {  	s5 =	sshll.u32 s26, $0x1;
	_ =	strace $0x8000004C;
	[dreg:$0x1] =	wrdreg $0xFFFFFFFF  }
0xad: {  	s28 =	simm.s32 $_size_execute0_lowered;
	s3 =	sadd.s32 s3, s5;
	[dreg:$0x0] =	wrdreg $0x0  }
0xae: {  	s5 =	sshll.u32 s28, $0x1;
	[dreg:$0x2] =	wrdreg s3  }
0xaf: {  	[dreg:$0x3] =	wrdreg s5  }
0xb0: {  	[dreg:$0x4] =	wrdreg $0xC0  }
0xb1: {  	_ =	task [dreg:s7], $0x5FFFF  }
0xb2: {  	[dreg:$0x1] =	wrdreg $0xFFFFFFFF  }
0xb3: {  	[dreg:$0x0] =	wrdreg $0x60  }
0xb4: {  	[dreg:$0x2] =	wrdreg s24  }
0xb5: {  	[dreg:$0x3] =	wrdreg s16  }
0xb6: {  	[dreg:$0x4] =	wrdreg $0xBE000  }
0xb7: {  	[dreg:$0x5] =	wrdreg $0x9  }
0xb8: {  	_ =	task.clear_ibuf [dreg:s7], $0x6FFFF;
	_ =	strace $0x9000004C  }
0xb9: {  	s29 =	simm.s32 $0x9;
	_ =	strace $0x8000004E  }
0xba: {  	_ =	swait.ge [sflag:s29], $0x1  }
0xbb: {  	[sflag:s29] =	ssyncadd.s32 $0xFFFFFFFF  }
0xbc: {  	_ =	strace $0x9000004E  }
0xbd: {  	_ =	sfence  }
0xbe: {  	s30 =	sld [smem:$0x0];
	_ =	sdelay $0x2  }
0xbf: {  	s31 =	sshll.u32 s1, $0xD;
	s1 =	sshrl.u32 s1, $0x2  }
0xc0: {  	s3 =	sand.u32 $0x4000, s31;
	s1 =	sadd.s32 s1, s30  }
0xc1: {  	s0 =	sor.u32 s3, s0;
	s1 =	sshll.u32 s1, $0x11  }
0xc2: {  	s0 =	sor.u32 s1, s0  }
0xc3: {  	s0 =	sadd.s32 $0x8F2B, s0  }
0xc4: {  	[sflag:s0] =	ssyncadd.remote.s32 $0x1  }
0xc5: {  	_ =	sfence.sel $0xFFFF  }
0xc6: {  	[dreg:$0x0] =	wrdreg $0xFFFFFFFF;
	(pc) =	sbr.abs _section_cstart, $3  }
0xc7: {  	[dreg:$0x1] =	wrdreg $0xFFFFFFFF  }
0xc8: {  	_ =	task.clear_ibuf [dreg:s7], $0x2FFFF;
	_ =	strace $0x9FFFFFFF  }
0xc9: {  	(tm) =	ssettm $0x7FFFFFFF  }
tec
execute0_lowered:
.L_overlay_start_1:
0x0: {  	(tag) =	ssettag $0x1  }
0x1: {  	s0 =	rddreg [dreg:$0x0]  }
0x2: {  	s1 =	rddreg [dreg:$0x1];
	s16 =	stileid.u32  }
0x3: {  	s2 =	rddreg [dreg:$0x2];
	s7 =	smul.u32 $0x2800, s16  }
0x4: {  	s4 =	srdreg.scid;
	s9 =	smul.u32 $0x50000, s16  }
0x5: {  	s3 =	simm.s32 $0x0;
	s29 =	simm.s32 $0x3E00;
	s20 =	smul.u32 $0x780, s16  }
0x6: {  	s30 =	simm.s32 $0x8;
	s31 =	simm.s32 $0x3C00;
	s14 =	smul.u32 $0x28, s16  }
0x7: {  	s28 =	simm.s32 $0x2;
	s6 =	sand.u32 $0x1, s4;
	s12 =	smul.u32 $0x78, s16  }
0x8: {  	[smem:$0x7FF] =	sst s3;
	s4 =	sadd.s32 $0xD400, s0;
	s23 =	smul.u32 $0x1400, s16  }
0x9: {  	s5 =	sadd.s32 $0x2C00, s0;
	s10 =	sadd.s32 $0xCC00, s0;
	s8 =	smul.u32 $0x28000, s6  }
0xa: {  	_ =	strace $0x8000004D;
	[dreg:$0x4] =	wrdreg s10;
	s17 =	ssub.s32 $0x2, s6  }
0xb: {  	p0 =	seq.s32 s6, $0x1;
	s18 =	sshrl.u32 s17, $0x1;
	s9 =	sshrl.u32 s9, $0x2  }
0xc: {  	s22 =	sadd.s32 s1, s20;
	s10 =	sadd.s32 s5, s20;
	s15 =	sadd.s32 $0x780, s14  }
0xd: {  	s7 =	sadd.s32 s7, s8;
	s8 =	ssub.s32 s17, s18;
	[dreg:$0x8] =	wrdreg s22  }
0xe: {  	s24 =	sadd.s32 $0x20, s10;
	s25 =	sshll.u32 s15, $0x4;
	s17 =	sshrl.u32 s23, $0x3  }
0xf: {  	[dreg:$0x9] =	wrdreg s10;
	s13 =	sadd.s32 s7, s0;
	s7 =	sadd.s32 s9, s2  }
0x10: {  	[dreg:$0xa] =	wrdreg s24;
	s0 =	sadd.s32 $0x2C40, s0;
	s1 =	sadd.s32 s1, s25  }
0x11: {  	s26 =	sadd.s32 s5, s25;
	s23 =	smax.u32 s8, $0x1;
	[dreg:$0xb] =	wrdreg s1  }
0x12: {  	s9 =	sadd.s32 $0x4000, s7;
	s19 =	sadd.s32 $0x8000, s7;
	[dreg:$0xc] =	wrdreg s26  }
0x13: {  	s21 =	sadd.s32 $0xC000, s7;
	s11 =	sadd.s32 $0x10000, s7;
	[dreg:$0x5] =	wrdreg s9  }
0x14: {  	s1 =	sadd.s32 s5, s17;
	s18 =	sadd.s32 s20, s0;
	[dreg:$0x6] =	wrdreg s19  }
0x15: {  	s0 =	sadd.s32 s25, s0;
	s22 =	sadd.s32 $0x34600, s13;
	[dreg:$0x7] =	wrdreg s21  }
0x16: {  	s25 =	sadd.s32 $0x60, s10;
	s26 =	sadd.s32 $0x80, s10;
	[dreg:$0xd] =	wrdreg s18  }
0x17: {  	s13 =	simm.s32 $0x1;
	s17 =	simm.s32 $0x3C80;
	[dreg:$0xe] =	wrdreg s0  }
0x18: {  	s19 =	smul.u32 $0x280, s16;
	s20 =	sadd.s32 $0x7820, s1;
	[dreg:$0x12] =	wrdreg s25  }
0x19: {  	s21 =	sadd.s32 $0x7860, s1;
	[dreg:$0x13] =	wrdreg s26;
	s16 =	simm.s32 $0x80  }
.Ltmp0:
0x1a: {  	s18 =	simm.s32 $0x7E00;
	s26 =	simm.s32 $0x6;
	(pc) =	sbr.rel .LBB2_1-.Ltmp0, $4  }
0x1b: {  	s25 =	simm.s32 $0x3;
	s1 =	simm.s32 $0x0;
	[dreg:$0xf] =	wrdreg s20  }
0x1c: {  	[dreg:$0x10] =	wrdreg s21;
	s20 =	simm.s32 $0x5;
	s24 =	sadd.s32 s19, s5  }
0x1d: {  	s21 =	simm.s32 $0x7;
	s19 =	simm.s32 $0x4;
	s0 =	sadd.s32 $0x7880, s24  }
0x1e: {  	s24 =	simm.s32 $0x3D80;
	[dreg:$0x11] =	wrdreg s0;
	s0 =	simm.s32 $0x3D00  }
.LBB2_8:
0x1f: {  	_ =	swait.ge [sflag:s26], $0x4000  }
0x20: {  	[sflag:s26] =	ssyncset.done $0x0  }
0x21: {  	[sflag:s26] =	ssyncadd.s32 $0xFFFFC000  }
0x22: {  	s6 =	stileid.u32;
	_ =	swait.ge [sflag:s21], $0x4000  }
0x23: {  	s8 =	sshrl.u32 s7, $0x3;
	s1 =	sadd.s32 $0x1, s1;
	[sflag:s21] =	ssyncset.done $0x0  }
0x24: {  	s6 =	sshll.u32 s6, $0x6;
	p1 =	sne.s32 s1, s23;
	[sflag:s21] =	ssyncadd.s32 $0xFFFFC000  }
.Ltmp1:
0x25: {  	s6 =	sor.u32 $0x1C08, s6;
	[bflag:$0x0] =	sbarrier.arrive $0xFFFF;
	(pc) =	sbr.rel @!p1 .LBB2_9-.Ltmp1, $4  }
0x26: {  	[hbm:s22], [sflag:s6] =	dma.local [spmem:s8], $0x2800  }
0x27: {  	_ =	swait.ge [sflag:s30], $0x2800  }
0x28: {  	[sflag:s30] =	ssyncset.done $0x0  }
0x29: {  	[sflag:s30] =	ssyncadd.s32 $0xFFFFD800  }
.LBB2_1:
0x2a: {  	s6 =	rddreg [dreg:$0x4]  }
0x2b: {  	[tilespmem:s29], [sflag:$0x8] =	stream.linear.gather [hbm4b:s6+s3], $0x4000, $0x38;
	[tilespmem:$0x1FE00] =	vst v63  }
0x2c: {  	_ =	swait.ge [sflag:s30], $0x4000  }
0x2d: {  	[sflag:s30] =	ssyncset.done $0x0  }
0x2e: {  	[sflag:s30] =	ssyncadd.s32 $0xFFFFC000  }
0x2f: {  	[spmem:s7] =	stream.linear.scatter [tilespmem:s29], [sflag:$0x8], $0x4000, $0x38;
	[tilespmem:$0x1FE00] =	vst v63  }
0x30: {  	_ =	swait.ge [sflag:s30], $0x4000  }
0x31: {  	[sflag:s30] =	ssyncset.done $0x0  }
0x32: {  	s9 =	rddreg [dreg:$0x5];
	[sflag:s30] =	ssyncadd.s32 $0xFFFFC000  }
0x33: {  	[spmem:s9] =	stream.linear.scatter [tilespmem:s29], [sflag:$0x8], $0x4000, $0x38;
	[tilespmem:$0x1FE00] =	vst v63  }
0x34: {  	_ =	swait.ge [sflag:s30], $0x4000  }
0x35: {  	[sflag:s30] =	ssyncset.done $0x0  }
0x36: {  	s10 =	rddreg [dreg:$0x6];
	[sflag:s30] =	ssyncadd.s32 $0xFFFFC000  }
0x37: {  	[spmem:s10] =	stream.linear.scatter [tilespmem:s29], [sflag:$0x8], $0x4000, $0x38;
	[tilespmem:$0x1FE00] =	vst v63  }
0x38: {  	_ =	swait.ge [sflag:s30], $0x4000  }
0x39: {  	[sflag:s30] =	ssyncset.done $0x0  }
0x3a: {  	s14 =	rddreg [dreg:$0x7];
	[sflag:s30] =	ssyncadd.s32 $0xFFFFC000  }
0x3b: {  	[spmem:s14] =	stream.linear.scatter [tilespmem:s29], [sflag:$0x8], $0x4000, $0x38;
	[tilespmem:$0x1FE00] =	vst v63  }
0x3c: {  	_ =	swait.ge [sflag:s30], $0x4000  }
0x3d: {  	[sflag:s30] =	ssyncset.done $0x0  }
0x3e: {  	[sflag:s30] =	ssyncadd.s32 $0xFFFFC000  }
0x3f: {  	[spmem:s11] =	stream.linear.scatter [tilespmem:s29], [sflag:$0x8], $0x4000, $0x38;
	[tilespmem:$0x1FE00] =	vst v63  }
.Ltmp2:
0x40: {  	_ =	swait.ge [sflag:s30], $0x4000;
	(pc) =	sbr.rel @!p0 .LBB2_2-.Ltmp2, $3  }
0x41: {  	[sflag:s30] =	ssyncset.done $0x0  }
0x42: {  	[sflag:s30] =	ssyncadd.s32 $0xFFFFC000  }
0x43: {  	[bflag:$0x0] =	sbarrier.arrive $0xFFFF;
	_ =	sdelay $0x1  }
0x44: {  	s6 =	rddreg [dreg:$0xb]  }
0x45: {  	[tilespmem:s3], [sflag:$0x1] =	stream.linear.gather [hbm4b:s6+s3], $0x1400, $0x38;
	[tilespmem:$0x1FE00] =	vst v63  }
0x46: {  	s9 =	rddreg [dreg:$0xc]  }
0x47: {  	[tilespmem:s31], [sflag:$0x8] =	stream.linear.gather [hbm4b:s9+s3], $0x100, $0x38;
	[tilespmem:$0x1FE00] =	vst v63  }
0x48: {  	_ =	swait.ge [sflag:s30], $0x100  }
0x49: {  	[sflag:s30] =	ssyncset.done $0x0  }
0x4a: {  	s10 =	rddreg [dreg:$0xf];
	[sflag:s30] =	ssyncadd.s32 $0xFFFFFF00  }
0x4b: {  	[tilespmem:s0], [sflag:$0x8] =	stream.linear.gather [hbm4b:s10+s3], $0x100, $0x38;
	[tilespmem:$0x1FE00] =	vst v63  }
0x4c: {  	_ =	swait.ge [sflag:s30], $0x100  }
0x4d: {  	[sflag:s30] =	ssyncset.done $0x0  }
0x4e: {  	[sflag:s30] =	ssyncadd.s32 $0xFFFFFF00  }
0x4f: {  	_ =	swait.ge [sflag:s13], $0x1400  }
0x50: {  	[sflag:s13] =	ssyncset.done $0x0  }
0x51: {  	[sflag:s13] =	ssyncadd.s32 $0xFFFFEC00  }
0x52: {  	[tilespmem:s29], [sflag:$0x4] =	stream.indirect.gather [hbm4b:s4+s16], $0x80, s31, s16, $0xb8;
	[tilespmem:$0x1FE00] =	vst v63  }
0x53: {  	_ = 	snop  }
0x54: {  	[tilespmem:s18], [sflag:$0x5] =	stream.indirect.gather [hbm4b:s4+s16], $0x80, s17, s16, $0xb8;
	[tilespmem:$0x1FE00] =	vst v63  }
0x55: {  	_ =	swait.ge [sflag:s19], $0x4000  }
0x56: {  	[sflag:s19] =	ssyncset.done $0x0  }
0x57: {  	[sflag:s19] =	ssyncadd.s32 $0xFFFFC000  }
0x58: {  	[spmem:s2] =	stream.indirect.scatter.add.f32 [tilespmem:s29], [sflag:$0x6], $0x80, s3, s16, $0xb8;
	[tilespmem:$0x1FE00] =	vst v63  }
0x59: {  	_ =	swait.ge [sflag:s20], $0x4000  }
0x5a: {  	[sflag:s20] =	ssyncset.done $0x0  }
0x5b: {  	[sflag:s20] =	ssyncadd.s32 $0xFFFFC000  }
0x5c: {  	[spmem:s2] =	stream.indirect.scatter.add.f32 [tilespmem:s18], [sflag:$0x7], $0x80, s16, s16, $0xb8;
	[tilespmem:$0x1FE00] =	vst v63  }
0x5d: {  	s14 =	rddreg [dreg:$0xe]  }
0x5e: {  	[tilespmem:s31], [sflag:$0x2] =	stream.linear.gather [hbm4b:s14+s3], $0x100, $0x38;
	[tilespmem:$0x1FE00] =	vst v63  }
0x5f: {  	s14 =	simm.s32 $0x6  }
0x60: {  	_ =	swait.ge [sflag:s14], $0x4000  }
0x61: {  	[sflag:s14] =	ssyncset.done $0x0  }
0x62: {  	[sflag:s14] =	ssyncadd.s32 $0xFFFFC000  }
0x63: {  	[tilespmem:s29], [sflag:$0x4] =	stream.indirect.gather [hbm4b:s4+s16], $0x80, s0, s16, $0xb8;
	[tilespmem:$0x1FE00] =	vst v63  }
0x64: {  	_ =	swait.ge [sflag:s21], $0x4000  }
0x65: {  	[sflag:s21] =	ssyncset.done $0x0  }
0x66: {  	[sflag:s21] =	ssyncadd.s32 $0xFFFFC000  }
0x67: {  	[tilespmem:s18], [sflag:$0x5] =	stream.indirect.gather [hbm4b:s4+s16], $0x80, s24, s16, $0xb8;
	[tilespmem:$0x1FE00] =	vst v63  }
0x68: {  	_ =	swait.ge [sflag:s19], $0x4000  }
0x69: {  	[sflag:s19] =	ssyncset.done $0x0  }
0x6a: {  	s8 =	simm.s32 $0x100;
	[sflag:s19] =	ssyncadd.s32 $0xFFFFC000  }
0x6b: {  	[spmem:s2] =	stream.indirect.scatter.add.f32 [tilespmem:s29], [sflag:$0x6], $0x80, s8, s16, $0xb8;
	[tilespmem:$0x1FE00] =	vst v63  }
0x6c: {  	_ =	swait.ge [sflag:s20], $0x4000  }
0x6d: {  	[sflag:s20] =	ssyncset.done $0x0  }
0x6e: {  	s9 =	simm.s32 $0x180;
	s10 =	rddreg [dreg:$0x10];
	[sflag:s20] =	ssyncadd.s32 $0xFFFFC000  }
0x6f: {  	[spmem:s2] =	stream.indirect.scatter.add.f32 [tilespmem:s18], [sflag:$0x7], $0x80, s9, s16, $0xb8;
	[tilespmem:$0x1FE00] =	vst v63  }
0x70: {  	s6 =	simm.s32 $0x380;
	s8 =	rddreg [dreg:$0x11]  }
0x71: {  	[tilespmem:s0], [sflag:$0x3] =	stream.linear.gather [hbm4b:s10+s3], $0x100, $0x38;
	[tilespmem:$0x1FE00] =	vst v63  }
.LBB2_6:
0x72: {  	_ =	swait.ge [sflag:s28], $0x100  }
0x73: {  	[sflag:s28] =	ssyncset.done $0x0  }
0x74: {  	[sflag:s28] =	ssyncadd.s32 $0xFFFFFF00  }
0x75: {  	_ =	swait.ge [sflag:s26], $0x4000  }
0x76: {  	[sflag:s26] =	ssyncset.done $0x0  }
0x77: {  	[sflag:s26] =	ssyncadd.s32 $0xFFFFC000  }
0x78: {  	[tilespmem:s29], [sflag:$0x4] =	stream.indirect.gather [hbm4b:s4+s16], $0x80, s31, s16, $0xb8;
	[tilespmem:$0x1FE00] =	vst v63  }
0x79: {  	_ =	swait.ge [sflag:s21], $0x4000  }
0x7a: {  	[sflag:s21] =	ssyncset.done $0x0  }
0x7b: {  	[sflag:s21] =	ssyncadd.s32 $0xFFFFC000  }
0x7c: {  	[tilespmem:s18], [sflag:$0x5] =	stream.indirect.gather [hbm4b:s4+s16], $0x80, s17, s16, $0xb8;
	[tilespmem:$0x1FE00] =	vst v63  }
0x7d: {  	_ =	swait.ge [sflag:s19], $0x4000  }
0x7e: {  	[sflag:s19] =	ssyncset.done $0x0  }
0x7f: {  	s9 =	sadd.s32 $0xFFFFFE80, s6;
	[sflag:s19] =	ssyncadd.s32 $0xFFFFC000  }
0x80: {  	[spmem:s2] =	stream.indirect.scatter.add.f32 [tilespmem:s29], [sflag:$0x6], $0x80, s9, s16, $0xb8;
	[tilespmem:$0x1FE00] =	vst v63  }
0x81: {  	_ =	swait.ge [sflag:s20], $0x4000  }
0x82: {  	[sflag:s20] =	ssyncset.done $0x0  }
0x83: {  	s10 =	sadd.s32 $0xFFFFFF00, s6;
	p1 =	seq.s32 s14, $0x26;
	[sflag:s20] =	ssyncadd.s32 $0xFFFFC000  }
0x84: {  	[spmem:s2] =	stream.indirect.scatter.add.f32 [tilespmem:s18], [sflag:$0x7], $0x80, s10, s16, $0xb8;
	[tilespmem:$0x1FE00] =	vst v63  }
0x85: {  	s9 =	simm.s32 @!p1 $0x0;
	s10 =	simm.s32 @!p1 $0x3C00  }
0x86: {  	[tilespmem:s10], [sflag:$0x2] =	stream.linear.gather @!p1 [hbm4b:s8+s9], $0x100, $0x38;
	[tilespmem:$0x1FE00] =	vst v63  }
0x87: {  	_ =	swait.ge [sflag:s25], $0x100  }
0x88: {  	[sflag:s25] =	ssyncset.done $0x0  }
0x89: {  	[sflag:s25] =	ssyncadd.s32 $0xFFFFFF00  }
0x8a: {  	_ =	swait.ge [sflag:s26], $0x4000  }
0x8b: {  	[sflag:s26] =	ssyncset.done $0x0  }
0x8c: {  	[sflag:s26] =	ssyncadd.s32 $0xFFFFC000  }
0x8d: {  	[tilespmem:s29], [sflag:$0x4] =	stream.indirect.gather [hbm4b:s4+s16], $0x80, s0, s16, $0xb8;
	[tilespmem:$0x1FE00] =	vst v63  }
0x8e: {  	_ =	swait.ge [sflag:s21], $0x4000  }
0x8f: {  	[sflag:s21] =	ssyncset.done $0x0  }
0x90: {  	s9 =	smov.u32 s14;
	[sflag:s21] =	ssyncadd.s32 $0xFFFFC000  }
0x91: {  	[tilespmem:s18], [sflag:$0x5] =	stream.indirect.gather [hbm4b:s4+s16], $0x80, s24, s16, $0xb8;
	[tilespmem:$0x1FE00] =	vst v63  }
0x92: {  	s9 =	simm.s32 @p1 $0x26;
	_ =	swait.ge [sflag:s19], $0x4000  }
0x93: {  	s10 =	sshll.u32 s9, $0x7;
	[sflag:s19] =	ssyncset.done $0x0  }
0x94: {  	s10 =	sand.u32 $0x3FFFFF80, s10;
	[sflag:s19] =	ssyncadd.s32 $0xFFFFC000  }
0x95: {  	[spmem:s2] =	stream.indirect.scatter.add.f32 [tilespmem:s29], [sflag:$0x6], $0x80, s10, s16, $0xb8;
	[tilespmem:$0x1FE00] =	vst v63  }
.Ltmp3:
0x96: {  	_ = 	snop;
	(pc) =	sbr.rel @p1 .LBB2_8-.Ltmp3, $4  }
0x97: {  	_ =	swait.ge [sflag:s20], $0x4000  }
0x98: {  	[sflag:s20] =	ssyncset.done $0x0  }
0x99: {  	[sflag:s20] =	ssyncadd.s32 $0xFFFFC000  }
0x9a: {  	[spmem:s2] =	stream.indirect.scatter.add.f32 [tilespmem:s18], [sflag:$0x7], $0x80, s6, s16, $0xb8;
	[tilespmem:$0x1FE00] =	vst v63  }
0x9b: {  	s9 =	sadd.s32 s15, s9  }
0x9c: {  	s9 =	sshll.u32 s9, $0x7  }
.Ltmp4:
0x9d: {  	s9 =	sand.u32 $0xFFFFFF00, s9;
	(pc) =	sbr.rel .LBB2_6-.Ltmp4, $4  }
0x9e: {  	s9 =	sadd.s32 $0x200, s9  }
0x9f: {  	s14 =	sadd.s32 $0x4, s14;
	s9 =	sshrl.u32 s9, $0x3  }
0xa0: {  	s6 =	sadd.s32 $0x200, s6;
	s8 =	sadd.s32 $0x40, s8;
	s9 =	sadd.s32 s5, s9  }
0xa1: {  	[tilespmem:s0], [sflag:$0x3] =	stream.linear.gather [hbm4b:s9+s3], $0x100, $0x38;
	[tilespmem:$0x1FE00] =	vst v63  }
.LBB2_2:
0xa2: {  	s6 =	rddreg [dreg:$0x8]  }
0xa3: {  	[tilespmem:s3], [sflag:$0x1] =	stream.linear.gather [hbm4b:s6+s3], $0x3C00, $0x38;
	[tilespmem:$0x1FE00] =	vst v63  }
0xa4: {  	s9 =	rddreg [dreg:$0x9]  }
0xa5: {  	[tilespmem:s31], [sflag:$0x8] =	stream.linear.gather [hbm4b:s9+s3], $0x100, $0x38;
	[tilespmem:$0x1FE00] =	vst v63  }
0xa6: {  	_ =	swait.ge [sflag:s30], $0x100  }
0xa7: {  	[sflag:s30] =	ssyncset.done $0x0  }
0xa8: {  	s10 =	rddreg [dreg:$0xa];
	[sflag:s30] =	ssyncadd.s32 $0xFFFFFF00  }
0xa9: {  	[tilespmem:s0], [sflag:$0x8] =	stream.linear.gather [hbm4b:s10+s3], $0x100, $0x38;
	[tilespmem:$0x1FE00] =	vst v63  }
0xaa: {  	_ =	swait.ge [sflag:s30], $0x100  }
0xab: {  	[sflag:s30] =	ssyncset.done $0x0  }
0xac: {  	[sflag:s30] =	ssyncadd.s32 $0xFFFFFF00  }
0xad: {  	_ =	swait.ge [sflag:s13], $0x3C00  }
0xae: {  	[sflag:s13] =	ssyncset.done $0x0  }
0xaf: {  	[sflag:s13] =	ssyncadd.s32 $0xFFFFC400  }
0xb0: {  	[tilespmem:s29], [sflag:$0x4] =	stream.indirect.gather [hbm4b:s4+s16], $0x80, s31, s16, $0xb8;
	[tilespmem:$0x1FE00] =	vst v63  }
0xb1: {  	_ = 	snop  }
0xb2: {  	[tilespmem:s18], [sflag:$0x5] =	stream.indirect.gather [hbm4b:s4+s16], $0x80, s17, s16, $0xb8;
	[tilespmem:$0x1FE00] =	vst v63  }
0xb3: {  	_ =	swait.ge [sflag:s19], $0x4000  }
0xb4: {  	[sflag:s19] =	ssyncset.done $0x0  }
0xb5: {  	[sflag:s19] =	ssyncadd.s32 $0xFFFFC000  }
0xb6: {  	[spmem:s2] =	stream.indirect.scatter.add.f32 [tilespmem:s29], [sflag:$0x6], $0x80, s3, s16, $0xb8;
	[tilespmem:$0x1FE00] =	vst v63  }
0xb7: {  	_ =	swait.ge [sflag:s20], $0x4000  }
0xb8: {  	[sflag:s20] =	ssyncset.done $0x0  }
0xb9: {  	[sflag:s20] =	ssyncadd.s32 $0xFFFFC000  }
0xba: {  	[spmem:s2] =	stream.indirect.scatter.add.f32 [tilespmem:s18], [sflag:$0x7], $0x80, s16, s16, $0xb8;
	[tilespmem:$0x1FE00] =	vst v63  }
0xbb: {  	s9 =	simm.s32 $0x6;
	s14 =	rddreg [dreg:$0xd]  }
0xbc: {  	[tilespmem:s31], [sflag:$0x2] =	stream.linear.gather [hbm4b:s14+s3], $0x100, $0x38;
	[tilespmem:$0x1FE00] =	vst v63  }
0xbd: {  	_ =	swait.ge [sflag:s9], $0x4000  }
0xbe: {  	[sflag:s9] =	ssyncset.done $0x0  }
0xbf: {  	[sflag:s9] =	ssyncadd.s32 $0xFFFFC000  }
0xc0: {  	[tilespmem:s29], [sflag:$0x4] =	stream.indirect.gather [hbm4b:s4+s16], $0x80, s0, s16, $0xb8;
	[tilespmem:$0x1FE00] =	vst v63  }
0xc1: {  	_ =	swait.ge [sflag:s21], $0x4000  }
0xc2: {  	[sflag:s21] =	ssyncset.done $0x0  }
0xc3: {  	[sflag:s21] =	ssyncadd.s32 $0xFFFFC000  }
0xc4: {  	[tilespmem:s18], [sflag:$0x5] =	stream.indirect.gather [hbm4b:s4+s16], $0x80, s24, s16, $0xb8;
	[tilespmem:$0x1FE00] =	vst v63  }
0xc5: {  	_ =	swait.ge [sflag:s19], $0x4000  }
0xc6: {  	[sflag:s19] =	ssyncset.done $0x0  }
0xc7: {  	s8 =	simm.s32 $0x100;
	[sflag:s19] =	ssyncadd.s32 $0xFFFFC000  }
0xc8: {  	[spmem:s2] =	stream.indirect.scatter.add.f32 [tilespmem:s29], [sflag:$0x6], $0x80, s8, s16, $0xb8;
	[tilespmem:$0x1FE00] =	vst v63  }
0xc9: {  	_ =	swait.ge [sflag:s20], $0x4000  }
0xca: {  	[sflag:s20] =	ssyncset.done $0x0  }
0xcb: {  	s10 =	simm.s32 $0x180;
	s14 =	rddreg [dreg:$0x12];
	[sflag:s20] =	ssyncadd.s32 $0xFFFFC000  }
0xcc: {  	[spmem:s2] =	stream.indirect.scatter.add.f32 [tilespmem:s18], [sflag:$0x7], $0x80, s10, s16, $0xb8;
	[tilespmem:$0x1FE00] =	vst v63  }
0xcd: {  	s6 =	simm.s32 $0x380;
	s8 =	rddreg [dreg:$0x13]  }
0xce: {  	[tilespmem:s0], [sflag:$0x3] =	stream.linear.gather [hbm4b:s14+s3], $0x100, $0x38;
	[tilespmem:$0x1FE00] =	vst v63  }
.LBB2_3:
0xcf: {  	_ =	swait.ge [sflag:s28], $0x100  }
0xd0: {  	[sflag:s28] =	ssyncset.done $0x0  }
0xd1: {  	[sflag:s28] =	ssyncadd.s32 $0xFFFFFF00  }
0xd2: {  	_ =	swait.ge [sflag:s26], $0x4000  }
0xd3: {  	[sflag:s26] =	ssyncset.done $0x0  }
0xd4: {  	[sflag:s26] =	ssyncadd.s32 $0xFFFFC000  }
0xd5: {  	[tilespmem:s29], [sflag:$0x4] =	stream.indirect.gather [hbm4b:s4+s16], $0x80, s31, s16, $0xb8;
	[tilespmem:$0x1FE00] =	vst v63  }
0xd6: {  	_ =	swait.ge [sflag:s21], $0x4000  }
0xd7: {  	[sflag:s21] =	ssyncset.done $0x0  }
0xd8: {  	[sflag:s21] =	ssyncadd.s32 $0xFFFFC000  }
0xd9: {  	[tilespmem:s18], [sflag:$0x5] =	stream.indirect.gather [hbm4b:s4+s16], $0x80, s17, s16, $0xb8;
	[tilespmem:$0x1FE00] =	vst v63  }
0xda: {  	_ =	swait.ge [sflag:s19], $0x4000  }
0xdb: {  	[sflag:s19] =	ssyncset.done $0x0  }
0xdc: {  	s14 =	sadd.s32 $0xFFFFFE80, s6;
	[sflag:s19] =	ssyncadd.s32 $0xFFFFC000  }
0xdd: {  	[spmem:s2] =	stream.indirect.scatter.add.f32 [tilespmem:s29], [sflag:$0x6], $0x80, s14, s16, $0xb8;
	[tilespmem:$0x1FE00] =	vst v63  }
0xde: {  	_ =	swait.ge [sflag:s20], $0x4000  }
0xdf: {  	[sflag:s20] =	ssyncset.done $0x0  }
0xe0: {  	s10 =	sadd.s32 $0xFFFFFF00, s6;
	p1 =	seq.s32 s9, $0x76;
	[sflag:s20] =	ssyncadd.s32 $0xFFFFC000  }
0xe1: {  	[spmem:s2] =	stream.indirect.scatter.add.f32 [tilespmem:s18], [sflag:$0x7], $0x80, s10, s16, $0xb8;
	[tilespmem:$0x1FE00] =	vst v63  }
0xe2: {  	s14 =	simm.s32 @!p1 $0x0;
	s10 =	simm.s32 @!p1 $0x3C00  }
0xe3: {  	[tilespmem:s10], [sflag:$0x2] =	stream.linear.gather @!p1 [hbm4b:s8+s14], $0x100, $0x38;
	[tilespmem:$0x1FE00] =	vst v63  }
0xe4: {  	_ =	swait.ge [sflag:s25], $0x100  }
0xe5: {  	[sflag:s25] =	ssyncset.done $0x0  }
0xe6: {  	[sflag:s25] =	ssyncadd.s32 $0xFFFFFF00  }
0xe7: {  	_ =	swait.ge [sflag:s26], $0x4000  }
0xe8: {  	[sflag:s26] =	ssyncset.done $0x0  }
0xe9: {  	[sflag:s26] =	ssyncadd.s32 $0xFFFFC000  }
0xea: {  	[tilespmem:s29], [sflag:$0x4] =	stream.indirect.gather [hbm4b:s4+s16], $0x80, s0, s16, $0xb8;
	[tilespmem:$0x1FE00] =	vst v63  }
0xeb: {  	_ =	swait.ge [sflag:s21], $0x4000  }
0xec: {  	[sflag:s21] =	ssyncset.done $0x0  }
0xed: {  	s14 =	smov.u32 s9;
	[sflag:s21] =	ssyncadd.s32 $0xFFFFC000  }
0xee: {  	[tilespmem:s18], [sflag:$0x5] =	stream.indirect.gather [hbm4b:s4+s16], $0x80, s24, s16, $0xb8;
	[tilespmem:$0x1FE00] =	vst v63  }
0xef: {  	s14 =	simm.s32 @p1 $0x76;
	_ =	swait.ge [sflag:s19], $0x4000  }
0xf0: {  	s10 =	sshll.u32 s14, $0x7;
	[sflag:s19] =	ssyncset.done $0x0  }
0xf1: {  	s10 =	sand.u32 $0x3FFFFF80, s10;
	[sflag:s19] =	ssyncadd.s32 $0xFFFFC000  }
0xf2: {  	[spmem:s2] =	stream.indirect.scatter.add.f32 [tilespmem:s29], [sflag:$0x6], $0x80, s10, s16, $0xb8;
	[tilespmem:$0x1FE00] =	vst v63  }
.Ltmp5:
0xf3: {  	_ = 	snop;
	(pc) =	sbr.rel @p1 .LBB2_8-.Ltmp5, $4  }
0xf4: {  	_ =	swait.ge [sflag:s20], $0x4000  }
0xf5: {  	[sflag:s20] =	ssyncset.done $0x0  }
0xf6: {  	[sflag:s20] =	ssyncadd.s32 $0xFFFFC000  }
0xf7: {  	[spmem:s2] =	stream.indirect.scatter.add.f32 [tilespmem:s18], [sflag:$0x7], $0x80, s6, s16, $0xb8;
	[tilespmem:$0x1FE00] =	vst v63  }
0xf8: {  	s10 =	sadd.s32 s12, s14  }
.Ltmp6:
0xf9: {  	s10 =	sshll.u32 s10, $0x4;
	(pc) =	sbr.rel .LBB2_3-.Ltmp6, $4  }
0xfa: {  	s10 =	sadd.s32 $0x40, s10  }
0xfb: {  	s9 =	sadd.s32 $0x4, s9;
	s10 =	sand.u32 $0xFFFFFE0, s10  }
0xfc: {  	s6 =	sadd.s32 $0x200, s6;
	s8 =	sadd.s32 $0x40, s8;
	s10 =	sadd.s32 s5, s10  }
0xfd: {  	[tilespmem:s0], [sflag:$0x3] =	stream.linear.gather [hbm4b:s10+s3], $0x100, $0x38;
	[tilespmem:$0x1FE00] =	vst v63  }
.LBB2_9:
0xfe: {  	_ =	sfence.sel $0x180000  }
0xff: {  	[bflag:$0x0] =	sbarrier.arrive $0xFFFF  }
0x100: {  	_ =	strace $0x9000004D  }
0x101: {  	s0 =	stileid.u32;
	[bflag:$0x2] =	sbarrier.arrive $0xFFFF  }
0x102: {  	p0 =	sne.s32 s0, $0x0;
	s0 =	rddreg [dreg:$0x3]  }
0x103: {  	s0 =	sadd.s32 @!p0 $0x100000, s0  }
0x104: {  	[sflag:s0] =	ssyncadd.tile.s32 @!p0 $0x1;
	_ =	shalt  }
.Lfunc_end2:
_tile_overlayer_lowered:
.L_overlay_start_2:
0x105: {  	(tag) =	ssettag $0x2  }
0x106: {  	s0 =	rddreg [dreg:$0x0];
	s2 =	stileid.u32  }
0x107: {  	s1 =	rddreg [dreg:$0x1];
	p0 =	sne.s32 s2, $0x0  }
0x108: {  	s3 =	rddreg [dreg:$0x2];
	[bflag:$0x3] =	sbarrier.arrive $0xFFFF;
	s2 =	simm.s32 @!p0 $0x1C08  }
0x109: {  	[timem:s3], [sflag:s2] =	dma.local @!p0 [hbm:s0], s1  }
0x10a: {  	s0 =	simm.s32 @!p0 $0x8  }
0x10b: {  	_ =	swait.ge @!p0 [sflag:s0], s1  }
0x10c: {  	s1 =	ssub.s32 @!p0 $0x0, s1;
	[sflag:s0] =	ssyncset.done @!p0 $0x0  }
0x10d: {  	[sflag:s0] =	ssyncadd.s32 @!p0 s1  }
0x10e: {  	[bflag:$0x3] =	sbarrier.arrive $0xFFFF  }
0x10f: {  	_ =	shalt  }

// kernel: kernel.19.cloned.1.call-start
scs
__scs_entry_jumppad:
0x0: {  	(pc) =	sbr.rel $0x88, $3  }
0x1: {  	(tag) =	ssettag $0x0;
	lr =	simm.s32 $0x1  }
0x2: {  	[smem:$0x3F99] =	sst lr;
	_ =	strace $0xD0000000  }
0x3: {  	_ = 	snop  }
0x4: {  	_ = 	snop  }
0x5: {  	_ = 	snop  }
0x6: {  	_ = 	snop  }
0x7: {  	_ = 	snop  }
__scs_overlays_trampoline_lowered:
0x8: {  	[smem:$0x3FA8] =	sst s0  }
0x9: {  	[smem:$0x3FA9] =	sst s1  }
0xa: {  	[smem:$0x3FAA] =	sst s2  }
0xb: {  	[smem:$0x3FAB] =	sst s3  }
0xc: {  	[smem:$0x3FAC] =	sst s4  }
0xd: {  	[smem:$0x3FAD] =	sst s5  }
0xe: {  	[smem:$0x3FAE] =	sst s6  }
0xf: {  	[smem:$0x3FAF] =	sst s7  }
0x10: {  	[smem:$0x3FB0] =	sst s8  }
0x11: {  	[smem:$0x3FB1] =	sst s9;
	s0 =	simm.s32 @!p0 $0x0  }
0x12: {  	s1 =	sld [smem:$0x3F97];
	s0 =	simm.s32 @p0 $0x1  }
0x13: {  	[smem:$0x3FB2] =	sst s0;
	s0 =	simm.s32 @!p1 $0x0  }
0x14: {  	s2 =	sld [smem:$0x3F96];
	s0 =	simm.s32 @p1 $0x1  }
0x15: {  	[smem:$0x3FB3] =	sst s0;
	s0 =	simm.s32 @!p2 $0x0  }
0x16: {  	s3 =	sld [smem:$0x3FDB];
	s0 =	simm.s32 @p2 $0x1  }
0x17: {  	s4 =	simm.s32 $0x1BF5;
	[smem:$0x3FB5] =	sst s0  }
0x18: {  	s0 =	sld [smem:$0x3F98];
	_ =	swait.ge [sflag:s4], $0x0  }
0x19: {  	s7 =	sld [smem:$0x3F99]  }
0x1a: {  	s8 =	sadd.s32 $0xFFFFE003, lr  }
0x1b: {  	s9 =	sadd.s32 $0xFFFFFEF7, lr;
	s5 =	simm.s32 $0xFFFFFFFF;
	p2 =	slt.u32 s8, $0xFFFFF086  }
0x1c: {  	p1 =	slt.u32 s9, $0xF7A;
	s5 =	simm.s32 @!p2 $0x0  }
0x1d: {  	s5 =	simm.s32 @p1 $0x1;
	p0 =	seq.s32 s7, s2  }
0x1e: {  	s7 =	smul.u32 @!p0 $0xF7A, s2;
	p2 =	seq.s32 @!p0 s5, $0x0  }
0x1f: {  	s9 =	smul.u32 $0xF7A, s1;
	s8 =	simm.s32 @!p0 $0x1BF5;
	p2 =	por !p2, p0  }
0x20: {  	[sflag:s8] =	ssyncset.s32 @!p0 $0xFFFFF086;
	s6 =	sadd.s32 @!p0 s3, s7;
	s7 =	simm.s32 @!p0 $0x108  }
0x21: {  	s3 =	sadd.s32 s3, s9;
	s6 =	sadd.s32 @!p0 $0x88, s6;
	s7 =	simm.s32 @p2 $0x1082  }
0x22: {  	[simem:s7], [sflag:s8] =	dma.local @!p0 [hbm:s6], $0xF7A  }
0x23: {  	s9 =	sor.u32 $0xD0000000, s2;
	s6 =	simm.s32 $0x108;
	_ =	swait.ge @!p0 [sflag:s8], $0x0  }
0x24: {  	s3 =	sadd.s32 $0x88, s3;
	s6 =	simm.s32 @!p1 $0x1082;
	[sflag:s4] =	ssyncset.s32 $0xFFFFF086  }
0x25: {  	[simem:s6], [sflag:s4] =	dma.local [hbm:s3], $0xF7A  }
0x26: {  	[smem:$0x3F99] =	sst s1;
	(tag) =	ssettag s2;
	_ =	strace s9  }
0x27: {  	s1 =	sld [smem:$0x3FA9]  }
0x28: {  	s2 =	sld [smem:$0x3FAA]  }
0x29: {  	s4 =	sld [smem:$0x3FAC]  }
0x2a: {  	p0 =	seq.s32 s5, $0x0;
	s5 =	sld [smem:$0x3FAD]  }
0x2b: {  	s6 =	sld [smem:$0x3FAE]  }
0x2c: {  	s7 =	sld [smem:$0x3FAF]  }
0x2d: {  	s3 =	simm.s32 $0x108;
	s8 =	sld [smem:$0x3FB0]  }
0x2e: {  	s3 =	simm.s32 @!p0 $0x1082;
	s9 =	sld [smem:$0x3FB1]  }
0x2f: {  	lr =	sadd.s32 s0, s3;
	s0 =	sld [smem:$0x3FA8]  }
0x30: {  	s3 =	sld [smem:$0x3FAB]  }
0x31: {  	[smem:$0x3FB4] =	sst s10  }
0x32: {  	s10 =	sld [smem:$0x3FB2];
	_ =	sdelay $0x3  }
0x33: {  	p0 =	seq.s32 s10, $0x1;
	s10 =	sld [smem:$0x3FB4];
	_ =	sdelay $0x3  }
0x34: {  	[smem:$0x3FB4] =	sst s10  }
0x35: {  	s10 =	sld [smem:$0x3FB3];
	_ =	sdelay $0x3  }
0x36: {  	p1 =	seq.s32 s10, $0x1;
	s10 =	sld [smem:$0x3FB4];
	_ =	sdelay $0x3  }
0x37: {  	[smem:$0x3FB4] =	sst s10  }
0x38: {  	s10 =	sld [smem:$0x3FB5]  }
0x39: {  	_ = 	snop;
	(pc) =	sbr.ind lr, $3  }
0x3a: {  	_ = 	snop  }
0x3b: {  	_ = 	snop  }
0x3c: {  	p2 =	seq.s32 s10, $0x1;
	s10 =	sld [smem:$0x3FB4]  }
0x3d: {  	_ =	shalt  }
0x3e: {  	_ =	shalt  }
0x3f: {  	_ =	shalt  }
0x40: {  	_ =	shalt  }
0x41: {  	_ =	shalt  }
0x42: {  	_ =	shalt  }
0x43: {  	_ =	shalt  }
0x44: {  	_ =	shalt  }
0x45: {  	_ =	shalt  }
0x46: {  	_ =	shalt  }
0x47: {  	_ =	shalt  }
0x48: {  	_ =	shalt  }
0x49: {  	_ =	shalt  }
0x4a: {  	_ =	shalt  }
0x4b: {  	_ =	shalt  }
0x4c: {  	_ =	shalt  }
0x4d: {  	_ =	shalt  }
0x4e: {  	_ =	shalt  }
0x4f: {  	_ =	shalt  }
0x50: {  	_ =	shalt  }
0x51: {  	_ =	shalt  }
0x52: {  	_ =	shalt  }
0x53: {  	_ =	shalt  }
0x54: {  	_ =	shalt  }
0x55: {  	_ =	shalt  }
0x56: {  	_ =	shalt  }
0x57: {  	_ =	shalt  }
0x58: {  	_ =	shalt  }
0x59: {  	_ =	shalt  }
0x5a: {  	_ =	shalt  }
0x5b: {  	_ =	shalt  }
0x5c: {  	_ =	shalt  }
0x5d: {  	_ =	shalt  }
0x5e: {  	_ =	shalt  }
0x5f: {  	_ =	shalt  }
0x60: {  	_ =	shalt  }
0x61: {  	_ =	shalt  }
0x62: {  	_ =	shalt  }
0x63: {  	_ =	shalt  }
0x64: {  	_ =	shalt  }
0x65: {  	_ =	shalt  }
0x66: {  	_ =	shalt  }
0x67: {  	_ =	shalt  }
0x68: {  	_ =	shalt  }
0x69: {  	_ =	shalt  }
0x6a: {  	_ =	shalt  }
0x6b: {  	_ =	shalt  }
0x6c: {  	_ =	shalt  }
0x6d: {  	_ =	shalt  }
0x6e: {  	_ =	shalt  }
0x6f: {  	_ =	shalt  }
0x70: {  	_ =	shalt  }
0x71: {  	_ =	shalt  }
0x72: {  	_ =	shalt  }
0x73: {  	_ =	shalt  }
0x74: {  	_ =	shalt  }
0x75: {  	_ =	shalt  }
0x76: {  	_ =	shalt  }
0x77: {  	_ =	shalt  }
0x78: {  	_ =	shalt  }
0x79: {  	_ =	shalt  }
0x7a: {  	_ =	shalt  }
0x7b: {  	_ =	shalt  }
0x7c: {  	_ =	shalt  }
0x7d: {  	_ =	shalt  }
0x7e: {  	_ =	shalt  }
0x7f: {  	_ =	shalt  }
0x80: {  	_ =	shalt  }
0x81: {  	_ =	shalt  }
0x82: {  	_ =	shalt  }
0x83: {  	_ =	shalt  }
0x84: {  	_ =	shalt  }
0x85: {  	_ =	shalt  }
0x86: {  	_ =	shalt  }
0x87: {  	_ =	shalt  }
.Lfunc_end0:
.L_simem_size_0:
called_computation.3_lowered:
.L_overlay_start_0:
0x88: {  	s2 =	sld [smem:$0x3FD9]  }
0x89: {  	s3 =	sld [smem:$0x3FFE];
	_ =	sdelay $0x1  }
0x8a: {  	s1 =	srdreg.scid  }
0x8b: {  	s0 =	sand.u32 $0x1, s1  }
0x8c: {  	s14 =	sshll.u32 s0, $0xA;
	s2 =	sadd.s32 s3, s2  }
0x8d: {  	s2 =	sadd.s32 s2, s14  }
0x8e: {  	[smem:$0x3FC0] =	sst s2  }
0x8f: {  	_ = 	snop  }
0x90: {  	s2 =	sld [smem:$0x3FD0];
	_ =	sdelay $0x2  }
0x91: {  	s15 =	simm.s32 $0xB;
	s4 =	simm.s32 $0x10  }
0x92: {  	[smem:s4], [sflag:s15] =	dma.local [hbm:s2], $0x1  }
0x93: {  	_ =	swait.eq [sflag:s15], $0x1  }
0x94: {  	[sflag:s15] =	ssyncset.done $0x0  }
0x95: {  	[sflag:s15] =	ssyncadd.s32 $0xFFFFFFFF  }
0x96: {  	s16 =	sld [smem:$0x10];
	(tm) =	ssettm $0x1  }
0x97: {  	s17 =	sld [smem:$0x3FFB];
	_ =	sdelay $0x3  }
0x98: {  	_ =	strace s17  }
0x99: {  	s3 =	sld [smem:$0x3FFC];
	_ =	sdelay $0x3  }
0x9a: {  	_ =	strace s3  }
0x9b: {  	s3 =	sld [smem:$0x3FFD];
	_ =	sdelay $0x3  }
0x9c: {  	_ =	strace s3  }
0x9d: {  	_ =	strace $0x8FFFFFFF  }
0x9e: {  	s18 =	sld [smem:$0x3FDB];
	_ =	sdelay $0x1  }
0x9f: {  	s19 =	simm.s32 $_scs_section_size  }
0xa0: {  	s5 =	simm.s32 $_size__tile_overlayer_lowered;
	s6 =	simm.s32 $_tile_overlayer_lowered  }
0xa1: {  	s22 =	simm.s32 $0x1BFF;
	s21 =	sshll.u32 s6, $0x1;
	s3 =	sadd.s32 s19, s18  }
0xa2: {  	s7 =	simm.s32 $0x0;
	s20 =	sshll.u32 s5, $0x1;
	s5 =	sadd.s32 s21, s3  }
0xa3: {  	[timem:s7], [sflag:s22] =	dma.local [hbm:s5], s20  }
0xa4: {  	_ =	swait.ge [sflag:s22], s20  }
0xa5: {  	s4 =	ssub.s32 $0x0, s20;
	[sflag:s22] =	ssyncset.done $0x0  }
0xa6: {  	[sflag:s22] =	ssyncadd.s32 s4;
	_ =	sdelay $0x1  }
0xa7: {  	s23 =	simm.s32 $0x1B8B  }
0xa8: {  	_ =	swait.ge [sflag:s23], $0x1  }
0xa9: {  	[sflag:s23] =	ssyncset.done $0x0  }
0xaa: {  	s25 =	simm.s32 $0x1B8E;
	s24 =	sld [smem:$0x3FFE];
	[sflag:s23] =	ssyncadd.s32 $0xFFFFFFFF  }
0xab: {  	s26 =	simm.s32 $execute0_lowered;
	[smem:$0x3FD2] =	sst s25  }
0xac: {  	s5 =	sshll.u32 s26, $0x1;
	_ =	strace $0x8000004F;
	[dreg:$0x1] =	wrdreg $0xFFFFFFFF  }
0xad: {  	s28 =	simm.s32 $_size_execute0_lowered;
	s3 =	sadd.s32 s3, s5;
	[dreg:$0x0] =	wrdreg $0x0  }
0xae: {  	s5 =	sshll.u32 s28, $0x1;
	[dreg:$0x2] =	wrdreg s3  }
0xaf: {  	[dreg:$0x3] =	wrdreg s5  }
0xb0: {  	[dreg:$0x4] =	wrdreg $0xC0  }
0xb1: {  	_ =	task [dreg:s7], $0x5FFFF  }
0xb2: {  	[dreg:$0x1] =	wrdreg $0xFFFFFFFF  }
0xb3: {  	[dreg:$0x0] =	wrdreg $0x60  }
0xb4: {  	[dreg:$0x2] =	wrdreg s24  }
0xb5: {  	[dreg:$0x3] =	wrdreg s16  }
0xb6: {  	[dreg:$0x4] =	wrdreg $0xBE000  }
0xb7: {  	[dreg:$0x5] =	wrdreg $0x9  }
0xb8: {  	_ =	task.clear_ibuf [dreg:s7], $0x6FFFF;
	_ =	strace $0x9000004F  }
0xb9: {  	s29 =	simm.s32 $0x9;
	_ =	strace $0x80000051  }
0xba: {  	_ =	swait.ge [sflag:s29], $0x1  }
0xbb: {  	[sflag:s29] =	ssyncadd.s32 $0xFFFFFFFF  }
0xbc: {  	_ =	strace $0x90000051  }
0xbd: {  	_ =	sfence  }
0xbe: {  	s30 =	sld [smem:$0x0];
	_ =	sdelay $0x2  }
0xbf: {  	s31 =	sshll.u32 s1, $0xD;
	s1 =	sshrl.u32 s1, $0x2  }
0xc0: {  	s3 =	sand.u32 $0x4000, s31;
	s1 =	sadd.s32 s1, s30  }
0xc1: {  	s0 =	sor.u32 s3, s0;
	s1 =	sshll.u32 s1, $0x11  }
0xc2: {  	s0 =	sor.u32 s1, s0  }
0xc3: {  	s0 =	sadd.s32 $0x8F2B, s0  }
0xc4: {  	[sflag:s0] =	ssyncadd.remote.s32 $0x1  }
0xc5: {  	_ =	sfence.sel $0xFFFF  }
0xc6: {  	[dreg:$0x0] =	wrdreg $0xFFFFFFFF;
	(pc) =	sbr.abs _section_cstart, $3  }
0xc7: {  	[dreg:$0x1] =	wrdreg $0xFFFFFFFF  }
0xc8: {  	_ =	task.clear_ibuf [dreg:s7], $0x2FFFF;
	_ =	strace $0x9FFFFFFF  }
0xc9: {  	(tm) =	ssettm $0x7FFFFFFF  }
tec
execute0_lowered:
.L_overlay_start_1:
0x0: {  	(tag) =	ssettag $0x1  }
0x1: {  	s0 =	rddreg [dreg:$0x0]  }
0x2: {  	s1 =	rddreg [dreg:$0x1];
	s16 =	stileid.u32  }
0x3: {  	s2 =	rddreg [dreg:$0x2];
	s7 =	smul.u32 $0x2800, s16  }
0x4: {  	s4 =	srdreg.scid;
	s9 =	smul.u32 $0x50000, s16  }
0x5: {  	s3 =	simm.s32 $0x0;
	s29 =	simm.s32 $0x3E00;
	s20 =	smul.u32 $0x780, s16  }
0x6: {  	s30 =	simm.s32 $0x8;
	s31 =	simm.s32 $0x3C00;
	s14 =	smul.u32 $0x28, s16  }
0x7: {  	s28 =	simm.s32 $0x2;
	s6 =	sand.u32 $0x1, s4;
	s12 =	smul.u32 $0x78, s16  }
0x8: {  	[smem:$0x7FF] =	sst s3;
	s4 =	sadd.s32 $0xD400, s0;
	s23 =	smul.u32 $0x1400, s16  }
0x9: {  	s5 =	sadd.s32 $0x2C00, s0;
	s10 =	sadd.s32 $0xCC00, s0;
	s8 =	smul.u32 $0x28000, s6  }
0xa: {  	_ =	strace $0x80000050;
	[dreg:$0x4] =	wrdreg s10;
	s17 =	ssub.s32 $0x2, s6  }
0xb: {  	p0 =	seq.s32 s6, $0x1;
	s18 =	sshrl.u32 s17, $0x1;
	s9 =	sshrl.u32 s9, $0x2  }
0xc: {  	s22 =	sadd.s32 s1, s20;
	s10 =	sadd.s32 s5, s20;
	s15 =	sadd.s32 $0x780, s14  }
0xd: {  	s7 =	sadd.s32 s7, s8;
	s8 =	ssub.s32 s17, s18;
	[dreg:$0x8] =	wrdreg s22  }
0xe: {  	s24 =	sadd.s32 $0x20, s10;
	s25 =	sshll.u32 s15, $0x4;
	s17 =	sshrl.u32 s23, $0x3  }
0xf: {  	[dreg:$0x9] =	wrdreg s10;
	s13 =	sadd.s32 s7, s0;
	s7 =	sadd.s32 s9, s2  }
0x10: {  	[dreg:$0xa] =	wrdreg s24;
	s0 =	sadd.s32 $0x2C40, s0;
	s1 =	sadd.s32 s1, s25  }
0x11: {  	s26 =	sadd.s32 s5, s25;
	s23 =	smax.u32 s8, $0x1;
	[dreg:$0xb] =	wrdreg s1  }
0x12: {  	s9 =	sadd.s32 $0x4000, s7;
	s19 =	sadd.s32 $0x8000, s7;
	[dreg:$0xc] =	wrdreg s26  }
0x13: {  	s21 =	sadd.s32 $0xC000, s7;
	s11 =	sadd.s32 $0x10000, s7;
	[dreg:$0x5] =	wrdreg s9  }
0x14: {  	s1 =	sadd.s32 s5, s17;
	s18 =	sadd.s32 s20, s0;
	[dreg:$0x6] =	wrdreg s19  }
0x15: {  	s0 =	sadd.s32 s25, s0;
	s22 =	sadd.s32 $0x34600, s13;
	[dreg:$0x7] =	wrdreg s21  }
0x16: {  	s25 =	sadd.s32 $0x60, s10;
	s26 =	sadd.s32 $0x80, s10;
	[dreg:$0xd] =	wrdreg s18  }
0x17: {  	s13 =	simm.s32 $0x1;
	s17 =	simm.s32 $0x3C80;
	[dreg:$0xe] =	wrdreg s0  }
0x18: {  	s19 =	smul.u32 $0x280, s16;
	s20 =	sadd.s32 $0x7820, s1;
	[dreg:$0x12] =	wrdreg s25  }
0x19: {  	s21 =	sadd.s32 $0x7860, s1;
	[dreg:$0x13] =	wrdreg s26;
	s16 =	simm.s32 $0x80  }
.Ltmp0:
0x1a: {  	s18 =	simm.s32 $0x7E00;
	s26 =	simm.s32 $0x6;
	(pc) =	sbr.rel .LBB2_1-.Ltmp0, $4  }
0x1b: {  	s25 =	simm.s32 $0x3;
	s1 =	simm.s32 $0x0;
	[dreg:$0xf] =	wrdreg s20  }
0x1c: {  	[dreg:$0x10] =	wrdreg s21;
	s20 =	simm.s32 $0x5;
	s24 =	sadd.s32 s19, s5  }
0x1d: {  	s21 =	simm.s32 $0x7;
	s19 =	simm.s32 $0x4;
	s0 =	sadd.s32 $0x7880, s24  }
0x1e: {  	s24 =	simm.s32 $0x3D80;
	[dreg:$0x11] =	wrdreg s0;
	s0 =	simm.s32 $0x3D00  }
.LBB2_8:
0x1f: {  	_ =	swait.ge [sflag:s26], $0x4000  }
0x20: {  	[sflag:s26] =	ssyncset.done $0x0  }
0x21: {  	[sflag:s26] =	ssyncadd.s32 $0xFFFFC000  }
0x22: {  	s6 =	stileid.u32;
	_ =	swait.ge [sflag:s21], $0x4000  }
0x23: {  	s8 =	sshrl.u32 s7, $0x3;
	s1 =	sadd.s32 $0x1, s1;
	[sflag:s21] =	ssyncset.done $0x0  }
0x24: {  	s6 =	sshll.u32 s6, $0x6;
	p1 =	sne.s32 s1, s23;
	[sflag:s21] =	ssyncadd.s32 $0xFFFFC000  }
.Ltmp1:
0x25: {  	s6 =	sor.u32 $0x1C08, s6;
	[bflag:$0x0] =	sbarrier.arrive $0xFFFF;
	(pc) =	sbr.rel @!p1 .LBB2_9-.Ltmp1, $4  }
0x26: {  	[hbm:s22], [sflag:s6] =	dma.local [spmem:s8], $0x2800  }
0x27: {  	_ =	swait.ge [sflag:s30], $0x2800  }
0x28: {  	[sflag:s30] =	ssyncset.done $0x0  }
0x29: {  	[sflag:s30] =	ssyncadd.s32 $0xFFFFD800  }
.LBB2_1:
0x2a: {  	s6 =	rddreg [dreg:$0x4]  }
0x2b: {  	[tilespmem:s29], [sflag:$0x8] =	stream.linear.gather [hbm4b:s6+s3], $0x4000, $0x38;
	[tilespmem:$0x1FE00] =	vst v63  }
0x2c: {  	_ =	swait.ge [sflag:s30], $0x4000  }
0x2d: {  	[sflag:s30] =	ssyncset.done $0x0  }
0x2e: {  	[sflag:s30] =	ssyncadd.s32 $0xFFFFC000  }
0x2f: {  	[spmem:s7] =	stream.linear.scatter [tilespmem:s29], [sflag:$0x8], $0x4000, $0x38;
	[tilespmem:$0x1FE00] =	vst v63  }
0x30: {  	_ =	swait.ge [sflag:s30], $0x4000  }
0x31: {  	[sflag:s30] =	ssyncset.done $0x0  }
0x32: {  	s9 =	rddreg [dreg:$0x5];
	[sflag:s30] =	ssyncadd.s32 $0xFFFFC000  }
0x33: {  	[spmem:s9] =	stream.linear.scatter [tilespmem:s29], [sflag:$0x8], $0x4000, $0x38;
	[tilespmem:$0x1FE00] =	vst v63  }
0x34: {  	_ =	swait.ge [sflag:s30], $0x4000  }
0x35: {  	[sflag:s30] =	ssyncset.done $0x0  }
0x36: {  	s10 =	rddreg [dreg:$0x6];
	[sflag:s30] =	ssyncadd.s32 $0xFFFFC000  }
0x37: {  	[spmem:s10] =	stream.linear.scatter [tilespmem:s29], [sflag:$0x8], $0x4000, $0x38;
	[tilespmem:$0x1FE00] =	vst v63  }
0x38: {  	_ =	swait.ge [sflag:s30], $0x4000  }
0x39: {  	[sflag:s30] =	ssyncset.done $0x0  }
0x3a: {  	s14 =	rddreg [dreg:$0x7];
	[sflag:s30] =	ssyncadd.s32 $0xFFFFC000  }
0x3b: {  	[spmem:s14] =	stream.linear.scatter [tilespmem:s29], [sflag:$0x8], $0x4000, $0x38;
	[tilespmem:$0x1FE00] =	vst v63  }
0x3c: {  	_ =	swait.ge [sflag:s30], $0x4000  }
0x3d: {  	[sflag:s30] =	ssyncset.done $0x0  }
0x3e: {  	[sflag:s30] =	ssyncadd.s32 $0xFFFFC000  }
0x3f: {  	[spmem:s11] =	stream.linear.scatter [tilespmem:s29], [sflag:$0x8], $0x4000, $0x38;
	[tilespmem:$0x1FE00] =	vst v63  }
.Ltmp2:
0x40: {  	_ =	swait.ge [sflag:s30], $0x4000;
	(pc) =	sbr.rel @!p0 .LBB2_2-.Ltmp2, $3  }
0x41: {  	[sflag:s30] =	ssyncset.done $0x0  }
0x42: {  	[sflag:s30] =	ssyncadd.s32 $0xFFFFC000  }
0x43: {  	[bflag:$0x0] =	sbarrier.arrive $0xFFFF;
	_ =	sdelay $0x1  }
0x44: {  	s6 =	rddreg [dreg:$0xb]  }
0x45: {  	[tilespmem:s3], [sflag:$0x1] =	stream.linear.gather [hbm4b:s6+s3], $0x1400, $0x38;
	[tilespmem:$0x1FE00] =	vst v63  }
0x46: {  	s9 =	rddreg [dreg:$0xc]  }
0x47: {  	[tilespmem:s31], [sflag:$0x8] =	stream.linear.gather [hbm4b:s9+s3], $0x100, $0x38;
	[tilespmem:$0x1FE00] =	vst v63  }
0x48: {  	_ =	swait.ge [sflag:s30], $0x100  }
0x49: {  	[sflag:s30] =	ssyncset.done $0x0  }
0x4a: {  	s10 =	rddreg [dreg:$0xf];
	[sflag:s30] =	ssyncadd.s32 $0xFFFFFF00  }
0x4b: {  	[tilespmem:s0], [sflag:$0x8] =	stream.linear.gather [hbm4b:s10+s3], $0x100, $0x38;
	[tilespmem:$0x1FE00] =	vst v63  }
0x4c: {  	_ =	swait.ge [sflag:s30], $0x100  }
0x4d: {  	[sflag:s30] =	ssyncset.done $0x0  }
0x4e: {  	[sflag:s30] =	ssyncadd.s32 $0xFFFFFF00  }
0x4f: {  	_ =	swait.ge [sflag:s13], $0x1400  }
0x50: {  	[sflag:s13] =	ssyncset.done $0x0  }
0x51: {  	[sflag:s13] =	ssyncadd.s32 $0xFFFFEC00  }
0x52: {  	[tilespmem:s29], [sflag:$0x4] =	stream.indirect.gather [hbm4b:s4+s16], $0x80, s31, s16, $0xb8;
	[tilespmem:$0x1FE00] =	vst v63  }
0x53: {  	_ = 	snop  }
0x54: {  	[tilespmem:s18], [sflag:$0x5] =	stream.indirect.gather [hbm4b:s4+s16], $0x80, s17, s16, $0xb8;
	[tilespmem:$0x1FE00] =	vst v63  }
0x55: {  	_ =	swait.ge [sflag:s19], $0x4000  }
0x56: {  	[sflag:s19] =	ssyncset.done $0x0  }
0x57: {  	[sflag:s19] =	ssyncadd.s32 $0xFFFFC000  }
0x58: {  	[spmem:s2] =	stream.indirect.scatter.add.f32 [tilespmem:s29], [sflag:$0x6], $0x80, s3, s16, $0xb8;
	[tilespmem:$0x1FE00] =	vst v63  }
0x59: {  	_ =	swait.ge [sflag:s20], $0x4000  }
0x5a: {  	[sflag:s20] =	ssyncset.done $0x0  }
0x5b: {  	[sflag:s20] =	ssyncadd.s32 $0xFFFFC000  }
0x5c: {  	[spmem:s2] =	stream.indirect.scatter.add.f32 [tilespmem:s18], [sflag:$0x7], $0x80, s16, s16, $0xb8;
	[tilespmem:$0x1FE00] =	vst v63  }
0x5d: {  	s14 =	rddreg [dreg:$0xe]  }
0x5e: {  	[tilespmem:s31], [sflag:$0x2] =	stream.linear.gather [hbm4b:s14+s3], $0x100, $0x38;
	[tilespmem:$0x1FE00] =	vst v63  }
0x5f: {  	s14 =	simm.s32 $0x6  }
0x60: {  	_ =	swait.ge [sflag:s14], $0x4000  }
0x61: {  	[sflag:s14] =	ssyncset.done $0x0  }
0x62: {  	[sflag:s14] =	ssyncadd.s32 $0xFFFFC000  }
0x63: {  	[tilespmem:s29], [sflag:$0x4] =	stream.indirect.gather [hbm4b:s4+s16], $0x80, s0, s16, $0xb8;
	[tilespmem:$0x1FE00] =	vst v63  }
0x64: {  	_ =	swait.ge [sflag:s21], $0x4000  }
0x65: {  	[sflag:s21] =	ssyncset.done $0x0  }
0x66: {  	[sflag:s21] =	ssyncadd.s32 $0xFFFFC000  }
0x67: {  	[tilespmem:s18], [sflag:$0x5] =	stream.indirect.gather [hbm4b:s4+s16], $0x80, s24, s16, $0xb8;
	[tilespmem:$0x1FE00] =	vst v63  }
0x68: {  	_ =	swait.ge [sflag:s19], $0x4000  }
0x69: {  	[sflag:s19] =	ssyncset.done $0x0  }
0x6a: {  	s8 =	simm.s32 $0x100;
	[sflag:s19] =	ssyncadd.s32 $0xFFFFC000  }
0x6b: {  	[spmem:s2] =	stream.indirect.scatter.add.f32 [tilespmem:s29], [sflag:$0x6], $0x80, s8, s16, $0xb8;
	[tilespmem:$0x1FE00] =	vst v63  }
0x6c: {  	_ =	swait.ge [sflag:s20], $0x4000  }
0x6d: {  	[sflag:s20] =	ssyncset.done $0x0  }
0x6e: {  	s9 =	simm.s32 $0x180;
	s10 =	rddreg [dreg:$0x10];
	[sflag:s20] =	ssyncadd.s32 $0xFFFFC000  }
0x6f: {  	[spmem:s2] =	stream.indirect.scatter.add.f32 [tilespmem:s18], [sflag:$0x7], $0x80, s9, s16, $0xb8;
	[tilespmem:$0x1FE00] =	vst v63  }
0x70: {  	s6 =	simm.s32 $0x380;
	s8 =	rddreg [dreg:$0x11]  }
0x71: {  	[tilespmem:s0], [sflag:$0x3] =	stream.linear.gather [hbm4b:s10+s3], $0x100, $0x38;
	[tilespmem:$0x1FE00] =	vst v63  }
.LBB2_6:
0x72: {  	_ =	swait.ge [sflag:s28], $0x100  }
0x73: {  	[sflag:s28] =	ssyncset.done $0x0  }
0x74: {  	[sflag:s28] =	ssyncadd.s32 $0xFFFFFF00  }
0x75: {  	_ =	swait.ge [sflag:s26], $0x4000  }
0x76: {  	[sflag:s26] =	ssyncset.done $0x0  }
0x77: {  	[sflag:s26] =	ssyncadd.s32 $0xFFFFC000  }
0x78: {  	[tilespmem:s29], [sflag:$0x4] =	stream.indirect.gather [hbm4b:s4+s16], $0x80, s31, s16, $0xb8;
	[tilespmem:$0x1FE00] =	vst v63  }
0x79: {  	_ =	swait.ge [sflag:s21], $0x4000  }
0x7a: {  	[sflag:s21] =	ssyncset.done $0x0  }
0x7b: {  	[sflag:s21] =	ssyncadd.s32 $0xFFFFC000  }
0x7c: {  	[tilespmem:s18], [sflag:$0x5] =	stream.indirect.gather [hbm4b:s4+s16], $0x80, s17, s16, $0xb8;
	[tilespmem:$0x1FE00] =	vst v63  }
0x7d: {  	_ =	swait.ge [sflag:s19], $0x4000  }
0x7e: {  	[sflag:s19] =	ssyncset.done $0x0  }
0x7f: {  	s9 =	sadd.s32 $0xFFFFFE80, s6;
	[sflag:s19] =	ssyncadd.s32 $0xFFFFC000  }
0x80: {  	[spmem:s2] =	stream.indirect.scatter.add.f32 [tilespmem:s29], [sflag:$0x6], $0x80, s9, s16, $0xb8;
	[tilespmem:$0x1FE00] =	vst v63  }
0x81: {  	_ =	swait.ge [sflag:s20], $0x4000  }
0x82: {  	[sflag:s20] =	ssyncset.done $0x0  }
0x83: {  	s10 =	sadd.s32 $0xFFFFFF00, s6;
	p1 =	seq.s32 s14, $0x26;
	[sflag:s20] =	ssyncadd.s32 $0xFFFFC000  }
0x84: {  	[spmem:s2] =	stream.indirect.scatter.add.f32 [tilespmem:s18], [sflag:$0x7], $0x80, s10, s16, $0xb8;
	[tilespmem:$0x1FE00] =	vst v63  }
0x85: {  	s9 =	simm.s32 @!p1 $0x0;
	s10 =	simm.s32 @!p1 $0x3C00  }
0x86: {  	[tilespmem:s10], [sflag:$0x2] =	stream.linear.gather @!p1 [hbm4b:s8+s9], $0x100, $0x38;
	[tilespmem:$0x1FE00] =	vst v63  }
0x87: {  	_ =	swait.ge [sflag:s25], $0x100  }
0x88: {  	[sflag:s25] =	ssyncset.done $0x0  }
0x89: {  	[sflag:s25] =	ssyncadd.s32 $0xFFFFFF00  }
0x8a: {  	_ =	swait.ge [sflag:s26], $0x4000  }
0x8b: {  	[sflag:s26] =	ssyncset.done $0x0  }
0x8c: {  	[sflag:s26] =	ssyncadd.s32 $0xFFFFC000  }
0x8d: {  	[tilespmem:s29], [sflag:$0x4] =	stream.indirect.gather [hbm4b:s4+s16], $0x80, s0, s16, $0xb8;
	[tilespmem:$0x1FE00] =	vst v63  }
0x8e: {  	_ =	swait.ge [sflag:s21], $0x4000  }
0x8f: {  	[sflag:s21] =	ssyncset.done $0x0  }
0x90: {  	s9 =	smov.u32 s14;
	[sflag:s21] =	ssyncadd.s32 $0xFFFFC000  }
0x91: {  	[tilespmem:s18], [sflag:$0x5] =	stream.indirect.gather [hbm4b:s4+s16], $0x80, s24, s16, $0xb8;
	[tilespmem:$0x1FE00] =	vst v63  }
0x92: {  	s9 =	simm.s32 @p1 $0x26;
	_ =	swait.ge [sflag:s19], $0x4000  }
0x93: {  	s10 =	sshll.u32 s9, $0x7;
	[sflag:s19] =	ssyncset.done $0x0  }
0x94: {  	s10 =	sand.u32 $0x3FFFFF80, s10;
	[sflag:s19] =	ssyncadd.s32 $0xFFFFC000  }
0x95: {  	[spmem:s2] =	stream.indirect.scatter.add.f32 [tilespmem:s29], [sflag:$0x6], $0x80, s10, s16, $0xb8;
	[tilespmem:$0x1FE00] =	vst v63  }
.Ltmp3:
0x96: {  	_ = 	snop;
	(pc) =	sbr.rel @p1 .LBB2_8-.Ltmp3, $4  }
0x97: {  	_ =	swait.ge [sflag:s20], $0x4000  }
0x98: {  	[sflag:s20] =	ssyncset.done $0x0  }
0x99: {  	[sflag:s20] =	ssyncadd.s32 $0xFFFFC000  }
0x9a: {  	[spmem:s2] =	stream.indirect.scatter.add.f32 [tilespmem:s18], [sflag:$0x7], $0x80, s6, s16, $0xb8;
	[tilespmem:$0x1FE00] =	vst v63  }
0x9b: {  	s9 =	sadd.s32 s15, s9  }
0x9c: {  	s9 =	sshll.u32 s9, $0x7  }
.Ltmp4:
0x9d: {  	s9 =	sand.u32 $0xFFFFFF00, s9;
	(pc) =	sbr.rel .LBB2_6-.Ltmp4, $4  }
0x9e: {  	s9 =	sadd.s32 $0x200, s9  }
0x9f: {  	s14 =	sadd.s32 $0x4, s14;
	s9 =	sshrl.u32 s9, $0x3  }
0xa0: {  	s6 =	sadd.s32 $0x200, s6;
	s8 =	sadd.s32 $0x40, s8;
	s9 =	sadd.s32 s5, s9  }
0xa1: {  	[tilespmem:s0], [sflag:$0x3] =	stream.linear.gather [hbm4b:s9+s3], $0x100, $0x38;
	[tilespmem:$0x1FE00] =	vst v63  }
.LBB2_2:
0xa2: {  	s6 =	rddreg [dreg:$0x8]  }
0xa3: {  	[tilespmem:s3], [sflag:$0x1] =	stream.linear.gather [hbm4b:s6+s3], $0x3C00, $0x38;
	[tilespmem:$0x1FE00] =	vst v63  }
0xa4: {  	s9 =	rddreg [dreg:$0x9]  }
0xa5: {  	[tilespmem:s31], [sflag:$0x8] =	stream.linear.gather [hbm4b:s9+s3], $0x100, $0x38;
	[tilespmem:$0x1FE00] =	vst v63  }
0xa6: {  	_ =	swait.ge [sflag:s30], $0x100  }
0xa7: {  	[sflag:s30] =	ssyncset.done $0x0  }
0xa8: {  	s10 =	rddreg [dreg:$0xa];
	[sflag:s30] =	ssyncadd.s32 $0xFFFFFF00  }
0xa9: {  	[tilespmem:s0], [sflag:$0x8] =	stream.linear.gather [hbm4b:s10+s3], $0x100, $0x38;
	[tilespmem:$0x1FE00] =	vst v63  }
0xaa: {  	_ =	swait.ge [sflag:s30], $0x100  }
0xab: {  	[sflag:s30] =	ssyncset.done $0x0  }
0xac: {  	[sflag:s30] =	ssyncadd.s32 $0xFFFFFF00  }
0xad: {  	_ =	swait.ge [sflag:s13], $0x3C00  }
0xae: {  	[sflag:s13] =	ssyncset.done $0x0  }
0xaf: {  	[sflag:s13] =	ssyncadd.s32 $0xFFFFC400  }
0xb0: {  	[tilespmem:s29], [sflag:$0x4] =	stream.indirect.gather [hbm4b:s4+s16], $0x80, s31, s16, $0xb8;
	[tilespmem:$0x1FE00] =	vst v63  }
0xb1: {  	_ = 	snop  }
0xb2: {  	[tilespmem:s18], [sflag:$0x5] =	stream.indirect.gather [hbm4b:s4+s16], $0x80, s17, s16, $0xb8;
	[tilespmem:$0x1FE00] =	vst v63  }
0xb3: {  	_ =	swait.ge [sflag:s19], $0x4000  }
0xb4: {  	[sflag:s19] =	ssyncset.done $0x0  }
0xb5: {  	[sflag:s19] =	ssyncadd.s32 $0xFFFFC000  }
0xb6: {  	[spmem:s2] =	stream.indirect.scatter.add.f32 [tilespmem:s29], [sflag:$0x6], $0x80, s3, s16, $0xb8;
	[tilespmem:$0x1FE00] =	vst v63  }
0xb7: {  	_ =	swait.ge [sflag:s20], $0x4000  }
0xb8: {  	[sflag:s20] =	ssyncset.done $0x0  }
0xb9: {  	[sflag:s20] =	ssyncadd.s32 $0xFFFFC000  }
0xba: {  	[spmem:s2] =	stream.indirect.scatter.add.f32 [tilespmem:s18], [sflag:$0x7], $0x80, s16, s16, $0xb8;
	[tilespmem:$0x1FE00] =	vst v63  }
0xbb: {  	s9 =	simm.s32 $0x6;
	s14 =	rddreg [dreg:$0xd]  }
0xbc: {  	[tilespmem:s31], [sflag:$0x2] =	stream.linear.gather [hbm4b:s14+s3], $0x100, $0x38;
	[tilespmem:$0x1FE00] =	vst v63  }
0xbd: {  	_ =	swait.ge [sflag:s9], $0x4000  }
0xbe: {  	[sflag:s9] =	ssyncset.done $0x0  }
0xbf: {  	[sflag:s9] =	ssyncadd.s32 $0xFFFFC000  }
0xc0: {  	[tilespmem:s29], [sflag:$0x4] =	stream.indirect.gather [hbm4b:s4+s16], $0x80, s0, s16, $0xb8;
	[tilespmem:$0x1FE00] =	vst v63  }
0xc1: {  	_ =	swait.ge [sflag:s21], $0x4000  }
0xc2: {  	[sflag:s21] =	ssyncset.done $0x0  }
0xc3: {  	[sflag:s21] =	ssyncadd.s32 $0xFFFFC000  }
0xc4: {  	[tilespmem:s18], [sflag:$0x5] =	stream.indirect.gather [hbm4b:s4+s16], $0x80, s24, s16, $0xb8;
	[tilespmem:$0x1FE00] =	vst v63  }
0xc5: {  	_ =	swait.ge [sflag:s19], $0x4000  }
0xc6: {  	[sflag:s19] =	ssyncset.done $0x0  }
0xc7: {  	s8 =	simm.s32 $0x100;
	[sflag:s19] =	ssyncadd.s32 $0xFFFFC000  }
0xc8: {  	[spmem:s2] =	stream.indirect.scatter.add.f32 [tilespmem:s29], [sflag:$0x6], $0x80, s8, s16, $0xb8;
	[tilespmem:$0x1FE00] =	vst v63  }
0xc9: {  	_ =	swait.ge [sflag:s20], $0x4000  }
0xca: {  	[sflag:s20] =	ssyncset.done $0x0  }
0xcb: {  	s10 =	simm.s32 $0x180;
	s14 =	rddreg [dreg:$0x12];
	[sflag:s20] =	ssyncadd.s32 $0xFFFFC000  }
0xcc: {  	[spmem:s2] =	stream.indirect.scatter.add.f32 [tilespmem:s18], [sflag:$0x7], $0x80, s10, s16, $0xb8;
	[tilespmem:$0x1FE00] =	vst v63  }
0xcd: {  	s6 =	simm.s32 $0x380;
	s8 =	rddreg [dreg:$0x13]  }
0xce: {  	[tilespmem:s0], [sflag:$0x3] =	stream.linear.gather [hbm4b:s14+s3], $0x100, $0x38;
	[tilespmem:$0x1FE00] =	vst v63  }
.LBB2_3:
0xcf: {  	_ =	swait.ge [sflag:s28], $0x100  }
0xd0: {  	[sflag:s28] =	ssyncset.done $0x0  }
0xd1: {  	[sflag:s28] =	ssyncadd.s32 $0xFFFFFF00  }
0xd2: {  	_ =	swait.ge [sflag:s26], $0x4000  }
0xd3: {  	[sflag:s26] =	ssyncset.done $0x0  }
0xd4: {  	[sflag:s26] =	ssyncadd.s32 $0xFFFFC000  }
0xd5: {  	[tilespmem:s29], [sflag:$0x4] =	stream.indirect.gather [hbm4b:s4+s16], $0x80, s31, s16, $0xb8;
	[tilespmem:$0x1FE00] =	vst v63  }
0xd6: {  	_ =	swait.ge [sflag:s21], $0x4000  }
0xd7: {  	[sflag:s21] =	ssyncset.done $0x0  }
0xd8: {  	[sflag:s21] =	ssyncadd.s32 $0xFFFFC000  }
0xd9: {  	[tilespmem:s18], [sflag:$0x5] =	stream.indirect.gather [hbm4b:s4+s16], $0x80, s17, s16, $0xb8;
	[tilespmem:$0x1FE00] =	vst v63  }
0xda: {  	_ =	swait.ge [sflag:s19], $0x4000  }
0xdb: {  	[sflag:s19] =	ssyncset.done $0x0  }
0xdc: {  	s14 =	sadd.s32 $0xFFFFFE80, s6;
	[sflag:s19] =	ssyncadd.s32 $0xFFFFC000  }
0xdd: {  	[spmem:s2] =	stream.indirect.scatter.add.f32 [tilespmem:s29], [sflag:$0x6], $0x80, s14, s16, $0xb8;
	[tilespmem:$0x1FE00] =	vst v63  }
0xde: {  	_ =	swait.ge [sflag:s20], $0x4000  }
0xdf: {  	[sflag:s20] =	ssyncset.done $0x0  }
0xe0: {  	s10 =	sadd.s32 $0xFFFFFF00, s6;
	p1 =	seq.s32 s9, $0x76;
	[sflag:s20] =	ssyncadd.s32 $0xFFFFC000  }
0xe1: {  	[spmem:s2] =	stream.indirect.scatter.add.f32 [tilespmem:s18], [sflag:$0x7], $0x80, s10, s16, $0xb8;
	[tilespmem:$0x1FE00] =	vst v63  }
0xe2: {  	s14 =	simm.s32 @!p1 $0x0;
	s10 =	simm.s32 @!p1 $0x3C00  }
0xe3: {  	[tilespmem:s10], [sflag:$0x2] =	stream.linear.gather @!p1 [hbm4b:s8+s14], $0x100, $0x38;
	[tilespmem:$0x1FE00] =	vst v63  }
0xe4: {  	_ =	swait.ge [sflag:s25], $0x100  }
0xe5: {  	[sflag:s25] =	ssyncset.done $0x0  }
0xe6: {  	[sflag:s25] =	ssyncadd.s32 $0xFFFFFF00  }
0xe7: {  	_ =	swait.ge [sflag:s26], $0x4000  }
0xe8: {  	[sflag:s26] =	ssyncset.done $0x0  }
0xe9: {  	[sflag:s26] =	ssyncadd.s32 $0xFFFFC000  }
0xea: {  	[tilespmem:s29], [sflag:$0x4] =	stream.indirect.gather [hbm4b:s4+s16], $0x80, s0, s16, $0xb8;
	[tilespmem:$0x1FE00] =	vst v63  }
0xeb: {  	_ =	swait.ge [sflag:s21], $0x4000  }
0xec: {  	[sflag:s21] =	ssyncset.done $0x0  }
0xed: {  	s14 =	smov.u32 s9;
	[sflag:s21] =	ssyncadd.s32 $0xFFFFC000  }
0xee: {  	[tilespmem:s18], [sflag:$0x5] =	stream.indirect.gather [hbm4b:s4+s16], $0x80, s24, s16, $0xb8;
	[tilespmem:$0x1FE00] =	vst v63  }
0xef: {  	s14 =	simm.s32 @p1 $0x76;
	_ =	swait.ge [sflag:s19], $0x4000  }
0xf0: {  	s10 =	sshll.u32 s14, $0x7;
	[sflag:s19] =	ssyncset.done $0x0  }
0xf1: {  	s10 =	sand.u32 $0x3FFFFF80, s10;
	[sflag:s19] =	ssyncadd.s32 $0xFFFFC000  }
0xf2: {  	[spmem:s2] =	stream.indirect.scatter.add.f32 [tilespmem:s29], [sflag:$0x6], $0x80, s10, s16, $0xb8;
	[tilespmem:$0x1FE00] =	vst v63  }
.Ltmp5:
0xf3: {  	_ = 	snop;
	(pc) =	sbr.rel @p1 .LBB2_8-.Ltmp5, $4  }
0xf4: {  	_ =	swait.ge [sflag:s20], $0x4000  }
0xf5: {  	[sflag:s20] =	ssyncset.done $0x0  }
0xf6: {  	[sflag:s20] =	ssyncadd.s32 $0xFFFFC000  }
0xf7: {  	[spmem:s2] =	stream.indirect.scatter.add.f32 [tilespmem:s18], [sflag:$0x7], $0x80, s6, s16, $0xb8;
	[tilespmem:$0x1FE00] =	vst v63  }
0xf8: {  	s10 =	sadd.s32 s12, s14  }
.Ltmp6:
0xf9: {  	s10 =	sshll.u32 s10, $0x4;
	(pc) =	sbr.rel .LBB2_3-.Ltmp6, $4  }
0xfa: {  	s10 =	sadd.s32 $0x40, s10  }
0xfb: {  	s9 =	sadd.s32 $0x4, s9;
	s10 =	sand.u32 $0xFFFFFE0, s10  }
0xfc: {  	s6 =	sadd.s32 $0x200, s6;
	s8 =	sadd.s32 $0x40, s8;
	s10 =	sadd.s32 s5, s10  }
0xfd: {  	[tilespmem:s0], [sflag:$0x3] =	stream.linear.gather [hbm4b:s10+s3], $0x100, $0x38;
	[tilespmem:$0x1FE00] =	vst v63  }
.LBB2_9:
0xfe: {  	_ =	sfence.sel $0x180000  }
0xff: {  	[bflag:$0x0] =	sbarrier.arrive $0xFFFF  }
0x100: {  	_ =	strace $0x90000050  }
0x101: {  	s0 =	stileid.u32;
	[bflag:$0x2] =	sbarrier.arrive $0xFFFF  }
0x102: {  	p0 =	sne.s32 s0, $0x0;
	s0 =	rddreg [dreg:$0x3]  }
0x103: {  	s0 =	sadd.s32 @!p0 $0x100000, s0  }
0x104: {  	[sflag:s0] =	ssyncadd.tile.s32 @!p0 $0x1;
	_ =	shalt  }
.Lfunc_end2:
_tile_overlayer_lowered:
.L_overlay_start_2:
0x105: {  	(tag) =	ssettag $0x2  }
0x106: {  	s0 =	rddreg [dreg:$0x0];
	s2 =	stileid.u32  }
0x107: {  	s1 =	rddreg [dreg:$0x1];
	p0 =	sne.s32 s2, $0x0  }
0x108: {  	s3 =	rddreg [dreg:$0x2];
	[bflag:$0x3] =	sbarrier.arrive $0xFFFF;
	s2 =	simm.s32 @!p0 $0x1C08  }
0x109: {  	[timem:s3], [sflag:s2] =	dma.local @!p0 [hbm:s0], s1  }
0x10a: {  	s0 =	simm.s32 @!p0 $0x8  }
0x10b: {  	_ =	swait.ge @!p0 [sflag:s0], s1  }
0x10c: {  	s1 =	ssub.s32 @!p0 $0x0, s1;
	[sflag:s0] =	ssyncset.done @!p0 $0x0  }
0x10d: {  	[sflag:s0] =	ssyncadd.s32 @!p0 s1  }
0x10e: {  	[bflag:$0x3] =	sbarrier.arrive $0xFFFF  }
0x10f: {  	_ =	shalt  }

</sc_bundles>
